<compile_context>
chip_gen: v7x
topology: tpu7x:2x2x1
jax: 0.10.2.dev20260603
libtpu: 0.0.44.dev20260713+nightly
codegen_flags: <defaults>
</compile_context>

<pallas_src>
import functools

import jax
import jax.numpy as jnp
import numpy as np
from jax import lax
from jax.experimental import pallas as pl
from jax.experimental.pallas import tpu as pltpu
from jax.experimental.pallas import tpu_sc as plsc

NC = 2
NS = 16
L = 16
NW = NC * NS

U_STEP = 4


def _make_kernel(NP, K, D, n_feat):
    C = NP // NW
    n_steps = C // U_STEP
    E = U_STEP * K
    DP = D // 2
    DV2 = DP // L
    EV = E // L

    mesh = plsc.VectorSubcoreMesh(core_axis_name="c", subcore_axis_name="s")

    scratch = [
        pltpu.VMEM_SHARED((n_feat, DP), jnp.int32),
        pltpu.VMEM((n_steps, E), jnp.int32),
        pltpu.VMEM((n_steps, E), jnp.float32),
        pltpu.VMEM((C, D), jnp.float32),
    ]
    scratch += [pltpu.VMEM((E,), jnp.int32) for _ in range(2)]
    scratch += [pltpu.VMEM((E, DP), jnp.int32) for _ in range(2)]
    scratch += [pltpu.SemaphoreType.DMA for _ in range(2)]

    @functools.partial(
        pl.kernel,
        out_type=jax.ShapeDtypeStruct((NP, D), jnp.float32),
        mesh=mesh,
        scratch_types=scratch,
        compiler_params=pltpu.CompilerParams(needs_layout_passes=False,
                                             use_tc_tiling_on_sc=False),
    )
    def kern(feat_hbm, gidx_hbm, w_hbm, out_hbm, table_sh, idx_v, w_v, out_v,
             idxb0, idxb1, rows0, rows1, sem0, sem1):
        idxb = (idxb0, idxb1)
        rows = (rows0, rows1)
        sems = (sem0, sem1)

        sid = lax.axis_index("s")
        wid = sid * NC + lax.axis_index("c")
        base_u = pl.multiple_of(wid * C, 8)
        base_row = pl.multiple_of(wid * n_steps, 8)

        rows_per_tile = n_feat // NS
        tbase = sid * rows_per_tile
        stage = pltpu.async_copy(
            feat_hbm.at[pl.ds(tbase, rows_per_tile), :],
            table_sh.at[pl.ds(tbase, rows_per_tile), :], sems[0])
        pltpu.sync_copy(gidx_hbm.at[pl.ds(base_row, n_steps), :], idx_v)
        pltpu.sync_copy(w_hbm.at[pl.ds(base_row, n_steps), :], w_v)
        stage.wait()
        plsc.subcore_barrier()

        def stage_idx(s, b):
            for j in range(EV):
                idxb[b][pl.ds(j * L, L)] = idx_v[s, pl.ds(j * L, L)]

        def start_gather(b):
            pltpu.async_copy(table_sh.at[idxb[b]], rows[b], sems[b])

        def wait_gather(b):
            pltpu.make_async_copy(table_sh.at[idxb[b]], rows[b], sems[b]).wait()

        def compute(s, b):
            def user(u, c):
                acc = [jnp.zeros((L,), jnp.float32) for _ in range(2 * DV2)]
                wv = [w_v[s, pl.ds(u * K + j * L, L)] for j in range(K // L)]
                for k in range(K):
                    e = u * K + k
                    w = wv[k // L][k % L]
                    for d in range(DV2):
                        vi = rows[b][e, pl.ds(d * L, L)]
                        if d % 2 == 0:
                            v = plsc.bitcast(vi, jnp.bfloat16)
                            lo, hi = plsc.unpack(
                                v, format=plsc.PackFormat.INTERLEAVED)
                        else:
                            lo = plsc.bitcast(vi << 16, jnp.float32)
                            hi = plsc.bitcast(vi & jnp.int32(-65536),
                                              jnp.float32)
                        acc[2 * d] = acc[2 * d] + w * lo
                        acc[2 * d + 1] = acc[2 * d + 1] + w * hi
                row = s * U_STEP + u
                for d in range(DV2):
                    out_v[row, pl.ds(d * 2 * L, L)] = acc[2 * d]
                    out_v[row, pl.ds(d * 2 * L + L, L)] = acc[2 * d + 1]
                return c

            lax.fori_loop(0, U_STEP, user, 0)

        stage_idx(0, 0)
        start_gather(0)

        def pair(p, carry):
            s0 = 2 * p
            stage_idx(s0 + 1, 1)
            start_gather(1)
            wait_gather(0)
            compute(s0, 0)
            stage_idx(jnp.minimum(s0 + 2, n_steps - 1), 0)
            start_gather(0)
            wait_gather(1)
            compute(s0 + 1, 1)
            return carry

        lax.fori_loop(0, n_steps // 2, pair, 0)
        wait_gather(0)

        pltpu.sync_copy(out_v, out_hbm.at[pl.ds(base_u, C), :])

    return kern


def kernel(features, user_graph, user_matrix):
    N, K = user_graph.shape
    n_feat, D = features.shape
    chunk = NW * U_STEP * 8
    NP = ((N + chunk - 1) // chunk) * chunk
    E = U_STEP * K

    perm = np.arange(D).reshape(-1, 2, 16).transpose(0, 2, 1).reshape(-1)
    f16 = jnp.take(features.astype(jnp.float32), jnp.asarray(perm), axis=1)
    f16 = f16.astype(jnp.bfloat16).reshape(n_feat, D // 2, 2)
    fpacked = lax.bitcast_convert_type(f16, jnp.int32)

    gidx = jnp.reshape(user_graph.astype(jnp.int32), (N * K,))
    w = jnp.reshape(user_matrix.astype(jnp.float32), (N * K,))
    pad = NP * K - N * K
    if pad:
        gidx = jnp.pad(gidx, (0, pad))
        w = jnp.pad(w, (0, pad))
    gidx = gidx.reshape(NP * K // E, E)
    w = w.reshape(NP * K // E, E)

    out = _make_kernel(NP, K, D, n_feat)(fpacked, gidx, w)
    return out[:N]

# --- scband reference (transcript-rebuilt; emitter-appended) ---
"""Pipeline reference for scband-user-graph-sample-8297876816694 (READ-ONLY COPY).

The authoritative reference and input builder live on the scoring server;
editing this copy changes nothing except your own understanding.
"""

import jax, jax.numpy as jnp
import numpy as np


def setup_inputs(seed: int = 0) -> dict:
    key = jax.random.key(seed)
    k1, k2, k3 = jax.random.split(key, 3)
    num_user = 10000
    K = 32
    dim_latent = 128
    features = jax.random.normal(k1, (num_user, dim_latent), dtype=jnp.float32)
    user_graph = jax.random.randint(k2, (num_user, K), 0, num_user, dtype=jnp.int64)
    user_matrix = jax.random.uniform(k3, (num_user, K), dtype=jnp.float32)
    return {"features": features, "user_graph": user_graph, "user_matrix": user_matrix}


def reference(features, user_graph, user_matrix):
    # u_features = features[index]  -> gather rows: [N, K, D]
    u_features = jnp.take(features, user_graph, axis=0)
    # user_matrix.unsqueeze(1) -> [N, 1, K]
    um = user_matrix[:, None, :]
    # batched matmul [N,1,K] @ [N,K,D] -> [N,1,D]
    u_pre = jnp.matmul(um, u_features)
    # squeeze -> [N, D]
    u_pre = jnp.squeeze(u_pre, axis=1)
    return u_pre

if __name__ == "__main__":
    import jax
    _d = setup_inputs()
    print(jax.jit(kernel)(*tuple(_d.values())))

</pallas_src>

<mosaic_0001>
#map = affine_map<(d0, d1) -> (0, 0)>
module attributes {stable_mosaic.version = 14 : i64} {
  func.func @kern(%arg0: i32, %arg1: i32, %arg2: memref<10000x64xi32, #tpu.memory_space<hbm>>, %arg3: memref<2560x128xi32, #tpu.memory_space<hbm>>, %arg4: memref<2560x128xf32, #tpu.memory_space<hbm>>, %arg5: memref<10240x128xf32, #tpu.memory_space<hbm>>, %arg6: memref<10000x64xi32, #tpu.memory_space<vmem_shared>>, %arg7: memref<80x128xi32, #tpu.memory_space<vmem>>, %arg8: memref<80x128xf32, #tpu.memory_space<vmem>>, %arg9: memref<320x128xf32, #tpu.memory_space<vmem>>, %arg10: memref<128xi32, #tpu.memory_space<vmem>>, %arg11: memref<128xi32, #tpu.memory_space<vmem>>, %arg12: memref<128x64xi32, #tpu.memory_space<vmem>>, %arg13: memref<128x64xi32, #tpu.memory_space<vmem>>, %arg14: memref<!tpu.dma_semaphore, #tpu.memory_space<semaphore_mem>>, %arg15: memref<!tpu.dma_semaphore, #tpu.memory_space<semaphore_mem>>) attributes {dimension_semantics = [#tpu.dimension_semantics<core_parallel>, #tpu.dimension_semantics<subcore_parallel>], iteration_bounds = array<i64: 2, 16>, scalar_prefetch = 0 : i64, scratch_operands = 10 : i64, tpu.core_type = #tpu.core_type<sc_vector_subcore>, window_params = [{transform_indices = #map}, {transform_indices = #map}, {transform_indices = #map}, {transform_indices = #map}]} {
    %mul3A = arith.constant 2 : i32
    %mul3A_0 = arith.muli %arg1, %mul3A : i32
    %add3A = arith.addi %mul3A_0, %arg0 : i32
    %mul3A_1 = arith.constant 320 : i32
    %mul3A_2 = arith.muli %add3A, %mul3A_1 : i32
    %multiple_of3A = tpu.assume_multiple %mul3A_2, 8 : i32
    %mul3A_3 = arith.constant 80 : i32
    %mul3A_4 = arith.muli %add3A, %mul3A_3 : i32
    %multiple_of3A_5 = tpu.assume_multiple %mul3A_4, 8 : i32
    %mul3A_6 = arith.constant 625 : i32
    %mul3A_7 = arith.muli %arg1, %mul3A_6 : i32
    %dma_start3A = arith.constant 0 : i32
    %dma_start3A_8 = tpu.memref_slice %arg6[%mul3A_7, %dma_start3A] : memref<10000x64xi32, #tpu.memory_space<vmem_shared>> -> memref<625x64xi32, #tpu.memory_space<vmem_shared>>
    %dma_start3A_9 = arith.constant 0 : i32
    %dma_start3A_10 = tpu.memref_slice %arg2[%mul3A_7, %dma_start3A_9] : memref<10000x64xi32, #tpu.memory_space<hbm>> -> memref<625x64xi32, #tpu.memory_space<hbm>>
    tpu.enqueue_dma source(%dma_start3A_10 : memref<625x64xi32, #tpu.memory_space<hbm>>) target(%dma_start3A_8 : memref<625x64xi32, #tpu.memory_space<vmem_shared>>) target_semaphore(%arg14 : memref<!tpu.dma_semaphore, #tpu.memory_space<semaphore_mem>>)
    "tpu.region"() ({
      %run_scoped3A = tpu.sem_alloc : memref<!tpu.dma_semaphore, #tpu.memory_space<semaphore_mem>>
      %dma_start3A_71 = arith.constant 0 : i32
      %dma_start3A_72 = tpu.memref_slice %arg3[%multiple_of3A_5, %dma_start3A_71] : memref<2560x128xi32, #tpu.memory_space<hbm>> -> memref<80x128xi32, #tpu.memory_space<hbm>>
      %dma_start3A_73 = arith.constant 0 : i32
      %dma_start3A_74 = tpu.memref_slice %arg3[%multiple_of3A_5, %dma_start3A_73] : memref<2560x128xi32, #tpu.memory_space<hbm>> -> memref<80x128xi32, #tpu.memory_space<hbm>>
      tpu.enqueue_dma source(%dma_start3A_74 : memref<80x128xi32, #tpu.memory_space<hbm>>) target(%arg7 : memref<80x128xi32, #tpu.memory_space<vmem>>) target_semaphore(%run_scoped3A : memref<!tpu.dma_semaphore, #tpu.memory_space<semaphore_mem>>)
      %dma_wait3A_75 = arith.constant 0 : i32
      %dma_wait3A_76 = tpu.memref_slice %arg3[%multiple_of3A_5, %dma_wait3A_75] : memref<2560x128xi32, #tpu.memory_space<hbm>> -> memref<80x128xi32, #tpu.memory_space<hbm>>
      %dma_wait3A_77 = arith.constant 0 : i32
      %dma_wait3A_78 = tpu.memref_slice %arg3[%multiple_of3A_5, %dma_wait3A_77] : memref<2560x128xi32, #tpu.memory_space<hbm>> -> memref<80x128xi32, #tpu.memory_space<hbm>>
      tpu.wait_dma2 semaphore(%run_scoped3A : memref<!tpu.dma_semaphore, #tpu.memory_space<semaphore_mem>>) src(%dma_wait3A_78 : memref<80x128xi32, #tpu.memory_space<hbm>>) dst(%arg7 : memref<80x128xi32, #tpu.memory_space<vmem>>)
      tpu.yield
    }) : () -> ()
    "tpu.region"() ({
      %run_scoped3A = tpu.sem_alloc : memref<!tpu.dma_semaphore, #tpu.memory_space<semaphore_mem>>
      %dma_start3A_71 = arith.constant 0 : i32
      %dma_start3A_72 = tpu.memref_slice %arg4[%multiple_of3A_5, %dma_start3A_71] : memref<2560x128xf32, #tpu.memory_space<hbm>> -> memref<80x128xf32, #tpu.memory_space<hbm>>
      %dma_start3A_73 = arith.constant 0 : i32
      %dma_start3A_74 = tpu.memref_slice %arg4[%multiple_of3A_5, %dma_start3A_73] : memref<2560x128xf32, #tpu.memory_space<hbm>> -> memref<80x128xf32, #tpu.memory_space<hbm>>
      tpu.enqueue_dma source(%dma_start3A_74 : memref<80x128xf32, #tpu.memory_space<hbm>>) target(%arg8 : memref<80x128xf32, #tpu.memory_space<vmem>>) target_semaphore(%run_scoped3A : memref<!tpu.dma_semaphore, #tpu.memory_space<semaphore_mem>>)
      %dma_wait3A_75 = arith.constant 0 : i32
      %dma_wait3A_76 = tpu.memref_slice %arg4[%multiple_of3A_5, %dma_wait3A_75] : memref<2560x128xf32, #tpu.memory_space<hbm>> -> memref<80x128xf32, #tpu.memory_space<hbm>>
      %dma_wait3A_77 = arith.constant 0 : i32
      %dma_wait3A_78 = tpu.memref_slice %arg4[%multiple_of3A_5, %dma_wait3A_77] : memref<2560x128xf32, #tpu.memory_space<hbm>> -> memref<80x128xf32, #tpu.memory_space<hbm>>
      tpu.wait_dma2 semaphore(%run_scoped3A : memref<!tpu.dma_semaphore, #tpu.memory_space<semaphore_mem>>) src(%dma_wait3A_78 : memref<80x128xf32, #tpu.memory_space<hbm>>) dst(%arg8 : memref<80x128xf32, #tpu.memory_space<vmem>>)
      tpu.yield
    }) : () -> ()
    %dma_wait3A = arith.constant 0 : i32
    %dma_wait3A_11 = tpu.memref_slice %arg6[%mul3A_7, %dma_wait3A] : memref<10000x64xi32, #tpu.memory_space<vmem_shared>> -> memref<625x64xi32, #tpu.memory_space<vmem_shared>>
    %dma_wait3A_12 = arith.constant 0 : i32
    %dma_wait3A_13 = tpu.memref_slice %arg2[%mul3A_7, %dma_wait3A_12] : memref<10000x64xi32, #tpu.memory_space<hbm>> -> memref<625x64xi32, #tpu.memory_space<hbm>>
    tpu.wait_dma2 semaphore(%arg14 : memref<!tpu.dma_semaphore, #tpu.memory_space<semaphore_mem>>) src(%dma_wait3A_13 : memref<625x64xi32, #tpu.memory_space<hbm>>) dst(%dma_wait3A_11 : memref<625x64xi32, #tpu.memory_space<vmem_shared>>)
    %barrier3A = arith.constant 0 : index
    tpu.barrier barrier_id(%barrier3A)
    %get3A = arith.constant 0 : i32
    %get3A_14 = arith.index_cast %get3A : i32 to index
    %get3A_15 = arith.constant 0 : index
    %get3A_16 = tpu.vector_load %arg7[%get3A_14, %get3A_15] {strides = array<i32>} : memref<80x128xi32, #tpu.memory_space<vmem>>, vector<16xi32>,
    %swap3A = arith.constant 0 : index
    %swap3A_17 = tpu.vector_load %arg10[%swap3A] {strides = array<i32>} : memref<128xi32, #tpu.memory_space<vmem>>, vector<16xi32>,
    tpu.vector_store %arg10[%swap3A], %get3A_16 {strides = array<i32>} : memref<128xi32, #tpu.memory_space<vmem>>, vector<16xi32>,
    %get3A_18 = arith.constant 0 : i32
    %get3A_19 = arith.index_cast %get3A_18 : i32 to index
    %get3A_20 = arith.constant 16 : index
    %get3A_21 = tpu.vector_load %arg7[%get3A_19, %get3A_20] {strides = array<i32>} : memref<80x128xi32, #tpu.memory_space<vmem>>, vector<16xi32>,
    %swap3A_22 = arith.constant 16 : index
    %swap3A_23 = tpu.vector_load %arg10[%swap3A_22] {strides = array<i32>} : memref<128xi32, #tpu.memory_space<vmem>>, vector<16xi32>,
    tpu.vector_store %arg10[%swap3A_22], %get3A_21 {strides = array<i32>} : memref<128xi32, #tpu.memory_space<vmem>>, vector<16xi32>,
    %get3A_24 = arith.constant 0 : i32
    %get3A_25 = arith.index_cast %get3A_24 : i32 to index
    %get3A_26 = arith.constant 32 : index
    %get3A_27 = tpu.vector_load %arg7[%get3A_25, %get3A_26] {strides = array<i32>} : memref<80x128xi32, #tpu.memory_space<vmem>>, vector<16xi32>,
    %swap3A_28 = arith.constant 32 : index
    %swap3A_29 = tpu.vector_load %arg10[%swap3A_28] {strides = array<i32>} : memref<128xi32, #tpu.memory_space<vmem>>, vector<16xi32>,
    tpu.vector_store %arg10[%swap3A_28], %get3A_27 {strides = array<i32>} : memref<128xi32, #tpu.memory_space<vmem>>, vector<16xi32>,
    %get3A_30 = arith.constant 0 : i32
    %get3A_31 = arith.index_cast %get3A_30 : i32 to index
    %get3A_32 = arith.constant 48 : index
    %get3A_33 = tpu.vector_load %arg7[%get3A_31, %get3A_32] {strides = array<i32>} : memref<80x128xi32, #tpu.memory_space<vmem>>, vector<16xi32>,
    %swap3A_34 = arith.constant 48 : index
    %swap3A_35 = tpu.vector_load %arg10[%swap3A_34] {strides = array<i32>} : memref<128xi32, #tpu.memory_space<vmem>>, vector<16xi32>,
    tpu.vector_store %arg10[%swap3A_34], %get3A_33 {strides = array<i32>} : memref<128xi32, #tpu.memory_space<vmem>>, vector<16xi32>,
    %get3A_36 = arith.constant 0 : i32
    %get3A_37 = arith.index_cast %get3A_36 : i32 to index
    %get3A_38 = arith.constant 64 : index
    %get3A_39 = tpu.vector_load %arg7[%get3A_37, %get3A_38] {strides = array<i32>} : memref<80x128xi32, #tpu.memory_space<vmem>>, vector<16xi32>,
    %swap3A_40 = arith.constant 64 : index
    %swap3A_41 = tpu.vector_load %arg10[%swap3A_40] {strides = array<i32>} : memref<128xi32, #tpu.memory_space<vmem>>, vector<16xi32>,
    tpu.vector_store %arg10[%swap3A_40], %get3A_39 {strides = array<i32>} : memref<128xi32, #tpu.memory_space<vmem>>, vector<16xi32>,
    %get3A_42 = arith.constant 0 : i32
    %get3A_43 = arith.index_cast %get3A_42 : i32 to index
    %get3A_44 = arith.constant 80 : index
    %get3A_45 = tpu.vector_load %arg7[%get3A_43, %get3A_44] {strides = array<i32>} : memref<80x128xi32, #tpu.memory_space<vmem>>, vector<16xi32>,
    %swap3A_46 = arith.constant 80 : index
    %swap3A_47 = tpu.vector_load %arg10[%swap3A_46] {strides = array<i32>} : memref<128xi32, #tpu.memory_space<vmem>>, vector<16xi32>,
    tpu.vector_store %arg10[%swap3A_46], %get3A_45 {strides = array<i32>} : memref<128xi32, #tpu.memory_space<vmem>>, vector<16xi32>,
    %get3A_48 = arith.constant 0 : i32
    %get3A_49 = arith.index_cast %get3A_48 : i32 to index
    %get3A_50 = arith.constant 96 : index
    %get3A_51 = tpu.vector_load %arg7[%get3A_49, %get3A_50] {strides = array<i32>} : memref<80x128xi32, #tpu.memory_space<vmem>>, vector<16xi32>,
    %swap3A_52 = arith.constant 96 : index
    %swap3A_53 = tpu.vector_load %arg10[%swap3A_52] {strides = array<i32>} : memref<128xi32, #tpu.memory_space<vmem>>, vector<16xi32>,
    tpu.vector_store %arg10[%swap3A_52], %get3A_51 {strides = array<i32>} : memref<128xi32, #tpu.memory_space<vmem>>, vector<16xi32>,
    %get3A_54 = arith.constant 0 : i32
    %get3A_55 = arith.index_cast %get3A_54 : i32 to index
    %get3A_56 = arith.constant 112 : index
    %get3A_57 = tpu.vector_load %arg7[%get3A_55, %get3A_56] {strides = array<i32>} : memref<80x128xi32, #tpu.memory_space<vmem>>, vector<16xi32>,
    %swap3A_58 = arith.constant 112 : index
    %swap3A_59 = tpu.vector_load %arg10[%swap3A_58] {strides = array<i32>} : memref<128xi32, #tpu.memory_space<vmem>>, vector<16xi32>,
    tpu.vector_store %arg10[%swap3A_58], %get3A_57 {strides = array<i32>} : memref<128xi32, #tpu.memory_space<vmem>>, vector<16xi32>,
    %dma_start3A_60 = arith.constant 0 : i32
    %dma_start3A_61 = arith.constant 0 : i32
    %dma_start3A_62 = tpu.memref_slice %arg6[%dma_start3A_60, %dma_start3A_61] : memref<10000x64xi32, #tpu.memory_space<vmem_shared>> -> memref<10000x64xi32, #tpu.memory_space<vmem_shared>>
    tpu.enqueue_indirect_dma source(%dma_start3A_62 : memref<10000x64xi32, #tpu.memory_space<vmem_shared>>) target(%arg12 : memref<128x64xi32, #tpu.memory_space<vmem>>) offsets(%arg10 : memref<128xi32, #tpu.memory_space<vmem>>) semaphore(%arg14 : memref<!tpu.dma_semaphore, #tpu.memory_space<semaphore_mem>>)
    %scan3A = arith.constant 0 : i32
    %scan3A_63 = arith.constant 0 : i32
    %scan3A_64 = arith.constant 40 : i32
    %scan3A_65 = arith.addi %scan3A_63, %scan3A_64 : i32
    %scan3A_66 = arith.constant 1 : i32
    scf.for %scan3A_71 = %scan3A_63 to %scan3A_65 step %scan3A_66  : i32 {
      %mul3A_72 = arith.constant 2 : i32
      %mul3A_73 = arith.muli %mul3A_72, %scan3A_71 : i32
      %add3A_74 = arith.constant 1 : i32
      %add3A_75 = arith.addi %mul3A_73, %add3A_74 : i32
      %get3A_76 = arith.index_cast %add3A_75 : i32 to index
      %get3A_77 = arith.constant 0 : index
      %get3A_78 = tpu.vector_load %arg7[%get3A_76, %get3A_77] {strides = array<i32>} : memref<80x128xi32, #tpu.memory_space<vmem>>, vector<16xi32>,
      %swap3A_79 = arith.constant 0 : index
      %swap3A_80 = tpu.vector_load %arg11[%swap3A_79] {strides = array<i32>} : memref<128xi32, #tpu.memory_space<vmem>>, vector<16xi32>,
      tpu.vector_store %arg11[%swap3A_79], %get3A_78 {strides = array<i32>} : memref<128xi32, #tpu.memory_space<vmem>>, vector<16xi32>,
      %get3A_81 = arith.index_cast %add3A_75 : i32 to index
      %get3A_82 = arith.constant 16 : index
      %get3A_83 = tpu.vector_load %arg7[%get3A_81, %get3A_82] {strides = array<i32>} : memref<80x128xi32, #tpu.memory_space<vmem>>, vector<16xi32>,
      %swap3A_84 = arith.constant 16 : index
      %swap3A_85 = tpu.vector_load %arg11[%swap3A_84] {strides = array<i32>} : memref<128xi32, #tpu.memory_space<vmem>>, vector<16xi32>,
      tpu.vector_store %arg11[%swap3A_84], %get3A_83 {strides = array<i32>} : memref<128xi32, #tpu.memory_space<vmem>>, vector<16xi32>,
      %get3A_86 = arith.index_cast %add3A_75 : i32 to index
      %get3A_87 = arith.constant 32 : index
      %get3A_88 = tpu.vector_load %arg7[%get3A_86, %get3A_87] {strides = array<i32>} : memref<80x128xi32, #tpu.memory_space<vmem>>, vector<16xi32>,
      %swap3A_89 = arith.constant 32 : index
      %swap3A_90 = tpu.vector_load %arg11[%swap3A_89] {strides = array<i32>} : memref<128xi32, #tpu.memory_space<vmem>>, vector<16xi32>,
      tpu.vector_store %arg11[%swap3A_89], %get3A_88 {strides = array<i32>} : memref<128xi32, #tpu.memory_space<vmem>>, vector<16xi32>,
      %get3A_91 = arith.index_cast %add3A_75 : i32 to index
      %get3A_92 = arith.constant 48 : index
      %get3A_93 = tpu.vector_load %arg7[%get3A_91, %get3A_92] {strides = array<i32>} : memref<80x128xi32, #tpu.memory_space<vmem>>, vector<16xi32>,
      %swap3A_94 = arith.constant 48 : index
      %swap3A_95 = tpu.vector_load %arg11[%swap3A_94] {strides = array<i32>} : memref<128xi32, #tpu.memory_space<vmem>>, vector<16xi32>,
      tpu.vector_store %arg11[%swap3A_94], %get3A_93 {strides = array<i32>} : memref<128xi32, #tpu.memory_space<vmem>>, vector<16xi32>,
      %get3A_96 = arith.index_cast %add3A_75 : i32 to index
      %get3A_97 = arith.constant 64 : index
      %get3A_98 = tpu.vector_load %arg7[%get3A_96, %get3A_97] {strides = array<i32>} : memref<80x128xi32, #tpu.memory_space<vmem>>, vector<16xi32>,
      %swap3A_99 = arith.constant 64 : index
      %swap3A_100 = tpu.vector_load %arg11[%swap3A_99] {strides = array<i32>} : memref<128xi32, #tpu.memory_space<vmem>>, vector<16xi32>,
      tpu.vector_store %arg11[%swap3A_99], %get3A_98 {strides = array<i32>} : memref<128xi32, #tpu.memory_space<vmem>>, vector<16xi32>,
      %get3A_101 = arith.index_cast %add3A_75 : i32 to index
      %get3A_102 = arith.constant 80 : index
      %get3A_103 = tpu.vector_load %arg7[%get3A_101, %get3A_102] {strides = array<i32>} : memref<80x128xi32, #tpu.memory_space<vmem>>, vector<16xi32>,
      %swap3A_104 = arith.constant 80 : index
      %swap3A_105 = tpu.vector_load %arg11[%swap3A_104] {strides = array<i32>} : memref<128xi32, #tpu.memory_space<vmem>>, vector<16xi32>,
      tpu.vector_store %arg11[%swap3A_104], %get3A_103 {strides = array<i32>} : memref<128xi32, #tpu.memory_space<vmem>>, vector<16xi32>,
      %get3A_106 = arith.index_cast %add3A_75 : i32 to index
      %get3A_107 = arith.constant 96 : index
      %get3A_108 = tpu.vector_load %arg7[%get3A_106, %get3A_107] {strides = array<i32>} : memref<80x128xi32, #tpu.memory_space<vmem>>, vector<16xi32>,
      %swap3A_109 = arith.constant 96 : index
      %swap3A_110 = tpu.vector_load %arg11[%swap3A_109] {strides = array<i32>} : memref<128xi32, #tpu.memory_space<vmem>>, vector<16xi32>,
      tpu.vector_store %arg11[%swap3A_109], %get3A_108 {strides = array<i32>} : memref<128xi32, #tpu.memory_space<vmem>>, vector<16xi32>,
      %get3A_111 = arith.index_cast %add3A_75 : i32 to index
      %get3A_112 = arith.constant 112 : index
      %get3A_113 = tpu.vector_load %arg7[%get3A_111, %get3A_112] {strides = array<i32>} : memref<80x128xi32, #tpu.memory_space<vmem>>, vector<16xi32>,
      %swap3A_114 = arith.constant 112 : index
      %swap3A_115 = tpu.vector_load %arg11[%swap3A_114] {strides = array<i32>} : memref<128xi32, #tpu.memory_space<vmem>>, vector<16xi32>,
      tpu.vector_store %arg11[%swap3A_114], %get3A_113 {strides = array<i32>} : memref<128xi32, #tpu.memory_space<vmem>>, vector<16xi32>,
      %dma_start3A_116 = arith.constant 0 : i32
      %dma_start3A_117 = arith.constant 0 : i32
      %dma_start3A_118 = tpu.memref_slice %arg6[%dma_start3A_116, %dma_start3A_117] : memref<10000x64xi32, #tpu.memory_space<vmem_shared>> -> memref<10000x64xi32, #tpu.memory_space<vmem_shared>>
      tpu.enqueue_indirect_dma source(%dma_start3A_118 : memref<10000x64xi32, #tpu.memory_space<vmem_shared>>) target(%arg13 : memref<128x64xi32, #tpu.memory_space<vmem>>) offsets(%arg11 : memref<128xi32, #tpu.memory_space<vmem>>) semaphore(%arg15 : memref<!tpu.dma_semaphore, #tpu.memory_space<semaphore_mem>>)
      %dma_wait3A_119 = arith.constant 0 : i32
      %dma_wait3A_120 = arith.constant 0 : i32
      %dma_wait3A_121 = tpu.memref_slice %arg6[%dma_wait3A_119, %dma_wait3A_120] : memref<10000x64xi32, #tpu.memory_space<vmem_shared>> -> memref<10000x64xi32, #tpu.memory_space<vmem_shared>>
      tpu.wait_indirect_dma semaphore(%arg14 : memref<!tpu.dma_semaphore, #tpu.memory_space<semaphore_mem>>) src(%dma_wait3A_121 : memref<10000x64xi32, #tpu.memory_space<vmem_shared>>) dst(%arg12 : memref<128x64xi32, #tpu.memory_space<vmem>>)
      %scan3A_122 = arith.constant 0 : i32
      %scan3A_123 = arith.constant 0 : i32
      %scan3A_124 = arith.constant 4 : i32
      %scan3A_125 = arith.addi %scan3A_123, %scan3A_124 : i32
      %scan3A_126 = arith.constant 1 : i32
      scf.for %scan3A_185 = %scan3A_123 to %scan3A_125 step %scan3A_126  : i32 {
        %broadcast_in_dim3A = arith.constant 0.000000e+00 : f32
        %broadcast_in_dim3A_186 = vector.broadcast %broadcast_in_dim3A : f32 to vector<16xf32>
        %broadcast_in_dim3A_187 = arith.constant 0.000000e+00 : f32
        %broadcast_in_dim3A_188 = vector.broadcast %broadcast_in_dim3A_187 : f32 to vector<16xf32>
        %broadcast_in_dim3A_189 = arith.constant 0.000000e+00 : f32
        %broadcast_in_dim3A_190 = vector.broadcast %broadcast_in_dim3A_189 : f32 to vector<16xf32>
        %broadcast_in_dim3A_191 = arith.constant 0.000000e+00 : f32
        %broadcast_in_dim3A_192 = vector.broadcast %broadcast_in_dim3A_191 : f32 to vector<16xf32>
        %broadcast_in_dim3A_193 = arith.constant 0.000000e+00 : f32
        %broadcast_in_dim3A_194 = vector.broadcast %broadcast_in_dim3A_193 : f32 to vector<16xf32>
        %broadcast_in_dim3A_195 = arith.constant 0.000000e+00 : f32
        %broadcast_in_dim3A_196 = vector.broadcast %broadcast_in_dim3A_195 : f32 to vector<16xf32>
        %broadcast_in_dim3A_197 = arith.constant 0.000000e+00 : f32
        %broadcast_in_dim3A_198 = vector.broadcast %broadcast_in_dim3A_197 : f32 to vector<16xf32>
        %broadcast_in_dim3A_199 = arith.constant 0.000000e+00 : f32
        %broadcast_in_dim3A_200 = vector.broadcast %broadcast_in_dim3A_199 : f32 to vector<16xf32>
        %mul3A_201 = arith.constant 32 : i32
        %mul3A_202 = arith.muli %scan3A_185, %mul3A_201 : i32
        %add3A_203 = arith.constant 0 : i32
        %add3A_204 = arith.addi %mul3A_202, %add3A_203 : i32
        %get3A_205 = arith.index_cast %mul3A_73 : i32 to index
        %get3A_206 = arith.index_cast %add3A_204 : i32 to index
        %get3A_207 = tpu.vector_load %arg8[%get3A_205, %get3A_206] {strides = array<i32>} : memref<80x128xf32, #tpu.memory_space<vmem>>, vector<16xf32>,
        %mul3A_208 = arith.constant 32 : i32
        %mul3A_209 = arith.muli %scan3A_185, %mul3A_208 : i32
        %add3A_210 = arith.constant 16 : i32
        %add3A_211 = arith.addi %mul3A_209, %add3A_210 : i32
        %get3A_212 = arith.index_cast %mul3A_73 : i32 to index
        %get3A_213 = arith.index_cast %add3A_211 : i32 to index
        %get3A_214 = tpu.vector_load %arg8[%get3A_212, %get3A_213] {strides = array<i32>} : memref<80x128xf32, #tpu.memory_space<vmem>>, vector<16xf32>,
        %mul3A_215 = arith.constant 32 : i32
        %mul3A_216 = arith.muli %scan3A_185, %mul3A_215 : i32
        %add3A_217 = arith.constant 0 : i32
        %add3A_218 = arith.addi %mul3A_216, %add3A_217 : i32
        %slice3A = vector.extract_strided_slice %get3A_207 {offsets = [0], sizes = [1], strides = [1]} : vector<16xf32> to vector<1xf32>
        %squeeze3A = vector.extract %slice3A[0] : f32 from vector<1xf32>
        %get3A_219 = arith.index_cast %add3A_218 : i32 to index
        %get3A_220 = arith.constant 0 : index
        %get3A_221 = tpu.vector_load %arg12[%get3A_219, %get3A_220] {strides = array<i32>} : memref<128x64xi32, #tpu.memory_space<vmem>>, vector<16xi32>,
        %bitcast3A = vector.bitcast %get3A_221 : vector<16xi32> to vector<32xbf16>
        %unpack3A = tpu.unpack_subelements %bitcast3A, 0 {pack_format = #tpu.pack_format<interleaved>} : vector<32xbf16> -> vector<16xf32>
        %unpack3A_222 = tpu.unpack_subelements %bitcast3A, 1 {pack_format = #tpu.pack_format<interleaved>} : vector<32xbf16> -> vector<16xf32>
        %mul3A_223 = vector.broadcast %squeeze3A : f32 to vector<16xf32>
        %mul3A_224 = arith.mulf %mul3A_223, %unpack3A : vector<16xf32>
        %add3A_225 = arith.addf %broadcast_in_dim3A_186, %mul3A_224 : vector<16xf32>
        %mul3A_226 = vector.broadcast %squeeze3A : f32 to vector<16xf32>
        %mul3A_227 = arith.mulf %mul3A_226, %unpack3A_222 : vector<16xf32>
        %add3A_228 = arith.addf %broadcast_in_dim3A_188, %mul3A_227 : vector<16xf32>
        %get3A_229 = arith.index_cast %add3A_218 : i32 to index
        %get3A_230 = arith.constant 16 : index
        %get3A_231 = tpu.vector_load %arg12[%get3A_229, %get3A_230] {strides = array<i32>} : memref<128x64xi32, #tpu.memory_space<vmem>>, vector<16xi32>,
        %shift_left3A = arith.constant 16 : i32
        %shift_left3A_232 = vector.broadcast %shift_left3A : i32 to vector<16xi32>
        %shift_left3A_233 = arith.shli %get3A_231, %shift_left3A_232 : vector<16xi32>
        %bitcast3A_234 = vector.bitcast %shift_left3A_233 : vector<16xi32> to vector<16xf32>
        %and3A = arith.constant -65536 : i32
        %and3A_235 = vector.broadcast %and3A : i32 to vector<16xi32>
        %and3A_236 = arith.andi %get3A_231, %and3A_235 : vector<16xi32>
        %bitcast3A_237 = vector.bitcast %and3A_236 : vector<16xi32> to vector<16xf32>
        %mul3A_238 = vector.broadcast %squeeze3A : f32 to vector<16xf32>
        %mul3A_239 = arith.mulf %mul3A_238, %bitcast3A_234 : vector<16xf32>
        %add3A_240 = arith.addf %broadcast_in_dim3A_190, %mul3A_239 : vector<16xf32>
        %mul3A_241 = vector.broadcast %squeeze3A : f32 to vector<16xf32>
        %mul3A_242 = arith.mulf %mul3A_241, %bitcast3A_237 : vector<16xf32>
        %add3A_243 = arith.addf %broadcast_in_dim3A_192, %mul3A_242 : vector<16xf32>
        %get3A_244 = arith.index_cast %add3A_218 : i32 to index
        %get3A_245 = arith.constant 32 : index
        %get3A_246 = tpu.vector_load %arg12[%get3A_244, %get3A_245] {strides = array<i32>} : memref<128x64xi32, #tpu.memory_space<vmem>>, vector<16xi32>,
        %bitcast3A_247 = vector.bitcast %get3A_246 : vector<16xi32> to vector<32xbf16>
        %unpack3A_248 = tpu.unpack_subelements %bitcast3A_247, 0 {pack_format = #tpu.pack_format<interleaved>} : vector<32xbf16> -> vector<16xf32>
        %unpack3A_249 = tpu.unpack_subelements %bitcast3A_247, 1 {pack_format = #tpu.pack_format<interleaved>} : vector<32xbf16> -> vector<16xf32>
        %mul3A_250 = vector.broadcast %squeeze3A : f32 to vector<16xf32>
        %mul3A_251 = arith.mulf %mul3A_250, %unpack3A_248 : vector<16xf32>
        %add3A_252 = arith.addf %broadcast_in_dim3A_194, %mul3A_251 : vector<16xf32>
        %mul3A_253 = vector.broadcast %squeeze3A : f32 to vector<16xf32>
        %mul3A_254 = arith.mulf %mul3A_253, %unpack3A_249 : vector<16xf32>
        %add3A_255 = arith.addf %broadcast_in_dim3A_196, %mul3A_254 : vector<16xf32>
        %get3A_256 = arith.index_cast %add3A_218 : i32 to index
        %get3A_257 = arith.constant 48 : index
        %get3A_258 = tpu.vector_load %arg12[%get3A_256, %get3A_257] {strides = array<i32>} : memref<128x64xi32, #tpu.memory_space<vmem>>, vector<16xi32>,
        %shift_left3A_259 = arith.constant 16 : i32
        %shift_left3A_260 = vector.broadcast %shift_left3A_259 : i32 to vector<16xi32>
        %shift_left3A_261 = arith.shli %get3A_258, %shift_left3A_260 : vector<16xi32>
        %bitcast3A_262 = vector.bitcast %shift_left3A_261 : vector<16xi32> to vector<16xf32>
        %and3A_263 = arith.constant -65536 : i32
        %and3A_264 = vector.broadcast %and3A_263 : i32 to vector<16xi32>
        %and3A_265 = arith.andi %get3A_258, %and3A_264 : vector<16xi32>
        %bitcast3A_266 = vector.bitcast %and3A_265 : vector<16xi32> to vector<16xf32>
        %mul3A_267 = vector.broadcast %squeeze3A : f32 to vector<16xf32>
        %mul3A_268 = arith.mulf %mul3A_267, %bitcast3A_262 : vector<16xf32>
        %add3A_269 = arith.addf %broadcast_in_dim3A_198, %mul3A_268 : vector<16xf32>
        %mul3A_270 = vector.broadcast %squeeze3A : f32 to vector<16xf32>
        %mul3A_271 = arith.mulf %mul3A_270, %bitcast3A_266 : vector<16xf32>
        %add3A_272 = arith.addf %broadcast_in_dim3A_200, %mul3A_271 : vector<16xf32>
        %mul3A_273 = arith.constant 32 : i32
        %mul3A_274 = arith.muli %scan3A_185, %mul3A_273 : i32
        %add3A_275 = arith.constant 1 : i32
        %add3A_276 = arith.addi %mul3A_274, %add3A_275 : i32
        %slice3A_277 = vector.extract_strided_slice %get3A_207 {offsets = [1], sizes = [1], strides = [1]} : vector<16xf32> to vector<1xf32>
        %squeeze3A_278 = vector.extract %slice3A_277[0] : f32 from vector<1xf32>
        %get3A_279 = arith.index_cast %add3A_276 : i32 to index
        %get3A_280 = arith.constant 0 : index
        %get3A_281 = tpu.vector_load %arg12[%get3A_279, %get3A_280] {strides = array<i32>} : memref<128x64xi32, #tpu.memory_space<vmem>>, vector<16xi32>,
        %bitcast3A_282 = vector.bitcast %get3A_281 : vector<16xi32> to vector<32xbf16>
        %unpack3A_283 = tpu.unpack_subelements %bitcast3A_282, 0 {pack_format = #tpu.pack_format<interleaved>} : vector<32xbf16> -> vector<16xf32>
        %unpack3A_284 = tpu.unpack_subelements %bitcast3A_282, 1 {pack_format = #tpu.pack_format<interleaved>} : vector<32xbf16> -> vector<16xf32>
        %mul3A_285 = vector.broadcast %squeeze3A_278 : f32 to vector<16xf32>
        %mul3A_286 = arith.mulf %mul3A_285, %unpack3A_283 : vector<16xf32>
        %add3A_287 = arith.addf %add3A_225, %mul3A_286 : vector<16xf32>
        %mul3A_288 = vector.broadcast %squeeze3A_278 : f32 to vector<16xf32>
        %mul3A_289 = arith.mulf %mul3A_288, %unpack3A_284 : vector<16xf32>
        %add3A_290 = arith.addf %add3A_228, %mul3A_289 : vector<16xf32>
        %get3A_291 = arith.index_cast %add3A_276 : i32 to index
        %get3A_292 = arith.constant 16 : index
        %get3A_293 = tpu.vector_load %arg12[%get3A_291, %get3A_292] {strides = array<i32>} : memref<128x64xi32, #tpu.memory_space<vmem>>, vector<16xi32>,
        %shift_left3A_294 = arith.constant 16 : i32
        %shift_left3A_295 = vector.broadcast %shift_left3A_294 : i32 to vector<16xi32>
        %shift_left3A_296 = arith.shli %get3A_293, %shift_left3A_295 : vector<16xi32>
        %bitcast3A_297 = vector.bitcast %shift_left3A_296 : vector<16xi32> to vector<16xf32>
        %and3A_298 = arith.constant -65536 : i32
        %and3A_299 = vector.broadcast %and3A_298 : i32 to vector<16xi32>
        %and3A_300 = arith.andi %get3A_293, %and3A_299 : vector<16xi32>
        %bitcast3A_301 = vector.bitcast %and3A_300 : vector<16xi32> to vector<16xf32>
        %mul3A_302 = vector.broadcast %squeeze3A_278 : f32 to vector<16xf32>
        %mul3A_303 = arith.mulf %mul3A_302, %bitcast3A_297 : vector<16xf32>
        %add3A_304 = arith.addf %add3A_240, %mul3A_303 : vector<16xf32>
        %mul3A_305 = vector.broadcast %squeeze3A_278 : f32 to vector<16xf32>
        %mul3A_306 = arith.mulf %mul3A_305, %bitcast3A_301 : vector<16xf32>
        %add3A_307 = arith.addf %add3A_243, %mul3A_306 : vector<16xf32>
        %get3A_308 = arith.index_cast %add3A_276 : i32 to index
        %get3A_309 = arith.constant 32 : index
        %get3A_310 = tpu.vector_load %arg12[%get3A_308, %get3A_309] {strides = array<i32>} : memref<128x64xi32, #tpu.memory_space<vmem>>, vector<16xi32>,
        %bitcast3A_311 = vector.bitcast %get3A_310 : vector<16xi32> to vector<32xbf16>
        %unpack3A_312 = tpu.unpack_subelements %bitcast3A_311, 0 {pack_format = #tpu.pack_format<interleaved>} : vector<32xbf16> -> vector<16xf32>
        %unpack3A_313 = tpu.unpack_subelements %bitcast3A_311, 1 {pack_format = #tpu.pack_format<interleaved>} : vector<32xbf16> -> vector<16xf32>
        %mul3A_314 = vector.broadcast %squeeze3A_278 : f32 to vector<16xf32>
        %mul3A_315 = arith.mulf %mul3A_314, %unpack3A_312 : vector<16xf32>
        %add3A_316 = arith.addf %add3A_252, %mul3A_315 : vector<16xf32>
        %mul3A_317 = vector.broadcast %squeeze3A_278 : f32 to vector<16xf32>
        %mul3A_318 = arith.mulf %mul3A_317, %unpack3A_313 : vector<16xf32>
        %add3A_319 = arith.addf %add3A_255, %mul3A_318 : vector<16xf32>
        %get3A_320 = arith.index_cast %add3A_276 : i32 to index
        %get3A_321 = arith.constant 48 : index
        %get3A_322 = tpu.vector_load %arg12[%get3A_320, %get3A_321] {strides = array<i32>} : memref<128x64xi32, #tpu.memory_space<vmem>>, vector<16xi32>,
        %shift_left3A_323 = arith.constant 16 : i32
        %shift_left3A_324 = vector.broadcast %shift_left3A_323 : i32 to vector<16xi32>
        %shift_left3A_325 = arith.shli %get3A_322, %shift_left3A_324 : vector<16xi32>
        %bitcast3A_326 = vector.bitcast %shift_left3A_325 : vector<16xi32> to vector<16xf32>
        %and3A_327 = arith.constant -65536 : i32
        %and3A_328 = vector.broadcast %and3A_327 : i32 to vector<16xi32>
        %and3A_329 = arith.andi %get3A_322, %and3A_328 : vector<16xi32>
        %bitcast3A_330 = vector.bitcast %and3A_329 : vector<16xi32> to vector<16xf32>
        %mul3A_331 = vector.broadcast %squeeze3A_278 : f32 to vector<16xf32>
        %mul3A_332 = arith.mulf %mul3A_331, %bitcast3A_326 : vector<16xf32>
        %add3A_333 = arith.addf %add3A_269, %mul3A_332 : vector<16xf32>
        %mul3A_334 = vector.broadcast %squeeze3A_278 : f32 to vector<16xf32>
        %mul3A_335 = arith.mulf %mul3A_334, %bitcast3A_330 : vector<16xf32>
        %add3A_336 = arith.addf %add3A_272, %mul3A_335 : vector<16xf32>
        %mul3A_337 = arith.constant 32 : i32
        %mul3A_338 = arith.muli %scan3A_185, %mul3A_337 : i32
        %add3A_339 = arith.constant 2 : i32
        %add3A_340 = arith.addi %mul3A_338, %add3A_339 : i32
        %slice3A_341 = vector.extract_strided_slice %get3A_207 {offsets = [2], sizes = [1], strides = [1]} : vector<16xf32> to vector<1xf32>
        %squeeze3A_342 = vector.extract %slice3A_341[0] : f32 from vector<1xf32>
        %get3A_343 = arith.index_cast %add3A_340 : i32 to index
        %get3A_344 = arith.constant 0 : index
        %get3A_345 = tpu.vector_load %arg12[%get3A_343, %get3A_344] {strides = array<i32>} : memref<128x64xi32, #tpu.memory_space<vmem>>, vector<16xi32>,
        %bitcast3A_346 = vector.bitcast %get3A_345 : vector<16xi32> to vector<32xbf16>
        %unpack3A_347 = tpu.unpack_subelements %bitcast3A_346, 0 {pack_format = #tpu.pack_format<interleaved>} : vector<32xbf16> -> vector<16xf32>
        %unpack3A_348 = tpu.unpack_subelements %bitcast3A_346, 1 {pack_format = #tpu.pack_format<interleaved>} : vector<32xbf16> -> vector<16xf32>
        %mul3A_349 = vector.broadcast %squeeze3A_342 : f32 to vector<16xf32>
        %mul3A_350 = arith.mulf %mul3A_349, %unpack3A_347 : vector<16xf32>
        %add3A_351 = arith.addf %add3A_287, %mul3A_350 : vector<16xf32>
        %mul3A_352 = vector.broadcast %squeeze3A_342 : f32 to vector<16xf32>
        %mul3A_353 = arith.mulf %mul3A_352, %unpack3A_348 : vector<16xf32>
        %add3A_354 = arith.addf %add3A_290, %mul3A_353 : vector<16xf32>
        %get3A_355 = arith.index_cast %add3A_340 : i32 to index
        %get3A_356 = arith.constant 16 : index
        %get3A_357 = tpu.vector_load %arg12[%get3A_355, %get3A_356] {strides = array<i32>} : memref<128x64xi32, #tpu.memory_space<vmem>>, vector<16xi32>,
        %shift_left3A_358 = arith.constant 16 : i32
        %shift_left3A_359 = vector.broadcast %shift_left3A_358 : i32 to vector<16xi32>
        %shift_left3A_360 = arith.shli %get3A_357, %shift_left3A_359 : vector<16xi32>
        %bitcast3A_361 = vector.bitcast %shift_left3A_360 : vector<16xi32> to vector<16xf32>
        %and3A_362 = arith.constant -65536 : i32
        %and3A_363 = vector.broadcast %and3A_362 : i32 to vector<16xi32>
        %and3A_364 = arith.andi %get3A_357, %and3A_363 : vector<16xi32>
        %bitcast3A_365 = vector.bitcast %and3A_364 : vector<16xi32> to vector<16xf32>
        %mul3A_366 = vector.broadcast %squeeze3A_342 : f32 to vector<16xf32>
        %mul3A_367 = arith.mulf %mul3A_366, %bitcast3A_361 : vector<16xf32>
        %add3A_368 = arith.addf %add3A_304, %mul3A_367 : vector<16xf32>
        %mul3A_369 = vector.broadcast %squeeze3A_342 : f32 to vector<16xf32>
        %mul3A_370 = arith.mulf %mul3A_369, %bitcast3A_365 : vector<16xf32>
        %add3A_371 = arith.addf %add3A_307, %mul3A_370 : vector<16xf32>
        %get3A_372 = arith.index_cast %add3A_340 : i32 to index
        %get3A_373 = arith.constant 32 : index
        %get3A_374 = tpu.vector_load %arg12[%get3A_372, %get3A_373] {strides = array<i32>} : memref<128x64xi32, #tpu.memory_space<vmem>>, vector<16xi32>,
        %bitcast3A_375 = vector.bitcast %get3A_374 : vector<16xi32> to vector<32xbf16>
        %unpack3A_376 = tpu.unpack_subelements %bitcast3A_375, 0 {pack_format = #tpu.pack_format<interleaved>} : vector<32xbf16> -> vector<16xf32>
        %unpack3A_377 = tpu.unpack_subelements %bitcast3A_375, 1 {pack_format = #tpu.pack_format<interleaved>} : vector<32xbf16> -> vector<16xf32>
        %mul3A_378 = vector.broadcast %squeeze3A_342 : f32 to vector<16xf32>
        %mul3A_379 = arith.mulf %mul3A_378, %unpack3A_376 : vector<16xf32>
        %add3A_380 = arith.addf %add3A_316, %mul3A_379 : vector<16xf32>
        %mul3A_381 = vector.broadcast %squeeze3A_342 : f32 to vector<16xf32>
        %mul3A_382 = arith.mulf %mul3A_381, %unpack3A_377 : vector<16xf32>
        %add3A_383 = arith.addf %add3A_319, %mul3A_382 : vector<16xf32>
        %get3A_384 = arith.index_cast %add3A_340 : i32 to index
        %get3A_385 = arith.constant 48 : index
        %get3A_386 = tpu.vector_load %arg12[%get3A_384, %get3A_385] {strides = array<i32>} : memref<128x64xi32, #tpu.memory_space<vmem>>, vector<16xi32>,
        %shift_left3A_387 = arith.constant 16 : i32
        %shift_left3A_388 = vector.broadcast %shift_left3A_387 : i32 to vector<16xi32>
        %shift_left3A_389 = arith.shli %get3A_386, %shift_left3A_388 : vector<16xi32>
        %bitcast3A_390 = vector.bitcast %shift_left3A_389 : vector<16xi32> to vector<16xf32>
        %and3A_391 = arith.constant -65536 : i32
        %and3A_392 = vector.broadcast %and3A_391 : i32 to vector<16xi32>
        %and3A_393 = arith.andi %get3A_386, %and3A_392 : vector<16xi32>
        %bitcast3A_394 = vector.bitcast %and3A_393 : vector<16xi32> to vector<16xf32>
        %mul3A_395 = vector.broadcast %squeeze3A_342 : f32 to vector<16xf32>
        %mul3A_396 = arith.mulf %mul3A_395, %bitcast3A_390 : vector<16xf32>
        %add3A_397 = arith.addf %add3A_333, %mul3A_396 : vector<16xf32>
        %mul3A_398 = vector.broadcast %squeeze3A_342 : f32 to vector<16xf32>
        %mul3A_399 = arith.mulf %mul3A_398, %bitcast3A_394 : vector<16xf32>
        %add3A_400 = arith.addf %add3A_336, %mul3A_399 : vector<16xf32>
        %mul3A_401 = arith.constant 32 : i32
        %mul3A_402 = arith.muli %scan3A_185, %mul3A_401 : i32
        %add3A_403 = arith.constant 3 : i32
        %add3A_404 = arith.addi %mul3A_402, %add3A_403 : i32
        %slice3A_405 = vector.extract_strided_slice %get3A_207 {offsets = [3], sizes = [1], strides = [1]} : vector<16xf32> to vector<1xf32>
        %squeeze3A_406 = vector.extract %slice3A_405[0] : f32 from vector<1xf32>
        %get3A_407 = arith.index_cast %add3A_404 : i32 to index
        %get3A_408 = arith.constant 0 : index
        %get3A_409 = tpu.vector_load %arg12[%get3A_407, %get3A_408] {strides = array<i32>} : memref<128x64xi32, #tpu.memory_space<vmem>>, vector<16xi32>,
        %bitcast3A_410 = vector.bitcast %get3A_409 : vector<16xi32> to vector<32xbf16>
        %unpack3A_411 = tpu.unpack_subelements %bitcast3A_410, 0 {pack_format = #tpu.pack_format<interleaved>} : vector<32xbf16> -> vector<16xf32>
        %unpack3A_412 = tpu.unpack_subelements %bitcast3A_410, 1 {pack_format = #tpu.pack_format<interleaved>} : vector<32xbf16> -> vector<16xf32>
        %mul3A_413 = vector.broadcast %squeeze3A_406 : f32 to vector<16xf32>
        %mul3A_414 = arith.mulf %mul3A_413, %unpack3A_411 : vector<16xf32>
        %add3A_415 = arith.addf %add3A_351, %mul3A_414 : vector<16xf32>
        %mul3A_416 = vector.broadcast %squeeze3A_406 : f32 to vector<16xf32>
        %mul3A_417 = arith.mulf %mul3A_416, %unpack3A_412 : vector<16xf32>
        %add3A_418 = arith.addf %add3A_354, %mul3A_417 : vector<16xf32>
        %get3A_419 = arith.index_cast %add3A_404 : i32 to index
        %get3A_420 = arith.constant 16 : index
        %get3A_421 = tpu.vector_load %arg12[%get3A_419, %get3A_420] {strides = array<i32>} : memref<128x64xi32, #tpu.memory_space<vmem>>, vector<16xi32>,
        %shift_left3A_422 = arith.constant 16 : i32
        %shift_left3A_423 = vector.broadcast %shift_left3A_422 : i32 to vector<16xi32>
        %shift_left3A_424 = arith.shli %get3A_421, %shift_left3A_423 : vector<16xi32>
        %bitcast3A_425 = vector.bitcast %shift_left3A_424 : vector<16xi32> to vector<16xf32>
        %and3A_426 = arith.constant -65536 : i32
        %and3A_427 = vector.broadcast %and3A_426 : i32 to vector<16xi32>
        %and3A_428 = arith.andi %get3A_421, %and3A_427 : vector<16xi32>
        %bitcast3A_429 = vector.bitcast %and3A_428 : vector<16xi32> to vector<16xf32>
        %mul3A_430 = vector.broadcast %squeeze3A_406 : f32 to vector<16xf32>
        %mul3A_431 = arith.mulf %mul3A_430, %bitcast3A_425 : vector<16xf32>
        %add3A_432 = arith.addf %add3A_368, %mul3A_431 : vector<16xf32>
        %mul3A_433 = vector.broadcast %squeeze3A_406 : f32 to vector<16xf32>
        %mul3A_434 = arith.mulf %mul3A_433, %bitcast3A_429 : vector<16xf32>
        %add3A_435 = arith.addf %add3A_371, %mul3A_434 : vector<16xf32>
        %get3A_436 = arith.index_cast %add3A_404 : i32 to index
        %get3A_437 = arith.constant 32 : index
        %get3A_438 = tpu.vector_load %arg12[%get3A_436, %get3A_437] {strides = array<i32>} : memref<128x64xi32, #tpu.memory_space<vmem>>, vector<16xi32>,
        %bitcast3A_439 = vector.bitcast %get3A_438 : vector<16xi32> to vector<32xbf16>
        %unpack3A_440 = tpu.unpack_subelements %bitcast3A_439, 0 {pack_format = #tpu.pack_format<interleaved>} : vector<32xbf16> -> vector<16xf32>
        %unpack3A_441 = tpu.unpack_subelements %bitcast3A_439, 1 {pack_format = #tpu.pack_format<interleaved>} : vector<32xbf16> -> vector<16xf32>
        %mul3A_442 = vector.broadcast %squeeze3A_406 : f32 to vector<16xf32>
        %mul3A_443 = arith.mulf %mul3A_442, %unpack3A_440 : vector<16xf32>
        %add3A_444 = arith.addf %add3A_380, %mul3A_443 : vector<16xf32>
        %mul3A_445 = vector.broadcast %squeeze3A_406 : f32 to vector<16xf32>
        %mul3A_446 = arith.mulf %mul3A_445, %unpack3A_441 : vector<16xf32>
        %add3A_447 = arith.addf %add3A_383, %mul3A_446 : vector<16xf32>
        %get3A_448 = arith.index_cast %add3A_404 : i32 to index
        %get3A_449 = arith.constant 48 : index
        %get3A_450 = tpu.vector_load %arg12[%get3A_448, %get3A_449] {strides = array<i32>} : memref<128x64xi32, #tpu.memory_space<vmem>>, vector<16xi32>,
        %shift_left3A_451 = arith.constant 16 : i32
        %shift_left3A_452 = vector.broadcast %shift_left3A_451 : i32 to vector<16xi32>
        %shift_left3A_453 = arith.shli %get3A_450, %shift_left3A_452 : vector<16xi32>
        %bitcast3A_454 = vector.bitcast %shift_left3A_453 : vector<16xi32> to vector<16xf32>
        %and3A_455 = arith.constant -65536 : i32
        %and3A_456 = vector.broadcast %and3A_455 : i32 to vector<16xi32>
        %and3A_457 = arith.andi %get3A_450, %and3A_456 : vector<16xi32>
        %bitcast3A_458 = vector.bitcast %and3A_457 : vector<16xi32> to vector<16xf32>
        %mul3A_459 = vector.broadcast %squeeze3A_406 : f32 to vector<16xf32>
        %mul3A_460 = arith.mulf %mul3A_459, %bitcast3A_454 : vector<16xf32>
        %add3A_461 = arith.addf %add3A_397, %mul3A_460 : vector<16xf32>
        %mul3A_462 = vector.broadcast %squeeze3A_406 : f32 to vector<16xf32>
        %mul3A_463 = arith.mulf %mul3A_462, %bitcast3A_458 : vector<16xf32>
        %add3A_464 = arith.addf %add3A_400, %mul3A_463 : vector<16xf32>
        %mul3A_465 = arith.constant 32 : i32
        %mul3A_466 = arith.muli %scan3A_185, %mul3A_465 : i32
        %add3A_467 = arith.constant 4 : i32
        %add3A_468 = arith.addi %mul3A_466, %add3A_467 : i32
        %slice3A_469 = vector.extract_strided_slice %get3A_207 {offsets = [4], sizes = [1], strides = [1]} : vector<16xf32> to vector<1xf32>
        %squeeze3A_470 = vector.extract %slice3A_469[0] : f32 from vector<1xf32>
        %get3A_471 = arith.index_cast %add3A_468 : i32 to index
        %get3A_472 = arith.constant 0 : index
        %get3A_473 = tpu.vector_load %arg12[%get3A_471, %get3A_472] {strides = array<i32>} : memref<128x64xi32, #tpu.memory_space<vmem>>, vector<16xi32>,
        %bitcast3A_474 = vector.bitcast %get3A_473 : vector<16xi32> to vector<32xbf16>
        %unpack3A_475 = tpu.unpack_subelements %bitcast3A_474, 0 {pack_format = #tpu.pack_format<interleaved>} : vector<32xbf16> -> vector<16xf32>
        %unpack3A_476 = tpu.unpack_subelements %bitcast3A_474, 1 {pack_format = #tpu.pack_format<interleaved>} : vector<32xbf16> -> vector<16xf32>
        %mul3A_477 = vector.broadcast %squeeze3A_470 : f32 to vector<16xf32>
        %mul3A_478 = arith.mulf %mul3A_477, %unpack3A_475 : vector<16xf32>
        %add3A_479 = arith.addf %add3A_415, %mul3A_478 : vector<16xf32>
        %mul3A_480 = vector.broadcast %squeeze3A_470 : f32 to vector<16xf32>
        %mul3A_481 = arith.mulf %mul3A_480, %unpack3A_476 : vector<16xf32>
        %add3A_482 = arith.addf %add3A_418, %mul3A_481 : vector<16xf32>
        %get3A_483 = arith.index_cast %add3A_468 : i32 to index
        %get3A_484 = arith.constant 16 : index
        %get3A_485 = tpu.vector_load %arg12[%get3A_483, %get3A_484] {strides = array<i32>} : memref<128x64xi32, #tpu.memory_space<vmem>>, vector<16xi32>,
        %shift_left3A_486 = arith.constant 16 : i32
        %shift_left3A_487 = vector.broadcast %shift_left3A_486 : i32 to vector<16xi32>
        %shift_left3A_488 = arith.shli %get3A_485, %shift_left3A_487 : vector<16xi32>
        %bitcast3A_489 = vector.bitcast %shift_left3A_488 : vector<16xi32> to vector<16xf32>
        %and3A_490 = arith.constant -65536 : i32
        %and3A_491 = vector.broadcast %and3A_490 : i32 to vector<16xi32>
        %and3A_492 = arith.andi %get3A_485, %and3A_491 : vector<16xi32>
        %bitcast3A_493 = vector.bitcast %and3A_492 : vector<16xi32> to vector<16xf32>
        %mul3A_494 = vector.broadcast %squeeze3A_470 : f32 to vector<16xf32>
        %mul3A_495 = arith.mulf %mul3A_494, %bitcast3A_489 : vector<16xf32>
        %add3A_496 = arith.addf %add3A_432, %mul3A_495 : vector<16xf32>
        %mul3A_497 = vector.broadcast %squeeze3A_470 : f32 to vector<16xf32>
        %mul3A_498 = arith.mulf %mul3A_497, %bitcast3A_493 : vector<16xf32>
        %add3A_499 = arith.addf %add3A_435, %mul3A_498 : vector<16xf32>
        %get3A_500 = arith.index_cast %add3A_468 : i32 to index
        %get3A_501 = arith.constant 32 : index
        %get3A_502 = tpu.vector_load %arg12[%get3A_500, %get3A_501] {strides = array<i32>} : memref<128x64xi32, #tpu.memory_space<vmem>>, vector<16xi32>,
        %bitcast3A_503 = vector.bitcast %get3A_502 : vector<16xi32> to vector<32xbf16>
        %unpack3A_504 = tpu.unpack_subelements %bitcast3A_503, 0 {pack_format = #tpu.pack_format<interleaved>} : vector<32xbf16> -> vector<16xf32>
        %unpack3A_505 = tpu.unpack_subelements %bitcast3A_503, 1 {pack_format = #tpu.pack_format<interleaved>} : vector<32xbf16> -> vector<16xf32>
        %mul3A_506 = vector.broadcast %squeeze3A_470 : f32 to vector<16xf32>
        %mul3A_507 = arith.mulf %mul3A_506, %unpack3A_504 : vector<16xf32>
        %add3A_508 = arith.addf %add3A_444, %mul3A_507 : vector<16xf32>
        %mul3A_509 = vector.broadcast %squeeze3A_470 : f32 to vector<16xf32>
        %mul3A_510 = arith.mulf %mul3A_509, %unpack3A_505 : vector<16xf32>
        %add3A_511 = arith.addf %add3A_447, %mul3A_510 : vector<16xf32>
        %get3A_512 = arith.index_cast %add3A_468 : i32 to index
        %get3A_513 = arith.constant 48 : index
        %get3A_514 = tpu.vector_load %arg12[%get3A_512, %get3A_513] {strides = array<i32>} : memref<128x64xi32, #tpu.memory_space<vmem>>, vector<16xi32>,
        %shift_left3A_515 = arith.constant 16 : i32
        %shift_left3A_516 = vector.broadcast %shift_left3A_515 : i32 to vector<16xi32>
        %shift_left3A_517 = arith.shli %get3A_514, %shift_left3A_516 : vector<16xi32>
        %bitcast3A_518 = vector.bitcast %shift_left3A_517 : vector<16xi32> to vector<16xf32>
        %and3A_519 = arith.constant -65536 : i32
        %and3A_520 = vector.broadcast %and3A_519 : i32 to vector<16xi32>
        %and3A_521 = arith.andi %get3A_514, %and3A_520 : vector<16xi32>
        %bitcast3A_522 = vector.bitcast %and3A_521 : vector<16xi32> to vector<16xf32>
        %mul3A_523 = vector.broadcast %squeeze3A_470 : f32 to vector<16xf32>
        %mul3A_524 = arith.mulf %mul3A_523, %bitcast3A_518 : vector<16xf32>
        %add3A_525 = arith.addf %add3A_461, %mul3A_524 : vector<16xf32>
        %mul3A_526 = vector.broadcast %squeeze3A_470 : f32 to vector<16xf32>
        %mul3A_527 = arith.mulf %mul3A_526, %bitcast3A_522 : vector<16xf32>
        %add3A_528 = arith.addf %add3A_464, %mul3A_527 : vector<16xf32>
        %mul3A_529 = arith.constant 32 : i32
        %mul3A_530 = arith.muli %scan3A_185, %mul3A_529 : i32
        %add3A_531 = arith.constant 5 : i32
        %add3A_532 = arith.addi %mul3A_530, %add3A_531 : i32
        %slice3A_533 = vector.extract_strided_slice %get3A_207 {offsets = [5], sizes = [1], strides = [1]} : vector<16xf32> to vector<1xf32>
        %squeeze3A_534 = vector.extract %slice3A_533[0] : f32 from vector<1xf32>
        %get3A_535 = arith.index_cast %add3A_532 : i32 to index
        %get3A_536 = arith.constant 0 : index
        %get3A_537 = tpu.vector_load %arg12[%get3A_535, %get3A_536] {strides = array<i32>} : memref<128x64xi32, #tpu.memory_space<vmem>>, vector<16xi32>,
        %bitcast3A_538 = vector.bitcast %get3A_537 : vector<16xi32> to vector<32xbf16>
        %unpack3A_539 = tpu.unpack_subelements %bitcast3A_538, 0 {pack_format = #tpu.pack_format<interleaved>} : vector<32xbf16> -> vector<16xf32>
        %unpack3A_540 = tpu.unpack_subelements %bitcast3A_538, 1 {pack_format = #tpu.pack_format<interleaved>} : vector<32xbf16> -> vector<16xf32>
        %mul3A_541 = vector.broadcast %squeeze3A_534 : f32 to vector<16xf32>
        %mul3A_542 = arith.mulf %mul3A_541, %unpack3A_539 : vector<16xf32>
        %add3A_543 = arith.addf %add3A_479, %mul3A_542 : vector<16xf32>
        %mul3A_544 = vector.broadcast %squeeze3A_534 : f32 to vector<16xf32>
        %mul3A_545 = arith.mulf %mul3A_544, %unpack3A_540 : vector<16xf32>
        %add3A_546 = arith.addf %add3A_482, %mul3A_545 : vector<16xf32>
        %get3A_547 = arith.index_cast %add3A_532 : i32 to index
        %get3A_548 = arith.constant 16 : index
        %get3A_549 = tpu.vector_load %arg12[%get3A_547, %get3A_548] {strides = array<i32>} : memref<128x64xi32, #tpu.memory_space<vmem>>, vector<16xi32>,
        %shift_left3A_550 = arith.constant 16 : i32
        %shift_left3A_551 = vector.broadcast %shift_left3A_550 : i32 to vector<16xi32>
        %shift_left3A_552 = arith.shli %get3A_549, %shift_left3A_551 : vector<16xi32>
        %bitcast3A_553 = vector.bitcast %shift_left3A_552 : vector<16xi32> to vector<16xf32>
        %and3A_554 = arith.constant -65536 : i32
        %and3A_555 = vector.broadcast %and3A_554 : i32 to vector<16xi32>
        %and3A_556 = arith.andi %get3A_549, %and3A_555 : vector<16xi32>
        %bitcast3A_557 = vector.bitcast %and3A_556 : vector<16xi32> to vector<16xf32>
        %mul3A_558 = vector.broadcast %squeeze3A_534 : f32 to vector<16xf32>
        %mul3A_559 = arith.mulf %mul3A_558, %bitcast3A_553 : vector<16xf32>
        %add3A_560 = arith.addf %add3A_496, %mul3A_559 : vector<16xf32>
        %mul3A_561 = vector.broadcast %squeeze3A_534 : f32 to vector<16xf32>
        %mul3A_562 = arith.mulf %mul3A_561, %bitcast3A_557 : vector<16xf32>
        %add3A_563 = arith.addf %add3A_499, %mul3A_562 : vector<16xf32>
        %get3A_564 = arith.index_cast %add3A_532 : i32 to index
        %get3A_565 = arith.constant 32 : index
        %get3A_566 = tpu.vector_load %arg12[%get3A_564, %get3A_565] {strides = array<i32>} : memref<128x64xi32, #tpu.memory_space<vmem>>, vector<16xi32>,
        %bitcast3A_567 = vector.bitcast %get3A_566 : vector<16xi32> to vector<32xbf16>
        %unpack3A_568 = tpu.unpack_subelements %bitcast3A_567, 0 {pack_format = #tpu.pack_format<interleaved>} : vector<32xbf16> -> vector<16xf32>
        %unpack3A_569 = tpu.unpack_subelements %bitcast3A_567, 1 {pack_format = #tpu.pack_format<interleaved>} : vector<32xbf16> -> vector<16xf32>
        %mul3A_570 = vector.broadcast %squeeze3A_534 : f32 to vector<16xf32>
        %mul3A_571 = arith.mulf %mul3A_570, %unpack3A_568 : vector<16xf32>
        %add3A_572 = arith.addf %add3A_508, %mul3A_571 : vector<16xf32>
        %mul3A_573 = vector.broadcast %squeeze3A_534 : f32 to vector<16xf32>
        %mul3A_574 = arith.mulf %mul3A_573, %unpack3A_569 : vector<16xf32>
        %add3A_575 = arith.addf %add3A_511, %mul3A_574 : vector<16xf32>
        %get3A_576 = arith.index_cast %add3A_532 : i32 to index
        %get3A_577 = arith.constant 48 : index
        %get3A_578 = tpu.vector_load %arg12[%get3A_576, %get3A_577] {strides = array<i32>} : memref<128x64xi32, #tpu.memory_space<vmem>>, vector<16xi32>,
        %shift_left3A_579 = arith.constant 16 : i32
        %shift_left3A_580 = vector.broadcast %shift_left3A_579 : i32 to vector<16xi32>
        %shift_left3A_581 = arith.shli %get3A_578, %shift_left3A_580 : vector<16xi32>
        %bitcast3A_582 = vector.bitcast %shift_left3A_581 : vector<16xi32> to vector<16xf32>
        %and3A_583 = arith.constant -65536 : i32
        %and3A_584 = vector.broadcast %and3A_583 : i32 to vector<16xi32>
        %and3A_585 = arith.andi %get3A_578, %and3A_584 : vector<16xi32>
        %bitcast3A_586 = vector.bitcast %and3A_585 : vector<16xi32> to vector<16xf32>
        %mul3A_587 = vector.broadcast %squeeze3A_534 : f32 to vector<16xf32>
        %mul3A_588 = arith.mulf %mul3A_587, %bitcast3A_582 : vector<16xf32>
        %add3A_589 = arith.addf %add3A_525, %mul3A_588 : vector<16xf32>
        %mul3A_590 = vector.broadcast %squeeze3A_534 : f32 to vector<16xf32>
        %mul3A_591 = arith.mulf %mul3A_590, %bitcast3A_586 : vector<16xf32>
        %add3A_592 = arith.addf %add3A_528, %mul3A_591 : vector<16xf32>
        %mul3A_593 = arith.constant 32 : i32
        %mul3A_594 = arith.muli %scan3A_185, %mul3A_593 : i32
        %add3A_595 = arith.constant 6 : i32
        %add3A_596 = arith.addi %mul3A_594, %add3A_595 : i32
        %slice3A_597 = vector.extract_strided_slice %get3A_207 {offsets = [6], sizes = [1], strides = [1]} : vector<16xf32> to vector<1xf32>
        %squeeze3A_598 = vector.extract %slice3A_597[0] : f32 from vector<1xf32>
        %get3A_599 = arith.index_cast %add3A_596 : i32 to index
        %get3A_600 = arith.constant 0 : index
        %get3A_601 = tpu.vector_load %arg12[%get3A_599, %get3A_600] {strides = array<i32>} : memref<128x64xi32, #tpu.memory_space<vmem>>, vector<16xi32>,
        %bitcast3A_602 = vector.bitcast %get3A_601 : vector<16xi32> to vector<32xbf16>
        %unpack3A_603 = tpu.unpack_subelements %bitcast3A_602, 0 {pack_format = #tpu.pack_format<interleaved>} : vector<32xbf16> -> vector<16xf32>
        %unpack3A_604 = tpu.unpack_subelements %bitcast3A_602, 1 {pack_format = #tpu.pack_format<interleaved>} : vector<32xbf16> -> vector<16xf32>
        %mul3A_605 = vector.broadcast %squeeze3A_598 : f32 to vector<16xf32>
        %mul3A_606 = arith.mulf %mul3A_605, %unpack3A_603 : vector<16xf32>
        %add3A_607 = arith.addf %add3A_543, %mul3A_606 : vector<16xf32>
        %mul3A_608 = vector.broadcast %squeeze3A_598 : f32 to vector<16xf32>
        %mul3A_609 = arith.mulf %mul3A_608, %unpack3A_604 : vector<16xf32>
        %add3A_610 = arith.addf %add3A_546, %mul3A_609 : vector<16xf32>
        %get3A_611 = arith.index_cast %add3A_596 : i32 to index
        %get3A_612 = arith.constant 16 : index
        %get3A_613 = tpu.vector_load %arg12[%get3A_611, %get3A_612] {strides = array<i32>} : memref<128x64xi32, #tpu.memory_space<vmem>>, vector<16xi32>,
        %shift_left3A_614 = arith.constant 16 : i32
        %shift_left3A_615 = vector.broadcast %shift_left3A_614 : i32 to vector<16xi32>
        %shift_left3A_616 = arith.shli %get3A_613, %shift_left3A_615 : vector<16xi32>
        %bitcast3A_617 = vector.bitcast %shift_left3A_616 : vector<16xi32> to vector<16xf32>
        %and3A_618 = arith.constant -65536 : i32
        %and3A_619 = vector.broadcast %and3A_618 : i32 to vector<16xi32>
        %and3A_620 = arith.andi %get3A_613, %and3A_619 : vector<16xi32>
        %bitcast3A_621 = vector.bitcast %and3A_620 : vector<16xi32> to vector<16xf32>
        %mul3A_622 = vector.broadcast %squeeze3A_598 : f32 to vector<16xf32>
        %mul3A_623 = arith.mulf %mul3A_622, %bitcast3A_617 : vector<16xf32>
        %add3A_624 = arith.addf %add3A_560, %mul3A_623 : vector<16xf32>
        %mul3A_625 = vector.broadcast %squeeze3A_598 : f32 to vector<16xf32>
        %mul3A_626 = arith.mulf %mul3A_625, %bitcast3A_621 : vector<16xf32>
        %add3A_627 = arith.addf %add3A_563, %mul3A_626 : vector<16xf32>
        %get3A_628 = arith.index_cast %add3A_596 : i32 to index
        %get3A_629 = arith.constant 32 : index
        %get3A_630 = tpu.vector_load %arg12[%get3A_628, %get3A_629] {strides = array<i32>} : memref<128x64xi32, #tpu.memory_space<vmem>>, vector<16xi32>,
        %bitcast3A_631 = vector.bitcast %get3A_630 : vector<16xi32> to vector<32xbf16>
        %unpack3A_632 = tpu.unpack_subelements %bitcast3A_631, 0 {pack_format = #tpu.pack_format<interleaved>} : vector<32xbf16> -> vector<16xf32>
        %unpack3A_633 = tpu.unpack_subelements %bitcast3A_631, 1 {pack_format = #tpu.pack_format<interleaved>} : vector<32xbf16> -> vector<16xf32>
        %mul3A_634 = vector.broadcast %squeeze3A_598 : f32 to vector<16xf32>
        %mul3A_635 = arith.mulf %mul3A_634, %unpack3A_632 : vector<16xf32>
        %add3A_636 = arith.addf %add3A_572, %mul3A_635 : vector<16xf32>
        %mul3A_637 = vector.broadcast %squeeze3A_598 : f32 to vector<16xf32>
        %mul3A_638 = arith.mulf %mul3A_637, %unpack3A_633 : vector<16xf32>
        %add3A_639 = arith.addf %add3A_575, %mul3A_638 : vector<16xf32>
        %get3A_640 = arith.index_cast %add3A_596 : i32 to index
        %get3A_641 = arith.constant 48 : index
        %get3A_642 = tpu.vector_load %arg12[%get3A_640, %get3A_641] {strides = array<i32>} : memref<128x64xi32, #tpu.memory_space<vmem>>, vector<16xi32>,
        %shift_left3A_643 = arith.constant 16 : i32
        %shift_left3A_644 = vector.broadcast %shift_left3A_643 : i32 to vector<16xi32>
        %shift_left3A_645 = arith.shli %get3A_642, %shift_left3A_644 : vector<16xi32>
        %bitcast3A_646 = vector.bitcast %shift_left3A_645 : vector<16xi32> to vector<16xf32>
        %and3A_647 = arith.constant -65536 : i32
        %and3A_648 = vector.broadcast %and3A_647 : i32 to vector<16xi32>
        %and3A_649 = arith.andi %get3A_642, %and3A_648 : vector<16xi32>
        %bitcast3A_650 = vector.bitcast %and3A_649 : vector<16xi32> to vector<16xf32>
        %mul3A_651 = vector.broadcast %squeeze3A_598 : f32 to vector<16xf32>
        %mul3A_652 = arith.mulf %mul3A_651, %bitcast3A_646 : vector<16xf32>
        %add3A_653 = arith.addf %add3A_589, %mul3A_652 : vector<16xf32>
        %mul3A_654 = vector.broadcast %squeeze3A_598 : f32 to vector<16xf32>
        %mul3A_655 = arith.mulf %mul3A_654, %bitcast3A_650 : vector<16xf32>
        %add3A_656 = arith.addf %add3A_592, %mul3A_655 : vector<16xf32>
        %mul3A_657 = arith.constant 32 : i32
        %mul3A_658 = arith.muli %scan3A_185, %mul3A_657 : i32
        %add3A_659 = arith.constant 7 : i32
        %add3A_660 = arith.addi %mul3A_658, %add3A_659 : i32
        %slice3A_661 = vector.extract_strided_slice %get3A_207 {offsets = [7], sizes = [1], strides = [1]} : vector<16xf32> to vector<1xf32>
        %squeeze3A_662 = vector.extract %slice3A_661[0] : f32 from vector<1xf32>
        %get3A_663 = arith.index_cast %add3A_660 : i32 to index
        %get3A_664 = arith.constant 0 : index
        %get3A_665 = tpu.vector_load %arg12[%get3A_663, %get3A_664] {strides = array<i32>} : memref<128x64xi32, #tpu.memory_space<vmem>>, vector<16xi32>,
        %bitcast3A_666 = vector.bitcast %get3A_665 : vector<16xi32> to vector<32xbf16>
        %unpack3A_667 = tpu.unpack_subelements %bitcast3A_666, 0 {pack_format = #tpu.pack_format<interleaved>} : vector<32xbf16> -> vector<16xf32>
        %unpack3A_668 = tpu.unpack_subelements %bitcast3A_666, 1 {pack_format = #tpu.pack_format<interleaved>} : vector<32xbf16> -> vector<16xf32>
        %mul3A_669 = vector.broadcast %squeeze3A_662 : f32 to vector<16xf32>
        %mul3A_670 = arith.mulf %mul3A_669, %unpack3A_667 : vector<16xf32>
        %add3A_671 = arith.addf %add3A_607, %mul3A_670 : vector<16xf32>
        %mul3A_672 = vector.broadcast %squeeze3A_662 : f32 to vector<16xf32>
        %mul3A_673 = arith.mulf %mul3A_672, %unpack3A_668 : vector<16xf32>
        %add3A_674 = arith.addf %add3A_610, %mul3A_673 : vector<16xf32>
        %get3A_675 = arith.index_cast %add3A_660 : i32 to index
        %get3A_676 = arith.constant 16 : index
        %get3A_677 = tpu.vector_load %arg12[%get3A_675, %get3A_676] {strides = array<i32>} : memref<128x64xi32, #tpu.memory_space<vmem>>, vector<16xi32>,
        %shift_left3A_678 = arith.constant 16 : i32
        %shift_left3A_679 = vector.broadcast %shift_left3A_678 : i32 to vector<16xi32>
        %shift_left3A_680 = arith.shli %get3A_677, %shift_left3A_679 : vector<16xi32>
        %bitcast3A_681 = vector.bitcast %shift_left3A_680 : vector<16xi32> to vector<16xf32>
        %and3A_682 = arith.constant -65536 : i32
        %and3A_683 = vector.broadcast %and3A_682 : i32 to vector<16xi32>
        %and3A_684 = arith.andi %get3A_677, %and3A_683 : vector<16xi32>
        %bitcast3A_685 = vector.bitcast %and3A_684 : vector<16xi32> to vector<16xf32>
        %mul3A_686 = vector.broadcast %squeeze3A_662 : f32 to vector<16xf32>
        %mul3A_687 = arith.mulf %mul3A_686, %bitcast3A_681 : vector<16xf32>
        %add3A_688 = arith.addf %add3A_624, %mul3A_687 : vector<16xf32>
        %mul3A_689 = vector.broadcast %squeeze3A_662 : f32 to vector<16xf32>
        %mul3A_690 = arith.mulf %mul3A_689, %bitcast3A_685 : vector<16xf32>
        %add3A_691 = arith.addf %add3A_627, %mul3A_690 : vector<16xf32>
        %get3A_692 = arith.index_cast %add3A_660 : i32 to index
        %get3A_693 = arith.constant 32 : index
        %get3A_694 = tpu.vector_load %arg12[%get3A_692, %get3A_693] {strides = array<i32>} : memref<128x64xi32, #tpu.memory_space<vmem>>, vector<16xi32>,
        %bitcast3A_695 = vector.bitcast %get3A_694 : vector<16xi32> to vector<32xbf16>
        %unpack3A_696 = tpu.unpack_subelements %bitcast3A_695, 0 {pack_format = #tpu.pack_format<interleaved>} : vector<32xbf16> -> vector<16xf32>
        %unpack3A_697 = tpu.unpack_subelements %bitcast3A_695, 1 {pack_format = #tpu.pack_format<interleaved>} : vector<32xbf16> -> vector<16xf32>
        %mul3A_698 = vector.broadcast %squeeze3A_662 : f32 to vector<16xf32>
        %mul3A_699 = arith.mulf %mul3A_698, %unpack3A_696 : vector<16xf32>
        %add3A_700 = arith.addf %add3A_636, %mul3A_699 : vector<16xf32>
        %mul3A_701 = vector.broadcast %squeeze3A_662 : f32 to vector<16xf32>
        %mul3A_702 = arith.mulf %mul3A_701, %unpack3A_697 : vector<16xf32>
        %add3A_703 = arith.addf %add3A_639, %mul3A_702 : vector<16xf32>
        %get3A_704 = arith.index_cast %add3A_660 : i32 to index
        %get3A_705 = arith.constant 48 : index
        %get3A_706 = tpu.vector_load %arg12[%get3A_704, %get3A_705] {strides = array<i32>} : memref<128x64xi32, #tpu.memory_space<vmem>>, vector<16xi32>,
        %shift_left3A_707 = arith.constant 16 : i32
        %shift_left3A_708 = vector.broadcast %shift_left3A_707 : i32 to vector<16xi32>
        %shift_left3A_709 = arith.shli %get3A_706, %shift_left3A_708 : vector<16xi32>
        %bitcast3A_710 = vector.bitcast %shift_left3A_709 : vector<16xi32> to vector<16xf32>
        %and3A_711 = arith.constant -65536 : i32
        %and3A_712 = vector.broadcast %and3A_711 : i32 to vector<16xi32>
        %and3A_713 = arith.andi %get3A_706, %and3A_712 : vector<16xi32>
        %bitcast3A_714 = vector.bitcast %and3A_713 : vector<16xi32> to vector<16xf32>
        %mul3A_715 = vector.broadcast %squeeze3A_662 : f32 to vector<16xf32>
        %mul3A_716 = arith.mulf %mul3A_715, %bitcast3A_710 : vector<16xf32>
        %add3A_717 = arith.addf %add3A_653, %mul3A_716 : vector<16xf32>
        %mul3A_718 = vector.broadcast %squeeze3A_662 : f32 to vector<16xf32>
        %mul3A_719 = arith.mulf %mul3A_718, %bitcast3A_714 : vector<16xf32>
        %add3A_720 = arith.addf %add3A_656, %mul3A_719 : vector<16xf32>
        %mul3A_721 = arith.constant 32 : i32
        %mul3A_722 = arith.muli %scan3A_185, %mul3A_721 : i32
        %add3A_723 = arith.constant 8 : i32
        %add3A_724 = arith.addi %mul3A_722, %add3A_723 : i32
        %slice3A_725 = vector.extract_strided_slice %get3A_207 {offsets = [8], sizes = [1], strides = [1]} : vector<16xf32> to vector<1xf32>
        %squeeze3A_726 = vector.extract %slice3A_725[0] : f32 from vector<1xf32>
        %get3A_727 = arith.index_cast %add3A_724 : i32 to index
        %get3A_728 = arith.constant 0 : index
        %get3A_729 = tpu.vector_load %arg12[%get3A_727, %get3A_728] {strides = array<i32>} : memref<128x64xi32, #tpu.memory_space<vmem>>, vector<16xi32>,
        %bitcast3A_730 = vector.bitcast %get3A_729 : vector<16xi32> to vector<32xbf16>
        %unpack3A_731 = tpu.unpack_subelements %bitcast3A_730, 0 {pack_format = #tpu.pack_format<interleaved>} : vector<32xbf16> -> vector<16xf32>
        %unpack3A_732 = tpu.unpack_subelements %bitcast3A_730, 1 {pack_format = #tpu.pack_format<interleaved>} : vector<32xbf16> -> vector<16xf32>
        %mul3A_733 = vector.broadcast %squeeze3A_726 : f32 to vector<16xf32>
        %mul3A_734 = arith.mulf %mul3A_733, %unpack3A_731 : vector<16xf32>
        %add3A_735 = arith.addf %add3A_671, %mul3A_734 : vector<16xf32>
        %mul3A_736 = vector.broadcast %squeeze3A_726 : f32 to vector<16xf32>
        %mul3A_737 = arith.mulf %mul3A_736, %unpack3A_732 : vector<16xf32>
        %add3A_738 = arith.addf %add3A_674, %mul3A_737 : vector<16xf32>
        %get3A_739 = arith.index_cast %add3A_724 : i32 to index
        %get3A_740 = arith.constant 16 : index
        %get3A_741 = tpu.vector_load %arg12[%get3A_739, %get3A_740] {strides = array<i32>} : memref<128x64xi32, #tpu.memory_space<vmem>>, vector<16xi32>,
        %shift_left3A_742 = arith.constant 16 : i32
        %shift_left3A_743 = vector.broadcast %shift_left3A_742 : i32 to vector<16xi32>
        %shift_left3A_744 = arith.shli %get3A_741, %shift_left3A_743 : vector<16xi32>
        %bitcast3A_745 = vector.bitcast %shift_left3A_744 : vector<16xi32> to vector<16xf32>
        %and3A_746 = arith.constant -65536 : i32
        %and3A_747 = vector.broadcast %and3A_746 : i32 to vector<16xi32>
        %and3A_748 = arith.andi %get3A_741, %and3A_747 : vector<16xi32>
        %bitcast3A_749 = vector.bitcast %and3A_748 : vector<16xi32> to vector<16xf32>
        %mul3A_750 = vector.broadcast %squeeze3A_726 : f32 to vector<16xf32>
        %mul3A_751 = arith.mulf %mul3A_750, %bitcast3A_745 : vector<16xf32>
        %add3A_752 = arith.addf %add3A_688, %mul3A_751 : vector<16xf32>
        %mul3A_753 = vector.broadcast %squeeze3A_726 : f32 to vector<16xf32>
        %mul3A_754 = arith.mulf %mul3A_753, %bitcast3A_749 : vector<16xf32>
        %add3A_755 = arith.addf %add3A_691, %mul3A_754 : vector<16xf32>
        %get3A_756 = arith.index_cast %add3A_724 : i32 to index
        %get3A_757 = arith.constant 32 : index
        %get3A_758 = tpu.vector_load %arg12[%get3A_756, %get3A_757] {strides = array<i32>} : memref<128x64xi32, #tpu.memory_space<vmem>>, vector<16xi32>,
        %bitcast3A_759 = vector.bitcast %get3A_758 : vector<16xi32> to vector<32xbf16>
        %unpack3A_760 = tpu.unpack_subelements %bitcast3A_759, 0 {pack_format = #tpu.pack_format<interleaved>} : vector<32xbf16> -> vector<16xf32>
        %unpack3A_761 = tpu.unpack_subelements %bitcast3A_759, 1 {pack_format = #tpu.pack_format<interleaved>} : vector<32xbf16> -> vector<16xf32>
        %mul3A_762 = vector.broadcast %squeeze3A_726 : f32 to vector<16xf32>
        %mul3A_763 = arith.mulf %mul3A_762, %unpack3A_760 : vector<16xf32>
        %add3A_764 = arith.addf %add3A_700, %mul3A_763 : vector<16xf32>
        %mul3A_765 = vector.broadcast %squeeze3A_726 : f32 to vector<16xf32>
        %mul3A_766 = arith.mulf %mul3A_765, %unpack3A_761 : vector<16xf32>
        %add3A_767 = arith.addf %add3A_703, %mul3A_766 : vector<16xf32>
        %get3A_768 = arith.index_cast %add3A_724 : i32 to index
        %get3A_769 = arith.constant 48 : index
        %get3A_770 = tpu.vector_load %arg12[%get3A_768, %get3A_769] {strides = array<i32>} : memref<128x64xi32, #tpu.memory_space<vmem>>, vector<16xi32>,
        %shift_left3A_771 = arith.constant 16 : i32
        %shift_left3A_772 = vector.broadcast %shift_left3A_771 : i32 to vector<16xi32>
        %shift_left3A_773 = arith.shli %get3A_770, %shift_left3A_772 : vector<16xi32>
        %bitcast3A_774 = vector.bitcast %shift_left3A_773 : vector<16xi32> to vector<16xf32>
        %and3A_775 = arith.constant -65536 : i32
        %and3A_776 = vector.broadcast %and3A_775 : i32 to vector<16xi32>
        %and3A_777 = arith.andi %get3A_770, %and3A_776 : vector<16xi32>
        %bitcast3A_778 = vector.bitcast %and3A_777 : vector<16xi32> to vector<16xf32>
        %mul3A_779 = vector.broadcast %squeeze3A_726 : f32 to vector<16xf32>
        %mul3A_780 = arith.mulf %mul3A_779, %bitcast3A_774 : vector<16xf32>
        %add3A_781 = arith.addf %add3A_717, %mul3A_780 : vector<16xf32>
        %mul3A_782 = vector.broadcast %squeeze3A_726 : f32 to vector<16xf32>
        %mul3A_783 = arith.mulf %mul3A_782, %bitcast3A_778 : vector<16xf32>
        %add3A_784 = arith.addf %add3A_720, %mul3A_783 : vector<16xf32>
        %mul3A_785 = arith.constant 32 : i32
        %mul3A_786 = arith.muli %scan3A_185, %mul3A_785 : i32
        %add3A_787 = arith.constant 9 : i32
        %add3A_788 = arith.addi %mul3A_786, %add3A_787 : i32
        %slice3A_789 = vector.extract_strided_slice %get3A_207 {offsets = [9], sizes = [1], strides = [1]} : vector<16xf32> to vector<1xf32>
        %squeeze3A_790 = vector.extract %slice3A_789[0] : f32 from vector<1xf32>
        %get3A_791 = arith.index_cast %add3A_788 : i32 to index
        %get3A_792 = arith.constant 0 : index
        %get3A_793 = tpu.vector_load %arg12[%get3A_791, %get3A_792] {strides = array<i32>} : memref<128x64xi32, #tpu.memory_space<vmem>>, vector<16xi32>,
        %bitcast3A_794 = vector.bitcast %get3A_793 : vector<16xi32> to vector<32xbf16>
        %unpack3A_795 = tpu.unpack_subelements %bitcast3A_794, 0 {pack_format = #tpu.pack_format<interleaved>} : vector<32xbf16> -> vector<16xf32>
        %unpack3A_796 = tpu.unpack_subelements %bitcast3A_794, 1 {pack_format = #tpu.pack_format<interleaved>} : vector<32xbf16> -> vector<16xf32>
        %mul3A_797 = vector.broadcast %squeeze3A_790 : f32 to vector<16xf32>
        %mul3A_798 = arith.mulf %mul3A_797, %unpack3A_795 : vector<16xf32>
        %add3A_799 = arith.addf %add3A_735, %mul3A_798 : vector<16xf32>
        %mul3A_800 = vector.broadcast %squeeze3A_790 : f32 to vector<16xf32>
        %mul3A_801 = arith.mulf %mul3A_800, %unpack3A_796 : vector<16xf32>
        %add3A_802 = arith.addf %add3A_738, %mul3A_801 : vector<16xf32>
        %get3A_803 = arith.index_cast %add3A_788 : i32 to index
        %get3A_804 = arith.constant 16 : index
        %get3A_805 = tpu.vector_load %arg12[%get3A_803, %get3A_804] {strides = array<i32>} : memref<128x64xi32, #tpu.memory_space<vmem>>, vector<16xi32>,
        %shift_left3A_806 = arith.constant 16 : i32
        %shift_left3A_807 = vector.broadcast %shift_left3A_806 : i32 to vector<16xi32>
        %shift_left3A_808 = arith.shli %get3A_805, %shift_left3A_807 : vector<16xi32>
        %bitcast3A_809 = vector.bitcast %shift_left3A_808 : vector<16xi32> to vector<16xf32>
        %and3A_810 = arith.constant -65536 : i32
        %and3A_811 = vector.broadcast %and3A_810 : i32 to vector<16xi32>
        %and3A_812 = arith.andi %get3A_805, %and3A_811 : vector<16xi32>
        %bitcast3A_813 = vector.bitcast %and3A_812 : vector<16xi32> to vector<16xf32>
        %mul3A_814 = vector.broadcast %squeeze3A_790 : f32 to vector<16xf32>
        %mul3A_815 = arith.mulf %mul3A_814, %bitcast3A_809 : vector<16xf32>
        %add3A_816 = arith.addf %add3A_752, %mul3A_815 : vector<16xf32>
        %mul3A_817 = vector.broadcast %squeeze3A_790 : f32 to vector<16xf32>
        %mul3A_818 = arith.mulf %mul3A_817, %bitcast3A_813 : vector<16xf32>
        %add3A_819 = arith.addf %add3A_755, %mul3A_818 : vector<16xf32>
        %get3A_820 = arith.index_cast %add3A_788 : i32 to index
        %get3A_821 = arith.constant 32 : index
        %get3A_822 = tpu.vector_load %arg12[%get3A_820, %get3A_821] {strides = array<i32>} : memref<128x64xi32, #tpu.memory_space<vmem>>, vector<16xi32>,
        %bitcast3A_823 = vector.bitcast %get3A_822 : vector<16xi32> to vector<32xbf16>
        %unpack3A_824 = tpu.unpack_subelements %bitcast3A_823, 0 {pack_format = #tpu.pack_format<interleaved>} : vector<32xbf16> -> vector<16xf32>
        %unpack3A_825 = tpu.unpack_subelements %bitcast3A_823, 1 {pack_format = #tpu.pack_format<interleaved>} : vector<32xbf16> -> vector<16xf32>
        %mul3A_826 = vector.broadcast %squeeze3A_790 : f32 to vector<16xf32>
        %mul3A_827 = arith.mulf %mul3A_826, %unpack3A_824 : vector<16xf32>
        %add3A_828 = arith.addf %add3A_764, %mul3A_827 : vector<16xf32>
        %mul3A_829 = vector.broadcast %squeeze3A_790 : f32 to vector<16xf32>
        %mul3A_830 = arith.mulf %mul3A_829, %unpack3A_825 : vector<16xf32>
        %add3A_831 = arith.addf %add3A_767, %mul3A_830 : vector<16xf32>
        %get3A_832 = arith.index_cast %add3A_788 : i32 to index
        %get3A_833 = arith.constant 48 : index
        %get3A_834 = tpu.vector_load %arg12[%get3A_832, %get3A_833] {strides = array<i32>} : memref<128x64xi32, #tpu.memory_space<vmem>>, vector<16xi32>,
        %shift_left3A_835 = arith.constant 16 : i32
        %shift_left3A_836 = vector.broadcast %shift_left3A_835 : i32 to vector<16xi32>
        %shift_left3A_837 = arith.shli %get3A_834, %shift_left3A_836 : vector<16xi32>
        %bitcast3A_838 = vector.bitcast %shift_left3A_837 : vector<16xi32> to vector<16xf32>
        %and3A_839 = arith.constant -65536 : i32
        %and3A_840 = vector.broadcast %and3A_839 : i32 to vector<16xi32>
        %and3A_841 = arith.andi %get3A_834, %and3A_840 : vector<16xi32>
        %bitcast3A_842 = vector.bitcast %and3A_841 : vector<16xi32> to vector<16xf32>
        %mul3A_843 = vector.broadcast %squeeze3A_790 : f32 to vector<16xf32>
        %mul3A_844 = arith.mulf %mul3A_843, %bitcast3A_838 : vector<16xf32>
        %add3A_845 = arith.addf %add3A_781, %mul3A_844 : vector<16xf32>
        %mul3A_846 = vector.broadcast %squeeze3A_790 : f32 to vector<16xf32>
        %mul3A_847 = arith.mulf %mul3A_846, %bitcast3A_842 : vector<16xf32>
        %add3A_848 = arith.addf %add3A_784, %mul3A_847 : vector<16xf32>
        %mul3A_849 = arith.constant 32 : i32
        %mul3A_850 = arith.muli %scan3A_185, %mul3A_849 : i32
        %add3A_851 = arith.constant 10 : i32
        %add3A_852 = arith.addi %mul3A_850, %add3A_851 : i32
        %slice3A_853 = vector.extract_strided_slice %get3A_207 {offsets = [10], sizes = [1], strides = [1]} : vector<16xf32> to vector<1xf32>
        %squeeze3A_854 = vector.extract %slice3A_853[0] : f32 from vector<1xf32>
        %get3A_855 = arith.index_cast %add3A_852 : i32 to index
        %get3A_856 = arith.constant 0 : index
        %get3A_857 = tpu.vector_load %arg12[%get3A_855, %get3A_856] {strides = array<i32>} : memref<128x64xi32, #tpu.memory_space<vmem>>, vector<16xi32>,
        %bitcast3A_858 = vector.bitcast %get3A_857 : vector<16xi32> to vector<32xbf16>
        %unpack3A_859 = tpu.unpack_subelements %bitcast3A_858, 0 {pack_format = #tpu.pack_format<interleaved>} : vector<32xbf16> -> vector<16xf32>
        %unpack3A_860 = tpu.unpack_subelements %bitcast3A_858, 1 {pack_format = #tpu.pack_format<interleaved>} : vector<32xbf16> -> vector<16xf32>
        %mul3A_861 = vector.broadcast %squeeze3A_854 : f32 to vector<16xf32>
        %mul3A_862 = arith.mulf %mul3A_861, %unpack3A_859 : vector<16xf32>
        %add3A_863 = arith.addf %add3A_799, %mul3A_862 : vector<16xf32>
        %mul3A_864 = vector.broadcast %squeeze3A_854 : f32 to vector<16xf32>
        %mul3A_865 = arith.mulf %mul3A_864, %unpack3A_860 : vector<16xf32>
        %add3A_866 = arith.addf %add3A_802, %mul3A_865 : vector<16xf32>
        %get3A_867 = arith.index_cast %add3A_852 : i32 to index
        %get3A_868 = arith.constant 16 : index
        %get3A_869 = tpu.vector_load %arg12[%get3A_867, %get3A_868] {strides = array<i32>} : memref<128x64xi32, #tpu.memory_space<vmem>>, vector<16xi32>,
        %shift_left3A_870 = arith.constant 16 : i32
        %shift_left3A_871 = vector.broadcast %shift_left3A_870 : i32 to vector<16xi32>
        %shift_left3A_872 = arith.shli %get3A_869, %shift_left3A_871 : vector<16xi32>
        %bitcast3A_873 = vector.bitcast %shift_left3A_872 : vector<16xi32> to vector<16xf32>
        %and3A_874 = arith.constant -65536 : i32
        %and3A_875 = vector.broadcast %and3A_874 : i32 to vector<16xi32>
        %and3A_876 = arith.andi %get3A_869, %and3A_875 : vector<16xi32>
        %bitcast3A_877 = vector.bitcast %and3A_876 : vector<16xi32> to vector<16xf32>
        %mul3A_878 = vector.broadcast %squeeze3A_854 : f32 to vector<16xf32>
        %mul3A_879 = arith.mulf %mul3A_878, %bitcast3A_873 : vector<16xf32>
        %add3A_880 = arith.addf %add3A_816, %mul3A_879 : vector<16xf32>
        %mul3A_881 = vector.broadcast %squeeze3A_854 : f32 to vector<16xf32>
        %mul3A_882 = arith.mulf %mul3A_881, %bitcast3A_877 : vector<16xf32>
        %add3A_883 = arith.addf %add3A_819, %mul3A_882 : vector<16xf32>
        %get3A_884 = arith.index_cast %add3A_852 : i32 to index
        %get3A_885 = arith.constant 32 : index
        %get3A_886 = tpu.vector_load %arg12[%get3A_884, %get3A_885] {strides = array<i32>} : memref<128x64xi32, #tpu.memory_space<vmem>>, vector<16xi32>,
        %bitcast3A_887 = vector.bitcast %get3A_886 : vector<16xi32> to vector<32xbf16>
        %unpack3A_888 = tpu.unpack_subelements %bitcast3A_887, 0 {pack_format = #tpu.pack_format<interleaved>} : vector<32xbf16> -> vector<16xf32>
        %unpack3A_889 = tpu.unpack_subelements %bitcast3A_887, 1 {pack_format = #tpu.pack_format<interleaved>} : vector<32xbf16> -> vector<16xf32>
        %mul3A_890 = vector.broadcast %squeeze3A_854 : f32 to vector<16xf32>
        %mul3A_891 = arith.mulf %mul3A_890, %unpack3A_888 : vector<16xf32>
        %add3A_892 = arith.addf %add3A_828, %mul3A_891 : vector<16xf32>
        %mul3A_893 = vector.broadcast %squeeze3A_854 : f32 to vector<16xf32>
        %mul3A_894 = arith.mulf %mul3A_893, %unpack3A_889 : vector<16xf32>
        %add3A_895 = arith.addf %add3A_831, %mul3A_894 : vector<16xf32>
        %get3A_896 = arith.index_cast %add3A_852 : i32 to index
        %get3A_897 = arith.constant 48 : index
        %get3A_898 = tpu.vector_load %arg12[%get3A_896, %get3A_897] {strides = array<i32>} : memref<128x64xi32, #tpu.memory_space<vmem>>, vector<16xi32>,
        %shift_left3A_899 = arith.constant 16 : i32
        %shift_left3A_900 = vector.broadcast %shift_left3A_899 : i32 to vector<16xi32>
        %shift_left3A_901 = arith.shli %get3A_898, %shift_left3A_900 : vector<16xi32>
        %bitcast3A_902 = vector.bitcast %shift_left3A_901 : vector<16xi32> to vector<16xf32>
        %and3A_903 = arith.constant -65536 : i32
        %and3A_904 = vector.broadcast %and3A_903 : i32 to vector<16xi32>
        %and3A_905 = arith.andi %get3A_898, %and3A_904 : vector<16xi32>
        %bitcast3A_906 = vector.bitcast %and3A_905 : vector<16xi32> to vector<16xf32>
        %mul3A_907 = vector.broadcast %squeeze3A_854 : f32 to vector<16xf32>
        %mul3A_908 = arith.mulf %mul3A_907, %bitcast3A_902 : vector<16xf32>
        %add3A_909 = arith.addf %add3A_845, %mul3A_908 : vector<16xf32>
        %mul3A_910 = vector.broadcast %squeeze3A_854 : f32 to vector<16xf32>
        %mul3A_911 = arith.mulf %mul3A_910, %bitcast3A_906 : vector<16xf32>
        %add3A_912 = arith.addf %add3A_848, %mul3A_911 : vector<16xf32>
        %mul3A_913 = arith.constant 32 : i32
        %mul3A_914 = arith.muli %scan3A_185, %mul3A_913 : i32
        %add3A_915 = arith.constant 11 : i32
        %add3A_916 = arith.addi %mul3A_914, %add3A_915 : i32
        %slice3A_917 = vector.extract_strided_slice %get3A_207 {offsets = [11], sizes = [1], strides = [1]} : vector<16xf32> to vector<1xf32>
        %squeeze3A_918 = vector.extract %slice3A_917[0] : f32 from vector<1xf32>
        %get3A_919 = arith.index_cast %add3A_916 : i32 to index
        %get3A_920 = arith.constant 0 : index
        %get3A_921 = tpu.vector_load %arg12[%get3A_919, %get3A_920] {strides = array<i32>} : memref<128x64xi32, #tpu.memory_space<vmem>>, vector<16xi32>,
        %bitcast3A_922 = vector.bitcast %get3A_921 : vector<16xi32> to vector<32xbf16>
        %unpack3A_923 = tpu.unpack_subelements %bitcast3A_922, 0 {pack_format = #tpu.pack_format<interleaved>} : vector<32xbf16> -> vector<16xf32>
        %unpack3A_924 = tpu.unpack_subelements %bitcast3A_922, 1 {pack_format = #tpu.pack_format<interleaved>} : vector<32xbf16> -> vector<16xf32>
        %mul3A_925 = vector.broadcast %squeeze3A_918 : f32 to vector<16xf32>
        %mul3A_926 = arith.mulf %mul3A_925, %unpack3A_923 : vector<16xf32>
        %add3A_927 = arith.addf %add3A_863, %mul3A_926 : vector<16xf32>
        %mul3A_928 = vector.broadcast %squeeze3A_918 : f32 to vector<16xf32>
        %mul3A_929 = arith.mulf %mul3A_928, %unpack3A_924 : vector<16xf32>
        %add3A_930 = arith.addf %add3A_866, %mul3A_929 : vector<16xf32>
        %get3A_931 = arith.index_cast %add3A_916 : i32 to index
        %get3A_932 = arith.constant 16 : index
        %get3A_933 = tpu.vector_load %arg12[%get3A_931, %get3A_932] {strides = array<i32>} : memref<128x64xi32, #tpu.memory_space<vmem>>, vector<16xi32>,
        %shift_left3A_934 = arith.constant 16 : i32
        %shift_left3A_935 = vector.broadcast %shift_left3A_934 : i32 to vector<16xi32>
        %shift_left3A_936 = arith.shli %get3A_933, %shift_left3A_935 : vector<16xi32>
        %bitcast3A_937 = vector.bitcast %shift_left3A_936 : vector<16xi32> to vector<16xf32>
        %and3A_938 = arith.constant -65536 : i32
        %and3A_939 = vector.broadcast %and3A_938 : i32 to vector<16xi32>
        %and3A_940 = arith.andi %get3A_933, %and3A_939 : vector<16xi32>
        %bitcast3A_941 = vector.bitcast %and3A_940 : vector<16xi32> to vector<16xf32>
        %mul3A_942 = vector.broadcast %squeeze3A_918 : f32 to vector<16xf32>
        %mul3A_943 = arith.mulf %mul3A_942, %bitcast3A_937 : vector<16xf32>
        %add3A_944 = arith.addf %add3A_880, %mul3A_943 : vector<16xf32>
        %mul3A_945 = vector.broadcast %squeeze3A_918 : f32 to vector<16xf32>
        %mul3A_946 = arith.mulf %mul3A_945, %bitcast3A_941 : vector<16xf32>
        %add3A_947 = arith.addf %add3A_883, %mul3A_946 : vector<16xf32>
        %get3A_948 = arith.index_cast %add3A_916 : i32 to index
        %get3A_949 = arith.constant 32 : index
        %get3A_950 = tpu.vector_load %arg12[%get3A_948, %get3A_949] {strides = array<i32>} : memref<128x64xi32, #tpu.memory_space<vmem>>, vector<16xi32>,
        %bitcast3A_951 = vector.bitcast %get3A_950 : vector<16xi32> to vector<32xbf16>
        %unpack3A_952 = tpu.unpack_subelements %bitcast3A_951, 0 {pack_format = #tpu.pack_format<interleaved>} : vector<32xbf16> -> vector<16xf32>
        %unpack3A_953 = tpu.unpack_subelements %bitcast3A_951, 1 {pack_format = #tpu.pack_format<interleaved>} : vector<32xbf16> -> vector<16xf32>
        %mul3A_954 = vector.broadcast %squeeze3A_918 : f32 to vector<16xf32>
        %mul3A_955 = arith.mulf %mul3A_954, %unpack3A_952 : vector<16xf32>
        %add3A_956 = arith.addf %add3A_892, %mul3A_955 : vector<16xf32>
        %mul3A_957 = vector.broadcast %squeeze3A_918 : f32 to vector<16xf32>
        %mul3A_958 = arith.mulf %mul3A_957, %unpack3A_953 : vector<16xf32>
        %add3A_959 = arith.addf %add3A_895, %mul3A_958 : vector<16xf32>
        %get3A_960 = arith.index_cast %add3A_916 : i32 to index
        %get3A_961 = arith.constant 48 : index
        %get3A_962 = tpu.vector_load %arg12[%get3A_960, %get3A_961] {strides = array<i32>} : memref<128x64xi32, #tpu.memory_space<vmem>>, vector<16xi32>,
        %shift_left3A_963 = arith.constant 16 : i32
        %shift_left3A_964 = vector.broadcast %shift_left3A_963 : i32 to vector<16xi32>
        %shift_left3A_965 = arith.shli %get3A_962, %shift_left3A_964 : vector<16xi32>
        %bitcast3A_966 = vector.bitcast %shift_left3A_965 : vector<16xi32> to vector<16xf32>
        %and3A_967 = arith.constant -65536 : i32
        %and3A_968 = vector.broadcast %and3A_967 : i32 to vector<16xi32>
        %and3A_969 = arith.andi %get3A_962, %and3A_968 : vector<16xi32>
        %bitcast3A_970 = vector.bitcast %and3A_969 : vector<16xi32> to vector<16xf32>
        %mul3A_971 = vector.broadcast %squeeze3A_918 : f32 to vector<16xf32>
        %mul3A_972 = arith.mulf %mul3A_971, %bitcast3A_966 : vector<16xf32>
        %add3A_973 = arith.addf %add3A_909, %mul3A_972 : vector<16xf32>
        %mul3A_974 = vector.broadcast %squeeze3A_918 : f32 to vector<16xf32>
        %mul3A_975 = arith.mulf %mul3A_974, %bitcast3A_970 : vector<16xf32>
        %add3A_976 = arith.addf %add3A_912, %mul3A_975 : vector<16xf32>
        %mul3A_977 = arith.constant 32 : i32
        %mul3A_978 = arith.muli %scan3A_185, %mul3A_977 : i32
        %add3A_979 = arith.constant 12 : i32
        %add3A_980 = arith.addi %mul3A_978, %add3A_979 : i32
        %slice3A_981 = vector.extract_strided_slice %get3A_207 {offsets = [12], sizes = [1], strides = [1]} : vector<16xf32> to vector<1xf32>
        %squeeze3A_982 = vector.extract %slice3A_981[0] : f32 from vector<1xf32>
        %get3A_983 = arith.index_cast %add3A_980 : i32 to index
        %get3A_984 = arith.constant 0 : index
        %get3A_985 = tpu.vector_load %arg12[%get3A_983, %get3A_984] {strides = array<i32>} : memref<128x64xi32, #tpu.memory_space<vmem>>, vector<16xi32>,
        %bitcast3A_986 = vector.bitcast %get3A_985 : vector<16xi32> to vector<32xbf16>
        %unpack3A_987 = tpu.unpack_subelements %bitcast3A_986, 0 {pack_format = #tpu.pack_format<interleaved>} : vector<32xbf16> -> vector<16xf32>
        %unpack3A_988 = tpu.unpack_subelements %bitcast3A_986, 1 {pack_format = #tpu.pack_format<interleaved>} : vector<32xbf16> -> vector<16xf32>
        %mul3A_989 = vector.broadcast %squeeze3A_982 : f32 to vector<16xf32>
        %mul3A_990 = arith.mulf %mul3A_989, %unpack3A_987 : vector<16xf32>
        %add3A_991 = arith.addf %add3A_927, %mul3A_990 : vector<16xf32>
        %mul3A_992 = vector.broadcast %squeeze3A_982 : f32 to vector<16xf32>
        %mul3A_993 = arith.mulf %mul3A_992, %unpack3A_988 : vector<16xf32>
        %add3A_994 = arith.addf %add3A_930, %mul3A_993 : vector<16xf32>
        %get3A_995 = arith.index_cast %add3A_980 : i32 to index
        %get3A_996 = arith.constant 16 : index
        %get3A_997 = tpu.vector_load %arg12[%get3A_995, %get3A_996] {strides = array<i32>} : memref<128x64xi32, #tpu.memory_space<vmem>>, vector<16xi32>,
        %shift_left3A_998 = arith.constant 16 : i32
        %shift_left3A_999 = vector.broadcast %shift_left3A_998 : i32 to vector<16xi32>
        %shift_left3A_1000 = arith.shli %get3A_997, %shift_left3A_999 : vector<16xi32>
        %bitcast3A_1001 = vector.bitcast %shift_left3A_1000 : vector<16xi32> to vector<16xf32>
        %and3A_1002 = arith.constant -65536 : i32
        %and3A_1003 = vector.broadcast %and3A_1002 : i32 to vector<16xi32>
        %and3A_1004 = arith.andi %get3A_997, %and3A_1003 : vector<16xi32>
        %bitcast3A_1005 = vector.bitcast %and3A_1004 : vector<16xi32> to vector<16xf32>
        %mul3A_1006 = vector.broadcast %squeeze3A_982 : f32 to vector<16xf32>
        %mul3A_1007 = arith.mulf %mul3A_1006, %bitcast3A_1001 : vector<16xf32>
        %add3A_1008 = arith.addf %add3A_944, %mul3A_1007 : vector<16xf32>
        %mul3A_1009 = vector.broadcast %squeeze3A_982 : f32 to vector<16xf32>
        %mul3A_1010 = arith.mulf %mul3A_1009, %bitcast3A_1005 : vector<16xf32>
        %add3A_1011 = arith.addf %add3A_947, %mul3A_1010 : vector<16xf32>
        %get3A_1012 = arith.index_cast %add3A_980 : i32 to index
        %get3A_1013 = arith.constant 32 : index
        %get3A_1014 = tpu.vector_load %arg12[%get3A_1012, %get3A_1013] {strides = array<i32>} : memref<128x64xi32, #tpu.memory_space<vmem>>, vector<16xi32>,
        %bitcast3A_1015 = vector.bitcast %get3A_1014 : vector<16xi32> to vector<32xbf16>
        %unpack3A_1016 = tpu.unpack_subelements %bitcast3A_1015, 0 {pack_format = #tpu.pack_format<interleaved>} : vector<32xbf16> -> vector<16xf32>
        %unpack3A_1017 = tpu.unpack_subelements %bitcast3A_1015, 1 {pack_format = #tpu.pack_format<interleaved>} : vector<32xbf16> -> vector<16xf32>
        %mul3A_1018 = vector.broadcast %squeeze3A_982 : f32 to vector<16xf32>
        %mul3A_1019 = arith.mulf %mul3A_1018, %unpack3A_1016 : vector<16xf32>
        %add3A_1020 = arith.addf %add3A_956, %mul3A_1019 : vector<16xf32>
        %mul3A_1021 = vector.broadcast %squeeze3A_982 : f32 to vector<16xf32>
        %mul3A_1022 = arith.mulf %mul3A_1021, %unpack3A_1017 : vector<16xf32>
        %add3A_1023 = arith.addf %add3A_959, %mul3A_1022 : vector<16xf32>
        %get3A_1024 = arith.index_cast %add3A_980 : i32 to index
        %get3A_1025 = arith.constant 48 : index
        %get3A_1026 = tpu.vector_load %arg12[%get3A_1024, %get3A_1025] {strides = array<i32>} : memref<128x64xi32, #tpu.memory_space<vmem>>, vector<16xi32>,
        %shift_left3A_1027 = arith.constant 16 : i32
        %shift_left3A_1028 = vector.broadcast %shift_left3A_1027 : i32 to vector<16xi32>
        %shift_left3A_1029 = arith.shli %get3A_1026, %shift_left3A_1028 : vector<16xi32>
        %bitcast3A_1030 = vector.bitcast %shift_left3A_1029 : vector<16xi32> to vector<16xf32>
        %and3A_1031 = arith.constant -65536 : i32
        %and3A_1032 = vector.broadcast %and3A_1031 : i32 to vector<16xi32>
        %and3A_1033 = arith.andi %get3A_1026, %and3A_1032 : vector<16xi32>
        %bitcast3A_1034 = vector.bitcast %and3A_1033 : vector<16xi32> to vector<16xf32>
        %mul3A_1035 = vector.broadcast %squeeze3A_982 : f32 to vector<16xf32>
        %mul3A_1036 = arith.mulf %mul3A_1035, %bitcast3A_1030 : vector<16xf32>
        %add3A_1037 = arith.addf %add3A_973, %mul3A_1036 : vector<16xf32>
        %mul3A_1038 = vector.broadcast %squeeze3A_982 : f32 to vector<16xf32>
        %mul3A_1039 = arith.mulf %mul3A_1038, %bitcast3A_1034 : vector<16xf32>
        %add3A_1040 = arith.addf %add3A_976, %mul3A_1039 : vector<16xf32>
        %mul3A_1041 = arith.constant 32 : i32
        %mul3A_1042 = arith.muli %scan3A_185, %mul3A_1041 : i32
        %add3A_1043 = arith.constant 13 : i32
        %add3A_1044 = arith.addi %mul3A_1042, %add3A_1043 : i32
        %slice3A_1045 = vector.extract_strided_slice %get3A_207 {offsets = [13], sizes = [1], strides = [1]} : vector<16xf32> to vector<1xf32>
        %squeeze3A_1046 = vector.extract %slice3A_1045[0] : f32 from vector<1xf32>
        %get3A_1047 = arith.index_cast %add3A_1044 : i32 to index
        %get3A_1048 = arith.constant 0 : index
        %get3A_1049 = tpu.vector_load %arg12[%get3A_1047, %get3A_1048] {strides = array<i32>} : memref<128x64xi32, #tpu.memory_space<vmem>>, vector<16xi32>,
        %bitcast3A_1050 = vector.bitcast %get3A_1049 : vector<16xi32> to vector<32xbf16>
        %unpack3A_1051 = tpu.unpack_subelements %bitcast3A_1050, 0 {pack_format = #tpu.pack_format<interleaved>} : vector<32xbf16> -> vector<16xf32>
        %unpack3A_1052 = tpu.unpack_subelements %bitcast3A_1050, 1 {pack_format = #tpu.pack_format<interleaved>} : vector<32xbf16> -> vector<16xf32>
        %mul3A_1053 = vector.broadcast %squeeze3A_1046 : f32 to vector<16xf32>
        %mul3A_1054 = arith.mulf %mul3A_1053, %unpack3A_1051 : vector<16xf32>
        %add3A_1055 = arith.addf %add3A_991, %mul3A_1054 : vector<16xf32>
        %mul3A_1056 = vector.broadcast %squeeze3A_1046 : f32 to vector<16xf32>
        %mul3A_1057 = arith.mulf %mul3A_1056, %unpack3A_1052 : vector<16xf32>
        %add3A_1058 = arith.addf %add3A_994, %mul3A_1057 : vector<16xf32>
        %get3A_1059 = arith.index_cast %add3A_1044 : i32 to index
        %get3A_1060 = arith.constant 16 : index
        %get3A_1061 = tpu.vector_load %arg12[%get3A_1059, %get3A_1060] {strides = array<i32>} : memref<128x64xi32, #tpu.memory_space<vmem>>, vector<16xi32>,
        %shift_left3A_1062 = arith.constant 16 : i32
        %shift_left3A_1063 = vector.broadcast %shift_left3A_1062 : i32 to vector<16xi32>
        %shift_left3A_1064 = arith.shli %get3A_1061, %shift_left3A_1063 : vector<16xi32>
        %bitcast3A_1065 = vector.bitcast %shift_left3A_1064 : vector<16xi32> to vector<16xf32>
        %and3A_1066 = arith.constant -65536 : i32
        %and3A_1067 = vector.broadcast %and3A_1066 : i32 to vector<16xi32>
        %and3A_1068 = arith.andi %get3A_1061, %and3A_1067 : vector<16xi32>
        %bitcast3A_1069 = vector.bitcast %and3A_1068 : vector<16xi32> to vector<16xf32>
        %mul3A_1070 = vector.broadcast %squeeze3A_1046 : f32 to vector<16xf32>
        %mul3A_1071 = arith.mulf %mul3A_1070, %bitcast3A_1065 : vector<16xf32>
        %add3A_1072 = arith.addf %add3A_1008, %mul3A_1071 : vector<16xf32>
        %mul3A_1073 = vector.broadcast %squeeze3A_1046 : f32 to vector<16xf32>
        %mul3A_1074 = arith.mulf %mul3A_1073, %bitcast3A_1069 : vector<16xf32>
        %add3A_1075 = arith.addf %add3A_1011, %mul3A_1074 : vector<16xf32>
        %get3A_1076 = arith.index_cast %add3A_1044 : i32 to index
        %get3A_1077 = arith.constant 32 : index
        %get3A_1078 = tpu.vector_load %arg12[%get3A_1076, %get3A_1077] {strides = array<i32>} : memref<128x64xi32, #tpu.memory_space<vmem>>, vector<16xi32>,
        %bitcast3A_1079 = vector.bitcast %get3A_1078 : vector<16xi32> to vector<32xbf16>
        %unpack3A_1080 = tpu.unpack_subelements %bitcast3A_1079, 0 {pack_format = #tpu.pack_format<interleaved>} : vector<32xbf16> -> vector<16xf32>
        %unpack3A_1081 = tpu.unpack_subelements %bitcast3A_1079, 1 {pack_format = #tpu.pack_format<interleaved>} : vector<32xbf16> -> vector<16xf32>
        %mul3A_1082 = vector.broadcast %squeeze3A_1046 : f32 to vector<16xf32>
        %mul3A_1083 = arith.mulf %mul3A_1082, %unpack3A_1080 : vector<16xf32>
        %add3A_1084 = arith.addf %add3A_1020, %mul3A_1083 : vector<16xf32>
        %mul3A_1085 = vector.broadcast %squeeze3A_1046 : f32 to vector<16xf32>
        %mul3A_1086 = arith.mulf %mul3A_1085, %unpack3A_1081 : vector<16xf32>
        %add3A_1087 = arith.addf %add3A_1023, %mul3A_1086 : vector<16xf32>
        %get3A_1088 = arith.index_cast %add3A_1044 : i32 to index
        %get3A_1089 = arith.constant 48 : index
        %get3A_1090 = tpu.vector_load %arg12[%get3A_1088, %get3A_1089] {strides = array<i32>} : memref<128x64xi32, #tpu.memory_space<vmem>>, vector<16xi32>,
        %shift_left3A_1091 = arith.constant 16 : i32
        %shift_left3A_1092 = vector.broadcast %shift_left3A_1091 : i32 to vector<16xi32>
        %shift_left3A_1093 = arith.shli %get3A_1090, %shift_left3A_1092 : vector<16xi32>
        %bitcast3A_1094 = vector.bitcast %shift_left3A_1093 : vector<16xi32> to vector<16xf32>
        %and3A_1095 = arith.constant -65536 : i32
        %and3A_1096 = vector.broadcast %and3A_1095 : i32 to vector<16xi32>
        %and3A_1097 = arith.andi %get3A_1090, %and3A_1096 : vector<16xi32>
        %bitcast3A_1098 = vector.bitcast %and3A_1097 : vector<16xi32> to vector<16xf32>
        %mul3A_1099 = vector.broadcast %squeeze3A_1046 : f32 to vector<16xf32>
        %mul3A_1100 = arith.mulf %mul3A_1099, %bitcast3A_1094 : vector<16xf32>
        %add3A_1101 = arith.addf %add3A_1037, %mul3A_1100 : vector<16xf32>
        %mul3A_1102 = vector.broadcast %squeeze3A_1046 : f32 to vector<16xf32>
        %mul3A_1103 = arith.mulf %mul3A_1102, %bitcast3A_1098 : vector<16xf32>
        %add3A_1104 = arith.addf %add3A_1040, %mul3A_1103 : vector<16xf32>
        %mul3A_1105 = arith.constant 32 : i32
        %mul3A_1106 = arith.muli %scan3A_185, %mul3A_1105 : i32
        %add3A_1107 = arith.constant 14 : i32
        %add3A_1108 = arith.addi %mul3A_1106, %add3A_1107 : i32
        %slice3A_1109 = vector.extract_strided_slice %get3A_207 {offsets = [14], sizes = [1], strides = [1]} : vector<16xf32> to vector<1xf32>
        %squeeze3A_1110 = vector.extract %slice3A_1109[0] : f32 from vector<1xf32>
        %get3A_1111 = arith.index_cast %add3A_1108 : i32 to index
        %get3A_1112 = arith.constant 0 : index
        %get3A_1113 = tpu.vector_load %arg12[%get3A_1111, %get3A_1112] {strides = array<i32>} : memref<128x64xi32, #tpu.memory_space<vmem>>, vector<16xi32>,
        %bitcast3A_1114 = vector.bitcast %get3A_1113 : vector<16xi32> to vector<32xbf16>
        %unpack3A_1115 = tpu.unpack_subelements %bitcast3A_1114, 0 {pack_format = #tpu.pack_format<interleaved>} : vector<32xbf16> -> vector<16xf32>
        %unpack3A_1116 = tpu.unpack_subelements %bitcast3A_1114, 1 {pack_format = #tpu.pack_format<interleaved>} : vector<32xbf16> -> vector<16xf32>
        %mul3A_1117 = vector.broadcast %squeeze3A_1110 : f32 to vector<16xf32>
        %mul3A_1118 = arith.mulf %mul3A_1117, %unpack3A_1115 : vector<16xf32>
        %add3A_1119 = arith.addf %add3A_1055, %mul3A_1118 : vector<16xf32>
        %mul3A_1120 = vector.broadcast %squeeze3A_1110 : f32 to vector<16xf32>
        %mul3A_1121 = arith.mulf %mul3A_1120, %unpack3A_1116 : vector<16xf32>
        %add3A_1122 = arith.addf %add3A_1058, %mul3A_1121 : vector<16xf32>
        %get3A_1123 = arith.index_cast %add3A_1108 : i32 to index
        %get3A_1124 = arith.constant 16 : index
        %get3A_1125 = tpu.vector_load %arg12[%get3A_1123, %get3A_1124] {strides = array<i32>} : memref<128x64xi32, #tpu.memory_space<vmem>>, vector<16xi32>,
        %shift_left3A_1126 = arith.constant 16 : i32
        %shift_left3A_1127 = vector.broadcast %shift_left3A_1126 : i32 to vector<16xi32>
        %shift_left3A_1128 = arith.shli %get3A_1125, %shift_left3A_1127 : vector<16xi32>
        %bitcast3A_1129 = vector.bitcast %shift_left3A_1128 : vector<16xi32> to vector<16xf32>
        %and3A_1130 = arith.constant -65536 : i32
        %and3A_1131 = vector.broadcast %and3A_1130 : i32 to vector<16xi32>
        %and3A_1132 = arith.andi %get3A_1125, %and3A_1131 : vector<16xi32>
        %bitcast3A_1133 = vector.bitcast %and3A_1132 : vector<16xi32> to vector<16xf32>
        %mul3A_1134 = vector.broadcast %squeeze3A_1110 : f32 to vector<16xf32>
        %mul3A_1135 = arith.mulf %mul3A_1134, %bitcast3A_1129 : vector<16xf32>
        %add3A_1136 = arith.addf %add3A_1072, %mul3A_1135 : vector<16xf32>
        %mul3A_1137 = vector.broadcast %squeeze3A_1110 : f32 to vector<16xf32>
        %mul3A_1138 = arith.mulf %mul3A_1137, %bitcast3A_1133 : vector<16xf32>
        %add3A_1139 = arith.addf %add3A_1075, %mul3A_1138 : vector<16xf32>
        %get3A_1140 = arith.index_cast %add3A_1108 : i32 to index
        %get3A_1141 = arith.constant 32 : index
        %get3A_1142 = tpu.vector_load %arg12[%get3A_1140, %get3A_1141] {strides = array<i32>} : memref<128x64xi32, #tpu.memory_space<vmem>>, vector<16xi32>,
        %bitcast3A_1143 = vector.bitcast %get3A_1142 : vector<16xi32> to vector<32xbf16>
        %unpack3A_1144 = tpu.unpack_subelements %bitcast3A_1143, 0 {pack_format = #tpu.pack_format<interleaved>} : vector<32xbf16> -> vector<16xf32>
        %unpack3A_1145 = tpu.unpack_subelements %bitcast3A_1143, 1 {pack_format = #tpu.pack_format<interleaved>} : vector<32xbf16> -> vector<16xf32>
        %mul3A_1146 = vector.broadcast %squeeze3A_1110 : f32 to vector<16xf32>
        %mul3A_1147 = arith.mulf %mul3A_1146, %unpack3A_1144 : vector<16xf32>
        %add3A_1148 = arith.addf %add3A_1084, %mul3A_1147 : vector<16xf32>
        %mul3A_1149 = vector.broadcast %squeeze3A_1110 : f32 to vector<16xf32>
        %mul3A_1150 = arith.mulf %mul3A_1149, %unpack3A_1145 : vector<16xf32>
        %add3A_1151 = arith.addf %add3A_1087, %mul3A_1150 : vector<16xf32>
        %get3A_1152 = arith.index_cast %add3A_1108 : i32 to index
        %get3A_1153 = arith.constant 48 : index
        %get3A_1154 = tpu.vector_load %arg12[%get3A_1152, %get3A_1153] {strides = array<i32>} : memref<128x64xi32, #tpu.memory_space<vmem>>, vector<16xi32>,
        %shift_left3A_1155 = arith.constant 16 : i32
        %shift_left3A_1156 = vector.broadcast %shift_left3A_1155 : i32 to vector<16xi32>
        %shift_left3A_1157 = arith.shli %get3A_1154, %shift_left3A_1156 : vector<16xi32>
        %bitcast3A_1158 = vector.bitcast %shift_left3A_1157 : vector<16xi32> to vector<16xf32>
        %and3A_1159 = arith.constant -65536 : i32
        %and3A_1160 = vector.broadcast %and3A_1159 : i32 to vector<16xi32>
        %and3A_1161 = arith.andi %get3A_1154, %and3A_1160 : vector<16xi32>
        %bitcast3A_1162 = vector.bitcast %and3A_1161 : vector<16xi32> to vector<16xf32>
        %mul3A_1163 = vector.broadcast %squeeze3A_1110 : f32 to vector<16xf32>
        %mul3A_1164 = arith.mulf %mul3A_1163, %bitcast3A_1158 : vector<16xf32>
        %add3A_1165 = arith.addf %add3A_1101, %mul3A_1164 : vector<16xf32>
        %mul3A_1166 = vector.broadcast %squeeze3A_1110 : f32 to vector<16xf32>
        %mul3A_1167 = arith.mulf %mul3A_1166, %bitcast3A_1162 : vector<16xf32>
        %add3A_1168 = arith.addf %add3A_1104, %mul3A_1167 : vector<16xf32>
        %mul3A_1169 = arith.constant 32 : i32
        %mul3A_1170 = arith.muli %scan3A_185, %mul3A_1169 : i32
        %add3A_1171 = arith.constant 15 : i32
        %add3A_1172 = arith.addi %mul3A_1170, %add3A_1171 : i32
        %slice3A_1173 = vector.extract_strided_slice %get3A_207 {offsets = [15], sizes = [1], strides = [1]} : vector<16xf32> to vector<1xf32>
        %squeeze3A_1174 = vector.extract %slice3A_1173[0] : f32 from vector<1xf32>
        %get3A_1175 = arith.index_cast %add3A_1172 : i32 to index
        %get3A_1176 = arith.constant 0 : index
        %get3A_1177 = tpu.vector_load %arg12[%get3A_1175, %get3A_1176] {strides = array<i32>} : memref<128x64xi32, #tpu.memory_space<vmem>>, vector<16xi32>,
        %bitcast3A_1178 = vector.bitcast %get3A_1177 : vector<16xi32> to vector<32xbf16>
        %unpack3A_1179 = tpu.unpack_subelements %bitcast3A_1178, 0 {pack_format = #tpu.pack_format<interleaved>} : vector<32xbf16> -> vector<16xf32>
        %unpack3A_1180 = tpu.unpack_subelements %bitcast3A_1178, 1 {pack_format = #tpu.pack_format<interleaved>} : vector<32xbf16> -> vector<16xf32>
        %mul3A_1181 = vector.broadcast %squeeze3A_1174 : f32 to vector<16xf32>
        %mul3A_1182 = arith.mulf %mul3A_1181, %unpack3A_1179 : vector<16xf32>
        %add3A_1183 = arith.addf %add3A_1119, %mul3A_1182 : vector<16xf32>
        %mul3A_1184 = vector.broadcast %squeeze3A_1174 : f32 to vector<16xf32>
        %mul3A_1185 = arith.mulf %mul3A_1184, %unpack3A_1180 : vector<16xf32>
        %add3A_1186 = arith.addf %add3A_1122, %mul3A_1185 : vector<16xf32>
        %get3A_1187 = arith.index_cast %add3A_1172 : i32 to index
        %get3A_1188 = arith.constant 16 : index
        %get3A_1189 = tpu.vector_load %arg12[%get3A_1187, %get3A_1188] {strides = array<i32>} : memref<128x64xi32, #tpu.memory_space<vmem>>, vector<16xi32>,
        %shift_left3A_1190 = arith.constant 16 : i32
        %shift_left3A_1191 = vector.broadcast %shift_left3A_1190 : i32 to vector<16xi32>
        %shift_left3A_1192 = arith.shli %get3A_1189, %shift_left3A_1191 : vector<16xi32>
        %bitcast3A_1193 = vector.bitcast %shift_left3A_1192 : vector<16xi32> to vector<16xf32>
        %and3A_1194 = arith.constant -65536 : i32
        %and3A_1195 = vector.broadcast %and3A_1194 : i32 to vector<16xi32>
        %and3A_1196 = arith.andi %get3A_1189, %and3A_1195 : vector<16xi32>
        %bitcast3A_1197 = vector.bitcast %and3A_1196 : vector<16xi32> to vector<16xf32>
        %mul3A_1198 = vector.broadcast %squeeze3A_1174 : f32 to vector<16xf32>
        %mul3A_1199 = arith.mulf %mul3A_1198, %bitcast3A_1193 : vector<16xf32>
        %add3A_1200 = arith.addf %add3A_1136, %mul3A_1199 : vector<16xf32>
        %mul3A_1201 = vector.broadcast %squeeze3A_1174 : f32 to vector<16xf32>
        %mul3A_1202 = arith.mulf %mul3A_1201, %bitcast3A_1197 : vector<16xf32>
        %add3A_1203 = arith.addf %add3A_1139, %mul3A_1202 : vector<16xf32>
        %get3A_1204 = arith.index_cast %add3A_1172 : i32 to index
        %get3A_1205 = arith.constant 32 : index
        %get3A_1206 = tpu.vector_load %arg12[%get3A_1204, %get3A_1205] {strides = array<i32>} : memref<128x64xi32, #tpu.memory_space<vmem>>, vector<16xi32>,
        %bitcast3A_1207 = vector.bitcast %get3A_1206 : vector<16xi32> to vector<32xbf16>
        %unpack3A_1208 = tpu.unpack_subelements %bitcast3A_1207, 0 {pack_format = #tpu.pack_format<interleaved>} : vector<32xbf16> -> vector<16xf32>
        %unpack3A_1209 = tpu.unpack_subelements %bitcast3A_1207, 1 {pack_format = #tpu.pack_format<interleaved>} : vector<32xbf16> -> vector<16xf32>
        %mul3A_1210 = vector.broadcast %squeeze3A_1174 : f32 to vector<16xf32>
        %mul3A_1211 = arith.mulf %mul3A_1210, %unpack3A_1208 : vector<16xf32>
        %add3A_1212 = arith.addf %add3A_1148, %mul3A_1211 : vector<16xf32>
        %mul3A_1213 = vector.broadcast %squeeze3A_1174 : f32 to vector<16xf32>
        %mul3A_1214 = arith.mulf %mul3A_1213, %unpack3A_1209 : vector<16xf32>
        %add3A_1215 = arith.addf %add3A_1151, %mul3A_1214 : vector<16xf32>
        %get3A_1216 = arith.index_cast %add3A_1172 : i32 to index
        %get3A_1217 = arith.constant 48 : index
        %get3A_1218 = tpu.vector_load %arg12[%get3A_1216, %get3A_1217] {strides = array<i32>} : memref<128x64xi32, #tpu.memory_space<vmem>>, vector<16xi32>,
        %shift_left3A_1219 = arith.constant 16 : i32
        %shift_left3A_1220 = vector.broadcast %shift_left3A_1219 : i32 to vector<16xi32>
        %shift_left3A_1221 = arith.shli %get3A_1218, %shift_left3A_1220 : vector<16xi32>
        %bitcast3A_1222 = vector.bitcast %shift_left3A_1221 : vector<16xi32> to vector<16xf32>
        %and3A_1223 = arith.constant -65536 : i32
        %and3A_1224 = vector.broadcast %and3A_1223 : i32 to vector<16xi32>
        %and3A_1225 = arith.andi %get3A_1218, %and3A_1224 : vector<16xi32>
        %bitcast3A_1226 = vector.bitcast %and3A_1225 : vector<16xi32> to vector<16xf32>
        %mul3A_1227 = vector.broadcast %squeeze3A_1174 : f32 to vector<16xf32>
        %mul3A_1228 = arith.mulf %mul3A_1227, %bitcast3A_1222 : vector<16xf32>
        %add3A_1229 = arith.addf %add3A_1165, %mul3A_1228 : vector<16xf32>
        %mul3A_1230 = vector.broadcast %squeeze3A_1174 : f32 to vector<16xf32>
        %mul3A_1231 = arith.mulf %mul3A_1230, %bitcast3A_1226 : vector<16xf32>
        %add3A_1232 = arith.addf %add3A_1168, %mul3A_1231 : vector<16xf32>
        %mul3A_1233 = arith.constant 32 : i32
        %mul3A_1234 = arith.muli %scan3A_185, %mul3A_1233 : i32
        %add3A_1235 = arith.constant 16 : i32
        %add3A_1236 = arith.addi %mul3A_1234, %add3A_1235 : i32
        %slice3A_1237 = vector.extract_strided_slice %get3A_214 {offsets = [0], sizes = [1], strides = [1]} : vector<16xf32> to vector<1xf32>
        %squeeze3A_1238 = vector.extract %slice3A_1237[0] : f32 from vector<1xf32>
        %get3A_1239 = arith.index_cast %add3A_1236 : i32 to index
        %get3A_1240 = arith.constant 0 : index
        %get3A_1241 = tpu.vector_load %arg12[%get3A_1239, %get3A_1240] {strides = array<i32>} : memref<128x64xi32, #tpu.memory_space<vmem>>, vector<16xi32>,
        %bitcast3A_1242 = vector.bitcast %get3A_1241 : vector<16xi32> to vector<32xbf16>
        %unpack3A_1243 = tpu.unpack_subelements %bitcast3A_1242, 0 {pack_format = #tpu.pack_format<interleaved>} : vector<32xbf16> -> vector<16xf32>
        %unpack3A_1244 = tpu.unpack_subelements %bitcast3A_1242, 1 {pack_format = #tpu.pack_format<interleaved>} : vector<32xbf16> -> vector<16xf32>
        %mul3A_1245 = vector.broadcast %squeeze3A_1238 : f32 to vector<16xf32>
        %mul3A_1246 = arith.mulf %mul3A_1245, %unpack3A_1243 : vector<16xf32>
        %add3A_1247 = arith.addf %add3A_1183, %mul3A_1246 : vector<16xf32>
        %mul3A_1248 = vector.broadcast %squeeze3A_1238 : f32 to vector<16xf32>
        %mul3A_1249 = arith.mulf %mul3A_1248, %unpack3A_1244 : vector<16xf32>
        %add3A_1250 = arith.addf %add3A_1186, %mul3A_1249 : vector<16xf32>
        %get3A_1251 = arith.index_cast %add3A_1236 : i32 to index
        %get3A_1252 = arith.constant 16 : index
        %get3A_1253 = tpu.vector_load %arg12[%get3A_1251, %get3A_1252] {strides = array<i32>} : memref<128x64xi32, #tpu.memory_space<vmem>>, vector<16xi32>,
        %shift_left3A_1254 = arith.constant 16 : i32
        %shift_left3A_1255 = vector.broadcast %shift_left3A_1254 : i32 to vector<16xi32>
        %shift_left3A_1256 = arith.shli %get3A_1253, %shift_left3A_1255 : vector<16xi32>
        %bitcast3A_1257 = vector.bitcast %shift_left3A_1256 : vector<16xi32> to vector<16xf32>
        %and3A_1258 = arith.constant -65536 : i32
        %and3A_1259 = vector.broadcast %and3A_1258 : i32 to vector<16xi32>
        %and3A_1260 = arith.andi %get3A_1253, %and3A_1259 : vector<16xi32>
        %bitcast3A_1261 = vector.bitcast %and3A_1260 : vector<16xi32> to vector<16xf32>
        %mul3A_1262 = vector.broadcast %squeeze3A_1238 : f32 to vector<16xf32>
        %mul3A_1263 = arith.mulf %mul3A_1262, %bitcast3A_1257 : vector<16xf32>
        %add3A_1264 = arith.addf %add3A_1200, %mul3A_1263 : vector<16xf32>
        %mul3A_1265 = vector.broadcast %squeeze3A_1238 : f32 to vector<16xf32>
        %mul3A_1266 = arith.mulf %mul3A_1265, %bitcast3A_1261 : vector<16xf32>
        %add3A_1267 = arith.addf %add3A_1203, %mul3A_1266 : vector<16xf32>
        %get3A_1268 = arith.index_cast %add3A_1236 : i32 to index
        %get3A_1269 = arith.constant 32 : index
        %get3A_1270 = tpu.vector_load %arg12[%get3A_1268, %get3A_1269] {strides = array<i32>} : memref<128x64xi32, #tpu.memory_space<vmem>>, vector<16xi32>,
        %bitcast3A_1271 = vector.bitcast %get3A_1270 : vector<16xi32> to vector<32xbf16>
        %unpack3A_1272 = tpu.unpack_subelements %bitcast3A_1271, 0 {pack_format = #tpu.pack_format<interleaved>} : vector<32xbf16> -> vector<16xf32>
        %unpack3A_1273 = tpu.unpack_subelements %bitcast3A_1271, 1 {pack_format = #tpu.pack_format<interleaved>} : vector<32xbf16> -> vector<16xf32>
        %mul3A_1274 = vector.broadcast %squeeze3A_1238 : f32 to vector<16xf32>
        %mul3A_1275 = arith.mulf %mul3A_1274, %unpack3A_1272 : vector<16xf32>
        %add3A_1276 = arith.addf %add3A_1212, %mul3A_1275 : vector<16xf32>
        %mul3A_1277 = vector.broadcast %squeeze3A_1238 : f32 to vector<16xf32>
        %mul3A_1278 = arith.mulf %mul3A_1277, %unpack3A_1273 : vector<16xf32>
        %add3A_1279 = arith.addf %add3A_1215, %mul3A_1278 : vector<16xf32>
        %get3A_1280 = arith.index_cast %add3A_1236 : i32 to index
        %get3A_1281 = arith.constant 48 : index
        %get3A_1282 = tpu.vector_load %arg12[%get3A_1280, %get3A_1281] {strides = array<i32>} : memref<128x64xi32, #tpu.memory_space<vmem>>, vector<16xi32>,
        %shift_left3A_1283 = arith.constant 16 : i32
        %shift_left3A_1284 = vector.broadcast %shift_left3A_1283 : i32 to vector<16xi32>
        %shift_left3A_1285 = arith.shli %get3A_1282, %shift_left3A_1284 : vector<16xi32>
        %bitcast3A_1286 = vector.bitcast %shift_left3A_1285 : vector<16xi32> to vector<16xf32>
        %and3A_1287 = arith.constant -65536 : i32
        %and3A_1288 = vector.broadcast %and3A_1287 : i32 to vector<16xi32>
        %and3A_1289 = arith.andi %get3A_1282, %and3A_1288 : vector<16xi32>
        %bitcast3A_1290 = vector.bitcast %and3A_1289 : vector<16xi32> to vector<16xf32>
        %mul3A_1291 = vector.broadcast %squeeze3A_1238 : f32 to vector<16xf32>
        %mul3A_1292 = arith.mulf %mul3A_1291, %bitcast3A_1286 : vector<16xf32>
        %add3A_1293 = arith.addf %add3A_1229, %mul3A_1292 : vector<16xf32>
        %mul3A_1294 = vector.broadcast %squeeze3A_1238 : f32 to vector<16xf32>
        %mul3A_1295 = arith.mulf %mul3A_1294, %bitcast3A_1290 : vector<16xf32>
        %add3A_1296 = arith.addf %add3A_1232, %mul3A_1295 : vector<16xf32>
        %mul3A_1297 = arith.constant 32 : i32
        %mul3A_1298 = arith.muli %scan3A_185, %mul3A_1297 : i32
        %add3A_1299 = arith.constant 17 : i32
        %add3A_1300 = arith.addi %mul3A_1298, %add3A_1299 : i32
        %slice3A_1301 = vector.extract_strided_slice %get3A_214 {offsets = [1], sizes = [1], strides = [1]} : vector<16xf32> to vector<1xf32>
        %squeeze3A_1302 = vector.extract %slice3A_1301[0] : f32 from vector<1xf32>
        %get3A_1303 = arith.index_cast %add3A_1300 : i32 to index
        %get3A_1304 = arith.constant 0 : index
        %get3A_1305 = tpu.vector_load %arg12[%get3A_1303, %get3A_1304] {strides = array<i32>} : memref<128x64xi32, #tpu.memory_space<vmem>>, vector<16xi32>,
        %bitcast3A_1306 = vector.bitcast %get3A_1305 : vector<16xi32> to vector<32xbf16>
        %unpack3A_1307 = tpu.unpack_subelements %bitcast3A_1306, 0 {pack_format = #tpu.pack_format<interleaved>} : vector<32xbf16> -> vector<16xf32>
        %unpack3A_1308 = tpu.unpack_subelements %bitcast3A_1306, 1 {pack_format = #tpu.pack_format<interleaved>} : vector<32xbf16> -> vector<16xf32>
        %mul3A_1309 = vector.broadcast %squeeze3A_1302 : f32 to vector<16xf32>
        %mul3A_1310 = arith.mulf %mul3A_1309, %unpack3A_1307 : vector<16xf32>
        %add3A_1311 = arith.addf %add3A_1247, %mul3A_1310 : vector<16xf32>
        %mul3A_1312 = vector.broadcast %squeeze3A_1302 : f32 to vector<16xf32>
        %mul3A_1313 = arith.mulf %mul3A_1312, %unpack3A_1308 : vector<16xf32>
        %add3A_1314 = arith.addf %add3A_1250, %mul3A_1313 : vector<16xf32>
        %get3A_1315 = arith.index_cast %add3A_1300 : i32 to index
        %get3A_1316 = arith.constant 16 : index
        %get3A_1317 = tpu.vector_load %arg12[%get3A_1315, %get3A_1316] {strides = array<i32>} : memref<128x64xi32, #tpu.memory_space<vmem>>, vector<16xi32>,
        %shift_left3A_1318 = arith.constant 16 : i32
        %shift_left3A_1319 = vector.broadcast %shift_left3A_1318 : i32 to vector<16xi32>
        %shift_left3A_1320 = arith.shli %get3A_1317, %shift_left3A_1319 : vector<16xi32>
        %bitcast3A_1321 = vector.bitcast %shift_left3A_1320 : vector<16xi32> to vector<16xf32>
        %and3A_1322 = arith.constant -65536 : i32
        %and3A_1323 = vector.broadcast %and3A_1322 : i32 to vector<16xi32>
        %and3A_1324 = arith.andi %get3A_1317, %and3A_1323 : vector<16xi32>
        %bitcast3A_1325 = vector.bitcast %and3A_1324 : vector<16xi32> to vector<16xf32>
        %mul3A_1326 = vector.broadcast %squeeze3A_1302 : f32 to vector<16xf32>
        %mul3A_1327 = arith.mulf %mul3A_1326, %bitcast3A_1321 : vector<16xf32>
        %add3A_1328 = arith.addf %add3A_1264, %mul3A_1327 : vector<16xf32>
        %mul3A_1329 = vector.broadcast %squeeze3A_1302 : f32 to vector<16xf32>
        %mul3A_1330 = arith.mulf %mul3A_1329, %bitcast3A_1325 : vector<16xf32>
        %add3A_1331 = arith.addf %add3A_1267, %mul3A_1330 : vector<16xf32>
        %get3A_1332 = arith.index_cast %add3A_1300 : i32 to index
        %get3A_1333 = arith.constant 32 : index
        %get3A_1334 = tpu.vector_load %arg12[%get3A_1332, %get3A_1333] {strides = array<i32>} : memref<128x64xi32, #tpu.memory_space<vmem>>, vector<16xi32>,
        %bitcast3A_1335 = vector.bitcast %get3A_1334 : vector<16xi32> to vector<32xbf16>
        %unpack3A_1336 = tpu.unpack_subelements %bitcast3A_1335, 0 {pack_format = #tpu.pack_format<interleaved>} : vector<32xbf16> -> vector<16xf32>
        %unpack3A_1337 = tpu.unpack_subelements %bitcast3A_1335, 1 {pack_format = #tpu.pack_format<interleaved>} : vector<32xbf16> -> vector<16xf32>
        %mul3A_1338 = vector.broadcast %squeeze3A_1302 : f32 to vector<16xf32>
        %mul3A_1339 = arith.mulf %mul3A_1338, %unpack3A_1336 : vector<16xf32>
        %add3A_1340 = arith.addf %add3A_1276, %mul3A_1339 : vector<16xf32>
        %mul3A_1341 = vector.broadcast %squeeze3A_1302 : f32 to vector<16xf32>
        %mul3A_1342 = arith.mulf %mul3A_1341, %unpack3A_1337 : vector<16xf32>
        %add3A_1343 = arith.addf %add3A_1279, %mul3A_1342 : vector<16xf32>
        %get3A_1344 = arith.index_cast %add3A_1300 : i32 to index
        %get3A_1345 = arith.constant 48 : index
        %get3A_1346 = tpu.vector_load %arg12[%get3A_1344, %get3A_1345] {strides = array<i32>} : memref<128x64xi32, #tpu.memory_space<vmem>>, vector<16xi32>,
        %shift_left3A_1347 = arith.constant 16 : i32
        %shift_left3A_1348 = vector.broadcast %shift_left3A_1347 : i32 to vector<16xi32>
        %shift_left3A_1349 = arith.shli %get3A_1346, %shift_left3A_1348 : vector<16xi32>
        %bitcast3A_1350 = vector.bitcast %shift_left3A_1349 : vector<16xi32> to vector<16xf32>
        %and3A_1351 = arith.constant -65536 : i32
        %and3A_1352 = vector.broadcast %and3A_1351 : i32 to vector<16xi32>
        %and3A_1353 = arith.andi %get3A_1346, %and3A_1352 : vector<16xi32>
        %bitcast3A_1354 = vector.bitcast %and3A_1353 : vector<16xi32> to vector<16xf32>
        %mul3A_1355 = vector.broadcast %squeeze3A_1302 : f32 to vector<16xf32>
        %mul3A_1356 = arith.mulf %mul3A_1355, %bitcast3A_1350 : vector<16xf32>
        %add3A_1357 = arith.addf %add3A_1293, %mul3A_1356 : vector<16xf32>
        %mul3A_1358 = vector.broadcast %squeeze3A_1302 : f32 to vector<16xf32>
        %mul3A_1359 = arith.mulf %mul3A_1358, %bitcast3A_1354 : vector<16xf32>
        %add3A_1360 = arith.addf %add3A_1296, %mul3A_1359 : vector<16xf32>
        %mul3A_1361 = arith.constant 32 : i32
        %mul3A_1362 = arith.muli %scan3A_185, %mul3A_1361 : i32
        %add3A_1363 = arith.constant 18 : i32
        %add3A_1364 = arith.addi %mul3A_1362, %add3A_1363 : i32
        %slice3A_1365 = vector.extract_strided_slice %get3A_214 {offsets = [2], sizes = [1], strides = [1]} : vector<16xf32> to vector<1xf32>
        %squeeze3A_1366 = vector.extract %slice3A_1365[0] : f32 from vector<1xf32>
        %get3A_1367 = arith.index_cast %add3A_1364 : i32 to index
        %get3A_1368 = arith.constant 0 : index
        %get3A_1369 = tpu.vector_load %arg12[%get3A_1367, %get3A_1368] {strides = array<i32>} : memref<128x64xi32, #tpu.memory_space<vmem>>, vector<16xi32>,
        %bitcast3A_1370 = vector.bitcast %get3A_1369 : vector<16xi32> to vector<32xbf16>
        %unpack3A_1371 = tpu.unpack_subelements %bitcast3A_1370, 0 {pack_format = #tpu.pack_format<interleaved>} : vector<32xbf16> -> vector<16xf32>
        %unpack3A_1372 = tpu.unpack_subelements %bitcast3A_1370, 1 {pack_format = #tpu.pack_format<interleaved>} : vector<32xbf16> -> vector<16xf32>
        %mul3A_1373 = vector.broadcast %squeeze3A_1366 : f32 to vector<16xf32>
        %mul3A_1374 = arith.mulf %mul3A_1373, %unpack3A_1371 : vector<16xf32>
        %add3A_1375 = arith.addf %add3A_1311, %mul3A_1374 : vector<16xf32>
        %mul3A_1376 = vector.broadcast %squeeze3A_1366 : f32 to vector<16xf32>
        %mul3A_1377 = arith.mulf %mul3A_1376, %unpack3A_1372 : vector<16xf32>
        %add3A_1378 = arith.addf %add3A_1314, %mul3A_1377 : vector<16xf32>
        %get3A_1379 = arith.index_cast %add3A_1364 : i32 to index
        %get3A_1380 = arith.constant 16 : index
        %get3A_1381 = tpu.vector_load %arg12[%get3A_1379, %get3A_1380] {strides = array<i32>} : memref<128x64xi32, #tpu.memory_space<vmem>>, vector<16xi32>,
        %shift_left3A_1382 = arith.constant 16 : i32
        %shift_left3A_1383 = vector.broadcast %shift_left3A_1382 : i32 to vector<16xi32>
        %shift_left3A_1384 = arith.shli %get3A_1381, %shift_left3A_1383 : vector<16xi32>
        %bitcast3A_1385 = vector.bitcast %shift_left3A_1384 : vector<16xi32> to vector<16xf32>
        %and3A_1386 = arith.constant -65536 : i32
        %and3A_1387 = vector.broadcast %and3A_1386 : i32 to vector<16xi32>
        %and3A_1388 = arith.andi %get3A_1381, %and3A_1387 : vector<16xi32>
        %bitcast3A_1389 = vector.bitcast %and3A_1388 : vector<16xi32> to vector<16xf32>
        %mul3A_1390 = vector.broadcast %squeeze3A_1366 : f32 to vector<16xf32>
        %mul3A_1391 = arith.mulf %mul3A_1390, %bitcast3A_1385 : vector<16xf32>
        %add3A_1392 = arith.addf %add3A_1328, %mul3A_1391 : vector<16xf32>
        %mul3A_1393 = vector.broadcast %squeeze3A_1366 : f32 to vector<16xf32>
        %mul3A_1394 = arith.mulf %mul3A_1393, %bitcast3A_1389 : vector<16xf32>
        %add3A_1395 = arith.addf %add3A_1331, %mul3A_1394 : vector<16xf32>
        %get3A_1396 = arith.index_cast %add3A_1364 : i32 to index
        %get3A_1397 = arith.constant 32 : index
        %get3A_1398 = tpu.vector_load %arg12[%get3A_1396, %get3A_1397] {strides = array<i32>} : memref<128x64xi32, #tpu.memory_space<vmem>>, vector<16xi32>,
        %bitcast3A_1399 = vector.bitcast %get3A_1398 : vector<16xi32> to vector<32xbf16>
        %unpack3A_1400 = tpu.unpack_subelements %bitcast3A_1399, 0 {pack_format = #tpu.pack_format<interleaved>} : vector<32xbf16> -> vector<16xf32>
        %unpack3A_1401 = tpu.unpack_subelements %bitcast3A_1399, 1 {pack_format = #tpu.pack_format<interleaved>} : vector<32xbf16> -> vector<16xf32>
        %mul3A_1402 = vector.broadcast %squeeze3A_1366 : f32 to vector<16xf32>
        %mul3A_1403 = arith.mulf %mul3A_1402, %unpack3A_1400 : vector<16xf32>
        %add3A_1404 = arith.addf %add3A_1340, %mul3A_1403 : vector<16xf32>
        %mul3A_1405 = vector.broadcast %squeeze3A_1366 : f32 to vector<16xf32>
        %mul3A_1406 = arith.mulf %mul3A_1405, %unpack3A_1401 : vector<16xf32>
        %add3A_1407 = arith.addf %add3A_1343, %mul3A_1406 : vector<16xf32>
        %get3A_1408 = arith.index_cast %add3A_1364 : i32 to index
        %get3A_1409 = arith.constant 48 : index
        %get3A_1410 = tpu.vector_load %arg12[%get3A_1408, %get3A_1409] {strides = array<i32>} : memref<128x64xi32, #tpu.memory_space<vmem>>, vector<16xi32>,
        %shift_left3A_1411 = arith.constant 16 : i32
        %shift_left3A_1412 = vector.broadcast %shift_left3A_1411 : i32 to vector<16xi32>
        %shift_left3A_1413 = arith.shli %get3A_1410, %shift_left3A_1412 : vector<16xi32>
        %bitcast3A_1414 = vector.bitcast %shift_left3A_1413 : vector<16xi32> to vector<16xf32>
        %and3A_1415 = arith.constant -65536 : i32
        %and3A_1416 = vector.broadcast %and3A_1415 : i32 to vector<16xi32>
        %and3A_1417 = arith.andi %get3A_1410, %and3A_1416 : vector<16xi32>
        %bitcast3A_1418 = vector.bitcast %and3A_1417 : vector<16xi32> to vector<16xf32>
        %mul3A_1419 = vector.broadcast %squeeze3A_1366 : f32 to vector<16xf32>
        %mul3A_1420 = arith.mulf %mul3A_1419, %bitcast3A_1414 : vector<16xf32>
        %add3A_1421 = arith.addf %add3A_1357, %mul3A_1420 : vector<16xf32>
        %mul3A_1422 = vector.broadcast %squeeze3A_1366 : f32 to vector<16xf32>
        %mul3A_1423 = arith.mulf %mul3A_1422, %bitcast3A_1418 : vector<16xf32>
        %add3A_1424 = arith.addf %add3A_1360, %mul3A_1423 : vector<16xf32>
        %mul3A_1425 = arith.constant 32 : i32
        %mul3A_1426 = arith.muli %scan3A_185, %mul3A_1425 : i32
        %add3A_1427 = arith.constant 19 : i32
        %add3A_1428 = arith.addi %mul3A_1426, %add3A_1427 : i32
        %slice3A_1429 = vector.extract_strided_slice %get3A_214 {offsets = [3], sizes = [1], strides = [1]} : vector<16xf32> to vector<1xf32>
        %squeeze3A_1430 = vector.extract %slice3A_1429[0] : f32 from vector<1xf32>
        %get3A_1431 = arith.index_cast %add3A_1428 : i32 to index
        %get3A_1432 = arith.constant 0 : index
        %get3A_1433 = tpu.vector_load %arg12[%get3A_1431, %get3A_1432] {strides = array<i32>} : memref<128x64xi32, #tpu.memory_space<vmem>>, vector<16xi32>,
        %bitcast3A_1434 = vector.bitcast %get3A_1433 : vector<16xi32> to vector<32xbf16>
        %unpack3A_1435 = tpu.unpack_subelements %bitcast3A_1434, 0 {pack_format = #tpu.pack_format<interleaved>} : vector<32xbf16> -> vector<16xf32>
        %unpack3A_1436 = tpu.unpack_subelements %bitcast3A_1434, 1 {pack_format = #tpu.pack_format<interleaved>} : vector<32xbf16> -> vector<16xf32>
        %mul3A_1437 = vector.broadcast %squeeze3A_1430 : f32 to vector<16xf32>
        %mul3A_1438 = arith.mulf %mul3A_1437, %unpack3A_1435 : vector<16xf32>
        %add3A_1439 = arith.addf %add3A_1375, %mul3A_1438 : vector<16xf32>
        %mul3A_1440 = vector.broadcast %squeeze3A_1430 : f32 to vector<16xf32>
        %mul3A_1441 = arith.mulf %mul3A_1440, %unpack3A_1436 : vector<16xf32>
        %add3A_1442 = arith.addf %add3A_1378, %mul3A_1441 : vector<16xf32>
        %get3A_1443 = arith.index_cast %add3A_1428 : i32 to index
        %get3A_1444 = arith.constant 16 : index
        %get3A_1445 = tpu.vector_load %arg12[%get3A_1443, %get3A_1444] {strides = array<i32>} : memref<128x64xi32, #tpu.memory_space<vmem>>, vector<16xi32>,
        %shift_left3A_1446 = arith.constant 16 : i32
        %shift_left3A_1447 = vector.broadcast %shift_left3A_1446 : i32 to vector<16xi32>
        %shift_left3A_1448 = arith.shli %get3A_1445, %shift_left3A_1447 : vector<16xi32>
        %bitcast3A_1449 = vector.bitcast %shift_left3A_1448 : vector<16xi32> to vector<16xf32>
        %and3A_1450 = arith.constant -65536 : i32
        %and3A_1451 = vector.broadcast %and3A_1450 : i32 to vector<16xi32>
        %and3A_1452 = arith.andi %get3A_1445, %and3A_1451 : vector<16xi32>
        %bitcast3A_1453 = vector.bitcast %and3A_1452 : vector<16xi32> to vector<16xf32>
        %mul3A_1454 = vector.broadcast %squeeze3A_1430 : f32 to vector<16xf32>
        %mul3A_1455 = arith.mulf %mul3A_1454, %bitcast3A_1449 : vector<16xf32>
        %add3A_1456 = arith.addf %add3A_1392, %mul3A_1455 : vector<16xf32>
        %mul3A_1457 = vector.broadcast %squeeze3A_1430 : f32 to vector<16xf32>
        %mul3A_1458 = arith.mulf %mul3A_1457, %bitcast3A_1453 : vector<16xf32>
        %add3A_1459 = arith.addf %add3A_1395, %mul3A_1458 : vector<16xf32>
        %get3A_1460 = arith.index_cast %add3A_1428 : i32 to index
        %get3A_1461 = arith.constant 32 : index
        %get3A_1462 = tpu.vector_load %arg12[%get3A_1460, %get3A_1461] {strides = array<i32>} : memref<128x64xi32, #tpu.memory_space<vmem>>, vector<16xi32>,
        %bitcast3A_1463 = vector.bitcast %get3A_1462 : vector<16xi32> to vector<32xbf16>
        %unpack3A_1464 = tpu.unpack_subelements %bitcast3A_1463, 0 {pack_format = #tpu.pack_format<interleaved>} : vector<32xbf16> -> vector<16xf32>
        %unpack3A_1465 = tpu.unpack_subelements %bitcast3A_1463, 1 {pack_format = #tpu.pack_format<interleaved>} : vector<32xbf16> -> vector<16xf32>
        %mul3A_1466 = vector.broadcast %squeeze3A_1430 : f32 to vector<16xf32>
        %mul3A_1467 = arith.mulf %mul3A_1466, %unpack3A_1464 : vector<16xf32>
        %add3A_1468 = arith.addf %add3A_1404, %mul3A_1467 : vector<16xf32>
        %mul3A_1469 = vector.broadcast %squeeze3A_1430 : f32 to vector<16xf32>
        %mul3A_1470 = arith.mulf %mul3A_1469, %unpack3A_1465 : vector<16xf32>
        %add3A_1471 = arith.addf %add3A_1407, %mul3A_1470 : vector<16xf32>
        %get3A_1472 = arith.index_cast %add3A_1428 : i32 to index
        %get3A_1473 = arith.constant 48 : index
        %get3A_1474 = tpu.vector_load %arg12[%get3A_1472, %get3A_1473] {strides = array<i32>} : memref<128x64xi32, #tpu.memory_space<vmem>>, vector<16xi32>,
        %shift_left3A_1475 = arith.constant 16 : i32
        %shift_left3A_1476 = vector.broadcast %shift_left3A_1475 : i32 to vector<16xi32>
        %shift_left3A_1477 = arith.shli %get3A_1474, %shift_left3A_1476 : vector<16xi32>
        %bitcast3A_1478 = vector.bitcast %shift_left3A_1477 : vector<16xi32> to vector<16xf32>
        %and3A_1479 = arith.constant -65536 : i32
        %and3A_1480 = vector.broadcast %and3A_1479 : i32 to vector<16xi32>
        %and3A_1481 = arith.andi %get3A_1474, %and3A_1480 : vector<16xi32>
        %bitcast3A_1482 = vector.bitcast %and3A_1481 : vector<16xi32> to vector<16xf32>
        %mul3A_1483 = vector.broadcast %squeeze3A_1430 : f32 to vector<16xf32>
        %mul3A_1484 = arith.mulf %mul3A_1483, %bitcast3A_1478 : vector<16xf32>
        %add3A_1485 = arith.addf %add3A_1421, %mul3A_1484 : vector<16xf32>
        %mul3A_1486 = vector.broadcast %squeeze3A_1430 : f32 to vector<16xf32>
        %mul3A_1487 = arith.mulf %mul3A_1486, %bitcast3A_1482 : vector<16xf32>
        %add3A_1488 = arith.addf %add3A_1424, %mul3A_1487 : vector<16xf32>
        %mul3A_1489 = arith.constant 32 : i32
        %mul3A_1490 = arith.muli %scan3A_185, %mul3A_1489 : i32
        %add3A_1491 = arith.constant 20 : i32
        %add3A_1492 = arith.addi %mul3A_1490, %add3A_1491 : i32
        %slice3A_1493 = vector.extract_strided_slice %get3A_214 {offsets = [4], sizes = [1], strides = [1]} : vector<16xf32> to vector<1xf32>
        %squeeze3A_1494 = vector.extract %slice3A_1493[0] : f32 from vector<1xf32>
        %get3A_1495 = arith.index_cast %add3A_1492 : i32 to index
        %get3A_1496 = arith.constant 0 : index
        %get3A_1497 = tpu.vector_load %arg12[%get3A_1495, %get3A_1496] {strides = array<i32>} : memref<128x64xi32, #tpu.memory_space<vmem>>, vector<16xi32>,
        %bitcast3A_1498 = vector.bitcast %get3A_1497 : vector<16xi32> to vector<32xbf16>
        %unpack3A_1499 = tpu.unpack_subelements %bitcast3A_1498, 0 {pack_format = #tpu.pack_format<interleaved>} : vector<32xbf16> -> vector<16xf32>
        %unpack3A_1500 = tpu.unpack_subelements %bitcast3A_1498, 1 {pack_format = #tpu.pack_format<interleaved>} : vector<32xbf16> -> vector<16xf32>
        %mul3A_1501 = vector.broadcast %squeeze3A_1494 : f32 to vector<16xf32>
        %mul3A_1502 = arith.mulf %mul3A_1501, %unpack3A_1499 : vector<16xf32>
        %add3A_1503 = arith.addf %add3A_1439, %mul3A_1502 : vector<16xf32>
        %mul3A_1504 = vector.broadcast %squeeze3A_1494 : f32 to vector<16xf32>
        %mul3A_1505 = arith.mulf %mul3A_1504, %unpack3A_1500 : vector<16xf32>
        %add3A_1506 = arith.addf %add3A_1442, %mul3A_1505 : vector<16xf32>
        %get3A_1507 = arith.index_cast %add3A_1492 : i32 to index
        %get3A_1508 = arith.constant 16 : index
        %get3A_1509 = tpu.vector_load %arg12[%get3A_1507, %get3A_1508] {strides = array<i32>} : memref<128x64xi32, #tpu.memory_space<vmem>>, vector<16xi32>,
        %shift_left3A_1510 = arith.constant 16 : i32
        %shift_left3A_1511 = vector.broadcast %shift_left3A_1510 : i32 to vector<16xi32>
        %shift_left3A_1512 = arith.shli %get3A_1509, %shift_left3A_1511 : vector<16xi32>
        %bitcast3A_1513 = vector.bitcast %shift_left3A_1512 : vector<16xi32> to vector<16xf32>
        %and3A_1514 = arith.constant -65536 : i32
        %and3A_1515 = vector.broadcast %and3A_1514 : i32 to vector<16xi32>
        %and3A_1516 = arith.andi %get3A_1509, %and3A_1515 : vector<16xi32>
        %bitcast3A_1517 = vector.bitcast %and3A_1516 : vector<16xi32> to vector<16xf32>
        %mul3A_1518 = vector.broadcast %squeeze3A_1494 : f32 to vector<16xf32>
        %mul3A_1519 = arith.mulf %mul3A_1518, %bitcast3A_1513 : vector<16xf32>
        %add3A_1520 = arith.addf %add3A_1456, %mul3A_1519 : vector<16xf32>
        %mul3A_1521 = vector.broadcast %squeeze3A_1494 : f32 to vector<16xf32>
        %mul3A_1522 = arith.mulf %mul3A_1521, %bitcast3A_1517 : vector<16xf32>
        %add3A_1523 = arith.addf %add3A_1459, %mul3A_1522 : vector<16xf32>
        %get3A_1524 = arith.index_cast %add3A_1492 : i32 to index
        %get3A_1525 = arith.constant 32 : index
        %get3A_1526 = tpu.vector_load %arg12[%get3A_1524, %get3A_1525] {strides = array<i32>} : memref<128x64xi32, #tpu.memory_space<vmem>>, vector<16xi32>,
        %bitcast3A_1527 = vector.bitcast %get3A_1526 : vector<16xi32> to vector<32xbf16>
        %unpack3A_1528 = tpu.unpack_subelements %bitcast3A_1527, 0 {pack_format = #tpu.pack_format<interleaved>} : vector<32xbf16> -> vector<16xf32>
        %unpack3A_1529 = tpu.unpack_subelements %bitcast3A_1527, 1 {pack_format = #tpu.pack_format<interleaved>} : vector<32xbf16> -> vector<16xf32>
        %mul3A_1530 = vector.broadcast %squeeze3A_1494 : f32 to vector<16xf32>
        %mul3A_1531 = arith.mulf %mul3A_1530, %unpack3A_1528 : vector<16xf32>
        %add3A_1532 = arith.addf %add3A_1468, %mul3A_1531 : vector<16xf32>
        %mul3A_1533 = vector.broadcast %squeeze3A_1494 : f32 to vector<16xf32>
        %mul3A_1534 = arith.mulf %mul3A_1533, %unpack3A_1529 : vector<16xf32>
        %add3A_1535 = arith.addf %add3A_1471, %mul3A_1534 : vector<16xf32>
        %get3A_1536 = arith.index_cast %add3A_1492 : i32 to index
        %get3A_1537 = arith.constant 48 : index
        %get3A_1538 = tpu.vector_load %arg12[%get3A_1536, %get3A_1537] {strides = array<i32>} : memref<128x64xi32, #tpu.memory_space<vmem>>, vector<16xi32>,
        %shift_left3A_1539 = arith.constant 16 : i32
        %shift_left3A_1540 = vector.broadcast %shift_left3A_1539 : i32 to vector<16xi32>
        %shift_left3A_1541 = arith.shli %get3A_1538, %shift_left3A_1540 : vector<16xi32>
        %bitcast3A_1542 = vector.bitcast %shift_left3A_1541 : vector<16xi32> to vector<16xf32>
        %and3A_1543 = arith.constant -65536 : i32
        %and3A_1544 = vector.broadcast %and3A_1543 : i32 to vector<16xi32>
        %and3A_1545 = arith.andi %get3A_1538, %and3A_1544 : vector<16xi32>
        %bitcast3A_1546 = vector.bitcast %and3A_1545 : vector<16xi32> to vector<16xf32>
        %mul3A_1547 = vector.broadcast %squeeze3A_1494 : f32 to vector<16xf32>
        %mul3A_1548 = arith.mulf %mul3A_1547, %bitcast3A_1542 : vector<16xf32>
        %add3A_1549 = arith.addf %add3A_1485, %mul3A_1548 : vector<16xf32>
        %mul3A_1550 = vector.broadcast %squeeze3A_1494 : f32 to vector<16xf32>
        %mul3A_1551 = arith.mulf %mul3A_1550, %bitcast3A_1546 : vector<16xf32>
        %add3A_1552 = arith.addf %add3A_1488, %mul3A_1551 : vector<16xf32>
        %mul3A_1553 = arith.constant 32 : i32
        %mul3A_1554 = arith.muli %scan3A_185, %mul3A_1553 : i32
        %add3A_1555 = arith.constant 21 : i32
        %add3A_1556 = arith.addi %mul3A_1554, %add3A_1555 : i32
        %slice3A_1557 = vector.extract_strided_slice %get3A_214 {offsets = [5], sizes = [1], strides = [1]} : vector<16xf32> to vector<1xf32>
        %squeeze3A_1558 = vector.extract %slice3A_1557[0] : f32 from vector<1xf32>
        %get3A_1559 = arith.index_cast %add3A_1556 : i32 to index
        %get3A_1560 = arith.constant 0 : index
        %get3A_1561 = tpu.vector_load %arg12[%get3A_1559, %get3A_1560] {strides = array<i32>} : memref<128x64xi32, #tpu.memory_space<vmem>>, vector<16xi32>,
        %bitcast3A_1562 = vector.bitcast %get3A_1561 : vector<16xi32> to vector<32xbf16>
        %unpack3A_1563 = tpu.unpack_subelements %bitcast3A_1562, 0 {pack_format = #tpu.pack_format<interleaved>} : vector<32xbf16> -> vector<16xf32>
        %unpack3A_1564 = tpu.unpack_subelements %bitcast3A_1562, 1 {pack_format = #tpu.pack_format<interleaved>} : vector<32xbf16> -> vector<16xf32>
        %mul3A_1565 = vector.broadcast %squeeze3A_1558 : f32 to vector<16xf32>
        %mul3A_1566 = arith.mulf %mul3A_1565, %unpack3A_1563 : vector<16xf32>
        %add3A_1567 = arith.addf %add3A_1503, %mul3A_1566 : vector<16xf32>
        %mul3A_1568 = vector.broadcast %squeeze3A_1558 : f32 to vector<16xf32>
        %mul3A_1569 = arith.mulf %mul3A_1568, %unpack3A_1564 : vector<16xf32>
        %add3A_1570 = arith.addf %add3A_1506, %mul3A_1569 : vector<16xf32>
        %get3A_1571 = arith.index_cast %add3A_1556 : i32 to index
        %get3A_1572 = arith.constant 16 : index
        %get3A_1573 = tpu.vector_load %arg12[%get3A_1571, %get3A_1572] {strides = array<i32>} : memref<128x64xi32, #tpu.memory_space<vmem>>, vector<16xi32>,
        %shift_left3A_1574 = arith.constant 16 : i32
        %shift_left3A_1575 = vector.broadcast %shift_left3A_1574 : i32 to vector<16xi32>
        %shift_left3A_1576 = arith.shli %get3A_1573, %shift_left3A_1575 : vector<16xi32>
        %bitcast3A_1577 = vector.bitcast %shift_left3A_1576 : vector<16xi32> to vector<16xf32>
        %and3A_1578 = arith.constant -65536 : i32
        %and3A_1579 = vector.broadcast %and3A_1578 : i32 to vector<16xi32>
        %and3A_1580 = arith.andi %get3A_1573, %and3A_1579 : vector<16xi32>
        %bitcast3A_1581 = vector.bitcast %and3A_1580 : vector<16xi32> to vector<16xf32>
        %mul3A_1582 = vector.broadcast %squeeze3A_1558 : f32 to vector<16xf32>
        %mul3A_1583 = arith.mulf %mul3A_1582, %bitcast3A_1577 : vector<16xf32>
        %add3A_1584 = arith.addf %add3A_1520, %mul3A_1583 : vector<16xf32>
        %mul3A_1585 = vector.broadcast %squeeze3A_1558 : f32 to vector<16xf32>
        %mul3A_1586 = arith.mulf %mul3A_1585, %bitcast3A_1581 : vector<16xf32>
        %add3A_1587 = arith.addf %add3A_1523, %mul3A_1586 : vector<16xf32>
        %get3A_1588 = arith.index_cast %add3A_1556 : i32 to index
        %get3A_1589 = arith.constant 32 : index
        %get3A_1590 = tpu.vector_load %arg12[%get3A_1588, %get3A_1589] {strides = array<i32>} : memref<128x64xi32, #tpu.memory_space<vmem>>, vector<16xi32>,
        %bitcast3A_1591 = vector.bitcast %get3A_1590 : vector<16xi32> to vector<32xbf16>
        %unpack3A_1592 = tpu.unpack_subelements %bitcast3A_1591, 0 {pack_format = #tpu.pack_format<interleaved>} : vector<32xbf16> -> vector<16xf32>
        %unpack3A_1593 = tpu.unpack_subelements %bitcast3A_1591, 1 {pack_format = #tpu.pack_format<interleaved>} : vector<32xbf16> -> vector<16xf32>
        %mul3A_1594 = vector.broadcast %squeeze3A_1558 : f32 to vector<16xf32>
        %mul3A_1595 = arith.mulf %mul3A_1594, %unpack3A_1592 : vector<16xf32>
        %add3A_1596 = arith.addf %add3A_1532, %mul3A_1595 : vector<16xf32>
        %mul3A_1597 = vector.broadcast %squeeze3A_1558 : f32 to vector<16xf32>
        %mul3A_1598 = arith.mulf %mul3A_1597, %unpack3A_1593 : vector<16xf32>
        %add3A_1599 = arith.addf %add3A_1535, %mul3A_1598 : vector<16xf32>
        %get3A_1600 = arith.index_cast %add3A_1556 : i32 to index
        %get3A_1601 = arith.constant 48 : index
        %get3A_1602 = tpu.vector_load %arg12[%get3A_1600, %get3A_1601] {strides = array<i32>} : memref<128x64xi32, #tpu.memory_space<vmem>>, vector<16xi32>,
        %shift_left3A_1603 = arith.constant 16 : i32
        %shift_left3A_1604 = vector.broadcast %shift_left3A_1603 : i32 to vector<16xi32>
        %shift_left3A_1605 = arith.shli %get3A_1602, %shift_left3A_1604 : vector<16xi32>
        %bitcast3A_1606 = vector.bitcast %shift_left3A_1605 : vector<16xi32> to vector<16xf32>
        %and3A_1607 = arith.constant -65536 : i32
        %and3A_1608 = vector.broadcast %and3A_1607 : i32 to vector<16xi32>
        %and3A_1609 = arith.andi %get3A_1602, %and3A_1608 : vector<16xi32>
        %bitcast3A_1610 = vector.bitcast %and3A_1609 : vector<16xi32> to vector<16xf32>
        %mul3A_1611 = vector.broadcast %squeeze3A_1558 : f32 to vector<16xf32>
        %mul3A_1612 = arith.mulf %mul3A_1611, %bitcast3A_1606 : vector<16xf32>
        %add3A_1613 = arith.addf %add3A_1549, %mul3A_1612 : vector<16xf32>
        %mul3A_1614 = vector.broadcast %squeeze3A_1558 : f32 to vector<16xf32>
        %mul3A_1615 = arith.mulf %mul3A_1614, %bitcast3A_1610 : vector<16xf32>
        %add3A_1616 = arith.addf %add3A_1552, %mul3A_1615 : vector<16xf32>
        %mul3A_1617 = arith.constant 32 : i32
        %mul3A_1618 = arith.muli %scan3A_185, %mul3A_1617 : i32
        %add3A_1619 = arith.constant 22 : i32
        %add3A_1620 = arith.addi %mul3A_1618, %add3A_1619 : i32
        %slice3A_1621 = vector.extract_strided_slice %get3A_214 {offsets = [6], sizes = [1], strides = [1]} : vector<16xf32> to vector<1xf32>
        %squeeze3A_1622 = vector.extract %slice3A_1621[0] : f32 from vector<1xf32>
        %get3A_1623 = arith.index_cast %add3A_1620 : i32 to index
        %get3A_1624 = arith.constant 0 : index
        %get3A_1625 = tpu.vector_load %arg12[%get3A_1623, %get3A_1624] {strides = array<i32>} : memref<128x64xi32, #tpu.memory_space<vmem>>, vector<16xi32>,
        %bitcast3A_1626 = vector.bitcast %get3A_1625 : vector<16xi32> to vector<32xbf16>
        %unpack3A_1627 = tpu.unpack_subelements %bitcast3A_1626, 0 {pack_format = #tpu.pack_format<interleaved>} : vector<32xbf16> -> vector<16xf32>
        %unpack3A_1628 = tpu.unpack_subelements %bitcast3A_1626, 1 {pack_format = #tpu.pack_format<interleaved>} : vector<32xbf16> -> vector<16xf32>
        %mul3A_1629 = vector.broadcast %squeeze3A_1622 : f32 to vector<16xf32>
        %mul3A_1630 = arith.mulf %mul3A_1629, %unpack3A_1627 : vector<16xf32>
        %add3A_1631 = arith.addf %add3A_1567, %mul3A_1630 : vector<16xf32>
        %mul3A_1632 = vector.broadcast %squeeze3A_1622 : f32 to vector<16xf32>
        %mul3A_1633 = arith.mulf %mul3A_1632, %unpack3A_1628 : vector<16xf32>
        %add3A_1634 = arith.addf %add3A_1570, %mul3A_1633 : vector<16xf32>
        %get3A_1635 = arith.index_cast %add3A_1620 : i32 to index
        %get3A_1636 = arith.constant 16 : index
        %get3A_1637 = tpu.vector_load %arg12[%get3A_1635, %get3A_1636] {strides = array<i32>} : memref<128x64xi32, #tpu.memory_space<vmem>>, vector<16xi32>,
        %shift_left3A_1638 = arith.constant 16 : i32
        %shift_left3A_1639 = vector.broadcast %shift_left3A_1638 : i32 to vector<16xi32>
        %shift_left3A_1640 = arith.shli %get3A_1637, %shift_left3A_1639 : vector<16xi32>
        %bitcast3A_1641 = vector.bitcast %shift_left3A_1640 : vector<16xi32> to vector<16xf32>
        %and3A_1642 = arith.constant -65536 : i32
        %and3A_1643 = vector.broadcast %and3A_1642 : i32 to vector<16xi32>
        %and3A_1644 = arith.andi %get3A_1637, %and3A_1643 : vector<16xi32>
        %bitcast3A_1645 = vector.bitcast %and3A_1644 : vector<16xi32> to vector<16xf32>
        %mul3A_1646 = vector.broadcast %squeeze3A_1622 : f32 to vector<16xf32>
        %mul3A_1647 = arith.mulf %mul3A_1646, %bitcast3A_1641 : vector<16xf32>
        %add3A_1648 = arith.addf %add3A_1584, %mul3A_1647 : vector<16xf32>
        %mul3A_1649 = vector.broadcast %squeeze3A_1622 : f32 to vector<16xf32>
        %mul3A_1650 = arith.mulf %mul3A_1649, %bitcast3A_1645 : vector<16xf32>
        %add3A_1651 = arith.addf %add3A_1587, %mul3A_1650 : vector<16xf32>
        %get3A_1652 = arith.index_cast %add3A_1620 : i32 to index
        %get3A_1653 = arith.constant 32 : index
        %get3A_1654 = tpu.vector_load %arg12[%get3A_1652, %get3A_1653] {strides = array<i32>} : memref<128x64xi32, #tpu.memory_space<vmem>>, vector<16xi32>,
        %bitcast3A_1655 = vector.bitcast %get3A_1654 : vector<16xi32> to vector<32xbf16>
        %unpack3A_1656 = tpu.unpack_subelements %bitcast3A_1655, 0 {pack_format = #tpu.pack_format<interleaved>} : vector<32xbf16> -> vector<16xf32>
        %unpack3A_1657 = tpu.unpack_subelements %bitcast3A_1655, 1 {pack_format = #tpu.pack_format<interleaved>} : vector<32xbf16> -> vector<16xf32>
        %mul3A_1658 = vector.broadcast %squeeze3A_1622 : f32 to vector<16xf32>
        %mul3A_1659 = arith.mulf %mul3A_1658, %unpack3A_1656 : vector<16xf32>
        %add3A_1660 = arith.addf %add3A_1596, %mul3A_1659 : vector<16xf32>
        %mul3A_1661 = vector.broadcast %squeeze3A_1622 : f32 to vector<16xf32>
        %mul3A_1662 = arith.mulf %mul3A_1661, %unpack3A_1657 : vector<16xf32>
        %add3A_1663 = arith.addf %add3A_1599, %mul3A_1662 : vector<16xf32>
        %get3A_1664 = arith.index_cast %add3A_1620 : i32 to index
        %get3A_1665 = arith.constant 48 : index
        %get3A_1666 = tpu.vector_load %arg12[%get3A_1664, %get3A_1665] {strides = array<i32>} : memref<128x64xi32, #tpu.memory_space<vmem>>, vector<16xi32>,
        %shift_left3A_1667 = arith.constant 16 : i32
        %shift_left3A_1668 = vector.broadcast %shift_left3A_1667 : i32 to vector<16xi32>
        %shift_left3A_1669 = arith.shli %get3A_1666, %shift_left3A_1668 : vector<16xi32>
        %bitcast3A_1670 = vector.bitcast %shift_left3A_1669 : vector<16xi32> to vector<16xf32>
        %and3A_1671 = arith.constant -65536 : i32
        %and3A_1672 = vector.broadcast %and3A_1671 : i32 to vector<16xi32>
        %and3A_1673 = arith.andi %get3A_1666, %and3A_1672 : vector<16xi32>
        %bitcast3A_1674 = vector.bitcast %and3A_1673 : vector<16xi32> to vector<16xf32>
        %mul3A_1675 = vector.broadcast %squeeze3A_1622 : f32 to vector<16xf32>
        %mul3A_1676 = arith.mulf %mul3A_1675, %bitcast3A_1670 : vector<16xf32>
        %add3A_1677 = arith.addf %add3A_1613, %mul3A_1676 : vector<16xf32>
        %mul3A_1678 = vector.broadcast %squeeze3A_1622 : f32 to vector<16xf32>
        %mul3A_1679 = arith.mulf %mul3A_1678, %bitcast3A_1674 : vector<16xf32>
        %add3A_1680 = arith.addf %add3A_1616, %mul3A_1679 : vector<16xf32>
        %mul3A_1681 = arith.constant 32 : i32
        %mul3A_1682 = arith.muli %scan3A_185, %mul3A_1681 : i32
        %add3A_1683 = arith.constant 23 : i32
        %add3A_1684 = arith.addi %mul3A_1682, %add3A_1683 : i32
        %slice3A_1685 = vector.extract_strided_slice %get3A_214 {offsets = [7], sizes = [1], strides = [1]} : vector<16xf32> to vector<1xf32>
        %squeeze3A_1686 = vector.extract %slice3A_1685[0] : f32 from vector<1xf32>
        %get3A_1687 = arith.index_cast %add3A_1684 : i32 to index
        %get3A_1688 = arith.constant 0 : index
        %get3A_1689 = tpu.vector_load %arg12[%get3A_1687, %get3A_1688] {strides = array<i32>} : memref<128x64xi32, #tpu.memory_space<vmem>>, vector<16xi32>,
        %bitcast3A_1690 = vector.bitcast %get3A_1689 : vector<16xi32> to vector<32xbf16>
        %unpack3A_1691 = tpu.unpack_subelements %bitcast3A_1690, 0 {pack_format = #tpu.pack_format<interleaved>} : vector<32xbf16> -> vector<16xf32>
        %unpack3A_1692 = tpu.unpack_subelements %bitcast3A_1690, 1 {pack_format = #tpu.pack_format<interleaved>} : vector<32xbf16> -> vector<16xf32>
        %mul3A_1693 = vector.broadcast %squeeze3A_1686 : f32 to vector<16xf32>
        %mul3A_1694 = arith.mulf %mul3A_1693, %unpack3A_1691 : vector<16xf32>
        %add3A_1695 = arith.addf %add3A_1631, %mul3A_1694 : vector<16xf32>
        %mul3A_1696 = vector.broadcast %squeeze3A_1686 : f32 to vector<16xf32>
        %mul3A_1697 = arith.mulf %mul3A_1696, %unpack3A_1692 : vector<16xf32>
        %add3A_1698 = arith.addf %add3A_1634, %mul3A_1697 : vector<16xf32>
        %get3A_1699 = arith.index_cast %add3A_1684 : i32 to index
        %get3A_1700 = arith.constant 16 : index
        %get3A_1701 = tpu.vector_load %arg12[%get3A_1699, %get3A_1700] {strides = array<i32>} : memref<128x64xi32, #tpu.memory_space<vmem>>, vector<16xi32>,
        %shift_left3A_1702 = arith.constant 16 : i32
        %shift_left3A_1703 = vector.broadcast %shift_left3A_1702 : i32 to vector<16xi32>
        %shift_left3A_1704 = arith.shli %get3A_1701, %shift_left3A_1703 : vector<16xi32>
        %bitcast3A_1705 = vector.bitcast %shift_left3A_1704 : vector<16xi32> to vector<16xf32>
        %and3A_1706 = arith.constant -65536 : i32
        %and3A_1707 = vector.broadcast %and3A_1706 : i32 to vector<16xi32>
        %and3A_1708 = arith.andi %get3A_1701, %and3A_1707 : vector<16xi32>
        %bitcast3A_1709 = vector.bitcast %and3A_1708 : vector<16xi32> to vector<16xf32>
        %mul3A_1710 = vector.broadcast %squeeze3A_1686 : f32 to vector<16xf32>
        %mul3A_1711 = arith.mulf %mul3A_1710, %bitcast3A_1705 : vector<16xf32>
        %add3A_1712 = arith.addf %add3A_1648, %mul3A_1711 : vector<16xf32>
        %mul3A_1713 = vector.broadcast %squeeze3A_1686 : f32 to vector<16xf32>
        %mul3A_1714 = arith.mulf %mul3A_1713, %bitcast3A_1709 : vector<16xf32>
        %add3A_1715 = arith.addf %add3A_1651, %mul3A_1714 : vector<16xf32>
        %get3A_1716 = arith.index_cast %add3A_1684 : i32 to index
        %get3A_1717 = arith.constant 32 : index
        %get3A_1718 = tpu.vector_load %arg12[%get3A_1716, %get3A_1717] {strides = array<i32>} : memref<128x64xi32, #tpu.memory_space<vmem>>, vector<16xi32>,
        %bitcast3A_1719 = vector.bitcast %get3A_1718 : vector<16xi32> to vector<32xbf16>
        %unpack3A_1720 = tpu.unpack_subelements %bitcast3A_1719, 0 {pack_format = #tpu.pack_format<interleaved>} : vector<32xbf16> -> vector<16xf32>
        %unpack3A_1721 = tpu.unpack_subelements %bitcast3A_1719, 1 {pack_format = #tpu.pack_format<interleaved>} : vector<32xbf16> -> vector<16xf32>
        %mul3A_1722 = vector.broadcast %squeeze3A_1686 : f32 to vector<16xf32>
        %mul3A_1723 = arith.mulf %mul3A_1722, %unpack3A_1720 : vector<16xf32>
        %add3A_1724 = arith.addf %add3A_1660, %mul3A_1723 : vector<16xf32>
        %mul3A_1725 = vector.broadcast %squeeze3A_1686 : f32 to vector<16xf32>
        %mul3A_1726 = arith.mulf %mul3A_1725, %unpack3A_1721 : vector<16xf32>
        %add3A_1727 = arith.addf %add3A_1663, %mul3A_1726 : vector<16xf32>
        %get3A_1728 = arith.index_cast %add3A_1684 : i32 to index
        %get3A_1729 = arith.constant 48 : index
        %get3A_1730 = tpu.vector_load %arg12[%get3A_1728, %get3A_1729] {strides = array<i32>} : memref<128x64xi32, #tpu.memory_space<vmem>>, vector<16xi32>,
        %shift_left3A_1731 = arith.constant 16 : i32
        %shift_left3A_1732 = vector.broadcast %shift_left3A_1731 : i32 to vector<16xi32>
        %shift_left3A_1733 = arith.shli %get3A_1730, %shift_left3A_1732 : vector<16xi32>
        %bitcast3A_1734 = vector.bitcast %shift_left3A_1733 : vector<16xi32> to vector<16xf32>
        %and3A_1735 = arith.constant -65536 : i32
        %and3A_1736 = vector.broadcast %and3A_1735 : i32 to vector<16xi32>
        %and3A_1737 = arith.andi %get3A_1730, %and3A_1736 : vector<16xi32>
        %bitcast3A_1738 = vector.bitcast %and3A_1737 : vector<16xi32> to vector<16xf32>
        %mul3A_1739 = vector.broadcast %squeeze3A_1686 : f32 to vector<16xf32>
        %mul3A_1740 = arith.mulf %mul3A_1739, %bitcast3A_1734 : vector<16xf32>
        %add3A_1741 = arith.addf %add3A_1677, %mul3A_1740 : vector<16xf32>
        %mul3A_1742 = vector.broadcast %squeeze3A_1686 : f32 to vector<16xf32>
        %mul3A_1743 = arith.mulf %mul3A_1742, %bitcast3A_1738 : vector<16xf32>
        %add3A_1744 = arith.addf %add3A_1680, %mul3A_1743 : vector<16xf32>
        %mul3A_1745 = arith.constant 32 : i32
        %mul3A_1746 = arith.muli %scan3A_185, %mul3A_1745 : i32
        %add3A_1747 = arith.constant 24 : i32
        %add3A_1748 = arith.addi %mul3A_1746, %add3A_1747 : i32
        %slice3A_1749 = vector.extract_strided_slice %get3A_214 {offsets = [8], sizes = [1], strides = [1]} : vector<16xf32> to vector<1xf32>
        %squeeze3A_1750 = vector.extract %slice3A_1749[0] : f32 from vector<1xf32>
        %get3A_1751 = arith.index_cast %add3A_1748 : i32 to index
        %get3A_1752 = arith.constant 0 : index
        %get3A_1753 = tpu.vector_load %arg12[%get3A_1751, %get3A_1752] {strides = array<i32>} : memref<128x64xi32, #tpu.memory_space<vmem>>, vector<16xi32>,
        %bitcast3A_1754 = vector.bitcast %get3A_1753 : vector<16xi32> to vector<32xbf16>
        %unpack3A_1755 = tpu.unpack_subelements %bitcast3A_1754, 0 {pack_format = #tpu.pack_format<interleaved>} : vector<32xbf16> -> vector<16xf32>
        %unpack3A_1756 = tpu.unpack_subelements %bitcast3A_1754, 1 {pack_format = #tpu.pack_format<interleaved>} : vector<32xbf16> -> vector<16xf32>
        %mul3A_1757 = vector.broadcast %squeeze3A_1750 : f32 to vector<16xf32>
        %mul3A_1758 = arith.mulf %mul3A_1757, %unpack3A_1755 : vector<16xf32>
        %add3A_1759 = arith.addf %add3A_1695, %mul3A_1758 : vector<16xf32>
        %mul3A_1760 = vector.broadcast %squeeze3A_1750 : f32 to vector<16xf32>
        %mul3A_1761 = arith.mulf %mul3A_1760, %unpack3A_1756 : vector<16xf32>
        %add3A_1762 = arith.addf %add3A_1698, %mul3A_1761 : vector<16xf32>
        %get3A_1763 = arith.index_cast %add3A_1748 : i32 to index
        %get3A_1764 = arith.constant 16 : index
        %get3A_1765 = tpu.vector_load %arg12[%get3A_1763, %get3A_1764] {strides = array<i32>} : memref<128x64xi32, #tpu.memory_space<vmem>>, vector<16xi32>,
        %shift_left3A_1766 = arith.constant 16 : i32
        %shift_left3A_1767 = vector.broadcast %shift_left3A_1766 : i32 to vector<16xi32>
        %shift_left3A_1768 = arith.shli %get3A_1765, %shift_left3A_1767 : vector<16xi32>
        %bitcast3A_1769 = vector.bitcast %shift_left3A_1768 : vector<16xi32> to vector<16xf32>
        %and3A_1770 = arith.constant -65536 : i32
        %and3A_1771 = vector.broadcast %and3A_1770 : i32 to vector<16xi32>
        %and3A_1772 = arith.andi %get3A_1765, %and3A_1771 : vector<16xi32>
        %bitcast3A_1773 = vector.bitcast %and3A_1772 : vector<16xi32> to vector<16xf32>
        %mul3A_1774 = vector.broadcast %squeeze3A_1750 : f32 to vector<16xf32>
        %mul3A_1775 = arith.mulf %mul3A_1774, %bitcast3A_1769 : vector<16xf32>
        %add3A_1776 = arith.addf %add3A_1712, %mul3A_1775 : vector<16xf32>
        %mul3A_1777 = vector.broadcast %squeeze3A_1750 : f32 to vector<16xf32>
        %mul3A_1778 = arith.mulf %mul3A_1777, %bitcast3A_1773 : vector<16xf32>
        %add3A_1779 = arith.addf %add3A_1715, %mul3A_1778 : vector<16xf32>
        %get3A_1780 = arith.index_cast %add3A_1748 : i32 to index
        %get3A_1781 = arith.constant 32 : index
        %get3A_1782 = tpu.vector_load %arg12[%get3A_1780, %get3A_1781] {strides = array<i32>} : memref<128x64xi32, #tpu.memory_space<vmem>>, vector<16xi32>,
        %bitcast3A_1783 = vector.bitcast %get3A_1782 : vector<16xi32> to vector<32xbf16>
        %unpack3A_1784 = tpu.unpack_subelements %bitcast3A_1783, 0 {pack_format = #tpu.pack_format<interleaved>} : vector<32xbf16> -> vector<16xf32>
        %unpack3A_1785 = tpu.unpack_subelements %bitcast3A_1783, 1 {pack_format = #tpu.pack_format<interleaved>} : vector<32xbf16> -> vector<16xf32>
        %mul3A_1786 = vector.broadcast %squeeze3A_1750 : f32 to vector<16xf32>
        %mul3A_1787 = arith.mulf %mul3A_1786, %unpack3A_1784 : vector<16xf32>
        %add3A_1788 = arith.addf %add3A_1724, %mul3A_1787 : vector<16xf32>
        %mul3A_1789 = vector.broadcast %squeeze3A_1750 : f32 to vector<16xf32>
        %mul3A_1790 = arith.mulf %mul3A_1789, %unpack3A_1785 : vector<16xf32>
        %add3A_1791 = arith.addf %add3A_1727, %mul3A_1790 : vector<16xf32>
        %get3A_1792 = arith.index_cast %add3A_1748 : i32 to index
        %get3A_1793 = arith.constant 48 : index
        %get3A_1794 = tpu.vector_load %arg12[%get3A_1792, %get3A_1793] {strides = array<i32>} : memref<128x64xi32, #tpu.memory_space<vmem>>, vector<16xi32>,
        %shift_left3A_1795 = arith.constant 16 : i32
        %shift_left3A_1796 = vector.broadcast %shift_left3A_1795 : i32 to vector<16xi32>
        %shift_left3A_1797 = arith.shli %get3A_1794, %shift_left3A_1796 : vector<16xi32>
        %bitcast3A_1798 = vector.bitcast %shift_left3A_1797 : vector<16xi32> to vector<16xf32>
        %and3A_1799 = arith.constant -65536 : i32
        %and3A_1800 = vector.broadcast %and3A_1799 : i32 to vector<16xi32>
        %and3A_1801 = arith.andi %get3A_1794, %and3A_1800 : vector<16xi32>
        %bitcast3A_1802 = vector.bitcast %and3A_1801 : vector<16xi32> to vector<16xf32>
        %mul3A_1803 = vector.broadcast %squeeze3A_1750 : f32 to vector<16xf32>
        %mul3A_1804 = arith.mulf %mul3A_1803, %bitcast3A_1798 : vector<16xf32>
        %add3A_1805 = arith.addf %add3A_1741, %mul3A_1804 : vector<16xf32>
        %mul3A_1806 = vector.broadcast %squeeze3A_1750 : f32 to vector<16xf32>
        %mul3A_1807 = arith.mulf %mul3A_1806, %bitcast3A_1802 : vector<16xf32>
        %add3A_1808 = arith.addf %add3A_1744, %mul3A_1807 : vector<16xf32>
        %mul3A_1809 = arith.constant 32 : i32
        %mul3A_1810 = arith.muli %scan3A_185, %mul3A_1809 : i32
        %add3A_1811 = arith.constant 25 : i32
        %add3A_1812 = arith.addi %mul3A_1810, %add3A_1811 : i32
        %slice3A_1813 = vector.extract_strided_slice %get3A_214 {offsets = [9], sizes = [1], strides = [1]} : vector<16xf32> to vector<1xf32>
        %squeeze3A_1814 = vector.extract %slice3A_1813[0] : f32 from vector<1xf32>
        %get3A_1815 = arith.index_cast %add3A_1812 : i32 to index
        %get3A_1816 = arith.constant 0 : index
        %get3A_1817 = tpu.vector_load %arg12[%get3A_1815, %get3A_1816] {strides = array<i32>} : memref<128x64xi32, #tpu.memory_space<vmem>>, vector<16xi32>,
        %bitcast3A_1818 = vector.bitcast %get3A_1817 : vector<16xi32> to vector<32xbf16>
        %unpack3A_1819 = tpu.unpack_subelements %bitcast3A_1818, 0 {pack_format = #tpu.pack_format<interleaved>} : vector<32xbf16> -> vector<16xf32>
        %unpack3A_1820 = tpu.unpack_subelements %bitcast3A_1818, 1 {pack_format = #tpu.pack_format<interleaved>} : vector<32xbf16> -> vector<16xf32>
        %mul3A_1821 = vector.broadcast %squeeze3A_1814 : f32 to vector<16xf32>
        %mul3A_1822 = arith.mulf %mul3A_1821, %unpack3A_1819 : vector<16xf32>
        %add3A_1823 = arith.addf %add3A_1759, %mul3A_1822 : vector<16xf32>
        %mul3A_1824 = vector.broadcast %squeeze3A_1814 : f32 to vector<16xf32>
        %mul3A_1825 = arith.mulf %mul3A_1824, %unpack3A_1820 : vector<16xf32>
        %add3A_1826 = arith.addf %add3A_1762, %mul3A_1825 : vector<16xf32>
        %get3A_1827 = arith.index_cast %add3A_1812 : i32 to index
        %get3A_1828 = arith.constant 16 : index
        %get3A_1829 = tpu.vector_load %arg12[%get3A_1827, %get3A_1828] {strides = array<i32>} : memref<128x64xi32, #tpu.memory_space<vmem>>, vector<16xi32>,
        %shift_left3A_1830 = arith.constant 16 : i32
        %shift_left3A_1831 = vector.broadcast %shift_left3A_1830 : i32 to vector<16xi32>
        %shift_left3A_1832 = arith.shli %get3A_1829, %shift_left3A_1831 : vector<16xi32>
        %bitcast3A_1833 = vector.bitcast %shift_left3A_1832 : vector<16xi32> to vector<16xf32>
        %and3A_1834 = arith.constant -65536 : i32
        %and3A_1835 = vector.broadcast %and3A_1834 : i32 to vector<16xi32>
        %and3A_1836 = arith.andi %get3A_1829, %and3A_1835 : vector<16xi32>
        %bitcast3A_1837 = vector.bitcast %and3A_1836 : vector<16xi32> to vector<16xf32>
        %mul3A_1838 = vector.broadcast %squeeze3A_1814 : f32 to vector<16xf32>
        %mul3A_1839 = arith.mulf %mul3A_1838, %bitcast3A_1833 : vector<16xf32>
        %add3A_1840 = arith.addf %add3A_1776, %mul3A_1839 : vector<16xf32>
        %mul3A_1841 = vector.broadcast %squeeze3A_1814 : f32 to vector<16xf32>
        %mul3A_1842 = arith.mulf %mul3A_1841, %bitcast3A_1837 : vector<16xf32>
        %add3A_1843 = arith.addf %add3A_1779, %mul3A_1842 : vector<16xf32>
        %get3A_1844 = arith.index_cast %add3A_1812 : i32 to index
        %get3A_1845 = arith.constant 32 : index
        %get3A_1846 = tpu.vector_load %arg12[%get3A_1844, %get3A_1845] {strides = array<i32>} : memref<128x64xi32, #tpu.memory_space<vmem>>, vector<16xi32>,
        %bitcast3A_1847 = vector.bitcast %get3A_1846 : vector<16xi32> to vector<32xbf16>
        %unpack3A_1848 = tpu.unpack_subelements %bitcast3A_1847, 0 {pack_format = #tpu.pack_format<interleaved>} : vector<32xbf16> -> vector<16xf32>
        %unpack3A_1849 = tpu.unpack_subelements %bitcast3A_1847, 1 {pack_format = #tpu.pack_format<interleaved>} : vector<32xbf16> -> vector<16xf32>
        %mul3A_1850 = vector.broadcast %squeeze3A_1814 : f32 to vector<16xf32>
        %mul3A_1851 = arith.mulf %mul3A_1850, %unpack3A_1848 : vector<16xf32>
        %add3A_1852 = arith.addf %add3A_1788, %mul3A_1851 : vector<16xf32>
        %mul3A_1853 = vector.broadcast %squeeze3A_1814 : f32 to vector<16xf32>
        %mul3A_1854 = arith.mulf %mul3A_1853, %unpack3A_1849 : vector<16xf32>
        %add3A_1855 = arith.addf %add3A_1791, %mul3A_1854 : vector<16xf32>
        %get3A_1856 = arith.index_cast %add3A_1812 : i32 to index
        %get3A_1857 = arith.constant 48 : index
        %get3A_1858 = tpu.vector_load %arg12[%get3A_1856, %get3A_1857] {strides = array<i32>} : memref<128x64xi32, #tpu.memory_space<vmem>>, vector<16xi32>,
        %shift_left3A_1859 = arith.constant 16 : i32
        %shift_left3A_1860 = vector.broadcast %shift_left3A_1859 : i32 to vector<16xi32>
        %shift_left3A_1861 = arith.shli %get3A_1858, %shift_left3A_1860 : vector<16xi32>
        %bitcast3A_1862 = vector.bitcast %shift_left3A_1861 : vector<16xi32> to vector<16xf32>
        %and3A_1863 = arith.constant -65536 : i32
        %and3A_1864 = vector.broadcast %and3A_1863 : i32 to vector<16xi32>
        %and3A_1865 = arith.andi %get3A_1858, %and3A_1864 : vector<16xi32>
        %bitcast3A_1866 = vector.bitcast %and3A_1865 : vector<16xi32> to vector<16xf32>
        %mul3A_1867 = vector.broadcast %squeeze3A_1814 : f32 to vector<16xf32>
        %mul3A_1868 = arith.mulf %mul3A_1867, %bitcast3A_1862 : vector<16xf32>
        %add3A_1869 = arith.addf %add3A_1805, %mul3A_1868 : vector<16xf32>
        %mul3A_1870 = vector.broadcast %squeeze3A_1814 : f32 to vector<16xf32>
        %mul3A_1871 = arith.mulf %mul3A_1870, %bitcast3A_1866 : vector<16xf32>
        %add3A_1872 = arith.addf %add3A_1808, %mul3A_1871 : vector<16xf32>
        %mul3A_1873 = arith.constant 32 : i32
        %mul3A_1874 = arith.muli %scan3A_185, %mul3A_1873 : i32
        %add3A_1875 = arith.constant 26 : i32
        %add3A_1876 = arith.addi %mul3A_1874, %add3A_1875 : i32
        %slice3A_1877 = vector.extract_strided_slice %get3A_214 {offsets = [10], sizes = [1], strides = [1]} : vector<16xf32> to vector<1xf32>
        %squeeze3A_1878 = vector.extract %slice3A_1877[0] : f32 from vector<1xf32>
        %get3A_1879 = arith.index_cast %add3A_1876 : i32 to index
        %get3A_1880 = arith.constant 0 : index
        %get3A_1881 = tpu.vector_load %arg12[%get3A_1879, %get3A_1880] {strides = array<i32>} : memref<128x64xi32, #tpu.memory_space<vmem>>, vector<16xi32>,
        %bitcast3A_1882 = vector.bitcast %get3A_1881 : vector<16xi32> to vector<32xbf16>
        %unpack3A_1883 = tpu.unpack_subelements %bitcast3A_1882, 0 {pack_format = #tpu.pack_format<interleaved>} : vector<32xbf16> -> vector<16xf32>
        %unpack3A_1884 = tpu.unpack_subelements %bitcast3A_1882, 1 {pack_format = #tpu.pack_format<interleaved>} : vector<32xbf16> -> vector<16xf32>
        %mul3A_1885 = vector.broadcast %squeeze3A_1878 : f32 to vector<16xf32>
        %mul3A_1886 = arith.mulf %mul3A_1885, %unpack3A_1883 : vector<16xf32>
        %add3A_1887 = arith.addf %add3A_1823, %mul3A_1886 : vector<16xf32>
        %mul3A_1888 = vector.broadcast %squeeze3A_1878 : f32 to vector<16xf32>
        %mul3A_1889 = arith.mulf %mul3A_1888, %unpack3A_1884 : vector<16xf32>
        %add3A_1890 = arith.addf %add3A_1826, %mul3A_1889 : vector<16xf32>
        %get3A_1891 = arith.index_cast %add3A_1876 : i32 to index
        %get3A_1892 = arith.constant 16 : index
        %get3A_1893 = tpu.vector_load %arg12[%get3A_1891, %get3A_1892] {strides = array<i32>} : memref<128x64xi32, #tpu.memory_space<vmem>>, vector<16xi32>,
        %shift_left3A_1894 = arith.constant 16 : i32
        %shift_left3A_1895 = vector.broadcast %shift_left3A_1894 : i32 to vector<16xi32>
        %shift_left3A_1896 = arith.shli %get3A_1893, %shift_left3A_1895 : vector<16xi32>
        %bitcast3A_1897 = vector.bitcast %shift_left3A_1896 : vector<16xi32> to vector<16xf32>
        %and3A_1898 = arith.constant -65536 : i32
        %and3A_1899 = vector.broadcast %and3A_1898 : i32 to vector<16xi32>
        %and3A_1900 = arith.andi %get3A_1893, %and3A_1899 : vector<16xi32>
        %bitcast3A_1901 = vector.bitcast %and3A_1900 : vector<16xi32> to vector<16xf32>
        %mul3A_1902 = vector.broadcast %squeeze3A_1878 : f32 to vector<16xf32>
        %mul3A_1903 = arith.mulf %mul3A_1902, %bitcast3A_1897 : vector<16xf32>
        %add3A_1904 = arith.addf %add3A_1840, %mul3A_1903 : vector<16xf32>
        %mul3A_1905 = vector.broadcast %squeeze3A_1878 : f32 to vector<16xf32>
        %mul3A_1906 = arith.mulf %mul3A_1905, %bitcast3A_1901 : vector<16xf32>
        %add3A_1907 = arith.addf %add3A_1843, %mul3A_1906 : vector<16xf32>
        %get3A_1908 = arith.index_cast %add3A_1876 : i32 to index
        %get3A_1909 = arith.constant 32 : index
        %get3A_1910 = tpu.vector_load %arg12[%get3A_1908, %get3A_1909] {strides = array<i32>} : memref<128x64xi32, #tpu.memory_space<vmem>>, vector<16xi32>,
        %bitcast3A_1911 = vector.bitcast %get3A_1910 : vector<16xi32> to vector<32xbf16>
        %unpack3A_1912 = tpu.unpack_subelements %bitcast3A_1911, 0 {pack_format = #tpu.pack_format<interleaved>} : vector<32xbf16> -> vector<16xf32>
        %unpack3A_1913 = tpu.unpack_subelements %bitcast3A_1911, 1 {pack_format = #tpu.pack_format<interleaved>} : vector<32xbf16> -> vector<16xf32>
        %mul3A_1914 = vector.broadcast %squeeze3A_1878 : f32 to vector<16xf32>
        %mul3A_1915 = arith.mulf %mul3A_1914, %unpack3A_1912 : vector<16xf32>
        %add3A_1916 = arith.addf %add3A_1852, %mul3A_1915 : vector<16xf32>
        %mul3A_1917 = vector.broadcast %squeeze3A_1878 : f32 to vector<16xf32>
        %mul3A_1918 = arith.mulf %mul3A_1917, %unpack3A_1913 : vector<16xf32>
        %add3A_1919 = arith.addf %add3A_1855, %mul3A_1918 : vector<16xf32>
        %get3A_1920 = arith.index_cast %add3A_1876 : i32 to index
        %get3A_1921 = arith.constant 48 : index
        %get3A_1922 = tpu.vector_load %arg12[%get3A_1920, %get3A_1921] {strides = array<i32>} : memref<128x64xi32, #tpu.memory_space<vmem>>, vector<16xi32>,
        %shift_left3A_1923 = arith.constant 16 : i32
        %shift_left3A_1924 = vector.broadcast %shift_left3A_1923 : i32 to vector<16xi32>
        %shift_left3A_1925 = arith.shli %get3A_1922, %shift_left3A_1924 : vector<16xi32>
        %bitcast3A_1926 = vector.bitcast %shift_left3A_1925 : vector<16xi32> to vector<16xf32>
        %and3A_1927 = arith.constant -65536 : i32
        %and3A_1928 = vector.broadcast %and3A_1927 : i32 to vector<16xi32>
        %and3A_1929 = arith.andi %get3A_1922, %and3A_1928 : vector<16xi32>
        %bitcast3A_1930 = vector.bitcast %and3A_1929 : vector<16xi32> to vector<16xf32>
        %mul3A_1931 = vector.broadcast %squeeze3A_1878 : f32 to vector<16xf32>
        %mul3A_1932 = arith.mulf %mul3A_1931, %bitcast3A_1926 : vector<16xf32>
        %add3A_1933 = arith.addf %add3A_1869, %mul3A_1932 : vector<16xf32>
        %mul3A_1934 = vector.broadcast %squeeze3A_1878 : f32 to vector<16xf32>
        %mul3A_1935 = arith.mulf %mul3A_1934, %bitcast3A_1930 : vector<16xf32>
        %add3A_1936 = arith.addf %add3A_1872, %mul3A_1935 : vector<16xf32>
        %mul3A_1937 = arith.constant 32 : i32
        %mul3A_1938 = arith.muli %scan3A_185, %mul3A_1937 : i32
        %add3A_1939 = arith.constant 27 : i32
        %add3A_1940 = arith.addi %mul3A_1938, %add3A_1939 : i32
        %slice3A_1941 = vector.extract_strided_slice %get3A_214 {offsets = [11], sizes = [1], strides = [1]} : vector<16xf32> to vector<1xf32>
        %squeeze3A_1942 = vector.extract %slice3A_1941[0] : f32 from vector<1xf32>
        %get3A_1943 = arith.index_cast %add3A_1940 : i32 to index
        %get3A_1944 = arith.constant 0 : index
        %get3A_1945 = tpu.vector_load %arg12[%get3A_1943, %get3A_1944] {strides = array<i32>} : memref<128x64xi32, #tpu.memory_space<vmem>>, vector<16xi32>,
        %bitcast3A_1946 = vector.bitcast %get3A_1945 : vector<16xi32> to vector<32xbf16>
        %unpack3A_1947 = tpu.unpack_subelements %bitcast3A_1946, 0 {pack_format = #tpu.pack_format<interleaved>} : vector<32xbf16> -> vector<16xf32>
        %unpack3A_1948 = tpu.unpack_subelements %bitcast3A_1946, 1 {pack_format = #tpu.pack_format<interleaved>} : vector<32xbf16> -> vector<16xf32>
        %mul3A_1949 = vector.broadcast %squeeze3A_1942 : f32 to vector<16xf32>
        %mul3A_1950 = arith.mulf %mul3A_1949, %unpack3A_1947 : vector<16xf32>
        %add3A_1951 = arith.addf %add3A_1887, %mul3A_1950 : vector<16xf32>
        %mul3A_1952 = vector.broadcast %squeeze3A_1942 : f32 to vector<16xf32>
        %mul3A_1953 = arith.mulf %mul3A_1952, %unpack3A_1948 : vector<16xf32>
        %add3A_1954 = arith.addf %add3A_1890, %mul3A_1953 : vector<16xf32>
        %get3A_1955 = arith.index_cast %add3A_1940 : i32 to index
        %get3A_1956 = arith.constant 16 : index
        %get3A_1957 = tpu.vector_load %arg12[%get3A_1955, %get3A_1956] {strides = array<i32>} : memref<128x64xi32, #tpu.memory_space<vmem>>, vector<16xi32>,
        %shift_left3A_1958 = arith.constant 16 : i32
        %shift_left3A_1959 = vector.broadcast %shift_left3A_1958 : i32 to vector<16xi32>
        %shift_left3A_1960 = arith.shli %get3A_1957, %shift_left3A_1959 : vector<16xi32>
        %bitcast3A_1961 = vector.bitcast %shift_left3A_1960 : vector<16xi32> to vector<16xf32>
        %and3A_1962 = arith.constant -65536 : i32
        %and3A_1963 = vector.broadcast %and3A_1962 : i32 to vector<16xi32>
        %and3A_1964 = arith.andi %get3A_1957, %and3A_1963 : vector<16xi32>
        %bitcast3A_1965 = vector.bitcast %and3A_1964 : vector<16xi32> to vector<16xf32>
        %mul3A_1966 = vector.broadcast %squeeze3A_1942 : f32 to vector<16xf32>
        %mul3A_1967 = arith.mulf %mul3A_1966, %bitcast3A_1961 : vector<16xf32>
        %add3A_1968 = arith.addf %add3A_1904, %mul3A_1967 : vector<16xf32>
        %mul3A_1969 = vector.broadcast %squeeze3A_1942 : f32 to vector<16xf32>
        %mul3A_1970 = arith.mulf %mul3A_1969, %bitcast3A_1965 : vector<16xf32>
        %add3A_1971 = arith.addf %add3A_1907, %mul3A_1970 : vector<16xf32>
        %get3A_1972 = arith.index_cast %add3A_1940 : i32 to index
        %get3A_1973 = arith.constant 32 : index
        %get3A_1974 = tpu.vector_load %arg12[%get3A_1972, %get3A_1973] {strides = array<i32>} : memref<128x64xi32, #tpu.memory_space<vmem>>, vector<16xi32>,
        %bitcast3A_1975 = vector.bitcast %get3A_1974 : vector<16xi32> to vector<32xbf16>
        %unpack3A_1976 = tpu.unpack_subelements %bitcast3A_1975, 0 {pack_format = #tpu.pack_format<interleaved>} : vector<32xbf16> -> vector<16xf32>
        %unpack3A_1977 = tpu.unpack_subelements %bitcast3A_1975, 1 {pack_format = #tpu.pack_format<interleaved>} : vector<32xbf16> -> vector<16xf32>
        %mul3A_1978 = vector.broadcast %squeeze3A_1942 : f32 to vector<16xf32>
        %mul3A_1979 = arith.mulf %mul3A_1978, %unpack3A_1976 : vector<16xf32>
        %add3A_1980 = arith.addf %add3A_1916, %mul3A_1979 : vector<16xf32>
        %mul3A_1981 = vector.broadcast %squeeze3A_1942 : f32 to vector<16xf32>
        %mul3A_1982 = arith.mulf %mul3A_1981, %unpack3A_1977 : vector<16xf32>
        %add3A_1983 = arith.addf %add3A_1919, %mul3A_1982 : vector<16xf32>
        %get3A_1984 = arith.index_cast %add3A_1940 : i32 to index
        %get3A_1985 = arith.constant 48 : index
        %get3A_1986 = tpu.vector_load %arg12[%get3A_1984, %get3A_1985] {strides = array<i32>} : memref<128x64xi32, #tpu.memory_space<vmem>>, vector<16xi32>,
        %shift_left3A_1987 = arith.constant 16 : i32
        %shift_left3A_1988 = vector.broadcast %shift_left3A_1987 : i32 to vector<16xi32>
        %shift_left3A_1989 = arith.shli %get3A_1986, %shift_left3A_1988 : vector<16xi32>
        %bitcast3A_1990 = vector.bitcast %shift_left3A_1989 : vector<16xi32> to vector<16xf32>
        %and3A_1991 = arith.constant -65536 : i32
        %and3A_1992 = vector.broadcast %and3A_1991 : i32 to vector<16xi32>
        %and3A_1993 = arith.andi %get3A_1986, %and3A_1992 : vector<16xi32>
        %bitcast3A_1994 = vector.bitcast %and3A_1993 : vector<16xi32> to vector<16xf32>
        %mul3A_1995 = vector.broadcast %squeeze3A_1942 : f32 to vector<16xf32>
        %mul3A_1996 = arith.mulf %mul3A_1995, %bitcast3A_1990 : vector<16xf32>
        %add3A_1997 = arith.addf %add3A_1933, %mul3A_1996 : vector<16xf32>
        %mul3A_1998 = vector.broadcast %squeeze3A_1942 : f32 to vector<16xf32>
        %mul3A_1999 = arith.mulf %mul3A_1998, %bitcast3A_1994 : vector<16xf32>
        %add3A_2000 = arith.addf %add3A_1936, %mul3A_1999 : vector<16xf32>
        %mul3A_2001 = arith.constant 32 : i32
        %mul3A_2002 = arith.muli %scan3A_185, %mul3A_2001 : i32
        %add3A_2003 = arith.constant 28 : i32
        %add3A_2004 = arith.addi %mul3A_2002, %add3A_2003 : i32
        %slice3A_2005 = vector.extract_strided_slice %get3A_214 {offsets = [12], sizes = [1], strides = [1]} : vector<16xf32> to vector<1xf32>
        %squeeze3A_2006 = vector.extract %slice3A_2005[0] : f32 from vector<1xf32>
        %get3A_2007 = arith.index_cast %add3A_2004 : i32 to index
        %get3A_2008 = arith.constant 0 : index
        %get3A_2009 = tpu.vector_load %arg12[%get3A_2007, %get3A_2008] {strides = array<i32>} : memref<128x64xi32, #tpu.memory_space<vmem>>, vector<16xi32>,
        %bitcast3A_2010 = vector.bitcast %get3A_2009 : vector<16xi32> to vector<32xbf16>
        %unpack3A_2011 = tpu.unpack_subelements %bitcast3A_2010, 0 {pack_format = #tpu.pack_format<interleaved>} : vector<32xbf16> -> vector<16xf32>
        %unpack3A_2012 = tpu.unpack_subelements %bitcast3A_2010, 1 {pack_format = #tpu.pack_format<interleaved>} : vector<32xbf16> -> vector<16xf32>
        %mul3A_2013 = vector.broadcast %squeeze3A_2006 : f32 to vector<16xf32>
        %mul3A_2014 = arith.mulf %mul3A_2013, %unpack3A_2011 : vector<16xf32>
        %add3A_2015 = arith.addf %add3A_1951, %mul3A_2014 : vector<16xf32>
        %mul3A_2016 = vector.broadcast %squeeze3A_2006 : f32 to vector<16xf32>
        %mul3A_2017 = arith.mulf %mul3A_2016, %unpack3A_2012 : vector<16xf32>
        %add3A_2018 = arith.addf %add3A_1954, %mul3A_2017 : vector<16xf32>
        %get3A_2019 = arith.index_cast %add3A_2004 : i32 to index
        %get3A_2020 = arith.constant 16 : index
        %get3A_2021 = tpu.vector_load %arg12[%get3A_2019, %get3A_2020] {strides = array<i32>} : memref<128x64xi32, #tpu.memory_space<vmem>>, vector<16xi32>,
        %shift_left3A_2022 = arith.constant 16 : i32
        %shift_left3A_2023 = vector.broadcast %shift_left3A_2022 : i32 to vector<16xi32>
        %shift_left3A_2024 = arith.shli %get3A_2021, %shift_left3A_2023 : vector<16xi32>
        %bitcast3A_2025 = vector.bitcast %shift_left3A_2024 : vector<16xi32> to vector<16xf32>
        %and3A_2026 = arith.constant -65536 : i32
        %and3A_2027 = vector.broadcast %and3A_2026 : i32 to vector<16xi32>
        %and3A_2028 = arith.andi %get3A_2021, %and3A_2027 : vector<16xi32>
        %bitcast3A_2029 = vector.bitcast %and3A_2028 : vector<16xi32> to vector<16xf32>
        %mul3A_2030 = vector.broadcast %squeeze3A_2006 : f32 to vector<16xf32>
        %mul3A_2031 = arith.mulf %mul3A_2030, %bitcast3A_2025 : vector<16xf32>
        %add3A_2032 = arith.addf %add3A_1968, %mul3A_2031 : vector<16xf32>
        %mul3A_2033 = vector.broadcast %squeeze3A_2006 : f32 to vector<16xf32>
        %mul3A_2034 = arith.mulf %mul3A_2033, %bitcast3A_2029 : vector<16xf32>
        %add3A_2035 = arith.addf %add3A_1971, %mul3A_2034 : vector<16xf32>
        %get3A_2036 = arith.index_cast %add3A_2004 : i32 to index
        %get3A_2037 = arith.constant 32 : index
        %get3A_2038 = tpu.vector_load %arg12[%get3A_2036, %get3A_2037] {strides = array<i32>} : memref<128x64xi32, #tpu.memory_space<vmem>>, vector<16xi32>,
        %bitcast3A_2039 = vector.bitcast %get3A_2038 : vector<16xi32> to vector<32xbf16>
        %unpack3A_2040 = tpu.unpack_subelements %bitcast3A_2039, 0 {pack_format = #tpu.pack_format<interleaved>} : vector<32xbf16> -> vector<16xf32>
        %unpack3A_2041 = tpu.unpack_subelements %bitcast3A_2039, 1 {pack_format = #tpu.pack_format<interleaved>} : vector<32xbf16> -> vector<16xf32>
        %mul3A_2042 = vector.broadcast %squeeze3A_2006 : f32 to vector<16xf32>
        %mul3A_2043 = arith.mulf %mul3A_2042, %unpack3A_2040 : vector<16xf32>
        %add3A_2044 = arith.addf %add3A_1980, %mul3A_2043 : vector<16xf32>
        %mul3A_2045 = vector.broadcast %squeeze3A_2006 : f32 to vector<16xf32>
        %mul3A_2046 = arith.mulf %mul3A_2045, %unpack3A_2041 : vector<16xf32>
        %add3A_2047 = arith.addf %add3A_1983, %mul3A_2046 : vector<16xf32>
        %get3A_2048 = arith.index_cast %add3A_2004 : i32 to index
        %get3A_2049 = arith.constant 48 : index
        %get3A_2050 = tpu.vector_load %arg12[%get3A_2048, %get3A_2049] {strides = array<i32>} : memref<128x64xi32, #tpu.memory_space<vmem>>, vector<16xi32>,
        %shift_left3A_2051 = arith.constant 16 : i32
        %shift_left3A_2052 = vector.broadcast %shift_left3A_2051 : i32 to vector<16xi32>
        %shift_left3A_2053 = arith.shli %get3A_2050, %shift_left3A_2052 : vector<16xi32>
        %bitcast3A_2054 = vector.bitcast %shift_left3A_2053 : vector<16xi32> to vector<16xf32>
        %and3A_2055 = arith.constant -65536 : i32
        %and3A_2056 = vector.broadcast %and3A_2055 : i32 to vector<16xi32>
        %and3A_2057 = arith.andi %get3A_2050, %and3A_2056 : vector<16xi32>
        %bitcast3A_2058 = vector.bitcast %and3A_2057 : vector<16xi32> to vector<16xf32>
        %mul3A_2059 = vector.broadcast %squeeze3A_2006 : f32 to vector<16xf32>
        %mul3A_2060 = arith.mulf %mul3A_2059, %bitcast3A_2054 : vector<16xf32>
        %add3A_2061 = arith.addf %add3A_1997, %mul3A_2060 : vector<16xf32>
        %mul3A_2062 = vector.broadcast %squeeze3A_2006 : f32 to vector<16xf32>
        %mul3A_2063 = arith.mulf %mul3A_2062, %bitcast3A_2058 : vector<16xf32>
        %add3A_2064 = arith.addf %add3A_2000, %mul3A_2063 : vector<16xf32>
        %mul3A_2065 = arith.constant 32 : i32
        %mul3A_2066 = arith.muli %scan3A_185, %mul3A_2065 : i32
        %add3A_2067 = arith.constant 29 : i32
        %add3A_2068 = arith.addi %mul3A_2066, %add3A_2067 : i32
        %slice3A_2069 = vector.extract_strided_slice %get3A_214 {offsets = [13], sizes = [1], strides = [1]} : vector<16xf32> to vector<1xf32>
        %squeeze3A_2070 = vector.extract %slice3A_2069[0] : f32 from vector<1xf32>
        %get3A_2071 = arith.index_cast %add3A_2068 : i32 to index
        %get3A_2072 = arith.constant 0 : index
        %get3A_2073 = tpu.vector_load %arg12[%get3A_2071, %get3A_2072] {strides = array<i32>} : memref<128x64xi32, #tpu.memory_space<vmem>>, vector<16xi32>,
        %bitcast3A_2074 = vector.bitcast %get3A_2073 : vector<16xi32> to vector<32xbf16>
        %unpack3A_2075 = tpu.unpack_subelements %bitcast3A_2074, 0 {pack_format = #tpu.pack_format<interleaved>} : vector<32xbf16> -> vector<16xf32>
        %unpack3A_2076 = tpu.unpack_subelements %bitcast3A_2074, 1 {pack_format = #tpu.pack_format<interleaved>} : vector<32xbf16> -> vector<16xf32>
        %mul3A_2077 = vector.broadcast %squeeze3A_2070 : f32 to vector<16xf32>
        %mul3A_2078 = arith.mulf %mul3A_2077, %unpack3A_2075 : vector<16xf32>
        %add3A_2079 = arith.addf %add3A_2015, %mul3A_2078 : vector<16xf32>
        %mul3A_2080 = vector.broadcast %squeeze3A_2070 : f32 to vector<16xf32>
        %mul3A_2081 = arith.mulf %mul3A_2080, %unpack3A_2076 : vector<16xf32>
        %add3A_2082 = arith.addf %add3A_2018, %mul3A_2081 : vector<16xf32>
        %get3A_2083 = arith.index_cast %add3A_2068 : i32 to index
        %get3A_2084 = arith.constant 16 : index
        %get3A_2085 = tpu.vector_load %arg12[%get3A_2083, %get3A_2084] {strides = array<i32>} : memref<128x64xi32, #tpu.memory_space<vmem>>, vector<16xi32>,
        %shift_left3A_2086 = arith.constant 16 : i32
        %shift_left3A_2087 = vector.broadcast %shift_left3A_2086 : i32 to vector<16xi32>
        %shift_left3A_2088 = arith.shli %get3A_2085, %shift_left3A_2087 : vector<16xi32>
        %bitcast3A_2089 = vector.bitcast %shift_left3A_2088 : vector<16xi32> to vector<16xf32>
        %and3A_2090 = arith.constant -65536 : i32
        %and3A_2091 = vector.broadcast %and3A_2090 : i32 to vector<16xi32>
        %and3A_2092 = arith.andi %get3A_2085, %and3A_2091 : vector<16xi32>
        %bitcast3A_2093 = vector.bitcast %and3A_2092 : vector<16xi32> to vector<16xf32>
        %mul3A_2094 = vector.broadcast %squeeze3A_2070 : f32 to vector<16xf32>
        %mul3A_2095 = arith.mulf %mul3A_2094, %bitcast3A_2089 : vector<16xf32>
        %add3A_2096 = arith.addf %add3A_2032, %mul3A_2095 : vector<16xf32>
        %mul3A_2097 = vector.broadcast %squeeze3A_2070 : f32 to vector<16xf32>
        %mul3A_2098 = arith.mulf %mul3A_2097, %bitcast3A_2093 : vector<16xf32>
        %add3A_2099 = arith.addf %add3A_2035, %mul3A_2098 : vector<16xf32>
        %get3A_2100 = arith.index_cast %add3A_2068 : i32 to index
        %get3A_2101 = arith.constant 32 : index
        %get3A_2102 = tpu.vector_load %arg12[%get3A_2100, %get3A_2101] {strides = array<i32>} : memref<128x64xi32, #tpu.memory_space<vmem>>, vector<16xi32>,
        %bitcast3A_2103 = vector.bitcast %get3A_2102 : vector<16xi32> to vector<32xbf16>
        %unpack3A_2104 = tpu.unpack_subelements %bitcast3A_2103, 0 {pack_format = #tpu.pack_format<interleaved>} : vector<32xbf16> -> vector<16xf32>
        %unpack3A_2105 = tpu.unpack_subelements %bitcast3A_2103, 1 {pack_format = #tpu.pack_format<interleaved>} : vector<32xbf16> -> vector<16xf32>
        %mul3A_2106 = vector.broadcast %squeeze3A_2070 : f32 to vector<16xf32>
        %mul3A_2107 = arith.mulf %mul3A_2106, %unpack3A_2104 : vector<16xf32>
        %add3A_2108 = arith.addf %add3A_2044, %mul3A_2107 : vector<16xf32>
        %mul3A_2109 = vector.broadcast %squeeze3A_2070 : f32 to vector<16xf32>
        %mul3A_2110 = arith.mulf %mul3A_2109, %unpack3A_2105 : vector<16xf32>
        %add3A_2111 = arith.addf %add3A_2047, %mul3A_2110 : vector<16xf32>
        %get3A_2112 = arith.index_cast %add3A_2068 : i32 to index
        %get3A_2113 = arith.constant 48 : index
        %get3A_2114 = tpu.vector_load %arg12[%get3A_2112, %get3A_2113] {strides = array<i32>} : memref<128x64xi32, #tpu.memory_space<vmem>>, vector<16xi32>,
        %shift_left3A_2115 = arith.constant 16 : i32
        %shift_left3A_2116 = vector.broadcast %shift_left3A_2115 : i32 to vector<16xi32>
        %shift_left3A_2117 = arith.shli %get3A_2114, %shift_left3A_2116 : vector<16xi32>
        %bitcast3A_2118 = vector.bitcast %shift_left3A_2117 : vector<16xi32> to vector<16xf32>
        %and3A_2119 = arith.constant -65536 : i32
        %and3A_2120 = vector.broadcast %and3A_2119 : i32 to vector<16xi32>
        %and3A_2121 = arith.andi %get3A_2114, %and3A_2120 : vector<16xi32>
        %bitcast3A_2122 = vector.bitcast %and3A_2121 : vector<16xi32> to vector<16xf32>
        %mul3A_2123 = vector.broadcast %squeeze3A_2070 : f32 to vector<16xf32>
        %mul3A_2124 = arith.mulf %mul3A_2123, %bitcast3A_2118 : vector<16xf32>
        %add3A_2125 = arith.addf %add3A_2061, %mul3A_2124 : vector<16xf32>
        %mul3A_2126 = vector.broadcast %squeeze3A_2070 : f32 to vector<16xf32>
        %mul3A_2127 = arith.mulf %mul3A_2126, %bitcast3A_2122 : vector<16xf32>
        %add3A_2128 = arith.addf %add3A_2064, %mul3A_2127 : vector<16xf32>
        %mul3A_2129 = arith.constant 32 : i32
        %mul3A_2130 = arith.muli %scan3A_185, %mul3A_2129 : i32
        %add3A_2131 = arith.constant 30 : i32
        %add3A_2132 = arith.addi %mul3A_2130, %add3A_2131 : i32
        %slice3A_2133 = vector.extract_strided_slice %get3A_214 {offsets = [14], sizes = [1], strides = [1]} : vector<16xf32> to vector<1xf32>
        %squeeze3A_2134 = vector.extract %slice3A_2133[0] : f32 from vector<1xf32>
        %get3A_2135 = arith.index_cast %add3A_2132 : i32 to index
        %get3A_2136 = arith.constant 0 : index
        %get3A_2137 = tpu.vector_load %arg12[%get3A_2135, %get3A_2136] {strides = array<i32>} : memref<128x64xi32, #tpu.memory_space<vmem>>, vector<16xi32>,
        %bitcast3A_2138 = vector.bitcast %get3A_2137 : vector<16xi32> to vector<32xbf16>
        %unpack3A_2139 = tpu.unpack_subelements %bitcast3A_2138, 0 {pack_format = #tpu.pack_format<interleaved>} : vector<32xbf16> -> vector<16xf32>
        %unpack3A_2140 = tpu.unpack_subelements %bitcast3A_2138, 1 {pack_format = #tpu.pack_format<interleaved>} : vector<32xbf16> -> vector<16xf32>
        %mul3A_2141 = vector.broadcast %squeeze3A_2134 : f32 to vector<16xf32>
        %mul3A_2142 = arith.mulf %mul3A_2141, %unpack3A_2139 : vector<16xf32>
        %add3A_2143 = arith.addf %add3A_2079, %mul3A_2142 : vector<16xf32>
        %mul3A_2144 = vector.broadcast %squeeze3A_2134 : f32 to vector<16xf32>
        %mul3A_2145 = arith.mulf %mul3A_2144, %unpack3A_2140 : vector<16xf32>
        %add3A_2146 = arith.addf %add3A_2082, %mul3A_2145 : vector<16xf32>
        %get3A_2147 = arith.index_cast %add3A_2132 : i32 to index
        %get3A_2148 = arith.constant 16 : index
        %get3A_2149 = tpu.vector_load %arg12[%get3A_2147, %get3A_2148] {strides = array<i32>} : memref<128x64xi32, #tpu.memory_space<vmem>>, vector<16xi32>,
        %shift_left3A_2150 = arith.constant 16 : i32
        %shift_left3A_2151 = vector.broadcast %shift_left3A_2150 : i32 to vector<16xi32>
        %shift_left3A_2152 = arith.shli %get3A_2149, %shift_left3A_2151 : vector<16xi32>
        %bitcast3A_2153 = vector.bitcast %shift_left3A_2152 : vector<16xi32> to vector<16xf32>
        %and3A_2154 = arith.constant -65536 : i32
        %and3A_2155 = vector.broadcast %and3A_2154 : i32 to vector<16xi32>
        %and3A_2156 = arith.andi %get3A_2149, %and3A_2155 : vector<16xi32>
        %bitcast3A_2157 = vector.bitcast %and3A_2156 : vector<16xi32> to vector<16xf32>
        %mul3A_2158 = vector.broadcast %squeeze3A_2134 : f32 to vector<16xf32>
        %mul3A_2159 = arith.mulf %mul3A_2158, %bitcast3A_2153 : vector<16xf32>
        %add3A_2160 = arith.addf %add3A_2096, %mul3A_2159 : vector<16xf32>
        %mul3A_2161 = vector.broadcast %squeeze3A_2134 : f32 to vector<16xf32>
        %mul3A_2162 = arith.mulf %mul3A_2161, %bitcast3A_2157 : vector<16xf32>
        %add3A_2163 = arith.addf %add3A_2099, %mul3A_2162 : vector<16xf32>
        %get3A_2164 = arith.index_cast %add3A_2132 : i32 to index
        %get3A_2165 = arith.constant 32 : index
        %get3A_2166 = tpu.vector_load %arg12[%get3A_2164, %get3A_2165] {strides = array<i32>} : memref<128x64xi32, #tpu.memory_space<vmem>>, vector<16xi32>,
        %bitcast3A_2167 = vector.bitcast %get3A_2166 : vector<16xi32> to vector<32xbf16>
        %unpack3A_2168 = tpu.unpack_subelements %bitcast3A_2167, 0 {pack_format = #tpu.pack_format<interleaved>} : vector<32xbf16> -> vector<16xf32>
        %unpack3A_2169 = tpu.unpack_subelements %bitcast3A_2167, 1 {pack_format = #tpu.pack_format<interleaved>} : vector<32xbf16> -> vector<16xf32>
        %mul3A_2170 = vector.broadcast %squeeze3A_2134 : f32 to vector<16xf32>
        %mul3A_2171 = arith.mulf %mul3A_2170, %unpack3A_2168 : vector<16xf32>
        %add3A_2172 = arith.addf %add3A_2108, %mul3A_2171 : vector<16xf32>
        %mul3A_2173 = vector.broadcast %squeeze3A_2134 : f32 to vector<16xf32>
        %mul3A_2174 = arith.mulf %mul3A_2173, %unpack3A_2169 : vector<16xf32>
        %add3A_2175 = arith.addf %add3A_2111, %mul3A_2174 : vector<16xf32>
        %get3A_2176 = arith.index_cast %add3A_2132 : i32 to index
        %get3A_2177 = arith.constant 48 : index
        %get3A_2178 = tpu.vector_load %arg12[%get3A_2176, %get3A_2177] {strides = array<i32>} : memref<128x64xi32, #tpu.memory_space<vmem>>, vector<16xi32>,
        %shift_left3A_2179 = arith.constant 16 : i32
        %shift_left3A_2180 = vector.broadcast %shift_left3A_2179 : i32 to vector<16xi32>
        %shift_left3A_2181 = arith.shli %get3A_2178, %shift_left3A_2180 : vector<16xi32>
        %bitcast3A_2182 = vector.bitcast %shift_left3A_2181 : vector<16xi32> to vector<16xf32>
        %and3A_2183 = arith.constant -65536 : i32
        %and3A_2184 = vector.broadcast %and3A_2183 : i32 to vector<16xi32>
        %and3A_2185 = arith.andi %get3A_2178, %and3A_2184 : vector<16xi32>
        %bitcast3A_2186 = vector.bitcast %and3A_2185 : vector<16xi32> to vector<16xf32>
        %mul3A_2187 = vector.broadcast %squeeze3A_2134 : f32 to vector<16xf32>
        %mul3A_2188 = arith.mulf %mul3A_2187, %bitcast3A_2182 : vector<16xf32>
        %add3A_2189 = arith.addf %add3A_2125, %mul3A_2188 : vector<16xf32>
        %mul3A_2190 = vector.broadcast %squeeze3A_2134 : f32 to vector<16xf32>
        %mul3A_2191 = arith.mulf %mul3A_2190, %bitcast3A_2186 : vector<16xf32>
        %add3A_2192 = arith.addf %add3A_2128, %mul3A_2191 : vector<16xf32>
        %mul3A_2193 = arith.constant 32 : i32
        %mul3A_2194 = arith.muli %scan3A_185, %mul3A_2193 : i32
        %add3A_2195 = arith.constant 31 : i32
        %add3A_2196 = arith.addi %mul3A_2194, %add3A_2195 : i32
        %slice3A_2197 = vector.extract_strided_slice %get3A_214 {offsets = [15], sizes = [1], strides = [1]} : vector<16xf32> to vector<1xf32>
        %squeeze3A_2198 = vector.extract %slice3A_2197[0] : f32 from vector<1xf32>
        %get3A_2199 = arith.index_cast %add3A_2196 : i32 to index
        %get3A_2200 = arith.constant 0 : index
        %get3A_2201 = tpu.vector_load %arg12[%get3A_2199, %get3A_2200] {strides = array<i32>} : memref<128x64xi32, #tpu.memory_space<vmem>>, vector<16xi32>,
        %bitcast3A_2202 = vector.bitcast %get3A_2201 : vector<16xi32> to vector<32xbf16>
        %unpack3A_2203 = tpu.unpack_subelements %bitcast3A_2202, 0 {pack_format = #tpu.pack_format<interleaved>} : vector<32xbf16> -> vector<16xf32>
        %unpack3A_2204 = tpu.unpack_subelements %bitcast3A_2202, 1 {pack_format = #tpu.pack_format<interleaved>} : vector<32xbf16> -> vector<16xf32>
        %mul3A_2205 = vector.broadcast %squeeze3A_2198 : f32 to vector<16xf32>
        %mul3A_2206 = arith.mulf %mul3A_2205, %unpack3A_2203 : vector<16xf32>
        %add3A_2207 = arith.addf %add3A_2143, %mul3A_2206 : vector<16xf32>
        %mul3A_2208 = vector.broadcast %squeeze3A_2198 : f32 to vector<16xf32>
        %mul3A_2209 = arith.mulf %mul3A_2208, %unpack3A_2204 : vector<16xf32>
        %add3A_2210 = arith.addf %add3A_2146, %mul3A_2209 : vector<16xf32>
        %get3A_2211 = arith.index_cast %add3A_2196 : i32 to index
        %get3A_2212 = arith.constant 16 : index
        %get3A_2213 = tpu.vector_load %arg12[%get3A_2211, %get3A_2212] {strides = array<i32>} : memref<128x64xi32, #tpu.memory_space<vmem>>, vector<16xi32>,
        %shift_left3A_2214 = arith.constant 16 : i32
        %shift_left3A_2215 = vector.broadcast %shift_left3A_2214 : i32 to vector<16xi32>
        %shift_left3A_2216 = arith.shli %get3A_2213, %shift_left3A_2215 : vector<16xi32>
        %bitcast3A_2217 = vector.bitcast %shift_left3A_2216 : vector<16xi32> to vector<16xf32>
        %and3A_2218 = arith.constant -65536 : i32
        %and3A_2219 = vector.broadcast %and3A_2218 : i32 to vector<16xi32>
        %and3A_2220 = arith.andi %get3A_2213, %and3A_2219 : vector<16xi32>
        %bitcast3A_2221 = vector.bitcast %and3A_2220 : vector<16xi32> to vector<16xf32>
        %mul3A_2222 = vector.broadcast %squeeze3A_2198 : f32 to vector<16xf32>
        %mul3A_2223 = arith.mulf %mul3A_2222, %bitcast3A_2217 : vector<16xf32>
        %add3A_2224 = arith.addf %add3A_2160, %mul3A_2223 : vector<16xf32>
        %mul3A_2225 = vector.broadcast %squeeze3A_2198 : f32 to vector<16xf32>
        %mul3A_2226 = arith.mulf %mul3A_2225, %bitcast3A_2221 : vector<16xf32>
        %add3A_2227 = arith.addf %add3A_2163, %mul3A_2226 : vector<16xf32>
        %get3A_2228 = arith.index_cast %add3A_2196 : i32 to index
        %get3A_2229 = arith.constant 32 : index
        %get3A_2230 = tpu.vector_load %arg12[%get3A_2228, %get3A_2229] {strides = array<i32>} : memref<128x64xi32, #tpu.memory_space<vmem>>, vector<16xi32>,
        %bitcast3A_2231 = vector.bitcast %get3A_2230 : vector<16xi32> to vector<32xbf16>
        %unpack3A_2232 = tpu.unpack_subelements %bitcast3A_2231, 0 {pack_format = #tpu.pack_format<interleaved>} : vector<32xbf16> -> vector<16xf32>
        %unpack3A_2233 = tpu.unpack_subelements %bitcast3A_2231, 1 {pack_format = #tpu.pack_format<interleaved>} : vector<32xbf16> -> vector<16xf32>
        %mul3A_2234 = vector.broadcast %squeeze3A_2198 : f32 to vector<16xf32>
        %mul3A_2235 = arith.mulf %mul3A_2234, %unpack3A_2232 : vector<16xf32>
        %add3A_2236 = arith.addf %add3A_2172, %mul3A_2235 : vector<16xf32>
        %mul3A_2237 = vector.broadcast %squeeze3A_2198 : f32 to vector<16xf32>
        %mul3A_2238 = arith.mulf %mul3A_2237, %unpack3A_2233 : vector<16xf32>
        %add3A_2239 = arith.addf %add3A_2175, %mul3A_2238 : vector<16xf32>
        %get3A_2240 = arith.index_cast %add3A_2196 : i32 to index
        %get3A_2241 = arith.constant 48 : index
        %get3A_2242 = tpu.vector_load %arg12[%get3A_2240, %get3A_2241] {strides = array<i32>} : memref<128x64xi32, #tpu.memory_space<vmem>>, vector<16xi32>,
        %shift_left3A_2243 = arith.constant 16 : i32
        %shift_left3A_2244 = vector.broadcast %shift_left3A_2243 : i32 to vector<16xi32>
        %shift_left3A_2245 = arith.shli %get3A_2242, %shift_left3A_2244 : vector<16xi32>
        %bitcast3A_2246 = vector.bitcast %shift_left3A_2245 : vector<16xi32> to vector<16xf32>
        %and3A_2247 = arith.constant -65536 : i32
        %and3A_2248 = vector.broadcast %and3A_2247 : i32 to vector<16xi32>
        %and3A_2249 = arith.andi %get3A_2242, %and3A_2248 : vector<16xi32>
        %bitcast3A_2250 = vector.bitcast %and3A_2249 : vector<16xi32> to vector<16xf32>
        %mul3A_2251 = vector.broadcast %squeeze3A_2198 : f32 to vector<16xf32>
        %mul3A_2252 = arith.mulf %mul3A_2251, %bitcast3A_2246 : vector<16xf32>
        %add3A_2253 = arith.addf %add3A_2189, %mul3A_2252 : vector<16xf32>
        %mul3A_2254 = vector.broadcast %squeeze3A_2198 : f32 to vector<16xf32>
        %mul3A_2255 = arith.mulf %mul3A_2254, %bitcast3A_2250 : vector<16xf32>
        %add3A_2256 = arith.addf %add3A_2192, %mul3A_2255 : vector<16xf32>
        %mul3A_2257 = arith.constant 4 : i32
        %mul3A_2258 = arith.muli %mul3A_73, %mul3A_2257 : i32
        %add3A_2259 = arith.addi %mul3A_2258, %scan3A_185 : i32
        %swap3A_2260 = arith.index_cast %add3A_2259 : i32 to index
        %swap3A_2261 = arith.constant 0 : index
        %swap3A_2262 = tpu.vector_load %arg9[%swap3A_2260, %swap3A_2261] {strides = array<i32>} : memref<320x128xf32, #tpu.memory_space<vmem>>, vector<16xf32>,
        tpu.vector_store %arg9[%swap3A_2260, %swap3A_2261], %add3A_2207 {strides = array<i32>} : memref<320x128xf32, #tpu.memory_space<vmem>>, vector<16xf32>,
        %swap3A_2263 = arith.index_cast %add3A_2259 : i32 to index
        %swap3A_2264 = arith.constant 16 : index
        %swap3A_2265 = tpu.vector_load %arg9[%swap3A_2263, %swap3A_2264] {strides = array<i32>} : memref<320x128xf32, #tpu.memory_space<vmem>>, vector<16xf32>,
        tpu.vector_store %arg9[%swap3A_2263, %swap3A_2264], %add3A_2210 {strides = array<i32>} : memref<320x128xf32, #tpu.memory_space<vmem>>, vector<16xf32>,
        %swap3A_2266 = arith.index_cast %add3A_2259 : i32 to index
        %swap3A_2267 = arith.constant 32 : index
        %swap3A_2268 = tpu.vector_load %arg9[%swap3A_2266, %swap3A_2267] {strides = array<i32>} : memref<320x128xf32, #tpu.memory_space<vmem>>, vector<16xf32>,
        tpu.vector_store %arg9[%swap3A_2266, %swap3A_2267], %add3A_2224 {strides = array<i32>} : memref<320x128xf32, #tpu.memory_space<vmem>>, vector<16xf32>,
        %swap3A_2269 = arith.index_cast %add3A_2259 : i32 to index
        %swap3A_2270 = arith.constant 48 : index
        %swap3A_2271 = tpu.vector_load %arg9[%swap3A_2269, %swap3A_2270] {strides = array<i32>} : memref<320x128xf32, #tpu.memory_space<vmem>>, vector<16xf32>,
        tpu.vector_store %arg9[%swap3A_2269, %swap3A_2270], %add3A_2227 {strides = array<i32>} : memref<320x128xf32, #tpu.memory_space<vmem>>, vector<16xf32>,
        %swap3A_2272 = arith.index_cast %add3A_2259 : i32 to index
        %swap3A_2273 = arith.constant 64 : index
        %swap3A_2274 = tpu.vector_load %arg9[%swap3A_2272, %swap3A_2273] {strides = array<i32>} : memref<320x128xf32, #tpu.memory_space<vmem>>, vector<16xf32>,
        tpu.vector_store %arg9[%swap3A_2272, %swap3A_2273], %add3A_2236 {strides = array<i32>} : memref<320x128xf32, #tpu.memory_space<vmem>>, vector<16xf32>,
        %swap3A_2275 = arith.index_cast %add3A_2259 : i32 to index
        %swap3A_2276 = arith.constant 80 : index
        %swap3A_2277 = tpu.vector_load %arg9[%swap3A_2275, %swap3A_2276] {strides = array<i32>} : memref<320x128xf32, #tpu.memory_space<vmem>>, vector<16xf32>,
        tpu.vector_store %arg9[%swap3A_2275, %swap3A_2276], %add3A_2239 {strides = array<i32>} : memref<320x128xf32, #tpu.memory_space<vmem>>, vector<16xf32>,
        %swap3A_2278 = arith.index_cast %add3A_2259 : i32 to index
        %swap3A_2279 = arith.constant 96 : index
        %swap3A_2280 = tpu.vector_load %arg9[%swap3A_2278, %swap3A_2279] {strides = array<i32>} : memref<320x128xf32, #tpu.memory_space<vmem>>, vector<16xf32>,
        tpu.vector_store %arg9[%swap3A_2278, %swap3A_2279], %add3A_2253 {strides = array<i32>} : memref<320x128xf32, #tpu.memory_space<vmem>>, vector<16xf32>,
        %swap3A_2281 = arith.index_cast %add3A_2259 : i32 to index
        %swap3A_2282 = arith.constant 112 : index
        %swap3A_2283 = tpu.vector_load %arg9[%swap3A_2281, %swap3A_2282] {strides = array<i32>} : memref<320x128xf32, #tpu.memory_space<vmem>>, vector<16xf32>,
        tpu.vector_store %arg9[%swap3A_2281, %swap3A_2282], %add3A_2256 {strides = array<i32>} : memref<320x128xf32, #tpu.memory_space<vmem>>, vector<16xf32>,
      }
      %scan3A_127 = arith.constant 4 : i32
      %add3A_128 = arith.constant 2 : i32
      %add3A_129 = arith.addi %mul3A_73, %add3A_128 : i32
      %min3A = arith.constant 79 : i32
      %min3A_130 = arith.minsi %add3A_129, %min3A : i32
      %get3A_131 = arith.index_cast %min3A_130 : i32 to index
      %get3A_132 = arith.constant 0 : index
      %get3A_133 = tpu.vector_load %arg7[%get3A_131, %get3A_132] {strides = array<i32>} : memref<80x128xi32, #tpu.memory_space<vmem>>, vector<16xi32>,
      %swap3A_134 = arith.constant 0 : index
      %swap3A_135 = tpu.vector_load %arg10[%swap3A_134] {strides = array<i32>} : memref<128xi32, #tpu.memory_space<vmem>>, vector<16xi32>,
      tpu.vector_store %arg10[%swap3A_134], %get3A_133 {strides = array<i32>} : memref<128xi32, #tpu.memory_space<vmem>>, vector<16xi32>,
      %get3A_136 = arith.index_cast %min3A_130 : i32 to index
      %get3A_137 = arith.constant 16 : index
      %get3A_138 = tpu.vector_load %arg7[%get3A_136, %get3A_137] {strides = array<i32>} : memref<80x128xi32, #tpu.memory_space<vmem>>, vector<16xi32>,
      %swap3A_139 = arith.constant 16 : index
      %swap3A_140 = tpu.vector_load %arg10[%swap3A_139] {strides = array<i32>} : memref<128xi32, #tpu.memory_space<vmem>>, vector<16xi32>,
      tpu.vector_store %arg10[%swap3A_139], %get3A_138 {strides = array<i32>} : memref<128xi32, #tpu.memory_space<vmem>>, vector<16xi32>,
      %get3A_141 = arith.index_cast %min3A_130 : i32 to index
      %get3A_142 = arith.constant 32 : index
      %get3A_143 = tpu.vector_load %arg7[%get3A_141, %get3A_142] {strides = array<i32>} : memref<80x128xi32, #tpu.memory_space<vmem>>, vector<16xi32>,
      %swap3A_144 = arith.constant 32 : index
      %swap3A_145 = tpu.vector_load %arg10[%swap3A_144] {strides = array<i32>} : memref<128xi32, #tpu.memory_space<vmem>>, vector<16xi32>,
      tpu.vector_store %arg10[%swap3A_144], %get3A_143 {strides = array<i32>} : memref<128xi32, #tpu.memory_space<vmem>>, vector<16xi32>,
      %get3A_146 = arith.index_cast %min3A_130 : i32 to index
      %get3A_147 = arith.constant 48 : index
      %get3A_148 = tpu.vector_load %arg7[%get3A_146, %get3A_147] {strides = array<i32>} : memref<80x128xi32, #tpu.memory_space<vmem>>, vector<16xi32>,
      %swap3A_149 = arith.constant 48 : index
      %swap3A_150 = tpu.vector_load %arg10[%swap3A_149] {strides = array<i32>} : memref<128xi32, #tpu.memory_space<vmem>>, vector<16xi32>,
      tpu.vector_store %arg10[%swap3A_149], %get3A_148 {strides = array<i32>} : memref<128xi32, #tpu.memory_space<vmem>>, vector<16xi32>,
      %get3A_151 = arith.index_cast %min3A_130 : i32 to index
      %get3A_152 = arith.constant 64 : index
      %get3A_153 = tpu.vector_load %arg7[%get3A_151, %get3A_152] {strides = array<i32>} : memref<80x128xi32, #tpu.memory_space<vmem>>, vector<16xi32>,
      %swap3A_154 = arith.constant 64 : index
      %swap3A_155 = tpu.vector_load %arg10[%swap3A_154] {strides = array<i32>} : memref<128xi32, #tpu.memory_space<vmem>>, vector<16xi32>,
      tpu.vector_store %arg10[%swap3A_154], %get3A_153 {strides = array<i32>} : memref<128xi32, #tpu.memory_space<vmem>>, vector<16xi32>,
      %get3A_156 = arith.index_cast %min3A_130 : i32 to index
      %get3A_157 = arith.constant 80 : index
      %get3A_158 = tpu.vector_load %arg7[%get3A_156, %get3A_157] {strides = array<i32>} : memref<80x128xi32, #tpu.memory_space<vmem>>, vector<16xi32>,
      %swap3A_159 = arith.constant 80 : index
      %swap3A_160 = tpu.vector_load %arg10[%swap3A_159] {strides = array<i32>} : memref<128xi32, #tpu.memory_space<vmem>>, vector<16xi32>,
      tpu.vector_store %arg10[%swap3A_159], %get3A_158 {strides = array<i32>} : memref<128xi32, #tpu.memory_space<vmem>>, vector<16xi32>,
      %get3A_161 = arith.index_cast %min3A_130 : i32 to index
      %get3A_162 = arith.constant 96 : index
      %get3A_163 = tpu.vector_load %arg7[%get3A_161, %get3A_162] {strides = array<i32>} : memref<80x128xi32, #tpu.memory_space<vmem>>, vector<16xi32>,
      %swap3A_164 = arith.constant 96 : index
      %swap3A_165 = tpu.vector_load %arg10[%swap3A_164] {strides = array<i32>} : memref<128xi32, #tpu.memory_space<vmem>>, vector<16xi32>,
      tpu.vector_store %arg10[%swap3A_164], %get3A_163 {strides = array<i32>} : memref<128xi32, #tpu.memory_space<vmem>>, vector<16xi32>,
      %get3A_166 = arith.index_cast %min3A_130 : i32 to index
      %get3A_167 = arith.constant 112 : index
      %get3A_168 = tpu.vector_load %arg7[%get3A_166, %get3A_167] {strides = array<i32>} : memref<80x128xi32, #tpu.memory_space<vmem>>, vector<16xi32>,
      %swap3A_169 = arith.constant 112 : index
      %swap3A_170 = tpu.vector_load %arg10[%swap3A_169] {strides = array<i32>} : memref<128xi32, #tpu.memory_space<vmem>>, vector<16xi32>,
      tpu.vector_store %arg10[%swap3A_169], %get3A_168 {strides = array<i32>} : memref<128xi32, #tpu.memory_space<vmem>>, vector<16xi32>,
      %dma_start3A_171 = arith.constant 0 : i32
      %dma_start3A_172 = arith.constant 0 : i32
      %dma_start3A_173 = tpu.memref_slice %arg6[%dma_start3A_171, %dma_start3A_172] : memref<10000x64xi32, #tpu.memory_space<vmem_shared>> -> memref<10000x64xi32, #tpu.memory_space<vmem_shared>>
      tpu.enqueue_indirect_dma source(%dma_start3A_173 : memref<10000x64xi32, #tpu.memory_space<vmem_shared>>) target(%arg12 : memref<128x64xi32, #tpu.memory_space<vmem>>) offsets(%arg10 : memref<128xi32, #tpu.memory_space<vmem>>) semaphore(%arg14 : memref<!tpu.dma_semaphore, #tpu.memory_space<semaphore_mem>>)
      %dma_wait3A_174 = arith.constant 0 : i32
      %dma_wait3A_175 = arith.constant 0 : i32
      %dma_wait3A_176 = tpu.memref_slice %arg6[%dma_wait3A_174, %dma_wait3A_175] : memref<10000x64xi32, #tpu.memory_space<vmem_shared>> -> memref<10000x64xi32, #tpu.memory_space<vmem_shared>>
      tpu.wait_indirect_dma semaphore(%arg15 : memref<!tpu.dma_semaphore, #tpu.memory_space<semaphore_mem>>) src(%dma_wait3A_176 : memref<10000x64xi32, #tpu.memory_space<vmem_shared>>) dst(%arg13 : memref<128x64xi32, #tpu.memory_space<vmem>>)
      %add3A_177 = arith.constant 1 : i32
      %add3A_178 = arith.addi %mul3A_73, %add3A_177 : i32
      %scan3A_179 = arith.constant 0 : i32
      %scan3A_180 = arith.constant 0 : i32
      %scan3A_181 = arith.constant 4 : i32
      %scan3A_182 = arith.addi %scan3A_180, %scan3A_181 : i32
      %scan3A_183 = arith.constant 1 : i32
      scf.for %scan3A_185 = %scan3A_180 to %scan3A_182 step %scan3A_183  : i32 {
        %broadcast_in_dim3A = arith.constant 0.000000e+00 : f32
        %broadcast_in_dim3A_186 = vector.broadcast %broadcast_in_dim3A : f32 to vector<16xf32>
        %broadcast_in_dim3A_187 = arith.constant 0.000000e+00 : f32
        %broadcast_in_dim3A_188 = vector.broadcast %broadcast_in_dim3A_187 : f32 to vector<16xf32>
        %broadcast_in_dim3A_189 = arith.constant 0.000000e+00 : f32
        %broadcast_in_dim3A_190 = vector.broadcast %broadcast_in_dim3A_189 : f32 to vector<16xf32>
        %broadcast_in_dim3A_191 = arith.constant 0.000000e+00 : f32
        %broadcast_in_dim3A_192 = vector.broadcast %broadcast_in_dim3A_191 : f32 to vector<16xf32>
        %broadcast_in_dim3A_193 = arith.constant 0.000000e+00 : f32
        %broadcast_in_dim3A_194 = vector.broadcast %broadcast_in_dim3A_193 : f32 to vector<16xf32>
        %broadcast_in_dim3A_195 = arith.constant 0.000000e+00 : f32
        %broadcast_in_dim3A_196 = vector.broadcast %broadcast_in_dim3A_195 : f32 to vector<16xf32>
        %broadcast_in_dim3A_197 = arith.constant 0.000000e+00 : f32
        %broadcast_in_dim3A_198 = vector.broadcast %broadcast_in_dim3A_197 : f32 to vector<16xf32>
        %broadcast_in_dim3A_199 = arith.constant 0.000000e+00 : f32
        %broadcast_in_dim3A_200 = vector.broadcast %broadcast_in_dim3A_199 : f32 to vector<16xf32>
        %mul3A_201 = arith.constant 32 : i32
        %mul3A_202 = arith.muli %scan3A_185, %mul3A_201 : i32
        %add3A_203 = arith.constant 0 : i32
        %add3A_204 = arith.addi %mul3A_202, %add3A_203 : i32
        %get3A_205 = arith.index_cast %add3A_178 : i32 to index
        %get3A_206 = arith.index_cast %add3A_204 : i32 to index
        %get3A_207 = tpu.vector_load %arg8[%get3A_205, %get3A_206] {strides = array<i32>} : memref<80x128xf32, #tpu.memory_space<vmem>>, vector<16xf32>,
        %mul3A_208 = arith.constant 32 : i32
        %mul3A_209 = arith.muli %scan3A_185, %mul3A_208 : i32
        %add3A_210 = arith.constant 16 : i32
        %add3A_211 = arith.addi %mul3A_209, %add3A_210 : i32
        %get3A_212 = arith.index_cast %add3A_178 : i32 to index
        %get3A_213 = arith.index_cast %add3A_211 : i32 to index
        %get3A_214 = tpu.vector_load %arg8[%get3A_212, %get3A_213] {strides = array<i32>} : memref<80x128xf32, #tpu.memory_space<vmem>>, vector<16xf32>,
        %mul3A_215 = arith.constant 32 : i32
        %mul3A_216 = arith.muli %scan3A_185, %mul3A_215 : i32
        %add3A_217 = arith.constant 0 : i32
        %add3A_218 = arith.addi %mul3A_216, %add3A_217 : i32
        %slice3A = vector.extract_strided_slice %get3A_207 {offsets = [0], sizes = [1], strides = [1]} : vector<16xf32> to vector<1xf32>
        %squeeze3A = vector.extract %slice3A[0] : f32 from vector<1xf32>
        %get3A_219 = arith.index_cast %add3A_218 : i32 to index
        %get3A_220 = arith.constant 0 : index
        %get3A_221 = tpu.vector_load %arg13[%get3A_219, %get3A_220] {strides = array<i32>} : memref<128x64xi32, #tpu.memory_space<vmem>>, vector<16xi32>,
        %bitcast3A = vector.bitcast %get3A_221 : vector<16xi32> to vector<32xbf16>
        %unpack3A = tpu.unpack_subelements %bitcast3A, 0 {pack_format = #tpu.pack_format<interleaved>} : vector<32xbf16> -> vector<16xf32>
        %unpack3A_222 = tpu.unpack_subelements %bitcast3A, 1 {pack_format = #tpu.pack_format<interleaved>} : vector<32xbf16> -> vector<16xf32>
        %mul3A_223 = vector.broadcast %squeeze3A : f32 to vector<16xf32>
        %mul3A_224 = arith.mulf %mul3A_223, %unpack3A : vector<16xf32>
        %add3A_225 = arith.addf %broadcast_in_dim3A_186, %mul3A_224 : vector<16xf32>
        %mul3A_226 = vector.broadcast %squeeze3A : f32 to vector<16xf32>
        %mul3A_227 = arith.mulf %mul3A_226, %unpack3A_222 : vector<16xf32>
        %add3A_228 = arith.addf %broadcast_in_dim3A_188, %mul3A_227 : vector<16xf32>
        %get3A_229 = arith.index_cast %add3A_218 : i32 to index
        %get3A_230 = arith.constant 16 : index
        %get3A_231 = tpu.vector_load %arg13[%get3A_229, %get3A_230] {strides = array<i32>} : memref<128x64xi32, #tpu.memory_space<vmem>>, vector<16xi32>,
        %shift_left3A = arith.constant 16 : i32
        %shift_left3A_232 = vector.broadcast %shift_left3A : i32 to vector<16xi32>
        %shift_left3A_233 = arith.shli %get3A_231, %shift_left3A_232 : vector<16xi32>
        %bitcast3A_234 = vector.bitcast %shift_left3A_233 : vector<16xi32> to vector<16xf32>
        %and3A = arith.constant -65536 : i32
        %and3A_235 = vector.broadcast %and3A : i32 to vector<16xi32>
        %and3A_236 = arith.andi %get3A_231, %and3A_235 : vector<16xi32>
        %bitcast3A_237 = vector.bitcast %and3A_236 : vector<16xi32> to vector<16xf32>
        %mul3A_238 = vector.broadcast %squeeze3A : f32 to vector<16xf32>
        %mul3A_239 = arith.mulf %mul3A_238, %bitcast3A_234 : vector<16xf32>
        %add3A_240 = arith.addf %broadcast_in_dim3A_190, %mul3A_239 : vector<16xf32>
        %mul3A_241 = vector.broadcast %squeeze3A : f32 to vector<16xf32>
        %mul3A_242 = arith.mulf %mul3A_241, %bitcast3A_237 : vector<16xf32>
        %add3A_243 = arith.addf %broadcast_in_dim3A_192, %mul3A_242 : vector<16xf32>
        %get3A_244 = arith.index_cast %add3A_218 : i32 to index
        %get3A_245 = arith.constant 32 : index
        %get3A_246 = tpu.vector_load %arg13[%get3A_244, %get3A_245] {strides = array<i32>} : memref<128x64xi32, #tpu.memory_space<vmem>>, vector<16xi32>,
        %bitcast3A_247 = vector.bitcast %get3A_246 : vector<16xi32> to vector<32xbf16>
        %unpack3A_248 = tpu.unpack_subelements %bitcast3A_247, 0 {pack_format = #tpu.pack_format<interleaved>} : vector<32xbf16> -> vector<16xf32>
        %unpack3A_249 = tpu.unpack_subelements %bitcast3A_247, 1 {pack_format = #tpu.pack_format<interleaved>} : vector<32xbf16> -> vector<16xf32>
        %mul3A_250 = vector.broadcast %squeeze3A : f32 to vector<16xf32>
        %mul3A_251 = arith.mulf %mul3A_250, %unpack3A_248 : vector<16xf32>
        %add3A_252 = arith.addf %broadcast_in_dim3A_194, %mul3A_251 : vector<16xf32>
        %mul3A_253 = vector.broadcast %squeeze3A : f32 to vector<16xf32>
        %mul3A_254 = arith.mulf %mul3A_253, %unpack3A_249 : vector<16xf32>
        %add3A_255 = arith.addf %broadcast_in_dim3A_196, %mul3A_254 : vector<16xf32>
        %get3A_256 = arith.index_cast %add3A_218 : i32 to index
        %get3A_257 = arith.constant 48 : index
        %get3A_258 = tpu.vector_load %arg13[%get3A_256, %get3A_257] {strides = array<i32>} : memref<128x64xi32, #tpu.memory_space<vmem>>, vector<16xi32>,
        %shift_left3A_259 = arith.constant 16 : i32
        %shift_left3A_260 = vector.broadcast %shift_left3A_259 : i32 to vector<16xi32>
        %shift_left3A_261 = arith.shli %get3A_258, %shift_left3A_260 : vector<16xi32>
        %bitcast3A_262 = vector.bitcast %shift_left3A_261 : vector<16xi32> to vector<16xf32>
        %and3A_263 = arith.constant -65536 : i32
        %and3A_264 = vector.broadcast %and3A_263 : i32 to vector<16xi32>
        %and3A_265 = arith.andi %get3A_258, %and3A_264 : vector<16xi32>
        %bitcast3A_266 = vector.bitcast %and3A_265 : vector<16xi32> to vector<16xf32>
        %mul3A_267 = vector.broadcast %squeeze3A : f32 to vector<16xf32>
        %mul3A_268 = arith.mulf %mul3A_267, %bitcast3A_262 : vector<16xf32>
        %add3A_269 = arith.addf %broadcast_in_dim3A_198, %mul3A_268 : vector<16xf32>
        %mul3A_270 = vector.broadcast %squeeze3A : f32 to vector<16xf32>
        %mul3A_271 = arith.mulf %mul3A_270, %bitcast3A_266 : vector<16xf32>
        %add3A_272 = arith.addf %broadcast_in_dim3A_200, %mul3A_271 : vector<16xf32>
        %mul3A_273 = arith.constant 32 : i32
        %mul3A_274 = arith.muli %scan3A_185, %mul3A_273 : i32
        %add3A_275 = arith.constant 1 : i32
        %add3A_276 = arith.addi %mul3A_274, %add3A_275 : i32
        %slice3A_277 = vector.extract_strided_slice %get3A_207 {offsets = [1], sizes = [1], strides = [1]} : vector<16xf32> to vector<1xf32>
        %squeeze3A_278 = vector.extract %slice3A_277[0] : f32 from vector<1xf32>
        %get3A_279 = arith.index_cast %add3A_276 : i32 to index
        %get3A_280 = arith.constant 0 : index
        %get3A_281 = tpu.vector_load %arg13[%get3A_279, %get3A_280] {strides = array<i32>} : memref<128x64xi32, #tpu.memory_space<vmem>>, vector<16xi32>,
        %bitcast3A_282 = vector.bitcast %get3A_281 : vector<16xi32> to vector<32xbf16>
        %unpack3A_283 = tpu.unpack_subelements %bitcast3A_282, 0 {pack_format = #tpu.pack_format<interleaved>} : vector<32xbf16> -> vector<16xf32>
        %unpack3A_284 = tpu.unpack_subelements %bitcast3A_282, 1 {pack_format = #tpu.pack_format<interleaved>} : vector<32xbf16> -> vector<16xf32>
        %mul3A_285 = vector.broadcast %squeeze3A_278 : f32 to vector<16xf32>
        %mul3A_286 = arith.mulf %mul3A_285, %unpack3A_283 : vector<16xf32>
        %add3A_287 = arith.addf %add3A_225, %mul3A_286 : vector<16xf32>
        %mul3A_288 = vector.broadcast %squeeze3A_278 : f32 to vector<16xf32>
        %mul3A_289 = arith.mulf %mul3A_288, %unpack3A_284 : vector<16xf32>
        %add3A_290 = arith.addf %add3A_228, %mul3A_289 : vector<16xf32>
        %get3A_291 = arith.index_cast %add3A_276 : i32 to index
        %get3A_292 = arith.constant 16 : index
        %get3A_293 = tpu.vector_load %arg13[%get3A_291, %get3A_292] {strides = array<i32>} : memref<128x64xi32, #tpu.memory_space<vmem>>, vector<16xi32>,
        %shift_left3A_294 = arith.constant 16 : i32
        %shift_left3A_295 = vector.broadcast %shift_left3A_294 : i32 to vector<16xi32>
        %shift_left3A_296 = arith.shli %get3A_293, %shift_left3A_295 : vector<16xi32>
        %bitcast3A_297 = vector.bitcast %shift_left3A_296 : vector<16xi32> to vector<16xf32>
        %and3A_298 = arith.constant -65536 : i32
        %and3A_299 = vector.broadcast %and3A_298 : i32 to vector<16xi32>
        %and3A_300 = arith.andi %get3A_293, %and3A_299 : vector<16xi32>
        %bitcast3A_301 = vector.bitcast %and3A_300 : vector<16xi32> to vector<16xf32>
        %mul3A_302 = vector.broadcast %squeeze3A_278 : f32 to vector<16xf32>
        %mul3A_303 = arith.mulf %mul3A_302, %bitcast3A_297 : vector<16xf32>
        %add3A_304 = arith.addf %add3A_240, %mul3A_303 : vector<16xf32>
        %mul3A_305 = vector.broadcast %squeeze3A_278 : f32 to vector<16xf32>
        %mul3A_306 = arith.mulf %mul3A_305, %bitcast3A_301 : vector<16xf32>
        %add3A_307 = arith.addf %add3A_243, %mul3A_306 : vector<16xf32>
        %get3A_308 = arith.index_cast %add3A_276 : i32 to index
        %get3A_309 = arith.constant 32 : index
        %get3A_310 = tpu.vector_load %arg13[%get3A_308, %get3A_309] {strides = array<i32>} : memref<128x64xi32, #tpu.memory_space<vmem>>, vector<16xi32>,
        %bitcast3A_311 = vector.bitcast %get3A_310 : vector<16xi32> to vector<32xbf16>
        %unpack3A_312 = tpu.unpack_subelements %bitcast3A_311, 0 {pack_format = #tpu.pack_format<interleaved>} : vector<32xbf16> -> vector<16xf32>
        %unpack3A_313 = tpu.unpack_subelements %bitcast3A_311, 1 {pack_format = #tpu.pack_format<interleaved>} : vector<32xbf16> -> vector<16xf32>
        %mul3A_314 = vector.broadcast %squeeze3A_278 : f32 to vector<16xf32>
        %mul3A_315 = arith.mulf %mul3A_314, %unpack3A_312 : vector<16xf32>
        %add3A_316 = arith.addf %add3A_252, %mul3A_315 : vector<16xf32>
        %mul3A_317 = vector.broadcast %squeeze3A_278 : f32 to vector<16xf32>
        %mul3A_318 = arith.mulf %mul3A_317, %unpack3A_313 : vector<16xf32>
        %add3A_319 = arith.addf %add3A_255, %mul3A_318 : vector<16xf32>
        %get3A_320 = arith.index_cast %add3A_276 : i32 to index
        %get3A_321 = arith.constant 48 : index
        %get3A_322 = tpu.vector_load %arg13[%get3A_320, %get3A_321] {strides = array<i32>} : memref<128x64xi32, #tpu.memory_space<vmem>>, vector<16xi32>,
        %shift_left3A_323 = arith.constant 16 : i32
        %shift_left3A_324 = vector.broadcast %shift_left3A_323 : i32 to vector<16xi32>
        %shift_left3A_325 = arith.shli %get3A_322, %shift_left3A_324 : vector<16xi32>
        %bitcast3A_326 = vector.bitcast %shift_left3A_325 : vector<16xi32> to vector<16xf32>
        %and3A_327 = arith.constant -65536 : i32
        %and3A_328 = vector.broadcast %and3A_327 : i32 to vector<16xi32>
        %and3A_329 = arith.andi %get3A_322, %and3A_328 : vector<16xi32>
        %bitcast3A_330 = vector.bitcast %and3A_329 : vector<16xi32> to vector<16xf32>
        %mul3A_331 = vector.broadcast %squeeze3A_278 : f32 to vector<16xf32>
        %mul3A_332 = arith.mulf %mul3A_331, %bitcast3A_326 : vector<16xf32>
        %add3A_333 = arith.addf %add3A_269, %mul3A_332 : vector<16xf32>
        %mul3A_334 = vector.broadcast %squeeze3A_278 : f32 to vector<16xf32>
        %mul3A_335 = arith.mulf %mul3A_334, %bitcast3A_330 : vector<16xf32>
        %add3A_336 = arith.addf %add3A_272, %mul3A_335 : vector<16xf32>
        %mul3A_337 = arith.constant 32 : i32
        %mul3A_338 = arith.muli %scan3A_185, %mul3A_337 : i32
        %add3A_339 = arith.constant 2 : i32
        %add3A_340 = arith.addi %mul3A_338, %add3A_339 : i32
        %slice3A_341 = vector.extract_strided_slice %get3A_207 {offsets = [2], sizes = [1], strides = [1]} : vector<16xf32> to vector<1xf32>
        %squeeze3A_342 = vector.extract %slice3A_341[0] : f32 from vector<1xf32>
        %get3A_343 = arith.index_cast %add3A_340 : i32 to index
        %get3A_344 = arith.constant 0 : index
        %get3A_345 = tpu.vector_load %arg13[%get3A_343, %get3A_344] {strides = array<i32>} : memref<128x64xi32, #tpu.memory_space<vmem>>, vector<16xi32>,
        %bitcast3A_346 = vector.bitcast %get3A_345 : vector<16xi32> to vector<32xbf16>
        %unpack3A_347 = tpu.unpack_subelements %bitcast3A_346, 0 {pack_format = #tpu.pack_format<interleaved>} : vector<32xbf16> -> vector<16xf32>
        %unpack3A_348 = tpu.unpack_subelements %bitcast3A_346, 1 {pack_format = #tpu.pack_format<interleaved>} : vector<32xbf16> -> vector<16xf32>
        %mul3A_349 = vector.broadcast %squeeze3A_342 : f32 to vector<16xf32>
        %mul3A_350 = arith.mulf %mul3A_349, %unpack3A_347 : vector<16xf32>
        %add3A_351 = arith.addf %add3A_287, %mul3A_350 : vector<16xf32>
        %mul3A_352 = vector.broadcast %squeeze3A_342 : f32 to vector<16xf32>
        %mul3A_353 = arith.mulf %mul3A_352, %unpack3A_348 : vector<16xf32>
        %add3A_354 = arith.addf %add3A_290, %mul3A_353 : vector<16xf32>
        %get3A_355 = arith.index_cast %add3A_340 : i32 to index
        %get3A_356 = arith.constant 16 : index
        %get3A_357 = tpu.vector_load %arg13[%get3A_355, %get3A_356] {strides = array<i32>} : memref<128x64xi32, #tpu.memory_space<vmem>>, vector<16xi32>,
        %shift_left3A_358 = arith.constant 16 : i32
        %shift_left3A_359 = vector.broadcast %shift_left3A_358 : i32 to vector<16xi32>
        %shift_left3A_360 = arith.shli %get3A_357, %shift_left3A_359 : vector<16xi32>
        %bitcast3A_361 = vector.bitcast %shift_left3A_360 : vector<16xi32> to vector<16xf32>
        %and3A_362 = arith.constant -65536 : i32
        %and3A_363 = vector.broadcast %and3A_362 : i32 to vector<16xi32>
        %and3A_364 = arith.andi %get3A_357, %and3A_363 : vector<16xi32>
        %bitcast3A_365 = vector.bitcast %and3A_364 : vector<16xi32> to vector<16xf32>
        %mul3A_366 = vector.broadcast %squeeze3A_342 : f32 to vector<16xf32>
        %mul3A_367 = arith.mulf %mul3A_366, %bitcast3A_361 : vector<16xf32>
        %add3A_368 = arith.addf %add3A_304, %mul3A_367 : vector<16xf32>
        %mul3A_369 = vector.broadcast %squeeze3A_342 : f32 to vector<16xf32>
        %mul3A_370 = arith.mulf %mul3A_369, %bitcast3A_365 : vector<16xf32>
        %add3A_371 = arith.addf %add3A_307, %mul3A_370 : vector<16xf32>
        %get3A_372 = arith.index_cast %add3A_340 : i32 to index
        %get3A_373 = arith.constant 32 : index
        %get3A_374 = tpu.vector_load %arg13[%get3A_372, %get3A_373] {strides = array<i32>} : memref<128x64xi32, #tpu.memory_space<vmem>>, vector<16xi32>,
        %bitcast3A_375 = vector.bitcast %get3A_374 : vector<16xi32> to vector<32xbf16>
        %unpack3A_376 = tpu.unpack_subelements %bitcast3A_375, 0 {pack_format = #tpu.pack_format<interleaved>} : vector<32xbf16> -> vector<16xf32>
        %unpack3A_377 = tpu.unpack_subelements %bitcast3A_375, 1 {pack_format = #tpu.pack_format<interleaved>} : vector<32xbf16> -> vector<16xf32>
        %mul3A_378 = vector.broadcast %squeeze3A_342 : f32 to vector<16xf32>
        %mul3A_379 = arith.mulf %mul3A_378, %unpack3A_376 : vector<16xf32>
        %add3A_380 = arith.addf %add3A_316, %mul3A_379 : vector<16xf32>
        %mul3A_381 = vector.broadcast %squeeze3A_342 : f32 to vector<16xf32>
        %mul3A_382 = arith.mulf %mul3A_381, %unpack3A_377 : vector<16xf32>
        %add3A_383 = arith.addf %add3A_319, %mul3A_382 : vector<16xf32>
        %get3A_384 = arith.index_cast %add3A_340 : i32 to index
        %get3A_385 = arith.constant 48 : index
        %get3A_386 = tpu.vector_load %arg13[%get3A_384, %get3A_385] {strides = array<i32>} : memref<128x64xi32, #tpu.memory_space<vmem>>, vector<16xi32>,
        %shift_left3A_387 = arith.constant 16 : i32
        %shift_left3A_388 = vector.broadcast %shift_left3A_387 : i32 to vector<16xi32>
        %shift_left3A_389 = arith.shli %get3A_386, %shift_left3A_388 : vector<16xi32>
        %bitcast3A_390 = vector.bitcast %shift_left3A_389 : vector<16xi32> to vector<16xf32>
        %and3A_391 = arith.constant -65536 : i32
        %and3A_392 = vector.broadcast %and3A_391 : i32 to vector<16xi32>
        %and3A_393 = arith.andi %get3A_386, %and3A_392 : vector<16xi32>
        %bitcast3A_394 = vector.bitcast %and3A_393 : vector<16xi32> to vector<16xf32>
        %mul3A_395 = vector.broadcast %squeeze3A_342 : f32 to vector<16xf32>
        %mul3A_396 = arith.mulf %mul3A_395, %bitcast3A_390 : vector<16xf32>
        %add3A_397 = arith.addf %add3A_333, %mul3A_396 : vector<16xf32>
        %mul3A_398 = vector.broadcast %squeeze3A_342 : f32 to vector<16xf32>
        %mul3A_399 = arith.mulf %mul3A_398, %bitcast3A_394 : vector<16xf32>
        %add3A_400 = arith.addf %add3A_336, %mul3A_399 : vector<16xf32>
        %mul3A_401 = arith.constant 32 : i32
        %mul3A_402 = arith.muli %scan3A_185, %mul3A_401 : i32
        %add3A_403 = arith.constant 3 : i32
        %add3A_404 = arith.addi %mul3A_402, %add3A_403 : i32
        %slice3A_405 = vector.extract_strided_slice %get3A_207 {offsets = [3], sizes = [1], strides = [1]} : vector<16xf32> to vector<1xf32>
        %squeeze3A_406 = vector.extract %slice3A_405[0] : f32 from vector<1xf32>
        %get3A_407 = arith.index_cast %add3A_404 : i32 to index
        %get3A_408 = arith.constant 0 : index
        %get3A_409 = tpu.vector_load %arg13[%get3A_407, %get3A_408] {strides = array<i32>} : memref<128x64xi32, #tpu.memory_space<vmem>>, vector<16xi32>,
        %bitcast3A_410 = vector.bitcast %get3A_409 : vector<16xi32> to vector<32xbf16>
        %unpack3A_411 = tpu.unpack_subelements %bitcast3A_410, 0 {pack_format = #tpu.pack_format<interleaved>} : vector<32xbf16> -> vector<16xf32>
        %unpack3A_412 = tpu.unpack_subelements %bitcast3A_410, 1 {pack_format = #tpu.pack_format<interleaved>} : vector<32xbf16> -> vector<16xf32>
        %mul3A_413 = vector.broadcast %squeeze3A_406 : f32 to vector<16xf32>
        %mul3A_414 = arith.mulf %mul3A_413, %unpack3A_411 : vector<16xf32>
        %add3A_415 = arith.addf %add3A_351, %mul3A_414 : vector<16xf32>
        %mul3A_416 = vector.broadcast %squeeze3A_406 : f32 to vector<16xf32>
        %mul3A_417 = arith.mulf %mul3A_416, %unpack3A_412 : vector<16xf32>
        %add3A_418 = arith.addf %add3A_354, %mul3A_417 : vector<16xf32>
        %get3A_419 = arith.index_cast %add3A_404 : i32 to index
        %get3A_420 = arith.constant 16 : index
        %get3A_421 = tpu.vector_load %arg13[%get3A_419, %get3A_420] {strides = array<i32>} : memref<128x64xi32, #tpu.memory_space<vmem>>, vector<16xi32>,
        %shift_left3A_422 = arith.constant 16 : i32
        %shift_left3A_423 = vector.broadcast %shift_left3A_422 : i32 to vector<16xi32>
        %shift_left3A_424 = arith.shli %get3A_421, %shift_left3A_423 : vector<16xi32>
        %bitcast3A_425 = vector.bitcast %shift_left3A_424 : vector<16xi32> to vector<16xf32>
        %and3A_426 = arith.constant -65536 : i32
        %and3A_427 = vector.broadcast %and3A_426 : i32 to vector<16xi32>
        %and3A_428 = arith.andi %get3A_421, %and3A_427 : vector<16xi32>
        %bitcast3A_429 = vector.bitcast %and3A_428 : vector<16xi32> to vector<16xf32>
        %mul3A_430 = vector.broadcast %squeeze3A_406 : f32 to vector<16xf32>
        %mul3A_431 = arith.mulf %mul3A_430, %bitcast3A_425 : vector<16xf32>
        %add3A_432 = arith.addf %add3A_368, %mul3A_431 : vector<16xf32>
        %mul3A_433 = vector.broadcast %squeeze3A_406 : f32 to vector<16xf32>
        %mul3A_434 = arith.mulf %mul3A_433, %bitcast3A_429 : vector<16xf32>
        %add3A_435 = arith.addf %add3A_371, %mul3A_434 : vector<16xf32>
        %get3A_436 = arith.index_cast %add3A_404 : i32 to index
        %get3A_437 = arith.constant 32 : index
        %get3A_438 = tpu.vector_load %arg13[%get3A_436, %get3A_437] {strides = array<i32>} : memref<128x64xi32, #tpu.memory_space<vmem>>, vector<16xi32>,
        %bitcast3A_439 = vector.bitcast %get3A_438 : vector<16xi32> to vector<32xbf16>
        %unpack3A_440 = tpu.unpack_subelements %bitcast3A_439, 0 {pack_format = #tpu.pack_format<interleaved>} : vector<32xbf16> -> vector<16xf32>
        %unpack3A_441 = tpu.unpack_subelements %bitcast3A_439, 1 {pack_format = #tpu.pack_format<interleaved>} : vector<32xbf16> -> vector<16xf32>
        %mul3A_442 = vector.broadcast %squeeze3A_406 : f32 to vector<16xf32>
        %mul3A_443 = arith.mulf %mul3A_442, %unpack3A_440 : vector<16xf32>
        %add3A_444 = arith.addf %add3A_380, %mul3A_443 : vector<16xf32>
        %mul3A_445 = vector.broadcast %squeeze3A_406 : f32 to vector<16xf32>
        %mul3A_446 = arith.mulf %mul3A_445, %unpack3A_441 : vector<16xf32>
        %add3A_447 = arith.addf %add3A_383, %mul3A_446 : vector<16xf32>
        %get3A_448 = arith.index_cast %add3A_404 : i32 to index
        %get3A_449 = arith.constant 48 : index
        %get3A_450 = tpu.vector_load %arg13[%get3A_448, %get3A_449] {strides = array<i32>} : memref<128x64xi32, #tpu.memory_space<vmem>>, vector<16xi32>,
        %shift_left3A_451 = arith.constant 16 : i32
        %shift_left3A_452 = vector.broadcast %shift_left3A_451 : i32 to vector<16xi32>
        %shift_left3A_453 = arith.shli %get3A_450, %shift_left3A_452 : vector<16xi32>
        %bitcast3A_454 = vector.bitcast %shift_left3A_453 : vector<16xi32> to vector<16xf32>
        %and3A_455 = arith.constant -65536 : i32
        %and3A_456 = vector.broadcast %and3A_455 : i32 to vector<16xi32>
        %and3A_457 = arith.andi %get3A_450, %and3A_456 : vector<16xi32>
        %bitcast3A_458 = vector.bitcast %and3A_457 : vector<16xi32> to vector<16xf32>
        %mul3A_459 = vector.broadcast %squeeze3A_406 : f32 to vector<16xf32>
        %mul3A_460 = arith.mulf %mul3A_459, %bitcast3A_454 : vector<16xf32>
        %add3A_461 = arith.addf %add3A_397, %mul3A_460 : vector<16xf32>
        %mul3A_462 = vector.broadcast %squeeze3A_406 : f32 to vector<16xf32>
        %mul3A_463 = arith.mulf %mul3A_462, %bitcast3A_458 : vector<16xf32>
        %add3A_464 = arith.addf %add3A_400, %mul3A_463 : vector<16xf32>
        %mul3A_465 = arith.constant 32 : i32
        %mul3A_466 = arith.muli %scan3A_185, %mul3A_465 : i32
        %add3A_467 = arith.constant 4 : i32
        %add3A_468 = arith.addi %mul3A_466, %add3A_467 : i32
        %slice3A_469 = vector.extract_strided_slice %get3A_207 {offsets = [4], sizes = [1], strides = [1]} : vector<16xf32> to vector<1xf32>
        %squeeze3A_470 = vector.extract %slice3A_469[0] : f32 from vector<1xf32>
        %get3A_471 = arith.index_cast %add3A_468 : i32 to index
        %get3A_472 = arith.constant 0 : index
        %get3A_473 = tpu.vector_load %arg13[%get3A_471, %get3A_472] {strides = array<i32>} : memref<128x64xi32, #tpu.memory_space<vmem>>, vector<16xi32>,
        %bitcast3A_474 = vector.bitcast %get3A_473 : vector<16xi32> to vector<32xbf16>
        %unpack3A_475 = tpu.unpack_subelements %bitcast3A_474, 0 {pack_format = #tpu.pack_format<interleaved>} : vector<32xbf16> -> vector<16xf32>
        %unpack3A_476 = tpu.unpack_subelements %bitcast3A_474, 1 {pack_format = #tpu.pack_format<interleaved>} : vector<32xbf16> -> vector<16xf32>
        %mul3A_477 = vector.broadcast %squeeze3A_470 : f32 to vector<16xf32>
        %mul3A_478 = arith.mulf %mul3A_477, %unpack3A_475 : vector<16xf32>
        %add3A_479 = arith.addf %add3A_415, %mul3A_478 : vector<16xf32>
        %mul3A_480 = vector.broadcast %squeeze3A_470 : f32 to vector<16xf32>
        %mul3A_481 = arith.mulf %mul3A_480, %unpack3A_476 : vector<16xf32>
        %add3A_482 = arith.addf %add3A_418, %mul3A_481 : vector<16xf32>
        %get3A_483 = arith.index_cast %add3A_468 : i32 to index
        %get3A_484 = arith.constant 16 : index
        %get3A_485 = tpu.vector_load %arg13[%get3A_483, %get3A_484] {strides = array<i32>} : memref<128x64xi32, #tpu.memory_space<vmem>>, vector<16xi32>,
        %shift_left3A_486 = arith.constant 16 : i32
        %shift_left3A_487 = vector.broadcast %shift_left3A_486 : i32 to vector<16xi32>
        %shift_left3A_488 = arith.shli %get3A_485, %shift_left3A_487 : vector<16xi32>
        %bitcast3A_489 = vector.bitcast %shift_left3A_488 : vector<16xi32> to vector<16xf32>
        %and3A_490 = arith.constant -65536 : i32
        %and3A_491 = vector.broadcast %and3A_490 : i32 to vector<16xi32>
        %and3A_492 = arith.andi %get3A_485, %and3A_491 : vector<16xi32>
        %bitcast3A_493 = vector.bitcast %and3A_492 : vector<16xi32> to vector<16xf32>
        %mul3A_494 = vector.broadcast %squeeze3A_470 : f32 to vector<16xf32>
        %mul3A_495 = arith.mulf %mul3A_494, %bitcast3A_489 : vector<16xf32>
        %add3A_496 = arith.addf %add3A_432, %mul3A_495 : vector<16xf32>
        %mul3A_497 = vector.broadcast %squeeze3A_470 : f32 to vector<16xf32>
        %mul3A_498 = arith.mulf %mul3A_497, %bitcast3A_493 : vector<16xf32>
        %add3A_499 = arith.addf %add3A_435, %mul3A_498 : vector<16xf32>
        %get3A_500 = arith.index_cast %add3A_468 : i32 to index
        %get3A_501 = arith.constant 32 : index
        %get3A_502 = tpu.vector_load %arg13[%get3A_500, %get3A_501] {strides = array<i32>} : memref<128x64xi32, #tpu.memory_space<vmem>>, vector<16xi32>,
        %bitcast3A_503 = vector.bitcast %get3A_502 : vector<16xi32> to vector<32xbf16>
        %unpack3A_504 = tpu.unpack_subelements %bitcast3A_503, 0 {pack_format = #tpu.pack_format<interleaved>} : vector<32xbf16> -> vector<16xf32>
        %unpack3A_505 = tpu.unpack_subelements %bitcast3A_503, 1 {pack_format = #tpu.pack_format<interleaved>} : vector<32xbf16> -> vector<16xf32>
        %mul3A_506 = vector.broadcast %squeeze3A_470 : f32 to vector<16xf32>
        %mul3A_507 = arith.mulf %mul3A_506, %unpack3A_504 : vector<16xf32>
        %add3A_508 = arith.addf %add3A_444, %mul3A_507 : vector<16xf32>
        %mul3A_509 = vector.broadcast %squeeze3A_470 : f32 to vector<16xf32>
        %mul3A_510 = arith.mulf %mul3A_509, %unpack3A_505 : vector<16xf32>
        %add3A_511 = arith.addf %add3A_447, %mul3A_510 : vector<16xf32>
        %get3A_512 = arith.index_cast %add3A_468 : i32 to index
        %get3A_513 = arith.constant 48 : index
        %get3A_514 = tpu.vector_load %arg13[%get3A_512, %get3A_513] {strides = array<i32>} : memref<128x64xi32, #tpu.memory_space<vmem>>, vector<16xi32>,
        %shift_left3A_515 = arith.constant 16 : i32
        %shift_left3A_516 = vector.broadcast %shift_left3A_515 : i32 to vector<16xi32>
        %shift_left3A_517 = arith.shli %get3A_514, %shift_left3A_516 : vector<16xi32>
        %bitcast3A_518 = vector.bitcast %shift_left3A_517 : vector<16xi32> to vector<16xf32>
        %and3A_519 = arith.constant -65536 : i32
        %and3A_520 = vector.broadcast %and3A_519 : i32 to vector<16xi32>
        %and3A_521 = arith.andi %get3A_514, %and3A_520 : vector<16xi32>
        %bitcast3A_522 = vector.bitcast %and3A_521 : vector<16xi32> to vector<16xf32>
        %mul3A_523 = vector.broadcast %squeeze3A_470 : f32 to vector<16xf32>
        %mul3A_524 = arith.mulf %mul3A_523, %bitcast3A_518 : vector<16xf32>
        %add3A_525 = arith.addf %add3A_461, %mul3A_524 : vector<16xf32>
        %mul3A_526 = vector.broadcast %squeeze3A_470 : f32 to vector<16xf32>
        %mul3A_527 = arith.mulf %mul3A_526, %bitcast3A_522 : vector<16xf32>
        %add3A_528 = arith.addf %add3A_464, %mul3A_527 : vector<16xf32>
        %mul3A_529 = arith.constant 32 : i32
        %mul3A_530 = arith.muli %scan3A_185, %mul3A_529 : i32
        %add3A_531 = arith.constant 5 : i32
        %add3A_532 = arith.addi %mul3A_530, %add3A_531 : i32
        %slice3A_533 = vector.extract_strided_slice %get3A_207 {offsets = [5], sizes = [1], strides = [1]} : vector<16xf32> to vector<1xf32>
        %squeeze3A_534 = vector.extract %slice3A_533[0] : f32 from vector<1xf32>
        %get3A_535 = arith.index_cast %add3A_532 : i32 to index
        %get3A_536 = arith.constant 0 : index
        %get3A_537 = tpu.vector_load %arg13[%get3A_535, %get3A_536] {strides = array<i32>} : memref<128x64xi32, #tpu.memory_space<vmem>>, vector<16xi32>,
        %bitcast3A_538 = vector.bitcast %get3A_537 : vector<16xi32> to vector<32xbf16>
        %unpack3A_539 = tpu.unpack_subelements %bitcast3A_538, 0 {pack_format = #tpu.pack_format<interleaved>} : vector<32xbf16> -> vector<16xf32>
        %unpack3A_540 = tpu.unpack_subelements %bitcast3A_538, 1 {pack_format = #tpu.pack_format<interleaved>} : vector<32xbf16> -> vector<16xf32>
        %mul3A_541 = vector.broadcast %squeeze3A_534 : f32 to vector<16xf32>
        %mul3A_542 = arith.mulf %mul3A_541, %unpack3A_539 : vector<16xf32>
        %add3A_543 = arith.addf %add3A_479, %mul3A_542 : vector<16xf32>
        %mul3A_544 = vector.broadcast %squeeze3A_534 : f32 to vector<16xf32>
        %mul3A_545 = arith.mulf %mul3A_544, %unpack3A_540 : vector<16xf32>
        %add3A_546 = arith.addf %add3A_482, %mul3A_545 : vector<16xf32>
        %get3A_547 = arith.index_cast %add3A_532 : i32 to index
        %get3A_548 = arith.constant 16 : index
        %get3A_549 = tpu.vector_load %arg13[%get3A_547, %get3A_548] {strides = array<i32>} : memref<128x64xi32, #tpu.memory_space<vmem>>, vector<16xi32>,
        %shift_left3A_550 = arith.constant 16 : i32
        %shift_left3A_551 = vector.broadcast %shift_left3A_550 : i32 to vector<16xi32>
        %shift_left3A_552 = arith.shli %get3A_549, %shift_left3A_551 : vector<16xi32>
        %bitcast3A_553 = vector.bitcast %shift_left3A_552 : vector<16xi32> to vector<16xf32>
        %and3A_554 = arith.constant -65536 : i32
        %and3A_555 = vector.broadcast %and3A_554 : i32 to vector<16xi32>
        %and3A_556 = arith.andi %get3A_549, %and3A_555 : vector<16xi32>
        %bitcast3A_557 = vector.bitcast %and3A_556 : vector<16xi32> to vector<16xf32>
        %mul3A_558 = vector.broadcast %squeeze3A_534 : f32 to vector<16xf32>
        %mul3A_559 = arith.mulf %mul3A_558, %bitcast3A_553 : vector<16xf32>
        %add3A_560 = arith.addf %add3A_496, %mul3A_559 : vector<16xf32>
        %mul3A_561 = vector.broadcast %squeeze3A_534 : f32 to vector<16xf32>
        %mul3A_562 = arith.mulf %mul3A_561, %bitcast3A_557 : vector<16xf32>
        %add3A_563 = arith.addf %add3A_499, %mul3A_562 : vector<16xf32>
        %get3A_564 = arith.index_cast %add3A_532 : i32 to index
        %get3A_565 = arith.constant 32 : index
        %get3A_566 = tpu.vector_load %arg13[%get3A_564, %get3A_565] {strides = array<i32>} : memref<128x64xi32, #tpu.memory_space<vmem>>, vector<16xi32>,
        %bitcast3A_567 = vector.bitcast %get3A_566 : vector<16xi32> to vector<32xbf16>
        %unpack3A_568 = tpu.unpack_subelements %bitcast3A_567, 0 {pack_format = #tpu.pack_format<interleaved>} : vector<32xbf16> -> vector<16xf32>
        %unpack3A_569 = tpu.unpack_subelements %bitcast3A_567, 1 {pack_format = #tpu.pack_format<interleaved>} : vector<32xbf16> -> vector<16xf32>
        %mul3A_570 = vector.broadcast %squeeze3A_534 : f32 to vector<16xf32>
        %mul3A_571 = arith.mulf %mul3A_570, %unpack3A_568 : vector<16xf32>
        %add3A_572 = arith.addf %add3A_508, %mul3A_571 : vector<16xf32>
        %mul3A_573 = vector.broadcast %squeeze3A_534 : f32 to vector<16xf32>
        %mul3A_574 = arith.mulf %mul3A_573, %unpack3A_569 : vector<16xf32>
        %add3A_575 = arith.addf %add3A_511, %mul3A_574 : vector<16xf32>
        %get3A_576 = arith.index_cast %add3A_532 : i32 to index
        %get3A_577 = arith.constant 48 : index
        %get3A_578 = tpu.vector_load %arg13[%get3A_576, %get3A_577] {strides = array<i32>} : memref<128x64xi32, #tpu.memory_space<vmem>>, vector<16xi32>,
        %shift_left3A_579 = arith.constant 16 : i32
        %shift_left3A_580 = vector.broadcast %shift_left3A_579 : i32 to vector<16xi32>
        %shift_left3A_581 = arith.shli %get3A_578, %shift_left3A_580 : vector<16xi32>
        %bitcast3A_582 = vector.bitcast %shift_left3A_581 : vector<16xi32> to vector<16xf32>
        %and3A_583 = arith.constant -65536 : i32
        %and3A_584 = vector.broadcast %and3A_583 : i32 to vector<16xi32>
        %and3A_585 = arith.andi %get3A_578, %and3A_584 : vector<16xi32>
        %bitcast3A_586 = vector.bitcast %and3A_585 : vector<16xi32> to vector<16xf32>
        %mul3A_587 = vector.broadcast %squeeze3A_534 : f32 to vector<16xf32>
        %mul3A_588 = arith.mulf %mul3A_587, %bitcast3A_582 : vector<16xf32>
        %add3A_589 = arith.addf %add3A_525, %mul3A_588 : vector<16xf32>
        %mul3A_590 = vector.broadcast %squeeze3A_534 : f32 to vector<16xf32>
        %mul3A_591 = arith.mulf %mul3A_590, %bitcast3A_586 : vector<16xf32>
        %add3A_592 = arith.addf %add3A_528, %mul3A_591 : vector<16xf32>
        %mul3A_593 = arith.constant 32 : i32
        %mul3A_594 = arith.muli %scan3A_185, %mul3A_593 : i32
        %add3A_595 = arith.constant 6 : i32
        %add3A_596 = arith.addi %mul3A_594, %add3A_595 : i32
        %slice3A_597 = vector.extract_strided_slice %get3A_207 {offsets = [6], sizes = [1], strides = [1]} : vector<16xf32> to vector<1xf32>
        %squeeze3A_598 = vector.extract %slice3A_597[0] : f32 from vector<1xf32>
        %get3A_599 = arith.index_cast %add3A_596 : i32 to index
        %get3A_600 = arith.constant 0 : index
        %get3A_601 = tpu.vector_load %arg13[%get3A_599, %get3A_600] {strides = array<i32>} : memref<128x64xi32, #tpu.memory_space<vmem>>, vector<16xi32>,
        %bitcast3A_602 = vector.bitcast %get3A_601 : vector<16xi32> to vector<32xbf16>
        %unpack3A_603 = tpu.unpack_subelements %bitcast3A_602, 0 {pack_format = #tpu.pack_format<interleaved>} : vector<32xbf16> -> vector<16xf32>
        %unpack3A_604 = tpu.unpack_subelements %bitcast3A_602, 1 {pack_format = #tpu.pack_format<interleaved>} : vector<32xbf16> -> vector<16xf32>
        %mul3A_605 = vector.broadcast %squeeze3A_598 : f32 to vector<16xf32>
        %mul3A_606 = arith.mulf %mul3A_605, %unpack3A_603 : vector<16xf32>
        %add3A_607 = arith.addf %add3A_543, %mul3A_606 : vector<16xf32>
        %mul3A_608 = vector.broadcast %squeeze3A_598 : f32 to vector<16xf32>
        %mul3A_609 = arith.mulf %mul3A_608, %unpack3A_604 : vector<16xf32>
        %add3A_610 = arith.addf %add3A_546, %mul3A_609 : vector<16xf32>
        %get3A_611 = arith.index_cast %add3A_596 : i32 to index
        %get3A_612 = arith.constant 16 : index
        %get3A_613 = tpu.vector_load %arg13[%get3A_611, %get3A_612] {strides = array<i32>} : memref<128x64xi32, #tpu.memory_space<vmem>>, vector<16xi32>,
        %shift_left3A_614 = arith.constant 16 : i32
        %shift_left3A_615 = vector.broadcast %shift_left3A_614 : i32 to vector<16xi32>
        %shift_left3A_616 = arith.shli %get3A_613, %shift_left3A_615 : vector<16xi32>
        %bitcast3A_617 = vector.bitcast %shift_left3A_616 : vector<16xi32> to vector<16xf32>
        %and3A_618 = arith.constant -65536 : i32
        %and3A_619 = vector.broadcast %and3A_618 : i32 to vector<16xi32>
        %and3A_620 = arith.andi %get3A_613, %and3A_619 : vector<16xi32>
        %bitcast3A_621 = vector.bitcast %and3A_620 : vector<16xi32> to vector<16xf32>
        %mul3A_622 = vector.broadcast %squeeze3A_598 : f32 to vector<16xf32>
        %mul3A_623 = arith.mulf %mul3A_622, %bitcast3A_617 : vector<16xf32>
        %add3A_624 = arith.addf %add3A_560, %mul3A_623 : vector<16xf32>
        %mul3A_625 = vector.broadcast %squeeze3A_598 : f32 to vector<16xf32>
        %mul3A_626 = arith.mulf %mul3A_625, %bitcast3A_621 : vector<16xf32>
        %add3A_627 = arith.addf %add3A_563, %mul3A_626 : vector<16xf32>
        %get3A_628 = arith.index_cast %add3A_596 : i32 to index
        %get3A_629 = arith.constant 32 : index
        %get3A_630 = tpu.vector_load %arg13[%get3A_628, %get3A_629] {strides = array<i32>} : memref<128x64xi32, #tpu.memory_space<vmem>>, vector<16xi32>,
        %bitcast3A_631 = vector.bitcast %get3A_630 : vector<16xi32> to vector<32xbf16>
        %unpack3A_632 = tpu.unpack_subelements %bitcast3A_631, 0 {pack_format = #tpu.pack_format<interleaved>} : vector<32xbf16> -> vector<16xf32>
        %unpack3A_633 = tpu.unpack_subelements %bitcast3A_631, 1 {pack_format = #tpu.pack_format<interleaved>} : vector<32xbf16> -> vector<16xf32>
        %mul3A_634 = vector.broadcast %squeeze3A_598 : f32 to vector<16xf32>
        %mul3A_635 = arith.mulf %mul3A_634, %unpack3A_632 : vector<16xf32>
        %add3A_636 = arith.addf %add3A_572, %mul3A_635 : vector<16xf32>
        %mul3A_637 = vector.broadcast %squeeze3A_598 : f32 to vector<16xf32>
        %mul3A_638 = arith.mulf %mul3A_637, %unpack3A_633 : vector<16xf32>
        %add3A_639 = arith.addf %add3A_575, %mul3A_638 : vector<16xf32>
        %get3A_640 = arith.index_cast %add3A_596 : i32 to index
        %get3A_641 = arith.constant 48 : index
        %get3A_642 = tpu.vector_load %arg13[%get3A_640, %get3A_641] {strides = array<i32>} : memref<128x64xi32, #tpu.memory_space<vmem>>, vector<16xi32>,
        %shift_left3A_643 = arith.constant 16 : i32
        %shift_left3A_644 = vector.broadcast %shift_left3A_643 : i32 to vector<16xi32>
        %shift_left3A_645 = arith.shli %get3A_642, %shift_left3A_644 : vector<16xi32>
        %bitcast3A_646 = vector.bitcast %shift_left3A_645 : vector<16xi32> to vector<16xf32>
        %and3A_647 = arith.constant -65536 : i32
        %and3A_648 = vector.broadcast %and3A_647 : i32 to vector<16xi32>
        %and3A_649 = arith.andi %get3A_642, %and3A_648 : vector<16xi32>
        %bitcast3A_650 = vector.bitcast %and3A_649 : vector<16xi32> to vector<16xf32>
        %mul3A_651 = vector.broadcast %squeeze3A_598 : f32 to vector<16xf32>
        %mul3A_652 = arith.mulf %mul3A_651, %bitcast3A_646 : vector<16xf32>
        %add3A_653 = arith.addf %add3A_589, %mul3A_652 : vector<16xf32>
        %mul3A_654 = vector.broadcast %squeeze3A_598 : f32 to vector<16xf32>
        %mul3A_655 = arith.mulf %mul3A_654, %bitcast3A_650 : vector<16xf32>
        %add3A_656 = arith.addf %add3A_592, %mul3A_655 : vector<16xf32>
        %mul3A_657 = arith.constant 32 : i32
        %mul3A_658 = arith.muli %scan3A_185, %mul3A_657 : i32
        %add3A_659 = arith.constant 7 : i32
        %add3A_660 = arith.addi %mul3A_658, %add3A_659 : i32
        %slice3A_661 = vector.extract_strided_slice %get3A_207 {offsets = [7], sizes = [1], strides = [1]} : vector<16xf32> to vector<1xf32>
        %squeeze3A_662 = vector.extract %slice3A_661[0] : f32 from vector<1xf32>
        %get3A_663 = arith.index_cast %add3A_660 : i32 to index
        %get3A_664 = arith.constant 0 : index
        %get3A_665 = tpu.vector_load %arg13[%get3A_663, %get3A_664] {strides = array<i32>} : memref<128x64xi32, #tpu.memory_space<vmem>>, vector<16xi32>,
        %bitcast3A_666 = vector.bitcast %get3A_665 : vector<16xi32> to vector<32xbf16>
        %unpack3A_667 = tpu.unpack_subelements %bitcast3A_666, 0 {pack_format = #tpu.pack_format<interleaved>} : vector<32xbf16> -> vector<16xf32>
        %unpack3A_668 = tpu.unpack_subelements %bitcast3A_666, 1 {pack_format = #tpu.pack_format<interleaved>} : vector<32xbf16> -> vector<16xf32>
        %mul3A_669 = vector.broadcast %squeeze3A_662 : f32 to vector<16xf32>
        %mul3A_670 = arith.mulf %mul3A_669, %unpack3A_667 : vector<16xf32>
        %add3A_671 = arith.addf %add3A_607, %mul3A_670 : vector<16xf32>
        %mul3A_672 = vector.broadcast %squeeze3A_662 : f32 to vector<16xf32>
        %mul3A_673 = arith.mulf %mul3A_672, %unpack3A_668 : vector<16xf32>
        %add3A_674 = arith.addf %add3A_610, %mul3A_673 : vector<16xf32>
        %get3A_675 = arith.index_cast %add3A_660 : i32 to index
        %get3A_676 = arith.constant 16 : index
        %get3A_677 = tpu.vector_load %arg13[%get3A_675, %get3A_676] {strides = array<i32>} : memref<128x64xi32, #tpu.memory_space<vmem>>, vector<16xi32>,
        %shift_left3A_678 = arith.constant 16 : i32
        %shift_left3A_679 = vector.broadcast %shift_left3A_678 : i32 to vector<16xi32>
        %shift_left3A_680 = arith.shli %get3A_677, %shift_left3A_679 : vector<16xi32>
        %bitcast3A_681 = vector.bitcast %shift_left3A_680 : vector<16xi32> to vector<16xf32>
        %and3A_682 = arith.constant -65536 : i32
        %and3A_683 = vector.broadcast %and3A_682 : i32 to vector<16xi32>
        %and3A_684 = arith.andi %get3A_677, %and3A_683 : vector<16xi32>
        %bitcast3A_685 = vector.bitcast %and3A_684 : vector<16xi32> to vector<16xf32>
        %mul3A_686 = vector.broadcast %squeeze3A_662 : f32 to vector<16xf32>
        %mul3A_687 = arith.mulf %mul3A_686, %bitcast3A_681 : vector<16xf32>
        %add3A_688 = arith.addf %add3A_624, %mul3A_687 : vector<16xf32>
        %mul3A_689 = vector.broadcast %squeeze3A_662 : f32 to vector<16xf32>
        %mul3A_690 = arith.mulf %mul3A_689, %bitcast3A_685 : vector<16xf32>
        %add3A_691 = arith.addf %add3A_627, %mul3A_690 : vector<16xf32>
        %get3A_692 = arith.index_cast %add3A_660 : i32 to index
        %get3A_693 = arith.constant 32 : index
        %get3A_694 = tpu.vector_load %arg13[%get3A_692, %get3A_693] {strides = array<i32>} : memref<128x64xi32, #tpu.memory_space<vmem>>, vector<16xi32>,
        %bitcast3A_695 = vector.bitcast %get3A_694 : vector<16xi32> to vector<32xbf16>
        %unpack3A_696 = tpu.unpack_subelements %bitcast3A_695, 0 {pack_format = #tpu.pack_format<interleaved>} : vector<32xbf16> -> vector<16xf32>
        %unpack3A_697 = tpu.unpack_subelements %bitcast3A_695, 1 {pack_format = #tpu.pack_format<interleaved>} : vector<32xbf16> -> vector<16xf32>
        %mul3A_698 = vector.broadcast %squeeze3A_662 : f32 to vector<16xf32>
        %mul3A_699 = arith.mulf %mul3A_698, %unpack3A_696 : vector<16xf32>
        %add3A_700 = arith.addf %add3A_636, %mul3A_699 : vector<16xf32>
        %mul3A_701 = vector.broadcast %squeeze3A_662 : f32 to vector<16xf32>
        %mul3A_702 = arith.mulf %mul3A_701, %unpack3A_697 : vector<16xf32>
        %add3A_703 = arith.addf %add3A_639, %mul3A_702 : vector<16xf32>
        %get3A_704 = arith.index_cast %add3A_660 : i32 to index
        %get3A_705 = arith.constant 48 : index
        %get3A_706 = tpu.vector_load %arg13[%get3A_704, %get3A_705] {strides = array<i32>} : memref<128x64xi32, #tpu.memory_space<vmem>>, vector<16xi32>,
        %shift_left3A_707 = arith.constant 16 : i32
        %shift_left3A_708 = vector.broadcast %shift_left3A_707 : i32 to vector<16xi32>
        %shift_left3A_709 = arith.shli %get3A_706, %shift_left3A_708 : vector<16xi32>
        %bitcast3A_710 = vector.bitcast %shift_left3A_709 : vector<16xi32> to vector<16xf32>
        %and3A_711 = arith.constant -65536 : i32
        %and3A_712 = vector.broadcast %and3A_711 : i32 to vector<16xi32>
        %and3A_713 = arith.andi %get3A_706, %and3A_712 : vector<16xi32>
        %bitcast3A_714 = vector.bitcast %and3A_713 : vector<16xi32> to vector<16xf32>
        %mul3A_715 = vector.broadcast %squeeze3A_662 : f32 to vector<16xf32>
        %mul3A_716 = arith.mulf %mul3A_715, %bitcast3A_710 : vector<16xf32>
        %add3A_717 = arith.addf %add3A_653, %mul3A_716 : vector<16xf32>
        %mul3A_718 = vector.broadcast %squeeze3A_662 : f32 to vector<16xf32>
        %mul3A_719 = arith.mulf %mul3A_718, %bitcast3A_714 : vector<16xf32>
        %add3A_720 = arith.addf %add3A_656, %mul3A_719 : vector<16xf32>
        %mul3A_721 = arith.constant 32 : i32
        %mul3A_722 = arith.muli %scan3A_185, %mul3A_721 : i32
        %add3A_723 = arith.constant 8 : i32
        %add3A_724 = arith.addi %mul3A_722, %add3A_723 : i32
        %slice3A_725 = vector.extract_strided_slice %get3A_207 {offsets = [8], sizes = [1], strides = [1]} : vector<16xf32> to vector<1xf32>
        %squeeze3A_726 = vector.extract %slice3A_725[0] : f32 from vector<1xf32>
        %get3A_727 = arith.index_cast %add3A_724 : i32 to index
        %get3A_728 = arith.constant 0 : index
        %get3A_729 = tpu.vector_load %arg13[%get3A_727, %get3A_728] {strides = array<i32>} : memref<128x64xi32, #tpu.memory_space<vmem>>, vector<16xi32>,
        %bitcast3A_730 = vector.bitcast %get3A_729 : vector<16xi32> to vector<32xbf16>
        %unpack3A_731 = tpu.unpack_subelements %bitcast3A_730, 0 {pack_format = #tpu.pack_format<interleaved>} : vector<32xbf16> -> vector<16xf32>
        %unpack3A_732 = tpu.unpack_subelements %bitcast3A_730, 1 {pack_format = #tpu.pack_format<interleaved>} : vector<32xbf16> -> vector<16xf32>
        %mul3A_733 = vector.broadcast %squeeze3A_726 : f32 to vector<16xf32>
        %mul3A_734 = arith.mulf %mul3A_733, %unpack3A_731 : vector<16xf32>
        %add3A_735 = arith.addf %add3A_671, %mul3A_734 : vector<16xf32>
        %mul3A_736 = vector.broadcast %squeeze3A_726 : f32 to vector<16xf32>
        %mul3A_737 = arith.mulf %mul3A_736, %unpack3A_732 : vector<16xf32>
        %add3A_738 = arith.addf %add3A_674, %mul3A_737 : vector<16xf32>
        %get3A_739 = arith.index_cast %add3A_724 : i32 to index
        %get3A_740 = arith.constant 16 : index
        %get3A_741 = tpu.vector_load %arg13[%get3A_739, %get3A_740] {strides = array<i32>} : memref<128x64xi32, #tpu.memory_space<vmem>>, vector<16xi32>,
        %shift_left3A_742 = arith.constant 16 : i32
        %shift_left3A_743 = vector.broadcast %shift_left3A_742 : i32 to vector<16xi32>
        %shift_left3A_744 = arith.shli %get3A_741, %shift_left3A_743 : vector<16xi32>
        %bitcast3A_745 = vector.bitcast %shift_left3A_744 : vector<16xi32> to vector<16xf32>
        %and3A_746 = arith.constant -65536 : i32
        %and3A_747 = vector.broadcast %and3A_746 : i32 to vector<16xi32>
        %and3A_748 = arith.andi %get3A_741, %and3A_747 : vector<16xi32>
        %bitcast3A_749 = vector.bitcast %and3A_748 : vector<16xi32> to vector<16xf32>
        %mul3A_750 = vector.broadcast %squeeze3A_726 : f32 to vector<16xf32>
        %mul3A_751 = arith.mulf %mul3A_750, %bitcast3A_745 : vector<16xf32>
        %add3A_752 = arith.addf %add3A_688, %mul3A_751 : vector<16xf32>
        %mul3A_753 = vector.broadcast %squeeze3A_726 : f32 to vector<16xf32>
        %mul3A_754 = arith.mulf %mul3A_753, %bitcast3A_749 : vector<16xf32>
        %add3A_755 = arith.addf %add3A_691, %mul3A_754 : vector<16xf32>
        %get3A_756 = arith.index_cast %add3A_724 : i32 to index
        %get3A_757 = arith.constant 32 : index
        %get3A_758 = tpu.vector_load %arg13[%get3A_756, %get3A_757] {strides = array<i32>} : memref<128x64xi32, #tpu.memory_space<vmem>>, vector<16xi32>,
        %bitcast3A_759 = vector.bitcast %get3A_758 : vector<16xi32> to vector<32xbf16>
        %unpack3A_760 = tpu.unpack_subelements %bitcast3A_759, 0 {pack_format = #tpu.pack_format<interleaved>} : vector<32xbf16> -> vector<16xf32>
        %unpack3A_761 = tpu.unpack_subelements %bitcast3A_759, 1 {pack_format = #tpu.pack_format<interleaved>} : vector<32xbf16> -> vector<16xf32>
        %mul3A_762 = vector.broadcast %squeeze3A_726 : f32 to vector<16xf32>
        %mul3A_763 = arith.mulf %mul3A_762, %unpack3A_760 : vector<16xf32>
        %add3A_764 = arith.addf %add3A_700, %mul3A_763 : vector<16xf32>
        %mul3A_765 = vector.broadcast %squeeze3A_726 : f32 to vector<16xf32>
        %mul3A_766 = arith.mulf %mul3A_765, %unpack3A_761 : vector<16xf32>
        %add3A_767 = arith.addf %add3A_703, %mul3A_766 : vector<16xf32>
        %get3A_768 = arith.index_cast %add3A_724 : i32 to index
        %get3A_769 = arith.constant 48 : index
        %get3A_770 = tpu.vector_load %arg13[%get3A_768, %get3A_769] {strides = array<i32>} : memref<128x64xi32, #tpu.memory_space<vmem>>, vector<16xi32>,
        %shift_left3A_771 = arith.constant 16 : i32
        %shift_left3A_772 = vector.broadcast %shift_left3A_771 : i32 to vector<16xi32>
        %shift_left3A_773 = arith.shli %get3A_770, %shift_left3A_772 : vector<16xi32>
        %bitcast3A_774 = vector.bitcast %shift_left3A_773 : vector<16xi32> to vector<16xf32>
        %and3A_775 = arith.constant -65536 : i32
        %and3A_776 = vector.broadcast %and3A_775 : i32 to vector<16xi32>
        %and3A_777 = arith.andi %get3A_770, %and3A_776 : vector<16xi32>
        %bitcast3A_778 = vector.bitcast %and3A_777 : vector<16xi32> to vector<16xf32>
        %mul3A_779 = vector.broadcast %squeeze3A_726 : f32 to vector<16xf32>
        %mul3A_780 = arith.mulf %mul3A_779, %bitcast3A_774 : vector<16xf32>
        %add3A_781 = arith.addf %add3A_717, %mul3A_780 : vector<16xf32>
        %mul3A_782 = vector.broadcast %squeeze3A_726 : f32 to vector<16xf32>
        %mul3A_783 = arith.mulf %mul3A_782, %bitcast3A_778 : vector<16xf32>
        %add3A_784 = arith.addf %add3A_720, %mul3A_783 : vector<16xf32>
        %mul3A_785 = arith.constant 32 : i32
        %mul3A_786 = arith.muli %scan3A_185, %mul3A_785 : i32
        %add3A_787 = arith.constant 9 : i32
        %add3A_788 = arith.addi %mul3A_786, %add3A_787 : i32
        %slice3A_789 = vector.extract_strided_slice %get3A_207 {offsets = [9], sizes = [1], strides = [1]} : vector<16xf32> to vector<1xf32>
        %squeeze3A_790 = vector.extract %slice3A_789[0] : f32 from vector<1xf32>
        %get3A_791 = arith.index_cast %add3A_788 : i32 to index
        %get3A_792 = arith.constant 0 : index
        %get3A_793 = tpu.vector_load %arg13[%get3A_791, %get3A_792] {strides = array<i32>} : memref<128x64xi32, #tpu.memory_space<vmem>>, vector<16xi32>,
        %bitcast3A_794 = vector.bitcast %get3A_793 : vector<16xi32> to vector<32xbf16>
        %unpack3A_795 = tpu.unpack_subelements %bitcast3A_794, 0 {pack_format = #tpu.pack_format<interleaved>} : vector<32xbf16> -> vector<16xf32>
        %unpack3A_796 = tpu.unpack_subelements %bitcast3A_794, 1 {pack_format = #tpu.pack_format<interleaved>} : vector<32xbf16> -> vector<16xf32>
        %mul3A_797 = vector.broadcast %squeeze3A_790 : f32 to vector<16xf32>
        %mul3A_798 = arith.mulf %mul3A_797, %unpack3A_795 : vector<16xf32>
        %add3A_799 = arith.addf %add3A_735, %mul3A_798 : vector<16xf32>
        %mul3A_800 = vector.broadcast %squeeze3A_790 : f32 to vector<16xf32>
        %mul3A_801 = arith.mulf %mul3A_800, %unpack3A_796 : vector<16xf32>
        %add3A_802 = arith.addf %add3A_738, %mul3A_801 : vector<16xf32>
        %get3A_803 = arith.index_cast %add3A_788 : i32 to index
        %get3A_804 = arith.constant 16 : index
        %get3A_805 = tpu.vector_load %arg13[%get3A_803, %get3A_804] {strides = array<i32>} : memref<128x64xi32, #tpu.memory_space<vmem>>, vector<16xi32>,
        %shift_left3A_806 = arith.constant 16 : i32
        %shift_left3A_807 = vector.broadcast %shift_left3A_806 : i32 to vector<16xi32>
        %shift_left3A_808 = arith.shli %get3A_805, %shift_left3A_807 : vector<16xi32>
        %bitcast3A_809 = vector.bitcast %shift_left3A_808 : vector<16xi32> to vector<16xf32>
        %and3A_810 = arith.constant -65536 : i32
        %and3A_811 = vector.broadcast %and3A_810 : i32 to vector<16xi32>
        %and3A_812 = arith.andi %get3A_805, %and3A_811 : vector<16xi32>
        %bitcast3A_813 = vector.bitcast %and3A_812 : vector<16xi32> to vector<16xf32>
        %mul3A_814 = vector.broadcast %squeeze3A_790 : f32 to vector<16xf32>
        %mul3A_815 = arith.mulf %mul3A_814, %bitcast3A_809 : vector<16xf32>
        %add3A_816 = arith.addf %add3A_752, %mul3A_815 : vector<16xf32>
        %mul3A_817 = vector.broadcast %squeeze3A_790 : f32 to vector<16xf32>
        %mul3A_818 = arith.mulf %mul3A_817, %bitcast3A_813 : vector<16xf32>
        %add3A_819 = arith.addf %add3A_755, %mul3A_818 : vector<16xf32>
        %get3A_820 = arith.index_cast %add3A_788 : i32 to index
        %get3A_821 = arith.constant 32 : index
        %get3A_822 = tpu.vector_load %arg13[%get3A_820, %get3A_821] {strides = array<i32>} : memref<128x64xi32, #tpu.memory_space<vmem>>, vector<16xi32>,
        %bitcast3A_823 = vector.bitcast %get3A_822 : vector<16xi32> to vector<32xbf16>
        %unpack3A_824 = tpu.unpack_subelements %bitcast3A_823, 0 {pack_format = #tpu.pack_format<interleaved>} : vector<32xbf16> -> vector<16xf32>
        %unpack3A_825 = tpu.unpack_subelements %bitcast3A_823, 1 {pack_format = #tpu.pack_format<interleaved>} : vector<32xbf16> -> vector<16xf32>
        %mul3A_826 = vector.broadcast %squeeze3A_790 : f32 to vector<16xf32>
        %mul3A_827 = arith.mulf %mul3A_826, %unpack3A_824 : vector<16xf32>
        %add3A_828 = arith.addf %add3A_764, %mul3A_827 : vector<16xf32>
        %mul3A_829 = vector.broadcast %squeeze3A_790 : f32 to vector<16xf32>
        %mul3A_830 = arith.mulf %mul3A_829, %unpack3A_825 : vector<16xf32>
        %add3A_831 = arith.addf %add3A_767, %mul3A_830 : vector<16xf32>
        %get3A_832 = arith.index_cast %add3A_788 : i32 to index
        %get3A_833 = arith.constant 48 : index
        %get3A_834 = tpu.vector_load %arg13[%get3A_832, %get3A_833] {strides = array<i32>} : memref<128x64xi32, #tpu.memory_space<vmem>>, vector<16xi32>,
        %shift_left3A_835 = arith.constant 16 : i32
        %shift_left3A_836 = vector.broadcast %shift_left3A_835 : i32 to vector<16xi32>
        %shift_left3A_837 = arith.shli %get3A_834, %shift_left3A_836 : vector<16xi32>
        %bitcast3A_838 = vector.bitcast %shift_left3A_837 : vector<16xi32> to vector<16xf32>
        %and3A_839 = arith.constant -65536 : i32
        %and3A_840 = vector.broadcast %and3A_839 : i32 to vector<16xi32>
        %and3A_841 = arith.andi %get3A_834, %and3A_840 : vector<16xi32>
        %bitcast3A_842 = vector.bitcast %and3A_841 : vector<16xi32> to vector<16xf32>
        %mul3A_843 = vector.broadcast %squeeze3A_790 : f32 to vector<16xf32>
        %mul3A_844 = arith.mulf %mul3A_843, %bitcast3A_838 : vector<16xf32>
        %add3A_845 = arith.addf %add3A_781, %mul3A_844 : vector<16xf32>
        %mul3A_846 = vector.broadcast %squeeze3A_790 : f32 to vector<16xf32>
        %mul3A_847 = arith.mulf %mul3A_846, %bitcast3A_842 : vector<16xf32>
        %add3A_848 = arith.addf %add3A_784, %mul3A_847 : vector<16xf32>
        %mul3A_849 = arith.constant 32 : i32
        %mul3A_850 = arith.muli %scan3A_185, %mul3A_849 : i32
        %add3A_851 = arith.constant 10 : i32
        %add3A_852 = arith.addi %mul3A_850, %add3A_851 : i32
        %slice3A_853 = vector.extract_strided_slice %get3A_207 {offsets = [10], sizes = [1], strides = [1]} : vector<16xf32> to vector<1xf32>
        %squeeze3A_854 = vector.extract %slice3A_853[0] : f32 from vector<1xf32>
        %get3A_855 = arith.index_cast %add3A_852 : i32 to index
        %get3A_856 = arith.constant 0 : index
        %get3A_857 = tpu.vector_load %arg13[%get3A_855, %get3A_856] {strides = array<i32>} : memref<128x64xi32, #tpu.memory_space<vmem>>, vector<16xi32>,
        %bitcast3A_858 = vector.bitcast %get3A_857 : vector<16xi32> to vector<32xbf16>
        %unpack3A_859 = tpu.unpack_subelements %bitcast3A_858, 0 {pack_format = #tpu.pack_format<interleaved>} : vector<32xbf16> -> vector<16xf32>
        %unpack3A_860 = tpu.unpack_subelements %bitcast3A_858, 1 {pack_format = #tpu.pack_format<interleaved>} : vector<32xbf16> -> vector<16xf32>
        %mul3A_861 = vector.broadcast %squeeze3A_854 : f32 to vector<16xf32>
        %mul3A_862 = arith.mulf %mul3A_861, %unpack3A_859 : vector<16xf32>
        %add3A_863 = arith.addf %add3A_799, %mul3A_862 : vector<16xf32>
        %mul3A_864 = vector.broadcast %squeeze3A_854 : f32 to vector<16xf32>
        %mul3A_865 = arith.mulf %mul3A_864, %unpack3A_860 : vector<16xf32>
        %add3A_866 = arith.addf %add3A_802, %mul3A_865 : vector<16xf32>
        %get3A_867 = arith.index_cast %add3A_852 : i32 to index
        %get3A_868 = arith.constant 16 : index
        %get3A_869 = tpu.vector_load %arg13[%get3A_867, %get3A_868] {strides = array<i32>} : memref<128x64xi32, #tpu.memory_space<vmem>>, vector<16xi32>,
        %shift_left3A_870 = arith.constant 16 : i32
        %shift_left3A_871 = vector.broadcast %shift_left3A_870 : i32 to vector<16xi32>
        %shift_left3A_872 = arith.shli %get3A_869, %shift_left3A_871 : vector<16xi32>
        %bitcast3A_873 = vector.bitcast %shift_left3A_872 : vector<16xi32> to vector<16xf32>
        %and3A_874 = arith.constant -65536 : i32
        %and3A_875 = vector.broadcast %and3A_874 : i32 to vector<16xi32>
        %and3A_876 = arith.andi %get3A_869, %and3A_875 : vector<16xi32>
        %bitcast3A_877 = vector.bitcast %and3A_876 : vector<16xi32> to vector<16xf32>
        %mul3A_878 = vector.broadcast %squeeze3A_854 : f32 to vector<16xf32>
        %mul3A_879 = arith.mulf %mul3A_878, %bitcast3A_873 : vector<16xf32>
        %add3A_880 = arith.addf %add3A_816, %mul3A_879 : vector<16xf32>
        %mul3A_881 = vector.broadcast %squeeze3A_854 : f32 to vector<16xf32>
        %mul3A_882 = arith.mulf %mul3A_881, %bitcast3A_877 : vector<16xf32>
        %add3A_883 = arith.addf %add3A_819, %mul3A_882 : vector<16xf32>
        %get3A_884 = arith.index_cast %add3A_852 : i32 to index
        %get3A_885 = arith.constant 32 : index
        %get3A_886 = tpu.vector_load %arg13[%get3A_884, %get3A_885] {strides = array<i32>} : memref<128x64xi32, #tpu.memory_space<vmem>>, vector<16xi32>,
        %bitcast3A_887 = vector.bitcast %get3A_886 : vector<16xi32> to vector<32xbf16>
        %unpack3A_888 = tpu.unpack_subelements %bitcast3A_887, 0 {pack_format = #tpu.pack_format<interleaved>} : vector<32xbf16> -> vector<16xf32>
        %unpack3A_889 = tpu.unpack_subelements %bitcast3A_887, 1 {pack_format = #tpu.pack_format<interleaved>} : vector<32xbf16> -> vector<16xf32>
        %mul3A_890 = vector.broadcast %squeeze3A_854 : f32 to vector<16xf32>
        %mul3A_891 = arith.mulf %mul3A_890, %unpack3A_888 : vector<16xf32>
        %add3A_892 = arith.addf %add3A_828, %mul3A_891 : vector<16xf32>
        %mul3A_893 = vector.broadcast %squeeze3A_854 : f32 to vector<16xf32>
        %mul3A_894 = arith.mulf %mul3A_893, %unpack3A_889 : vector<16xf32>
        %add3A_895 = arith.addf %add3A_831, %mul3A_894 : vector<16xf32>
        %get3A_896 = arith.index_cast %add3A_852 : i32 to index
        %get3A_897 = arith.constant 48 : index
        %get3A_898 = tpu.vector_load %arg13[%get3A_896, %get3A_897] {strides = array<i32>} : memref<128x64xi32, #tpu.memory_space<vmem>>, vector<16xi32>,
        %shift_left3A_899 = arith.constant 16 : i32
        %shift_left3A_900 = vector.broadcast %shift_left3A_899 : i32 to vector<16xi32>
        %shift_left3A_901 = arith.shli %get3A_898, %shift_left3A_900 : vector<16xi32>
        %bitcast3A_902 = vector.bitcast %shift_left3A_901 : vector<16xi32> to vector<16xf32>
        %and3A_903 = arith.constant -65536 : i32
        %and3A_904 = vector.broadcast %and3A_903 : i32 to vector<16xi32>
        %and3A_905 = arith.andi %get3A_898, %and3A_904 : vector<16xi32>
        %bitcast3A_906 = vector.bitcast %and3A_905 : vector<16xi32> to vector<16xf32>
        %mul3A_907 = vector.broadcast %squeeze3A_854 : f32 to vector<16xf32>
        %mul3A_908 = arith.mulf %mul3A_907, %bitcast3A_902 : vector<16xf32>
        %add3A_909 = arith.addf %add3A_845, %mul3A_908 : vector<16xf32>
        %mul3A_910 = vector.broadcast %squeeze3A_854 : f32 to vector<16xf32>
        %mul3A_911 = arith.mulf %mul3A_910, %bitcast3A_906 : vector<16xf32>
        %add3A_912 = arith.addf %add3A_848, %mul3A_911 : vector<16xf32>
        %mul3A_913 = arith.constant 32 : i32
        %mul3A_914 = arith.muli %scan3A_185, %mul3A_913 : i32
        %add3A_915 = arith.constant 11 : i32
        %add3A_916 = arith.addi %mul3A_914, %add3A_915 : i32
        %slice3A_917 = vector.extract_strided_slice %get3A_207 {offsets = [11], sizes = [1], strides = [1]} : vector<16xf32> to vector<1xf32>
        %squeeze3A_918 = vector.extract %slice3A_917[0] : f32 from vector<1xf32>
        %get3A_919 = arith.index_cast %add3A_916 : i32 to index
        %get3A_920 = arith.constant 0 : index
        %get3A_921 = tpu.vector_load %arg13[%get3A_919, %get3A_920] {strides = array<i32>} : memref<128x64xi32, #tpu.memory_space<vmem>>, vector<16xi32>,
        %bitcast3A_922 = vector.bitcast %get3A_921 : vector<16xi32> to vector<32xbf16>
        %unpack3A_923 = tpu.unpack_subelements %bitcast3A_922, 0 {pack_format = #tpu.pack_format<interleaved>} : vector<32xbf16> -> vector<16xf32>
        %unpack3A_924 = tpu.unpack_subelements %bitcast3A_922, 1 {pack_format = #tpu.pack_format<interleaved>} : vector<32xbf16> -> vector<16xf32>
        %mul3A_925 = vector.broadcast %squeeze3A_918 : f32 to vector<16xf32>
        %mul3A_926 = arith.mulf %mul3A_925, %unpack3A_923 : vector<16xf32>
        %add3A_927 = arith.addf %add3A_863, %mul3A_926 : vector<16xf32>
        %mul3A_928 = vector.broadcast %squeeze3A_918 : f32 to vector<16xf32>
        %mul3A_929 = arith.mulf %mul3A_928, %unpack3A_924 : vector<16xf32>
        %add3A_930 = arith.addf %add3A_866, %mul3A_929 : vector<16xf32>
        %get3A_931 = arith.index_cast %add3A_916 : i32 to index
        %get3A_932 = arith.constant 16 : index
        %get3A_933 = tpu.vector_load %arg13[%get3A_931, %get3A_932] {strides = array<i32>} : memref<128x64xi32, #tpu.memory_space<vmem>>, vector<16xi32>,
        %shift_left3A_934 = arith.constant 16 : i32
        %shift_left3A_935 = vector.broadcast %shift_left3A_934 : i32 to vector<16xi32>
        %shift_left3A_936 = arith.shli %get3A_933, %shift_left3A_935 : vector<16xi32>
        %bitcast3A_937 = vector.bitcast %shift_left3A_936 : vector<16xi32> to vector<16xf32>
        %and3A_938 = arith.constant -65536 : i32
        %and3A_939 = vector.broadcast %and3A_938 : i32 to vector<16xi32>
        %and3A_940 = arith.andi %get3A_933, %and3A_939 : vector<16xi32>
        %bitcast3A_941 = vector.bitcast %and3A_940 : vector<16xi32> to vector<16xf32>
        %mul3A_942 = vector.broadcast %squeeze3A_918 : f32 to vector<16xf32>
        %mul3A_943 = arith.mulf %mul3A_942, %bitcast3A_937 : vector<16xf32>
        %add3A_944 = arith.addf %add3A_880, %mul3A_943 : vector<16xf32>
        %mul3A_945 = vector.broadcast %squeeze3A_918 : f32 to vector<16xf32>
        %mul3A_946 = arith.mulf %mul3A_945, %bitcast3A_941 : vector<16xf32>
        %add3A_947 = arith.addf %add3A_883, %mul3A_946 : vector<16xf32>
        %get3A_948 = arith.index_cast %add3A_916 : i32 to index
        %get3A_949 = arith.constant 32 : index
        %get3A_950 = tpu.vector_load %arg13[%get3A_948, %get3A_949] {strides = array<i32>} : memref<128x64xi32, #tpu.memory_space<vmem>>, vector<16xi32>,
        %bitcast3A_951 = vector.bitcast %get3A_950 : vector<16xi32> to vector<32xbf16>
        %unpack3A_952 = tpu.unpack_subelements %bitcast3A_951, 0 {pack_format = #tpu.pack_format<interleaved>} : vector<32xbf16> -> vector<16xf32>
        %unpack3A_953 = tpu.unpack_subelements %bitcast3A_951, 1 {pack_format = #tpu.pack_format<interleaved>} : vector<32xbf16> -> vector<16xf32>
        %mul3A_954 = vector.broadcast %squeeze3A_918 : f32 to vector<16xf32>
        %mul3A_955 = arith.mulf %mul3A_954, %unpack3A_952 : vector<16xf32>
        %add3A_956 = arith.addf %add3A_892, %mul3A_955 : vector<16xf32>
        %mul3A_957 = vector.broadcast %squeeze3A_918 : f32 to vector<16xf32>
        %mul3A_958 = arith.mulf %mul3A_957, %unpack3A_953 : vector<16xf32>
        %add3A_959 = arith.addf %add3A_895, %mul3A_958 : vector<16xf32>
        %get3A_960 = arith.index_cast %add3A_916 : i32 to index
        %get3A_961 = arith.constant 48 : index
        %get3A_962 = tpu.vector_load %arg13[%get3A_960, %get3A_961] {strides = array<i32>} : memref<128x64xi32, #tpu.memory_space<vmem>>, vector<16xi32>,
        %shift_left3A_963 = arith.constant 16 : i32
        %shift_left3A_964 = vector.broadcast %shift_left3A_963 : i32 to vector<16xi32>
        %shift_left3A_965 = arith.shli %get3A_962, %shift_left3A_964 : vector<16xi32>
        %bitcast3A_966 = vector.bitcast %shift_left3A_965 : vector<16xi32> to vector<16xf32>
        %and3A_967 = arith.constant -65536 : i32
        %and3A_968 = vector.broadcast %and3A_967 : i32 to vector<16xi32>
        %and3A_969 = arith.andi %get3A_962, %and3A_968 : vector<16xi32>
        %bitcast3A_970 = vector.bitcast %and3A_969 : vector<16xi32> to vector<16xf32>
        %mul3A_971 = vector.broadcast %squeeze3A_918 : f32 to vector<16xf32>
        %mul3A_972 = arith.mulf %mul3A_971, %bitcast3A_966 : vector<16xf32>
        %add3A_973 = arith.addf %add3A_909, %mul3A_972 : vector<16xf32>
        %mul3A_974 = vector.broadcast %squeeze3A_918 : f32 to vector<16xf32>
        %mul3A_975 = arith.mulf %mul3A_974, %bitcast3A_970 : vector<16xf32>
        %add3A_976 = arith.addf %add3A_912, %mul3A_975 : vector<16xf32>
        %mul3A_977 = arith.constant 32 : i32
        %mul3A_978 = arith.muli %scan3A_185, %mul3A_977 : i32
        %add3A_979 = arith.constant 12 : i32
        %add3A_980 = arith.addi %mul3A_978, %add3A_979 : i32
        %slice3A_981 = vector.extract_strided_slice %get3A_207 {offsets = [12], sizes = [1], strides = [1]} : vector<16xf32> to vector<1xf32>
        %squeeze3A_982 = vector.extract %slice3A_981[0] : f32 from vector<1xf32>
        %get3A_983 = arith.index_cast %add3A_980 : i32 to index
        %get3A_984 = arith.constant 0 : index
        %get3A_985 = tpu.vector_load %arg13[%get3A_983, %get3A_984] {strides = array<i32>} : memref<128x64xi32, #tpu.memory_space<vmem>>, vector<16xi32>,
        %bitcast3A_986 = vector.bitcast %get3A_985 : vector<16xi32> to vector<32xbf16>
        %unpack3A_987 = tpu.unpack_subelements %bitcast3A_986, 0 {pack_format = #tpu.pack_format<interleaved>} : vector<32xbf16> -> vector<16xf32>
        %unpack3A_988 = tpu.unpack_subelements %bitcast3A_986, 1 {pack_format = #tpu.pack_format<interleaved>} : vector<32xbf16> -> vector<16xf32>
        %mul3A_989 = vector.broadcast %squeeze3A_982 : f32 to vector<16xf32>
        %mul3A_990 = arith.mulf %mul3A_989, %unpack3A_987 : vector<16xf32>
        %add3A_991 = arith.addf %add3A_927, %mul3A_990 : vector<16xf32>
        %mul3A_992 = vector.broadcast %squeeze3A_982 : f32 to vector<16xf32>
        %mul3A_993 = arith.mulf %mul3A_992, %unpack3A_988 : vector<16xf32>
        %add3A_994 = arith.addf %add3A_930, %mul3A_993 : vector<16xf32>
        %get3A_995 = arith.index_cast %add3A_980 : i32 to index
        %get3A_996 = arith.constant 16 : index
        %get3A_997 = tpu.vector_load %arg13[%get3A_995, %get3A_996] {strides = array<i32>} : memref<128x64xi32, #tpu.memory_space<vmem>>, vector<16xi32>,
        %shift_left3A_998 = arith.constant 16 : i32
        %shift_left3A_999 = vector.broadcast %shift_left3A_998 : i32 to vector<16xi32>
        %shift_left3A_1000 = arith.shli %get3A_997, %shift_left3A_999 : vector<16xi32>
        %bitcast3A_1001 = vector.bitcast %shift_left3A_1000 : vector<16xi32> to vector<16xf32>
        %and3A_1002 = arith.constant -65536 : i32
        %and3A_1003 = vector.broadcast %and3A_1002 : i32 to vector<16xi32>
        %and3A_1004 = arith.andi %get3A_997, %and3A_1003 : vector<16xi32>
        %bitcast3A_1005 = vector.bitcast %and3A_1004 : vector<16xi32> to vector<16xf32>
        %mul3A_1006 = vector.broadcast %squeeze3A_982 : f32 to vector<16xf32>
        %mul3A_1007 = arith.mulf %mul3A_1006, %bitcast3A_1001 : vector<16xf32>
        %add3A_1008 = arith.addf %add3A_944, %mul3A_1007 : vector<16xf32>
        %mul3A_1009 = vector.broadcast %squeeze3A_982 : f32 to vector<16xf32>
        %mul3A_1010 = arith.mulf %mul3A_1009, %bitcast3A_1005 : vector<16xf32>
        %add3A_1011 = arith.addf %add3A_947, %mul3A_1010 : vector<16xf32>
        %get3A_1012 = arith.index_cast %add3A_980 : i32 to index
        %get3A_1013 = arith.constant 32 : index
        %get3A_1014 = tpu.vector_load %arg13[%get3A_1012, %get3A_1013] {strides = array<i32>} : memref<128x64xi32, #tpu.memory_space<vmem>>, vector<16xi32>,
        %bitcast3A_1015 = vector.bitcast %get3A_1014 : vector<16xi32> to vector<32xbf16>
        %unpack3A_1016 = tpu.unpack_subelements %bitcast3A_1015, 0 {pack_format = #tpu.pack_format<interleaved>} : vector<32xbf16> -> vector<16xf32>
        %unpack3A_1017 = tpu.unpack_subelements %bitcast3A_1015, 1 {pack_format = #tpu.pack_format<interleaved>} : vector<32xbf16> -> vector<16xf32>
        %mul3A_1018 = vector.broadcast %squeeze3A_982 : f32 to vector<16xf32>
        %mul3A_1019 = arith.mulf %mul3A_1018, %unpack3A_1016 : vector<16xf32>
        %add3A_1020 = arith.addf %add3A_956, %mul3A_1019 : vector<16xf32>
        %mul3A_1021 = vector.broadcast %squeeze3A_982 : f32 to vector<16xf32>
        %mul3A_1022 = arith.mulf %mul3A_1021, %unpack3A_1017 : vector<16xf32>
        %add3A_1023 = arith.addf %add3A_959, %mul3A_1022 : vector<16xf32>
        %get3A_1024 = arith.index_cast %add3A_980 : i32 to index
        %get3A_1025 = arith.constant 48 : index
        %get3A_1026 = tpu.vector_load %arg13[%get3A_1024, %get3A_1025] {strides = array<i32>} : memref<128x64xi32, #tpu.memory_space<vmem>>, vector<16xi32>,
        %shift_left3A_1027 = arith.constant 16 : i32
        %shift_left3A_1028 = vector.broadcast %shift_left3A_1027 : i32 to vector<16xi32>
        %shift_left3A_1029 = arith.shli %get3A_1026, %shift_left3A_1028 : vector<16xi32>
        %bitcast3A_1030 = vector.bitcast %shift_left3A_1029 : vector<16xi32> to vector<16xf32>
        %and3A_1031 = arith.constant -65536 : i32
        %and3A_1032 = vector.broadcast %and3A_1031 : i32 to vector<16xi32>
        %and3A_1033 = arith.andi %get3A_1026, %and3A_1032 : vector<16xi32>
        %bitcast3A_1034 = vector.bitcast %and3A_1033 : vector<16xi32> to vector<16xf32>
        %mul3A_1035 = vector.broadcast %squeeze3A_982 : f32 to vector<16xf32>
        %mul3A_1036 = arith.mulf %mul3A_1035, %bitcast3A_1030 : vector<16xf32>
        %add3A_1037 = arith.addf %add3A_973, %mul3A_1036 : vector<16xf32>
        %mul3A_1038 = vector.broadcast %squeeze3A_982 : f32 to vector<16xf32>
        %mul3A_1039 = arith.mulf %mul3A_1038, %bitcast3A_1034 : vector<16xf32>
        %add3A_1040 = arith.addf %add3A_976, %mul3A_1039 : vector<16xf32>
        %mul3A_1041 = arith.constant 32 : i32
        %mul3A_1042 = arith.muli %scan3A_185, %mul3A_1041 : i32
        %add3A_1043 = arith.constant 13 : i32
        %add3A_1044 = arith.addi %mul3A_1042, %add3A_1043 : i32
        %slice3A_1045 = vector.extract_strided_slice %get3A_207 {offsets = [13], sizes = [1], strides = [1]} : vector<16xf32> to vector<1xf32>
        %squeeze3A_1046 = vector.extract %slice3A_1045[0] : f32 from vector<1xf32>
        %get3A_1047 = arith.index_cast %add3A_1044 : i32 to index
        %get3A_1048 = arith.constant 0 : index
        %get3A_1049 = tpu.vector_load %arg13[%get3A_1047, %get3A_1048] {strides = array<i32>} : memref<128x64xi32, #tpu.memory_space<vmem>>, vector<16xi32>,
        %bitcast3A_1050 = vector.bitcast %get3A_1049 : vector<16xi32> to vector<32xbf16>
        %unpack3A_1051 = tpu.unpack_subelements %bitcast3A_1050, 0 {pack_format = #tpu.pack_format<interleaved>} : vector<32xbf16> -> vector<16xf32>
        %unpack3A_1052 = tpu.unpack_subelements %bitcast3A_1050, 1 {pack_format = #tpu.pack_format<interleaved>} : vector<32xbf16> -> vector<16xf32>
        %mul3A_1053 = vector.broadcast %squeeze3A_1046 : f32 to vector<16xf32>
        %mul3A_1054 = arith.mulf %mul3A_1053, %unpack3A_1051 : vector<16xf32>
        %add3A_1055 = arith.addf %add3A_991, %mul3A_1054 : vector<16xf32>
        %mul3A_1056 = vector.broadcast %squeeze3A_1046 : f32 to vector<16xf32>
        %mul3A_1057 = arith.mulf %mul3A_1056, %unpack3A_1052 : vector<16xf32>
        %add3A_1058 = arith.addf %add3A_994, %mul3A_1057 : vector<16xf32>
        %get3A_1059 = arith.index_cast %add3A_1044 : i32 to index
        %get3A_1060 = arith.constant 16 : index
        %get3A_1061 = tpu.vector_load %arg13[%get3A_1059, %get3A_1060] {strides = array<i32>} : memref<128x64xi32, #tpu.memory_space<vmem>>, vector<16xi32>,
        %shift_left3A_1062 = arith.constant 16 : i32
        %shift_left3A_1063 = vector.broadcast %shift_left3A_1062 : i32 to vector<16xi32>
        %shift_left3A_1064 = arith.shli %get3A_1061, %shift_left3A_1063 : vector<16xi32>
        %bitcast3A_1065 = vector.bitcast %shift_left3A_1064 : vector<16xi32> to vector<16xf32>
        %and3A_1066 = arith.constant -65536 : i32
        %and3A_1067 = vector.broadcast %and3A_1066 : i32 to vector<16xi32>
        %and3A_1068 = arith.andi %get3A_1061, %and3A_1067 : vector<16xi32>
        %bitcast3A_1069 = vector.bitcast %and3A_1068 : vector<16xi32> to vector<16xf32>
        %mul3A_1070 = vector.broadcast %squeeze3A_1046 : f32 to vector<16xf32>
        %mul3A_1071 = arith.mulf %mul3A_1070, %bitcast3A_1065 : vector<16xf32>
        %add3A_1072 = arith.addf %add3A_1008, %mul3A_1071 : vector<16xf32>
        %mul3A_1073 = vector.broadcast %squeeze3A_1046 : f32 to vector<16xf32>
        %mul3A_1074 = arith.mulf %mul3A_1073, %bitcast3A_1069 : vector<16xf32>
        %add3A_1075 = arith.addf %add3A_1011, %mul3A_1074 : vector<16xf32>
        %get3A_1076 = arith.index_cast %add3A_1044 : i32 to index
        %get3A_1077 = arith.constant 32 : index
        %get3A_1078 = tpu.vector_load %arg13[%get3A_1076, %get3A_1077] {strides = array<i32>} : memref<128x64xi32, #tpu.memory_space<vmem>>, vector<16xi32>,
        %bitcast3A_1079 = vector.bitcast %get3A_1078 : vector<16xi32> to vector<32xbf16>
        %unpack3A_1080 = tpu.unpack_subelements %bitcast3A_1079, 0 {pack_format = #tpu.pack_format<interleaved>} : vector<32xbf16> -> vector<16xf32>
        %unpack3A_1081 = tpu.unpack_subelements %bitcast3A_1079, 1 {pack_format = #tpu.pack_format<interleaved>} : vector<32xbf16> -> vector<16xf32>
        %mul3A_1082 = vector.broadcast %squeeze3A_1046 : f32 to vector<16xf32>
        %mul3A_1083 = arith.mulf %mul3A_1082, %unpack3A_1080 : vector<16xf32>
        %add3A_1084 = arith.addf %add3A_1020, %mul3A_1083 : vector<16xf32>
        %mul3A_1085 = vector.broadcast %squeeze3A_1046 : f32 to vector<16xf32>
        %mul3A_1086 = arith.mulf %mul3A_1085, %unpack3A_1081 : vector<16xf32>
        %add3A_1087 = arith.addf %add3A_1023, %mul3A_1086 : vector<16xf32>
        %get3A_1088 = arith.index_cast %add3A_1044 : i32 to index
        %get3A_1089 = arith.constant 48 : index
        %get3A_1090 = tpu.vector_load %arg13[%get3A_1088, %get3A_1089] {strides = array<i32>} : memref<128x64xi32, #tpu.memory_space<vmem>>, vector<16xi32>,
        %shift_left3A_1091 = arith.constant 16 : i32
        %shift_left3A_1092 = vector.broadcast %shift_left3A_1091 : i32 to vector<16xi32>
        %shift_left3A_1093 = arith.shli %get3A_1090, %shift_left3A_1092 : vector<16xi32>
        %bitcast3A_1094 = vector.bitcast %shift_left3A_1093 : vector<16xi32> to vector<16xf32>
        %and3A_1095 = arith.constant -65536 : i32
        %and3A_1096 = vector.broadcast %and3A_1095 : i32 to vector<16xi32>
        %and3A_1097 = arith.andi %get3A_1090, %and3A_1096 : vector<16xi32>
        %bitcast3A_1098 = vector.bitcast %and3A_1097 : vector<16xi32> to vector<16xf32>
        %mul3A_1099 = vector.broadcast %squeeze3A_1046 : f32 to vector<16xf32>
        %mul3A_1100 = arith.mulf %mul3A_1099, %bitcast3A_1094 : vector<16xf32>
        %add3A_1101 = arith.addf %add3A_1037, %mul3A_1100 : vector<16xf32>
        %mul3A_1102 = vector.broadcast %squeeze3A_1046 : f32 to vector<16xf32>
        %mul3A_1103 = arith.mulf %mul3A_1102, %bitcast3A_1098 : vector<16xf32>
        %add3A_1104 = arith.addf %add3A_1040, %mul3A_1103 : vector<16xf32>
        %mul3A_1105 = arith.constant 32 : i32
        %mul3A_1106 = arith.muli %scan3A_185, %mul3A_1105 : i32
        %add3A_1107 = arith.constant 14 : i32
        %add3A_1108 = arith.addi %mul3A_1106, %add3A_1107 : i32
        %slice3A_1109 = vector.extract_strided_slice %get3A_207 {offsets = [14], sizes = [1], strides = [1]} : vector<16xf32> to vector<1xf32>
        %squeeze3A_1110 = vector.extract %slice3A_1109[0] : f32 from vector<1xf32>
        %get3A_1111 = arith.index_cast %add3A_1108 : i32 to index
        %get3A_1112 = arith.constant 0 : index
        %get3A_1113 = tpu.vector_load %arg13[%get3A_1111, %get3A_1112] {strides = array<i32>} : memref<128x64xi32, #tpu.memory_space<vmem>>, vector<16xi32>,
        %bitcast3A_1114 = vector.bitcast %get3A_1113 : vector<16xi32> to vector<32xbf16>
        %unpack3A_1115 = tpu.unpack_subelements %bitcast3A_1114, 0 {pack_format = #tpu.pack_format<interleaved>} : vector<32xbf16> -> vector<16xf32>
        %unpack3A_1116 = tpu.unpack_subelements %bitcast3A_1114, 1 {pack_format = #tpu.pack_format<interleaved>} : vector<32xbf16> -> vector<16xf32>
        %mul3A_1117 = vector.broadcast %squeeze3A_1110 : f32 to vector<16xf32>
        %mul3A_1118 = arith.mulf %mul3A_1117, %unpack3A_1115 : vector<16xf32>
        %add3A_1119 = arith.addf %add3A_1055, %mul3A_1118 : vector<16xf32>
        %mul3A_1120 = vector.broadcast %squeeze3A_1110 : f32 to vector<16xf32>
        %mul3A_1121 = arith.mulf %mul3A_1120, %unpack3A_1116 : vector<16xf32>
        %add3A_1122 = arith.addf %add3A_1058, %mul3A_1121 : vector<16xf32>
        %get3A_1123 = arith.index_cast %add3A_1108 : i32 to index
        %get3A_1124 = arith.constant 16 : index
        %get3A_1125 = tpu.vector_load %arg13[%get3A_1123, %get3A_1124] {strides = array<i32>} : memref<128x64xi32, #tpu.memory_space<vmem>>, vector<16xi32>,
        %shift_left3A_1126 = arith.constant 16 : i32
        %shift_left3A_1127 = vector.broadcast %shift_left3A_1126 : i32 to vector<16xi32>
        %shift_left3A_1128 = arith.shli %get3A_1125, %shift_left3A_1127 : vector<16xi32>
        %bitcast3A_1129 = vector.bitcast %shift_left3A_1128 : vector<16xi32> to vector<16xf32>
        %and3A_1130 = arith.constant -65536 : i32
        %and3A_1131 = vector.broadcast %and3A_1130 : i32 to vector<16xi32>
        %and3A_1132 = arith.andi %get3A_1125, %and3A_1131 : vector<16xi32>
        %bitcast3A_1133 = vector.bitcast %and3A_1132 : vector<16xi32> to vector<16xf32>
        %mul3A_1134 = vector.broadcast %squeeze3A_1110 : f32 to vector<16xf32>
        %mul3A_1135 = arith.mulf %mul3A_1134, %bitcast3A_1129 : vector<16xf32>
        %add3A_1136 = arith.addf %add3A_1072, %mul3A_1135 : vector<16xf32>
        %mul3A_1137 = vector.broadcast %squeeze3A_1110 : f32 to vector<16xf32>
        %mul3A_1138 = arith.mulf %mul3A_1137, %bitcast3A_1133 : vector<16xf32>
        %add3A_1139 = arith.addf %add3A_1075, %mul3A_1138 : vector<16xf32>
        %get3A_1140 = arith.index_cast %add3A_1108 : i32 to index
        %get3A_1141 = arith.constant 32 : index
        %get3A_1142 = tpu.vector_load %arg13[%get3A_1140, %get3A_1141] {strides = array<i32>} : memref<128x64xi32, #tpu.memory_space<vmem>>, vector<16xi32>,
        %bitcast3A_1143 = vector.bitcast %get3A_1142 : vector<16xi32> to vector<32xbf16>
        %unpack3A_1144 = tpu.unpack_subelements %bitcast3A_1143, 0 {pack_format = #tpu.pack_format<interleaved>} : vector<32xbf16> -> vector<16xf32>
        %unpack3A_1145 = tpu.unpack_subelements %bitcast3A_1143, 1 {pack_format = #tpu.pack_format<interleaved>} : vector<32xbf16> -> vector<16xf32>
        %mul3A_1146 = vector.broadcast %squeeze3A_1110 : f32 to vector<16xf32>
        %mul3A_1147 = arith.mulf %mul3A_1146, %unpack3A_1144 : vector<16xf32>
        %add3A_1148 = arith.addf %add3A_1084, %mul3A_1147 : vector<16xf32>
        %mul3A_1149 = vector.broadcast %squeeze3A_1110 : f32 to vector<16xf32>
        %mul3A_1150 = arith.mulf %mul3A_1149, %unpack3A_1145 : vector<16xf32>
        %add3A_1151 = arith.addf %add3A_1087, %mul3A_1150 : vector<16xf32>
        %get3A_1152 = arith.index_cast %add3A_1108 : i32 to index
        %get3A_1153 = arith.constant 48 : index
        %get3A_1154 = tpu.vector_load %arg13[%get3A_1152, %get3A_1153] {strides = array<i32>} : memref<128x64xi32, #tpu.memory_space<vmem>>, vector<16xi32>,
        %shift_left3A_1155 = arith.constant 16 : i32
        %shift_left3A_1156 = vector.broadcast %shift_left3A_1155 : i32 to vector<16xi32>
        %shift_left3A_1157 = arith.shli %get3A_1154, %shift_left3A_1156 : vector<16xi32>
        %bitcast3A_1158 = vector.bitcast %shift_left3A_1157 : vector<16xi32> to vector<16xf32>
        %and3A_1159 = arith.constant -65536 : i32
        %and3A_1160 = vector.broadcast %and3A_1159 : i32 to vector<16xi32>
        %and3A_1161 = arith.andi %get3A_1154, %and3A_1160 : vector<16xi32>
        %bitcast3A_1162 = vector.bitcast %and3A_1161 : vector<16xi32> to vector<16xf32>
        %mul3A_1163 = vector.broadcast %squeeze3A_1110 : f32 to vector<16xf32>
        %mul3A_1164 = arith.mulf %mul3A_1163, %bitcast3A_1158 : vector<16xf32>
        %add3A_1165 = arith.addf %add3A_1101, %mul3A_1164 : vector<16xf32>
        %mul3A_1166 = vector.broadcast %squeeze3A_1110 : f32 to vector<16xf32>
        %mul3A_1167 = arith.mulf %mul3A_1166, %bitcast3A_1162 : vector<16xf32>
        %add3A_1168 = arith.addf %add3A_1104, %mul3A_1167 : vector<16xf32>
        %mul3A_1169 = arith.constant 32 : i32
        %mul3A_1170 = arith.muli %scan3A_185, %mul3A_1169 : i32
        %add3A_1171 = arith.constant 15 : i32
        %add3A_1172 = arith.addi %mul3A_1170, %add3A_1171 : i32
        %slice3A_1173 = vector.extract_strided_slice %get3A_207 {offsets = [15], sizes = [1], strides = [1]} : vector<16xf32> to vector<1xf32>
        %squeeze3A_1174 = vector.extract %slice3A_1173[0] : f32 from vector<1xf32>
        %get3A_1175 = arith.index_cast %add3A_1172 : i32 to index
        %get3A_1176 = arith.constant 0 : index
        %get3A_1177 = tpu.vector_load %arg13[%get3A_1175, %get3A_1176] {strides = array<i32>} : memref<128x64xi32, #tpu.memory_space<vmem>>, vector<16xi32>,
        %bitcast3A_1178 = vector.bitcast %get3A_1177 : vector<16xi32> to vector<32xbf16>
        %unpack3A_1179 = tpu.unpack_subelements %bitcast3A_1178, 0 {pack_format = #tpu.pack_format<interleaved>} : vector<32xbf16> -> vector<16xf32>
        %unpack3A_1180 = tpu.unpack_subelements %bitcast3A_1178, 1 {pack_format = #tpu.pack_format<interleaved>} : vector<32xbf16> -> vector<16xf32>
        %mul3A_1181 = vector.broadcast %squeeze3A_1174 : f32 to vector<16xf32>
        %mul3A_1182 = arith.mulf %mul3A_1181, %unpack3A_1179 : vector<16xf32>
        %add3A_1183 = arith.addf %add3A_1119, %mul3A_1182 : vector<16xf32>
        %mul3A_1184 = vector.broadcast %squeeze3A_1174 : f32 to vector<16xf32>
        %mul3A_1185 = arith.mulf %mul3A_1184, %unpack3A_1180 : vector<16xf32>
        %add3A_1186 = arith.addf %add3A_1122, %mul3A_1185 : vector<16xf32>
        %get3A_1187 = arith.index_cast %add3A_1172 : i32 to index
        %get3A_1188 = arith.constant 16 : index
        %get3A_1189 = tpu.vector_load %arg13[%get3A_1187, %get3A_1188] {strides = array<i32>} : memref<128x64xi32, #tpu.memory_space<vmem>>, vector<16xi32>,
        %shift_left3A_1190 = arith.constant 16 : i32
        %shift_left3A_1191 = vector.broadcast %shift_left3A_1190 : i32 to vector<16xi32>
        %shift_left3A_1192 = arith.shli %get3A_1189, %shift_left3A_1191 : vector<16xi32>
        %bitcast3A_1193 = vector.bitcast %shift_left3A_1192 : vector<16xi32> to vector<16xf32>
        %and3A_1194 = arith.constant -65536 : i32
        %and3A_1195 = vector.broadcast %and3A_1194 : i32 to vector<16xi32>
        %and3A_1196 = arith.andi %get3A_1189, %and3A_1195 : vector<16xi32>
        %bitcast3A_1197 = vector.bitcast %and3A_1196 : vector<16xi32> to vector<16xf32>
        %mul3A_1198 = vector.broadcast %squeeze3A_1174 : f32 to vector<16xf32>
        %mul3A_1199 = arith.mulf %mul3A_1198, %bitcast3A_1193 : vector<16xf32>
        %add3A_1200 = arith.addf %add3A_1136, %mul3A_1199 : vector<16xf32>
        %mul3A_1201 = vector.broadcast %squeeze3A_1174 : f32 to vector<16xf32>
        %mul3A_1202 = arith.mulf %mul3A_1201, %bitcast3A_1197 : vector<16xf32>
        %add3A_1203 = arith.addf %add3A_1139, %mul3A_1202 : vector<16xf32>
        %get3A_1204 = arith.index_cast %add3A_1172 : i32 to index
        %get3A_1205 = arith.constant 32 : index
        %get3A_1206 = tpu.vector_load %arg13[%get3A_1204, %get3A_1205] {strides = array<i32>} : memref<128x64xi32, #tpu.memory_space<vmem>>, vector<16xi32>,
        %bitcast3A_1207 = vector.bitcast %get3A_1206 : vector<16xi32> to vector<32xbf16>
        %unpack3A_1208 = tpu.unpack_subelements %bitcast3A_1207, 0 {pack_format = #tpu.pack_format<interleaved>} : vector<32xbf16> -> vector<16xf32>
        %unpack3A_1209 = tpu.unpack_subelements %bitcast3A_1207, 1 {pack_format = #tpu.pack_format<interleaved>} : vector<32xbf16> -> vector<16xf32>
        %mul3A_1210 = vector.broadcast %squeeze3A_1174 : f32 to vector<16xf32>
        %mul3A_1211 = arith.mulf %mul3A_1210, %unpack3A_1208 : vector<16xf32>
        %add3A_1212 = arith.addf %add3A_1148, %mul3A_1211 : vector<16xf32>
        %mul3A_1213 = vector.broadcast %squeeze3A_1174 : f32 to vector<16xf32>
        %mul3A_1214 = arith.mulf %mul3A_1213, %unpack3A_1209 : vector<16xf32>
        %add3A_1215 = arith.addf %add3A_1151, %mul3A_1214 : vector<16xf32>
        %get3A_1216 = arith.index_cast %add3A_1172 : i32 to index
        %get3A_1217 = arith.constant 48 : index
        %get3A_1218 = tpu.vector_load %arg13[%get3A_1216, %get3A_1217] {strides = array<i32>} : memref<128x64xi32, #tpu.memory_space<vmem>>, vector<16xi32>,
        %shift_left3A_1219 = arith.constant 16 : i32
        %shift_left3A_1220 = vector.broadcast %shift_left3A_1219 : i32 to vector<16xi32>
        %shift_left3A_1221 = arith.shli %get3A_1218, %shift_left3A_1220 : vector<16xi32>
        %bitcast3A_1222 = vector.bitcast %shift_left3A_1221 : vector<16xi32> to vector<16xf32>
        %and3A_1223 = arith.constant -65536 : i32
        %and3A_1224 = vector.broadcast %and3A_1223 : i32 to vector<16xi32>
        %and3A_1225 = arith.andi %get3A_1218, %and3A_1224 : vector<16xi32>
        %bitcast3A_1226 = vector.bitcast %and3A_1225 : vector<16xi32> to vector<16xf32>
        %mul3A_1227 = vector.broadcast %squeeze3A_1174 : f32 to vector<16xf32>
        %mul3A_1228 = arith.mulf %mul3A_1227, %bitcast3A_1222 : vector<16xf32>
        %add3A_1229 = arith.addf %add3A_1165, %mul3A_1228 : vector<16xf32>
        %mul3A_1230 = vector.broadcast %squeeze3A_1174 : f32 to vector<16xf32>
        %mul3A_1231 = arith.mulf %mul3A_1230, %bitcast3A_1226 : vector<16xf32>
        %add3A_1232 = arith.addf %add3A_1168, %mul3A_1231 : vector<16xf32>
        %mul3A_1233 = arith.constant 32 : i32
        %mul3A_1234 = arith.muli %scan3A_185, %mul3A_1233 : i32
        %add3A_1235 = arith.constant 16 : i32
        %add3A_1236 = arith.addi %mul3A_1234, %add3A_1235 : i32
        %slice3A_1237 = vector.extract_strided_slice %get3A_214 {offsets = [0], sizes = [1], strides = [1]} : vector<16xf32> to vector<1xf32>
        %squeeze3A_1238 = vector.extract %slice3A_1237[0] : f32 from vector<1xf32>
        %get3A_1239 = arith.index_cast %add3A_1236 : i32 to index
        %get3A_1240 = arith.constant 0 : index
        %get3A_1241 = tpu.vector_load %arg13[%get3A_1239, %get3A_1240] {strides = array<i32>} : memref<128x64xi32, #tpu.memory_space<vmem>>, vector<16xi32>,
        %bitcast3A_1242 = vector.bitcast %get3A_1241 : vector<16xi32> to vector<32xbf16>
        %unpack3A_1243 = tpu.unpack_subelements %bitcast3A_1242, 0 {pack_format = #tpu.pack_format<interleaved>} : vector<32xbf16> -> vector<16xf32>
        %unpack3A_1244 = tpu.unpack_subelements %bitcast3A_1242, 1 {pack_format = #tpu.pack_format<interleaved>} : vector<32xbf16> -> vector<16xf32>
        %mul3A_1245 = vector.broadcast %squeeze3A_1238 : f32 to vector<16xf32>
        %mul3A_1246 = arith.mulf %mul3A_1245, %unpack3A_1243 : vector<16xf32>
        %add3A_1247 = arith.addf %add3A_1183, %mul3A_1246 : vector<16xf32>
        %mul3A_1248 = vector.broadcast %squeeze3A_1238 : f32 to vector<16xf32>
        %mul3A_1249 = arith.mulf %mul3A_1248, %unpack3A_1244 : vector<16xf32>
        %add3A_1250 = arith.addf %add3A_1186, %mul3A_1249 : vector<16xf32>
        %get3A_1251 = arith.index_cast %add3A_1236 : i32 to index
        %get3A_1252 = arith.constant 16 : index
        %get3A_1253 = tpu.vector_load %arg13[%get3A_1251, %get3A_1252] {strides = array<i32>} : memref<128x64xi32, #tpu.memory_space<vmem>>, vector<16xi32>,
        %shift_left3A_1254 = arith.constant 16 : i32
        %shift_left3A_1255 = vector.broadcast %shift_left3A_1254 : i32 to vector<16xi32>
        %shift_left3A_1256 = arith.shli %get3A_1253, %shift_left3A_1255 : vector<16xi32>
        %bitcast3A_1257 = vector.bitcast %shift_left3A_1256 : vector<16xi32> to vector<16xf32>
        %and3A_1258 = arith.constant -65536 : i32
        %and3A_1259 = vector.broadcast %and3A_1258 : i32 to vector<16xi32>
        %and3A_1260 = arith.andi %get3A_1253, %and3A_1259 : vector<16xi32>
        %bitcast3A_1261 = vector.bitcast %and3A_1260 : vector<16xi32> to vector<16xf32>
        %mul3A_1262 = vector.broadcast %squeeze3A_1238 : f32 to vector<16xf32>
        %mul3A_1263 = arith.mulf %mul3A_1262, %bitcast3A_1257 : vector<16xf32>
        %add3A_1264 = arith.addf %add3A_1200, %mul3A_1263 : vector<16xf32>
        %mul3A_1265 = vector.broadcast %squeeze3A_1238 : f32 to vector<16xf32>
        %mul3A_1266 = arith.mulf %mul3A_1265, %bitcast3A_1261 : vector<16xf32>
        %add3A_1267 = arith.addf %add3A_1203, %mul3A_1266 : vector<16xf32>
        %get3A_1268 = arith.index_cast %add3A_1236 : i32 to index
        %get3A_1269 = arith.constant 32 : index
        %get3A_1270 = tpu.vector_load %arg13[%get3A_1268, %get3A_1269] {strides = array<i32>} : memref<128x64xi32, #tpu.memory_space<vmem>>, vector<16xi32>,
        %bitcast3A_1271 = vector.bitcast %get3A_1270 : vector<16xi32> to vector<32xbf16>
        %unpack3A_1272 = tpu.unpack_subelements %bitcast3A_1271, 0 {pack_format = #tpu.pack_format<interleaved>} : vector<32xbf16> -> vector<16xf32>
        %unpack3A_1273 = tpu.unpack_subelements %bitcast3A_1271, 1 {pack_format = #tpu.pack_format<interleaved>} : vector<32xbf16> -> vector<16xf32>
        %mul3A_1274 = vector.broadcast %squeeze3A_1238 : f32 to vector<16xf32>
        %mul3A_1275 = arith.mulf %mul3A_1274, %unpack3A_1272 : vector<16xf32>
        %add3A_1276 = arith.addf %add3A_1212, %mul3A_1275 : vector<16xf32>
        %mul3A_1277 = vector.broadcast %squeeze3A_1238 : f32 to vector<16xf32>
        %mul3A_1278 = arith.mulf %mul3A_1277, %unpack3A_1273 : vector<16xf32>
        %add3A_1279 = arith.addf %add3A_1215, %mul3A_1278 : vector<16xf32>
        %get3A_1280 = arith.index_cast %add3A_1236 : i32 to index
        %get3A_1281 = arith.constant 48 : index
        %get3A_1282 = tpu.vector_load %arg13[%get3A_1280, %get3A_1281] {strides = array<i32>} : memref<128x64xi32, #tpu.memory_space<vmem>>, vector<16xi32>,
        %shift_left3A_1283 = arith.constant 16 : i32
        %shift_left3A_1284 = vector.broadcast %shift_left3A_1283 : i32 to vector<16xi32>
        %shift_left3A_1285 = arith.shli %get3A_1282, %shift_left3A_1284 : vector<16xi32>
        %bitcast3A_1286 = vector.bitcast %shift_left3A_1285 : vector<16xi32> to vector<16xf32>
        %and3A_1287 = arith.constant -65536 : i32
        %and3A_1288 = vector.broadcast %and3A_1287 : i32 to vector<16xi32>
        %and3A_1289 = arith.andi %get3A_1282, %and3A_1288 : vector<16xi32>
        %bitcast3A_1290 = vector.bitcast %and3A_1289 : vector<16xi32> to vector<16xf32>
        %mul3A_1291 = vector.broadcast %squeeze3A_1238 : f32 to vector<16xf32>
        %mul3A_1292 = arith.mulf %mul3A_1291, %bitcast3A_1286 : vector<16xf32>
        %add3A_1293 = arith.addf %add3A_1229, %mul3A_1292 : vector<16xf32>
        %mul3A_1294 = vector.broadcast %squeeze3A_1238 : f32 to vector<16xf32>
        %mul3A_1295 = arith.mulf %mul3A_1294, %bitcast3A_1290 : vector<16xf32>
        %add3A_1296 = arith.addf %add3A_1232, %mul3A_1295 : vector<16xf32>
        %mul3A_1297 = arith.constant 32 : i32
        %mul3A_1298 = arith.muli %scan3A_185, %mul3A_1297 : i32
        %add3A_1299 = arith.constant 17 : i32
        %add3A_1300 = arith.addi %mul3A_1298, %add3A_1299 : i32
        %slice3A_1301 = vector.extract_strided_slice %get3A_214 {offsets = [1], sizes = [1], strides = [1]} : vector<16xf32> to vector<1xf32>
        %squeeze3A_1302 = vector.extract %slice3A_1301[0] : f32 from vector<1xf32>
        %get3A_1303 = arith.index_cast %add3A_1300 : i32 to index
        %get3A_1304 = arith.constant 0 : index
        %get3A_1305 = tpu.vector_load %arg13[%get3A_1303, %get3A_1304] {strides = array<i32>} : memref<128x64xi32, #tpu.memory_space<vmem>>, vector<16xi32>,
        %bitcast3A_1306 = vector.bitcast %get3A_1305 : vector<16xi32> to vector<32xbf16>
        %unpack3A_1307 = tpu.unpack_subelements %bitcast3A_1306, 0 {pack_format = #tpu.pack_format<interleaved>} : vector<32xbf16> -> vector<16xf32>
        %unpack3A_1308 = tpu.unpack_subelements %bitcast3A_1306, 1 {pack_format = #tpu.pack_format<interleaved>} : vector<32xbf16> -> vector<16xf32>
        %mul3A_1309 = vector.broadcast %squeeze3A_1302 : f32 to vector<16xf32>
        %mul3A_1310 = arith.mulf %mul3A_1309, %unpack3A_1307 : vector<16xf32>
        %add3A_1311 = arith.addf %add3A_1247, %mul3A_1310 : vector<16xf32>
        %mul3A_1312 = vector.broadcast %squeeze3A_1302 : f32 to vector<16xf32>
        %mul3A_1313 = arith.mulf %mul3A_1312, %unpack3A_1308 : vector<16xf32>
        %add3A_1314 = arith.addf %add3A_1250, %mul3A_1313 : vector<16xf32>
        %get3A_1315 = arith.index_cast %add3A_1300 : i32 to index
        %get3A_1316 = arith.constant 16 : index
        %get3A_1317 = tpu.vector_load %arg13[%get3A_1315, %get3A_1316] {strides = array<i32>} : memref<128x64xi32, #tpu.memory_space<vmem>>, vector<16xi32>,
        %shift_left3A_1318 = arith.constant 16 : i32
        %shift_left3A_1319 = vector.broadcast %shift_left3A_1318 : i32 to vector<16xi32>
        %shift_left3A_1320 = arith.shli %get3A_1317, %shift_left3A_1319 : vector<16xi32>
        %bitcast3A_1321 = vector.bitcast %shift_left3A_1320 : vector<16xi32> to vector<16xf32>
        %and3A_1322 = arith.constant -65536 : i32
        %and3A_1323 = vector.broadcast %and3A_1322 : i32 to vector<16xi32>
        %and3A_1324 = arith.andi %get3A_1317, %and3A_1323 : vector<16xi32>
        %bitcast3A_1325 = vector.bitcast %and3A_1324 : vector<16xi32> to vector<16xf32>
        %mul3A_1326 = vector.broadcast %squeeze3A_1302 : f32 to vector<16xf32>
        %mul3A_1327 = arith.mulf %mul3A_1326, %bitcast3A_1321 : vector<16xf32>
        %add3A_1328 = arith.addf %add3A_1264, %mul3A_1327 : vector<16xf32>
        %mul3A_1329 = vector.broadcast %squeeze3A_1302 : f32 to vector<16xf32>
        %mul3A_1330 = arith.mulf %mul3A_1329, %bitcast3A_1325 : vector<16xf32>
        %add3A_1331 = arith.addf %add3A_1267, %mul3A_1330 : vector<16xf32>
        %get3A_1332 = arith.index_cast %add3A_1300 : i32 to index
        %get3A_1333 = arith.constant 32 : index
        %get3A_1334 = tpu.vector_load %arg13[%get3A_1332, %get3A_1333] {strides = array<i32>} : memref<128x64xi32, #tpu.memory_space<vmem>>, vector<16xi32>,
        %bitcast3A_1335 = vector.bitcast %get3A_1334 : vector<16xi32> to vector<32xbf16>
        %unpack3A_1336 = tpu.unpack_subelements %bitcast3A_1335, 0 {pack_format = #tpu.pack_format<interleaved>} : vector<32xbf16> -> vector<16xf32>
        %unpack3A_1337 = tpu.unpack_subelements %bitcast3A_1335, 1 {pack_format = #tpu.pack_format<interleaved>} : vector<32xbf16> -> vector<16xf32>
        %mul3A_1338 = vector.broadcast %squeeze3A_1302 : f32 to vector<16xf32>
        %mul3A_1339 = arith.mulf %mul3A_1338, %unpack3A_1336 : vector<16xf32>
        %add3A_1340 = arith.addf %add3A_1276, %mul3A_1339 : vector<16xf32>
        %mul3A_1341 = vector.broadcast %squeeze3A_1302 : f32 to vector<16xf32>
        %mul3A_1342 = arith.mulf %mul3A_1341, %unpack3A_1337 : vector<16xf32>
        %add3A_1343 = arith.addf %add3A_1279, %mul3A_1342 : vector<16xf32>
        %get3A_1344 = arith.index_cast %add3A_1300 : i32 to index
        %get3A_1345 = arith.constant 48 : index
        %get3A_1346 = tpu.vector_load %arg13[%get3A_1344, %get3A_1345] {strides = array<i32>} : memref<128x64xi32, #tpu.memory_space<vmem>>, vector<16xi32>,
        %shift_left3A_1347 = arith.constant 16 : i32
        %shift_left3A_1348 = vector.broadcast %shift_left3A_1347 : i32 to vector<16xi32>
        %shift_left3A_1349 = arith.shli %get3A_1346, %shift_left3A_1348 : vector<16xi32>
        %bitcast3A_1350 = vector.bitcast %shift_left3A_1349 : vector<16xi32> to vector<16xf32>
        %and3A_1351 = arith.constant -65536 : i32
        %and3A_1352 = vector.broadcast %and3A_1351 : i32 to vector<16xi32>
        %and3A_1353 = arith.andi %get3A_1346, %and3A_1352 : vector<16xi32>
        %bitcast3A_1354 = vector.bitcast %and3A_1353 : vector<16xi32> to vector<16xf32>
        %mul3A_1355 = vector.broadcast %squeeze3A_1302 : f32 to vector<16xf32>
        %mul3A_1356 = arith.mulf %mul3A_1355, %bitcast3A_1350 : vector<16xf32>
        %add3A_1357 = arith.addf %add3A_1293, %mul3A_1356 : vector<16xf32>
        %mul3A_1358 = vector.broadcast %squeeze3A_1302 : f32 to vector<16xf32>
        %mul3A_1359 = arith.mulf %mul3A_1358, %bitcast3A_1354 : vector<16xf32>
        %add3A_1360 = arith.addf %add3A_1296, %mul3A_1359 : vector<16xf32>
        %mul3A_1361 = arith.constant 32 : i32
        %mul3A_1362 = arith.muli %scan3A_185, %mul3A_1361 : i32
        %add3A_1363 = arith.constant 18 : i32
        %add3A_1364 = arith.addi %mul3A_1362, %add3A_1363 : i32
        %slice3A_1365 = vector.extract_strided_slice %get3A_214 {offsets = [2], sizes = [1], strides = [1]} : vector<16xf32> to vector<1xf32>
        %squeeze3A_1366 = vector.extract %slice3A_1365[0] : f32 from vector<1xf32>
        %get3A_1367 = arith.index_cast %add3A_1364 : i32 to index
        %get3A_1368 = arith.constant 0 : index
        %get3A_1369 = tpu.vector_load %arg13[%get3A_1367, %get3A_1368] {strides = array<i32>} : memref<128x64xi32, #tpu.memory_space<vmem>>, vector<16xi32>,
        %bitcast3A_1370 = vector.bitcast %get3A_1369 : vector<16xi32> to vector<32xbf16>
        %unpack3A_1371 = tpu.unpack_subelements %bitcast3A_1370, 0 {pack_format = #tpu.pack_format<interleaved>} : vector<32xbf16> -> vector<16xf32>
        %unpack3A_1372 = tpu.unpack_subelements %bitcast3A_1370, 1 {pack_format = #tpu.pack_format<interleaved>} : vector<32xbf16> -> vector<16xf32>
        %mul3A_1373 = vector.broadcast %squeeze3A_1366 : f32 to vector<16xf32>
        %mul3A_1374 = arith.mulf %mul3A_1373, %unpack3A_1371 : vector<16xf32>
        %add3A_1375 = arith.addf %add3A_1311, %mul3A_1374 : vector<16xf32>
        %mul3A_1376 = vector.broadcast %squeeze3A_1366 : f32 to vector<16xf32>
        %mul3A_1377 = arith.mulf %mul3A_1376, %unpack3A_1372 : vector<16xf32>
        %add3A_1378 = arith.addf %add3A_1314, %mul3A_1377 : vector<16xf32>
        %get3A_1379 = arith.index_cast %add3A_1364 : i32 to index
        %get3A_1380 = arith.constant 16 : index
        %get3A_1381 = tpu.vector_load %arg13[%get3A_1379, %get3A_1380] {strides = array<i32>} : memref<128x64xi32, #tpu.memory_space<vmem>>, vector<16xi32>,
        %shift_left3A_1382 = arith.constant 16 : i32
        %shift_left3A_1383 = vector.broadcast %shift_left3A_1382 : i32 to vector<16xi32>
        %shift_left3A_1384 = arith.shli %get3A_1381, %shift_left3A_1383 : vector<16xi32>
        %bitcast3A_1385 = vector.bitcast %shift_left3A_1384 : vector<16xi32> to vector<16xf32>
        %and3A_1386 = arith.constant -65536 : i32
        %and3A_1387 = vector.broadcast %and3A_1386 : i32 to vector<16xi32>
        %and3A_1388 = arith.andi %get3A_1381, %and3A_1387 : vector<16xi32>
        %bitcast3A_1389 = vector.bitcast %and3A_1388 : vector<16xi32> to vector<16xf32>
        %mul3A_1390 = vector.broadcast %squeeze3A_1366 : f32 to vector<16xf32>
        %mul3A_1391 = arith.mulf %mul3A_1390, %bitcast3A_1385 : vector<16xf32>
        %add3A_1392 = arith.addf %add3A_1328, %mul3A_1391 : vector<16xf32>
        %mul3A_1393 = vector.broadcast %squeeze3A_1366 : f32 to vector<16xf32>
        %mul3A_1394 = arith.mulf %mul3A_1393, %bitcast3A_1389 : vector<16xf32>
        %add3A_1395 = arith.addf %add3A_1331, %mul3A_1394 : vector<16xf32>
        %get3A_1396 = arith.index_cast %add3A_1364 : i32 to index
        %get3A_1397 = arith.constant 32 : index
        %get3A_1398 = tpu.vector_load %arg13[%get3A_1396, %get3A_1397] {strides = array<i32>} : memref<128x64xi32, #tpu.memory_space<vmem>>, vector<16xi32>,
        %bitcast3A_1399 = vector.bitcast %get3A_1398 : vector<16xi32> to vector<32xbf16>
        %unpack3A_1400 = tpu.unpack_subelements %bitcast3A_1399, 0 {pack_format = #tpu.pack_format<interleaved>} : vector<32xbf16> -> vector<16xf32>
        %unpack3A_1401 = tpu.unpack_subelements %bitcast3A_1399, 1 {pack_format = #tpu.pack_format<interleaved>} : vector<32xbf16> -> vector<16xf32>
        %mul3A_1402 = vector.broadcast %squeeze3A_1366 : f32 to vector<16xf32>
        %mul3A_1403 = arith.mulf %mul3A_1402, %unpack3A_1400 : vector<16xf32>
        %add3A_1404 = arith.addf %add3A_1340, %mul3A_1403 : vector<16xf32>
        %mul3A_1405 = vector.broadcast %squeeze3A_1366 : f32 to vector<16xf32>
        %mul3A_1406 = arith.mulf %mul3A_1405, %unpack3A_1401 : vector<16xf32>
        %add3A_1407 = arith.addf %add3A_1343, %mul3A_1406 : vector<16xf32>
        %get3A_1408 = arith.index_cast %add3A_1364 : i32 to index
        %get3A_1409 = arith.constant 48 : index
        %get3A_1410 = tpu.vector_load %arg13[%get3A_1408, %get3A_1409] {strides = array<i32>} : memref<128x64xi32, #tpu.memory_space<vmem>>, vector<16xi32>,
        %shift_left3A_1411 = arith.constant 16 : i32
        %shift_left3A_1412 = vector.broadcast %shift_left3A_1411 : i32 to vector<16xi32>
        %shift_left3A_1413 = arith.shli %get3A_1410, %shift_left3A_1412 : vector<16xi32>
        %bitcast3A_1414 = vector.bitcast %shift_left3A_1413 : vector<16xi32> to vector<16xf32>
        %and3A_1415 = arith.constant -65536 : i32
        %and3A_1416 = vector.broadcast %and3A_1415 : i32 to vector<16xi32>
        %and3A_1417 = arith.andi %get3A_1410, %and3A_1416 : vector<16xi32>
        %bitcast3A_1418 = vector.bitcast %and3A_1417 : vector<16xi32> to vector<16xf32>
        %mul3A_1419 = vector.broadcast %squeeze3A_1366 : f32 to vector<16xf32>
        %mul3A_1420 = arith.mulf %mul3A_1419, %bitcast3A_1414 : vector<16xf32>
        %add3A_1421 = arith.addf %add3A_1357, %mul3A_1420 : vector<16xf32>
        %mul3A_1422 = vector.broadcast %squeeze3A_1366 : f32 to vector<16xf32>
        %mul3A_1423 = arith.mulf %mul3A_1422, %bitcast3A_1418 : vector<16xf32>
        %add3A_1424 = arith.addf %add3A_1360, %mul3A_1423 : vector<16xf32>
        %mul3A_1425 = arith.constant 32 : i32
        %mul3A_1426 = arith.muli %scan3A_185, %mul3A_1425 : i32
        %add3A_1427 = arith.constant 19 : i32
        %add3A_1428 = arith.addi %mul3A_1426, %add3A_1427 : i32
        %slice3A_1429 = vector.extract_strided_slice %get3A_214 {offsets = [3], sizes = [1], strides = [1]} : vector<16xf32> to vector<1xf32>
        %squeeze3A_1430 = vector.extract %slice3A_1429[0] : f32 from vector<1xf32>
        %get3A_1431 = arith.index_cast %add3A_1428 : i32 to index
        %get3A_1432 = arith.constant 0 : index
        %get3A_1433 = tpu.vector_load %arg13[%get3A_1431, %get3A_1432] {strides = array<i32>} : memref<128x64xi32, #tpu.memory_space<vmem>>, vector<16xi32>,
        %bitcast3A_1434 = vector.bitcast %get3A_1433 : vector<16xi32> to vector<32xbf16>
        %unpack3A_1435 = tpu.unpack_subelements %bitcast3A_1434, 0 {pack_format = #tpu.pack_format<interleaved>} : vector<32xbf16> -> vector<16xf32>
        %unpack3A_1436 = tpu.unpack_subelements %bitcast3A_1434, 1 {pack_format = #tpu.pack_format<interleaved>} : vector<32xbf16> -> vector<16xf32>
        %mul3A_1437 = vector.broadcast %squeeze3A_1430 : f32 to vector<16xf32>
        %mul3A_1438 = arith.mulf %mul3A_1437, %unpack3A_1435 : vector<16xf32>
        %add3A_1439 = arith.addf %add3A_1375, %mul3A_1438 : vector<16xf32>
        %mul3A_1440 = vector.broadcast %squeeze3A_1430 : f32 to vector<16xf32>
        %mul3A_1441 = arith.mulf %mul3A_1440, %unpack3A_1436 : vector<16xf32>
        %add3A_1442 = arith.addf %add3A_1378, %mul3A_1441 : vector<16xf32>
        %get3A_1443 = arith.index_cast %add3A_1428 : i32 to index
        %get3A_1444 = arith.constant 16 : index
        %get3A_1445 = tpu.vector_load %arg13[%get3A_1443, %get3A_1444] {strides = array<i32>} : memref<128x64xi32, #tpu.memory_space<vmem>>, vector<16xi32>,
        %shift_left3A_1446 = arith.constant 16 : i32
        %shift_left3A_1447 = vector.broadcast %shift_left3A_1446 : i32 to vector<16xi32>
        %shift_left3A_1448 = arith.shli %get3A_1445, %shift_left3A_1447 : vector<16xi32>
        %bitcast3A_1449 = vector.bitcast %shift_left3A_1448 : vector<16xi32> to vector<16xf32>
        %and3A_1450 = arith.constant -65536 : i32
        %and3A_1451 = vector.broadcast %and3A_1450 : i32 to vector<16xi32>
        %and3A_1452 = arith.andi %get3A_1445, %and3A_1451 : vector<16xi32>
        %bitcast3A_1453 = vector.bitcast %and3A_1452 : vector<16xi32> to vector<16xf32>
        %mul3A_1454 = vector.broadcast %squeeze3A_1430 : f32 to vector<16xf32>
        %mul3A_1455 = arith.mulf %mul3A_1454, %bitcast3A_1449 : vector<16xf32>
        %add3A_1456 = arith.addf %add3A_1392, %mul3A_1455 : vector<16xf32>
        %mul3A_1457 = vector.broadcast %squeeze3A_1430 : f32 to vector<16xf32>
        %mul3A_1458 = arith.mulf %mul3A_1457, %bitcast3A_1453 : vector<16xf32>
        %add3A_1459 = arith.addf %add3A_1395, %mul3A_1458 : vector<16xf32>
        %get3A_1460 = arith.index_cast %add3A_1428 : i32 to index
        %get3A_1461 = arith.constant 32 : index
        %get3A_1462 = tpu.vector_load %arg13[%get3A_1460, %get3A_1461] {strides = array<i32>} : memref<128x64xi32, #tpu.memory_space<vmem>>, vector<16xi32>,
        %bitcast3A_1463 = vector.bitcast %get3A_1462 : vector<16xi32> to vector<32xbf16>
        %unpack3A_1464 = tpu.unpack_subelements %bitcast3A_1463, 0 {pack_format = #tpu.pack_format<interleaved>} : vector<32xbf16> -> vector<16xf32>
        %unpack3A_1465 = tpu.unpack_subelements %bitcast3A_1463, 1 {pack_format = #tpu.pack_format<interleaved>} : vector<32xbf16> -> vector<16xf32>
        %mul3A_1466 = vector.broadcast %squeeze3A_1430 : f32 to vector<16xf32>
        %mul3A_1467 = arith.mulf %mul3A_1466, %unpack3A_1464 : vector<16xf32>
        %add3A_1468 = arith.addf %add3A_1404, %mul3A_1467 : vector<16xf32>
        %mul3A_1469 = vector.broadcast %squeeze3A_1430 : f32 to vector<16xf32>
        %mul3A_1470 = arith.mulf %mul3A_1469, %unpack3A_1465 : vector<16xf32>
        %add3A_1471 = arith.addf %add3A_1407, %mul3A_1470 : vector<16xf32>
        %get3A_1472 = arith.index_cast %add3A_1428 : i32 to index
        %get3A_1473 = arith.constant 48 : index
        %get3A_1474 = tpu.vector_load %arg13[%get3A_1472, %get3A_1473] {strides = array<i32>} : memref<128x64xi32, #tpu.memory_space<vmem>>, vector<16xi32>,
        %shift_left3A_1475 = arith.constant 16 : i32
        %shift_left3A_1476 = vector.broadcast %shift_left3A_1475 : i32 to vector<16xi32>
        %shift_left3A_1477 = arith.shli %get3A_1474, %shift_left3A_1476 : vector<16xi32>
        %bitcast3A_1478 = vector.bitcast %shift_left3A_1477 : vector<16xi32> to vector<16xf32>
        %and3A_1479 = arith.constant -65536 : i32
        %and3A_1480 = vector.broadcast %and3A_1479 : i32 to vector<16xi32>
        %and3A_1481 = arith.andi %get3A_1474, %and3A_1480 : vector<16xi32>
        %bitcast3A_1482 = vector.bitcast %and3A_1481 : vector<16xi32> to vector<16xf32>
        %mul3A_1483 = vector.broadcast %squeeze3A_1430 : f32 to vector<16xf32>
        %mul3A_1484 = arith.mulf %mul3A_1483, %bitcast3A_1478 : vector<16xf32>
        %add3A_1485 = arith.addf %add3A_1421, %mul3A_1484 : vector<16xf32>
        %mul3A_1486 = vector.broadcast %squeeze3A_1430 : f32 to vector<16xf32>
        %mul3A_1487 = arith.mulf %mul3A_1486, %bitcast3A_1482 : vector<16xf32>
        %add3A_1488 = arith.addf %add3A_1424, %mul3A_1487 : vector<16xf32>
        %mul3A_1489 = arith.constant 32 : i32
        %mul3A_1490 = arith.muli %scan3A_185, %mul3A_1489 : i32
        %add3A_1491 = arith.constant 20 : i32
        %add3A_1492 = arith.addi %mul3A_1490, %add3A_1491 : i32
        %slice3A_1493 = vector.extract_strided_slice %get3A_214 {offsets = [4], sizes = [1], strides = [1]} : vector<16xf32> to vector<1xf32>
        %squeeze3A_1494 = vector.extract %slice3A_1493[0] : f32 from vector<1xf32>
        %get3A_1495 = arith.index_cast %add3A_1492 : i32 to index
        %get3A_1496 = arith.constant 0 : index
        %get3A_1497 = tpu.vector_load %arg13[%get3A_1495, %get3A_1496] {strides = array<i32>} : memref<128x64xi32, #tpu.memory_space<vmem>>, vector<16xi32>,
        %bitcast3A_1498 = vector.bitcast %get3A_1497 : vector<16xi32> to vector<32xbf16>
        %unpack3A_1499 = tpu.unpack_subelements %bitcast3A_1498, 0 {pack_format = #tpu.pack_format<interleaved>} : vector<32xbf16> -> vector<16xf32>
        %unpack3A_1500 = tpu.unpack_subelements %bitcast3A_1498, 1 {pack_format = #tpu.pack_format<interleaved>} : vector<32xbf16> -> vector<16xf32>
        %mul3A_1501 = vector.broadcast %squeeze3A_1494 : f32 to vector<16xf32>
        %mul3A_1502 = arith.mulf %mul3A_1501, %unpack3A_1499 : vector<16xf32>
        %add3A_1503 = arith.addf %add3A_1439, %mul3A_1502 : vector<16xf32>
        %mul3A_1504 = vector.broadcast %squeeze3A_1494 : f32 to vector<16xf32>
        %mul3A_1505 = arith.mulf %mul3A_1504, %unpack3A_1500 : vector<16xf32>
        %add3A_1506 = arith.addf %add3A_1442, %mul3A_1505 : vector<16xf32>
        %get3A_1507 = arith.index_cast %add3A_1492 : i32 to index
        %get3A_1508 = arith.constant 16 : index
        %get3A_1509 = tpu.vector_load %arg13[%get3A_1507, %get3A_1508] {strides = array<i32>} : memref<128x64xi32, #tpu.memory_space<vmem>>, vector<16xi32>,
        %shift_left3A_1510 = arith.constant 16 : i32
        %shift_left3A_1511 = vector.broadcast %shift_left3A_1510 : i32 to vector<16xi32>
        %shift_left3A_1512 = arith.shli %get3A_1509, %shift_left3A_1511 : vector<16xi32>
        %bitcast3A_1513 = vector.bitcast %shift_left3A_1512 : vector<16xi32> to vector<16xf32>
        %and3A_1514 = arith.constant -65536 : i32
        %and3A_1515 = vector.broadcast %and3A_1514 : i32 to vector<16xi32>
        %and3A_1516 = arith.andi %get3A_1509, %and3A_1515 : vector<16xi32>
        %bitcast3A_1517 = vector.bitcast %and3A_1516 : vector<16xi32> to vector<16xf32>
        %mul3A_1518 = vector.broadcast %squeeze3A_1494 : f32 to vector<16xf32>
        %mul3A_1519 = arith.mulf %mul3A_1518, %bitcast3A_1513 : vector<16xf32>
        %add3A_1520 = arith.addf %add3A_1456, %mul3A_1519 : vector<16xf32>
        %mul3A_1521 = vector.broadcast %squeeze3A_1494 : f32 to vector<16xf32>
        %mul3A_1522 = arith.mulf %mul3A_1521, %bitcast3A_1517 : vector<16xf32>
        %add3A_1523 = arith.addf %add3A_1459, %mul3A_1522 : vector<16xf32>
        %get3A_1524 = arith.index_cast %add3A_1492 : i32 to index
        %get3A_1525 = arith.constant 32 : index
        %get3A_1526 = tpu.vector_load %arg13[%get3A_1524, %get3A_1525] {strides = array<i32>} : memref<128x64xi32, #tpu.memory_space<vmem>>, vector<16xi32>,
        %bitcast3A_1527 = vector.bitcast %get3A_1526 : vector<16xi32> to vector<32xbf16>
        %unpack3A_1528 = tpu.unpack_subelements %bitcast3A_1527, 0 {pack_format = #tpu.pack_format<interleaved>} : vector<32xbf16> -> vector<16xf32>
        %unpack3A_1529 = tpu.unpack_subelements %bitcast3A_1527, 1 {pack_format = #tpu.pack_format<interleaved>} : vector<32xbf16> -> vector<16xf32>
        %mul3A_1530 = vector.broadcast %squeeze3A_1494 : f32 to vector<16xf32>
        %mul3A_1531 = arith.mulf %mul3A_1530, %unpack3A_1528 : vector<16xf32>
        %add3A_1532 = arith.addf %add3A_1468, %mul3A_1531 : vector<16xf32>
        %mul3A_1533 = vector.broadcast %squeeze3A_1494 : f32 to vector<16xf32>
        %mul3A_1534 = arith.mulf %mul3A_1533, %unpack3A_1529 : vector<16xf32>
        %add3A_1535 = arith.addf %add3A_1471, %mul3A_1534 : vector<16xf32>
        %get3A_1536 = arith.index_cast %add3A_1492 : i32 to index
        %get3A_1537 = arith.constant 48 : index
        %get3A_1538 = tpu.vector_load %arg13[%get3A_1536, %get3A_1537] {strides = array<i32>} : memref<128x64xi32, #tpu.memory_space<vmem>>, vector<16xi32>,
        %shift_left3A_1539 = arith.constant 16 : i32
        %shift_left3A_1540 = vector.broadcast %shift_left3A_1539 : i32 to vector<16xi32>
        %shift_left3A_1541 = arith.shli %get3A_1538, %shift_left3A_1540 : vector<16xi32>
        %bitcast3A_1542 = vector.bitcast %shift_left3A_1541 : vector<16xi32> to vector<16xf32>
        %and3A_1543 = arith.constant -65536 : i32
        %and3A_1544 = vector.broadcast %and3A_1543 : i32 to vector<16xi32>
        %and3A_1545 = arith.andi %get3A_1538, %and3A_1544 : vector<16xi32>
        %bitcast3A_1546 = vector.bitcast %and3A_1545 : vector<16xi32> to vector<16xf32>
        %mul3A_1547 = vector.broadcast %squeeze3A_1494 : f32 to vector<16xf32>
        %mul3A_1548 = arith.mulf %mul3A_1547, %bitcast3A_1542 : vector<16xf32>
        %add3A_1549 = arith.addf %add3A_1485, %mul3A_1548 : vector<16xf32>
        %mul3A_1550 = vector.broadcast %squeeze3A_1494 : f32 to vector<16xf32>
        %mul3A_1551 = arith.mulf %mul3A_1550, %bitcast3A_1546 : vector<16xf32>
        %add3A_1552 = arith.addf %add3A_1488, %mul3A_1551 : vector<16xf32>
        %mul3A_1553 = arith.constant 32 : i32
        %mul3A_1554 = arith.muli %scan3A_185, %mul3A_1553 : i32
        %add3A_1555 = arith.constant 21 : i32
        %add3A_1556 = arith.addi %mul3A_1554, %add3A_1555 : i32
        %slice3A_1557 = vector.extract_strided_slice %get3A_214 {offsets = [5], sizes = [1], strides = [1]} : vector<16xf32> to vector<1xf32>
        %squeeze3A_1558 = vector.extract %slice3A_1557[0] : f32 from vector<1xf32>
        %get3A_1559 = arith.index_cast %add3A_1556 : i32 to index
        %get3A_1560 = arith.constant 0 : index
        %get3A_1561 = tpu.vector_load %arg13[%get3A_1559, %get3A_1560] {strides = array<i32>} : memref<128x64xi32, #tpu.memory_space<vmem>>, vector<16xi32>,
        %bitcast3A_1562 = vector.bitcast %get3A_1561 : vector<16xi32> to vector<32xbf16>
        %unpack3A_1563 = tpu.unpack_subelements %bitcast3A_1562, 0 {pack_format = #tpu.pack_format<interleaved>} : vector<32xbf16> -> vector<16xf32>
        %unpack3A_1564 = tpu.unpack_subelements %bitcast3A_1562, 1 {pack_format = #tpu.pack_format<interleaved>} : vector<32xbf16> -> vector<16xf32>
        %mul3A_1565 = vector.broadcast %squeeze3A_1558 : f32 to vector<16xf32>
        %mul3A_1566 = arith.mulf %mul3A_1565, %unpack3A_1563 : vector<16xf32>
        %add3A_1567 = arith.addf %add3A_1503, %mul3A_1566 : vector<16xf32>
        %mul3A_1568 = vector.broadcast %squeeze3A_1558 : f32 to vector<16xf32>
        %mul3A_1569 = arith.mulf %mul3A_1568, %unpack3A_1564 : vector<16xf32>
        %add3A_1570 = arith.addf %add3A_1506, %mul3A_1569 : vector<16xf32>
        %get3A_1571 = arith.index_cast %add3A_1556 : i32 to index
        %get3A_1572 = arith.constant 16 : index
        %get3A_1573 = tpu.vector_load %arg13[%get3A_1571, %get3A_1572] {strides = array<i32>} : memref<128x64xi32, #tpu.memory_space<vmem>>, vector<16xi32>,
        %shift_left3A_1574 = arith.constant 16 : i32
        %shift_left3A_1575 = vector.broadcast %shift_left3A_1574 : i32 to vector<16xi32>
        %shift_left3A_1576 = arith.shli %get3A_1573, %shift_left3A_1575 : vector<16xi32>
        %bitcast3A_1577 = vector.bitcast %shift_left3A_1576 : vector<16xi32> to vector<16xf32>
        %and3A_1578 = arith.constant -65536 : i32
        %and3A_1579 = vector.broadcast %and3A_1578 : i32 to vector<16xi32>
        %and3A_1580 = arith.andi %get3A_1573, %and3A_1579 : vector<16xi32>
        %bitcast3A_1581 = vector.bitcast %and3A_1580 : vector<16xi32> to vector<16xf32>
        %mul3A_1582 = vector.broadcast %squeeze3A_1558 : f32 to vector<16xf32>
        %mul3A_1583 = arith.mulf %mul3A_1582, %bitcast3A_1577 : vector<16xf32>
        %add3A_1584 = arith.addf %add3A_1520, %mul3A_1583 : vector<16xf32>
        %mul3A_1585 = vector.broadcast %squeeze3A_1558 : f32 to vector<16xf32>
        %mul3A_1586 = arith.mulf %mul3A_1585, %bitcast3A_1581 : vector<16xf32>
        %add3A_1587 = arith.addf %add3A_1523, %mul3A_1586 : vector<16xf32>
        %get3A_1588 = arith.index_cast %add3A_1556 : i32 to index
        %get3A_1589 = arith.constant 32 : index
        %get3A_1590 = tpu.vector_load %arg13[%get3A_1588, %get3A_1589] {strides = array<i32>} : memref<128x64xi32, #tpu.memory_space<vmem>>, vector<16xi32>,
        %bitcast3A_1591 = vector.bitcast %get3A_1590 : vector<16xi32> to vector<32xbf16>
        %unpack3A_1592 = tpu.unpack_subelements %bitcast3A_1591, 0 {pack_format = #tpu.pack_format<interleaved>} : vector<32xbf16> -> vector<16xf32>
        %unpack3A_1593 = tpu.unpack_subelements %bitcast3A_1591, 1 {pack_format = #tpu.pack_format<interleaved>} : vector<32xbf16> -> vector<16xf32>
        %mul3A_1594 = vector.broadcast %squeeze3A_1558 : f32 to vector<16xf32>
        %mul3A_1595 = arith.mulf %mul3A_1594, %unpack3A_1592 : vector<16xf32>
        %add3A_1596 = arith.addf %add3A_1532, %mul3A_1595 : vector<16xf32>
        %mul3A_1597 = vector.broadcast %squeeze3A_1558 : f32 to vector<16xf32>
        %mul3A_1598 = arith.mulf %mul3A_1597, %unpack3A_1593 : vector<16xf32>
        %add3A_1599 = arith.addf %add3A_1535, %mul3A_1598 : vector<16xf32>
        %get3A_1600 = arith.index_cast %add3A_1556 : i32 to index
        %get3A_1601 = arith.constant 48 : index
        %get3A_1602 = tpu.vector_load %arg13[%get3A_1600, %get3A_1601] {strides = array<i32>} : memref<128x64xi32, #tpu.memory_space<vmem>>, vector<16xi32>,
        %shift_left3A_1603 = arith.constant 16 : i32
        %shift_left3A_1604 = vector.broadcast %shift_left3A_1603 : i32 to vector<16xi32>
        %shift_left3A_1605 = arith.shli %get3A_1602, %shift_left3A_1604 : vector<16xi32>
        %bitcast3A_1606 = vector.bitcast %shift_left3A_1605 : vector<16xi32> to vector<16xf32>
        %and3A_1607 = arith.constant -65536 : i32
        %and3A_1608 = vector.broadcast %and3A_1607 : i32 to vector<16xi32>
        %and3A_1609 = arith.andi %get3A_1602, %and3A_1608 : vector<16xi32>
        %bitcast3A_1610 = vector.bitcast %and3A_1609 : vector<16xi32> to vector<16xf32>
        %mul3A_1611 = vector.broadcast %squeeze3A_1558 : f32 to vector<16xf32>
        %mul3A_1612 = arith.mulf %mul3A_1611, %bitcast3A_1606 : vector<16xf32>
        %add3A_1613 = arith.addf %add3A_1549, %mul3A_1612 : vector<16xf32>
        %mul3A_1614 = vector.broadcast %squeeze3A_1558 : f32 to vector<16xf32>
        %mul3A_1615 = arith.mulf %mul3A_1614, %bitcast3A_1610 : vector<16xf32>
        %add3A_1616 = arith.addf %add3A_1552, %mul3A_1615 : vector<16xf32>
        %mul3A_1617 = arith.constant 32 : i32
        %mul3A_1618 = arith.muli %scan3A_185, %mul3A_1617 : i32
        %add3A_1619 = arith.constant 22 : i32
        %add3A_1620 = arith.addi %mul3A_1618, %add3A_1619 : i32
        %slice3A_1621 = vector.extract_strided_slice %get3A_214 {offsets = [6], sizes = [1], strides = [1]} : vector<16xf32> to vector<1xf32>
        %squeeze3A_1622 = vector.extract %slice3A_1621[0] : f32 from vector<1xf32>
        %get3A_1623 = arith.index_cast %add3A_1620 : i32 to index
        %get3A_1624 = arith.constant 0 : index
        %get3A_1625 = tpu.vector_load %arg13[%get3A_1623, %get3A_1624] {strides = array<i32>} : memref<128x64xi32, #tpu.memory_space<vmem>>, vector<16xi32>,
        %bitcast3A_1626 = vector.bitcast %get3A_1625 : vector<16xi32> to vector<32xbf16>
        %unpack3A_1627 = tpu.unpack_subelements %bitcast3A_1626, 0 {pack_format = #tpu.pack_format<interleaved>} : vector<32xbf16> -> vector<16xf32>
        %unpack3A_1628 = tpu.unpack_subelements %bitcast3A_1626, 1 {pack_format = #tpu.pack_format<interleaved>} : vector<32xbf16> -> vector<16xf32>
        %mul3A_1629 = vector.broadcast %squeeze3A_1622 : f32 to vector<16xf32>
        %mul3A_1630 = arith.mulf %mul3A_1629, %unpack3A_1627 : vector<16xf32>
        %add3A_1631 = arith.addf %add3A_1567, %mul3A_1630 : vector<16xf32>
        %mul3A_1632 = vector.broadcast %squeeze3A_1622 : f32 to vector<16xf32>
        %mul3A_1633 = arith.mulf %mul3A_1632, %unpack3A_1628 : vector<16xf32>
        %add3A_1634 = arith.addf %add3A_1570, %mul3A_1633 : vector<16xf32>
        %get3A_1635 = arith.index_cast %add3A_1620 : i32 to index
        %get3A_1636 = arith.constant 16 : index
        %get3A_1637 = tpu.vector_load %arg13[%get3A_1635, %get3A_1636] {strides = array<i32>} : memref<128x64xi32, #tpu.memory_space<vmem>>, vector<16xi32>,
        %shift_left3A_1638 = arith.constant 16 : i32
        %shift_left3A_1639 = vector.broadcast %shift_left3A_1638 : i32 to vector<16xi32>
        %shift_left3A_1640 = arith.shli %get3A_1637, %shift_left3A_1639 : vector<16xi32>
        %bitcast3A_1641 = vector.bitcast %shift_left3A_1640 : vector<16xi32> to vector<16xf32>
        %and3A_1642 = arith.constant -65536 : i32
        %and3A_1643 = vector.broadcast %and3A_1642 : i32 to vector<16xi32>
        %and3A_1644 = arith.andi %get3A_1637, %and3A_1643 : vector<16xi32>
        %bitcast3A_1645 = vector.bitcast %and3A_1644 : vector<16xi32> to vector<16xf32>
        %mul3A_1646 = vector.broadcast %squeeze3A_1622 : f32 to vector<16xf32>
        %mul3A_1647 = arith.mulf %mul3A_1646, %bitcast3A_1641 : vector<16xf32>
        %add3A_1648 = arith.addf %add3A_1584, %mul3A_1647 : vector<16xf32>
        %mul3A_1649 = vector.broadcast %squeeze3A_1622 : f32 to vector<16xf32>
        %mul3A_1650 = arith.mulf %mul3A_1649, %bitcast3A_1645 : vector<16xf32>
        %add3A_1651 = arith.addf %add3A_1587, %mul3A_1650 : vector<16xf32>
        %get3A_1652 = arith.index_cast %add3A_1620 : i32 to index
        %get3A_1653 = arith.constant 32 : index
        %get3A_1654 = tpu.vector_load %arg13[%get3A_1652, %get3A_1653] {strides = array<i32>} : memref<128x64xi32, #tpu.memory_space<vmem>>, vector<16xi32>,
        %bitcast3A_1655 = vector.bitcast %get3A_1654 : vector<16xi32> to vector<32xbf16>
        %unpack3A_1656 = tpu.unpack_subelements %bitcast3A_1655, 0 {pack_format = #tpu.pack_format<interleaved>} : vector<32xbf16> -> vector<16xf32>
        %unpack3A_1657 = tpu.unpack_subelements %bitcast3A_1655, 1 {pack_format = #tpu.pack_format<interleaved>} : vector<32xbf16> -> vector<16xf32>
        %mul3A_1658 = vector.broadcast %squeeze3A_1622 : f32 to vector<16xf32>
        %mul3A_1659 = arith.mulf %mul3A_1658, %unpack3A_1656 : vector<16xf32>
        %add3A_1660 = arith.addf %add3A_1596, %mul3A_1659 : vector<16xf32>
        %mul3A_1661 = vector.broadcast %squeeze3A_1622 : f32 to vector<16xf32>
        %mul3A_1662 = arith.mulf %mul3A_1661, %unpack3A_1657 : vector<16xf32>
        %add3A_1663 = arith.addf %add3A_1599, %mul3A_1662 : vector<16xf32>
        %get3A_1664 = arith.index_cast %add3A_1620 : i32 to index
        %get3A_1665 = arith.constant 48 : index
        %get3A_1666 = tpu.vector_load %arg13[%get3A_1664, %get3A_1665] {strides = array<i32>} : memref<128x64xi32, #tpu.memory_space<vmem>>, vector<16xi32>,
        %shift_left3A_1667 = arith.constant 16 : i32
        %shift_left3A_1668 = vector.broadcast %shift_left3A_1667 : i32 to vector<16xi32>
        %shift_left3A_1669 = arith.shli %get3A_1666, %shift_left3A_1668 : vector<16xi32>
        %bitcast3A_1670 = vector.bitcast %shift_left3A_1669 : vector<16xi32> to vector<16xf32>
        %and3A_1671 = arith.constant -65536 : i32
        %and3A_1672 = vector.broadcast %and3A_1671 : i32 to vector<16xi32>
        %and3A_1673 = arith.andi %get3A_1666, %and3A_1672 : vector<16xi32>
        %bitcast3A_1674 = vector.bitcast %and3A_1673 : vector<16xi32> to vector<16xf32>
        %mul3A_1675 = vector.broadcast %squeeze3A_1622 : f32 to vector<16xf32>
        %mul3A_1676 = arith.mulf %mul3A_1675, %bitcast3A_1670 : vector<16xf32>
        %add3A_1677 = arith.addf %add3A_1613, %mul3A_1676 : vector<16xf32>
        %mul3A_1678 = vector.broadcast %squeeze3A_1622 : f32 to vector<16xf32>
        %mul3A_1679 = arith.mulf %mul3A_1678, %bitcast3A_1674 : vector<16xf32>
        %add3A_1680 = arith.addf %add3A_1616, %mul3A_1679 : vector<16xf32>
        %mul3A_1681 = arith.constant 32 : i32
        %mul3A_1682 = arith.muli %scan3A_185, %mul3A_1681 : i32
        %add3A_1683 = arith.constant 23 : i32
        %add3A_1684 = arith.addi %mul3A_1682, %add3A_1683 : i32
        %slice3A_1685 = vector.extract_strided_slice %get3A_214 {offsets = [7], sizes = [1], strides = [1]} : vector<16xf32> to vector<1xf32>
        %squeeze3A_1686 = vector.extract %slice3A_1685[0] : f32 from vector<1xf32>
        %get3A_1687 = arith.index_cast %add3A_1684 : i32 to index
        %get3A_1688 = arith.constant 0 : index
        %get3A_1689 = tpu.vector_load %arg13[%get3A_1687, %get3A_1688] {strides = array<i32>} : memref<128x64xi32, #tpu.memory_space<vmem>>, vector<16xi32>,
        %bitcast3A_1690 = vector.bitcast %get3A_1689 : vector<16xi32> to vector<32xbf16>
        %unpack3A_1691 = tpu.unpack_subelements %bitcast3A_1690, 0 {pack_format = #tpu.pack_format<interleaved>} : vector<32xbf16> -> vector<16xf32>
        %unpack3A_1692 = tpu.unpack_subelements %bitcast3A_1690, 1 {pack_format = #tpu.pack_format<interleaved>} : vector<32xbf16> -> vector<16xf32>
        %mul3A_1693 = vector.broadcast %squeeze3A_1686 : f32 to vector<16xf32>
        %mul3A_1694 = arith.mulf %mul3A_1693, %unpack3A_1691 : vector<16xf32>
        %add3A_1695 = arith.addf %add3A_1631, %mul3A_1694 : vector<16xf32>
        %mul3A_1696 = vector.broadcast %squeeze3A_1686 : f32 to vector<16xf32>
        %mul3A_1697 = arith.mulf %mul3A_1696, %unpack3A_1692 : vector<16xf32>
        %add3A_1698 = arith.addf %add3A_1634, %mul3A_1697 : vector<16xf32>
        %get3A_1699 = arith.index_cast %add3A_1684 : i32 to index
        %get3A_1700 = arith.constant 16 : index
        %get3A_1701 = tpu.vector_load %arg13[%get3A_1699, %get3A_1700] {strides = array<i32>} : memref<128x64xi32, #tpu.memory_space<vmem>>, vector<16xi32>,
        %shift_left3A_1702 = arith.constant 16 : i32
        %shift_left3A_1703 = vector.broadcast %shift_left3A_1702 : i32 to vector<16xi32>
        %shift_left3A_1704 = arith.shli %get3A_1701, %shift_left3A_1703 : vector<16xi32>
        %bitcast3A_1705 = vector.bitcast %shift_left3A_1704 : vector<16xi32> to vector<16xf32>
        %and3A_1706 = arith.constant -65536 : i32
        %and3A_1707 = vector.broadcast %and3A_1706 : i32 to vector<16xi32>
        %and3A_1708 = arith.andi %get3A_1701, %and3A_1707 : vector<16xi32>
        %bitcast3A_1709 = vector.bitcast %and3A_1708 : vector<16xi32> to vector<16xf32>
        %mul3A_1710 = vector.broadcast %squeeze3A_1686 : f32 to vector<16xf32>
        %mul3A_1711 = arith.mulf %mul3A_1710, %bitcast3A_1705 : vector<16xf32>
        %add3A_1712 = arith.addf %add3A_1648, %mul3A_1711 : vector<16xf32>
        %mul3A_1713 = vector.broadcast %squeeze3A_1686 : f32 to vector<16xf32>
        %mul3A_1714 = arith.mulf %mul3A_1713, %bitcast3A_1709 : vector<16xf32>
        %add3A_1715 = arith.addf %add3A_1651, %mul3A_1714 : vector<16xf32>
        %get3A_1716 = arith.index_cast %add3A_1684 : i32 to index
        %get3A_1717 = arith.constant 32 : index
        %get3A_1718 = tpu.vector_load %arg13[%get3A_1716, %get3A_1717] {strides = array<i32>} : memref<128x64xi32, #tpu.memory_space<vmem>>, vector<16xi32>,
        %bitcast3A_1719 = vector.bitcast %get3A_1718 : vector<16xi32> to vector<32xbf16>
        %unpack3A_1720 = tpu.unpack_subelements %bitcast3A_1719, 0 {pack_format = #tpu.pack_format<interleaved>} : vector<32xbf16> -> vector<16xf32>
        %unpack3A_1721 = tpu.unpack_subelements %bitcast3A_1719, 1 {pack_format = #tpu.pack_format<interleaved>} : vector<32xbf16> -> vector<16xf32>
        %mul3A_1722 = vector.broadcast %squeeze3A_1686 : f32 to vector<16xf32>
        %mul3A_1723 = arith.mulf %mul3A_1722, %unpack3A_1720 : vector<16xf32>
        %add3A_1724 = arith.addf %add3A_1660, %mul3A_1723 : vector<16xf32>
        %mul3A_1725 = vector.broadcast %squeeze3A_1686 : f32 to vector<16xf32>
        %mul3A_1726 = arith.mulf %mul3A_1725, %unpack3A_1721 : vector<16xf32>
        %add3A_1727 = arith.addf %add3A_1663, %mul3A_1726 : vector<16xf32>
        %get3A_1728 = arith.index_cast %add3A_1684 : i32 to index
        %get3A_1729 = arith.constant 48 : index
        %get3A_1730 = tpu.vector_load %arg13[%get3A_1728, %get3A_1729] {strides = array<i32>} : memref<128x64xi32, #tpu.memory_space<vmem>>, vector<16xi32>,
        %shift_left3A_1731 = arith.constant 16 : i32
        %shift_left3A_1732 = vector.broadcast %shift_left3A_1731 : i32 to vector<16xi32>
        %shift_left3A_1733 = arith.shli %get3A_1730, %shift_left3A_1732 : vector<16xi32>
        %bitcast3A_1734 = vector.bitcast %shift_left3A_1733 : vector<16xi32> to vector<16xf32>
        %and3A_1735 = arith.constant -65536 : i32
        %and3A_1736 = vector.broadcast %and3A_1735 : i32 to vector<16xi32>
        %and3A_1737 = arith.andi %get3A_1730, %and3A_1736 : vector<16xi32>
        %bitcast3A_1738 = vector.bitcast %and3A_1737 : vector<16xi32> to vector<16xf32>
        %mul3A_1739 = vector.broadcast %squeeze3A_1686 : f32 to vector<16xf32>
        %mul3A_1740 = arith.mulf %mul3A_1739, %bitcast3A_1734 : vector<16xf32>
        %add3A_1741 = arith.addf %add3A_1677, %mul3A_1740 : vector<16xf32>
        %mul3A_1742 = vector.broadcast %squeeze3A_1686 : f32 to vector<16xf32>
        %mul3A_1743 = arith.mulf %mul3A_1742, %bitcast3A_1738 : vector<16xf32>
        %add3A_1744 = arith.addf %add3A_1680, %mul3A_1743 : vector<16xf32>
        %mul3A_1745 = arith.constant 32 : i32
        %mul3A_1746 = arith.muli %scan3A_185, %mul3A_1745 : i32
        %add3A_1747 = arith.constant 24 : i32
        %add3A_1748 = arith.addi %mul3A_1746, %add3A_1747 : i32
        %slice3A_1749 = vector.extract_strided_slice %get3A_214 {offsets = [8], sizes = [1], strides = [1]} : vector<16xf32> to vector<1xf32>
        %squeeze3A_1750 = vector.extract %slice3A_1749[0] : f32 from vector<1xf32>
        %get3A_1751 = arith.index_cast %add3A_1748 : i32 to index
        %get3A_1752 = arith.constant 0 : index
        %get3A_1753 = tpu.vector_load %arg13[%get3A_1751, %get3A_1752] {strides = array<i32>} : memref<128x64xi32, #tpu.memory_space<vmem>>, vector<16xi32>,
        %bitcast3A_1754 = vector.bitcast %get3A_1753 : vector<16xi32> to vector<32xbf16>
        %unpack3A_1755 = tpu.unpack_subelements %bitcast3A_1754, 0 {pack_format = #tpu.pack_format<interleaved>} : vector<32xbf16> -> vector<16xf32>
        %unpack3A_1756 = tpu.unpack_subelements %bitcast3A_1754, 1 {pack_format = #tpu.pack_format<interleaved>} : vector<32xbf16> -> vector<16xf32>
        %mul3A_1757 = vector.broadcast %squeeze3A_1750 : f32 to vector<16xf32>
        %mul3A_1758 = arith.mulf %mul3A_1757, %unpack3A_1755 : vector<16xf32>
        %add3A_1759 = arith.addf %add3A_1695, %mul3A_1758 : vector<16xf32>
        %mul3A_1760 = vector.broadcast %squeeze3A_1750 : f32 to vector<16xf32>
        %mul3A_1761 = arith.mulf %mul3A_1760, %unpack3A_1756 : vector<16xf32>
        %add3A_1762 = arith.addf %add3A_1698, %mul3A_1761 : vector<16xf32>
        %get3A_1763 = arith.index_cast %add3A_1748 : i32 to index
        %get3A_1764 = arith.constant 16 : index
        %get3A_1765 = tpu.vector_load %arg13[%get3A_1763, %get3A_1764] {strides = array<i32>} : memref<128x64xi32, #tpu.memory_space<vmem>>, vector<16xi32>,
        %shift_left3A_1766 = arith.constant 16 : i32
        %shift_left3A_1767 = vector.broadcast %shift_left3A_1766 : i32 to vector<16xi32>
        %shift_left3A_1768 = arith.shli %get3A_1765, %shift_left3A_1767 : vector<16xi32>
        %bitcast3A_1769 = vector.bitcast %shift_left3A_1768 : vector<16xi32> to vector<16xf32>
        %and3A_1770 = arith.constant -65536 : i32
        %and3A_1771 = vector.broadcast %and3A_1770 : i32 to vector<16xi32>
        %and3A_1772 = arith.andi %get3A_1765, %and3A_1771 : vector<16xi32>
        %bitcast3A_1773 = vector.bitcast %and3A_1772 : vector<16xi32> to vector<16xf32>
        %mul3A_1774 = vector.broadcast %squeeze3A_1750 : f32 to vector<16xf32>
        %mul3A_1775 = arith.mulf %mul3A_1774, %bitcast3A_1769 : vector<16xf32>
        %add3A_1776 = arith.addf %add3A_1712, %mul3A_1775 : vector<16xf32>
        %mul3A_1777 = vector.broadcast %squeeze3A_1750 : f32 to vector<16xf32>
        %mul3A_1778 = arith.mulf %mul3A_1777, %bitcast3A_1773 : vector<16xf32>
        %add3A_1779 = arith.addf %add3A_1715, %mul3A_1778 : vector<16xf32>
        %get3A_1780 = arith.index_cast %add3A_1748 : i32 to index
        %get3A_1781 = arith.constant 32 : index
        %get3A_1782 = tpu.vector_load %arg13[%get3A_1780, %get3A_1781] {strides = array<i32>} : memref<128x64xi32, #tpu.memory_space<vmem>>, vector<16xi32>,
        %bitcast3A_1783 = vector.bitcast %get3A_1782 : vector<16xi32> to vector<32xbf16>
        %unpack3A_1784 = tpu.unpack_subelements %bitcast3A_1783, 0 {pack_format = #tpu.pack_format<interleaved>} : vector<32xbf16> -> vector<16xf32>
        %unpack3A_1785 = tpu.unpack_subelements %bitcast3A_1783, 1 {pack_format = #tpu.pack_format<interleaved>} : vector<32xbf16> -> vector<16xf32>
        %mul3A_1786 = vector.broadcast %squeeze3A_1750 : f32 to vector<16xf32>
        %mul3A_1787 = arith.mulf %mul3A_1786, %unpack3A_1784 : vector<16xf32>
        %add3A_1788 = arith.addf %add3A_1724, %mul3A_1787 : vector<16xf32>
        %mul3A_1789 = vector.broadcast %squeeze3A_1750 : f32 to vector<16xf32>
        %mul3A_1790 = arith.mulf %mul3A_1789, %unpack3A_1785 : vector<16xf32>
        %add3A_1791 = arith.addf %add3A_1727, %mul3A_1790 : vector<16xf32>
        %get3A_1792 = arith.index_cast %add3A_1748 : i32 to index
        %get3A_1793 = arith.constant 48 : index
        %get3A_1794 = tpu.vector_load %arg13[%get3A_1792, %get3A_1793] {strides = array<i32>} : memref<128x64xi32, #tpu.memory_space<vmem>>, vector<16xi32>,
        %shift_left3A_1795 = arith.constant 16 : i32
        %shift_left3A_1796 = vector.broadcast %shift_left3A_1795 : i32 to vector<16xi32>
        %shift_left3A_1797 = arith.shli %get3A_1794, %shift_left3A_1796 : vector<16xi32>
        %bitcast3A_1798 = vector.bitcast %shift_left3A_1797 : vector<16xi32> to vector<16xf32>
        %and3A_1799 = arith.constant -65536 : i32
        %and3A_1800 = vector.broadcast %and3A_1799 : i32 to vector<16xi32>
        %and3A_1801 = arith.andi %get3A_1794, %and3A_1800 : vector<16xi32>
        %bitcast3A_1802 = vector.bitcast %and3A_1801 : vector<16xi32> to vector<16xf32>
        %mul3A_1803 = vector.broadcast %squeeze3A_1750 : f32 to vector<16xf32>
        %mul3A_1804 = arith.mulf %mul3A_1803, %bitcast3A_1798 : vector<16xf32>
        %add3A_1805 = arith.addf %add3A_1741, %mul3A_1804 : vector<16xf32>
        %mul3A_1806 = vector.broadcast %squeeze3A_1750 : f32 to vector<16xf32>
        %mul3A_1807 = arith.mulf %mul3A_1806, %bitcast3A_1802 : vector<16xf32>
        %add3A_1808 = arith.addf %add3A_1744, %mul3A_1807 : vector<16xf32>
        %mul3A_1809 = arith.constant 32 : i32
        %mul3A_1810 = arith.muli %scan3A_185, %mul3A_1809 : i32
        %add3A_1811 = arith.constant 25 : i32
        %add3A_1812 = arith.addi %mul3A_1810, %add3A_1811 : i32
        %slice3A_1813 = vector.extract_strided_slice %get3A_214 {offsets = [9], sizes = [1], strides = [1]} : vector<16xf32> to vector<1xf32>
        %squeeze3A_1814 = vector.extract %slice3A_1813[0] : f32 from vector<1xf32>
        %get3A_1815 = arith.index_cast %add3A_1812 : i32 to index
        %get3A_1816 = arith.constant 0 : index
        %get3A_1817 = tpu.vector_load %arg13[%get3A_1815, %get3A_1816] {strides = array<i32>} : memref<128x64xi32, #tpu.memory_space<vmem>>, vector<16xi32>,
        %bitcast3A_1818 = vector.bitcast %get3A_1817 : vector<16xi32> to vector<32xbf16>
        %unpack3A_1819 = tpu.unpack_subelements %bitcast3A_1818, 0 {pack_format = #tpu.pack_format<interleaved>} : vector<32xbf16> -> vector<16xf32>
        %unpack3A_1820 = tpu.unpack_subelements %bitcast3A_1818, 1 {pack_format = #tpu.pack_format<interleaved>} : vector<32xbf16> -> vector<16xf32>
        %mul3A_1821 = vector.broadcast %squeeze3A_1814 : f32 to vector<16xf32>
        %mul3A_1822 = arith.mulf %mul3A_1821, %unpack3A_1819 : vector<16xf32>
        %add3A_1823 = arith.addf %add3A_1759, %mul3A_1822 : vector<16xf32>
        %mul3A_1824 = vector.broadcast %squeeze3A_1814 : f32 to vector<16xf32>
        %mul3A_1825 = arith.mulf %mul3A_1824, %unpack3A_1820 : vector<16xf32>
        %add3A_1826 = arith.addf %add3A_1762, %mul3A_1825 : vector<16xf32>
        %get3A_1827 = arith.index_cast %add3A_1812 : i32 to index
        %get3A_1828 = arith.constant 16 : index
        %get3A_1829 = tpu.vector_load %arg13[%get3A_1827, %get3A_1828] {strides = array<i32>} : memref<128x64xi32, #tpu.memory_space<vmem>>, vector<16xi32>,
        %shift_left3A_1830 = arith.constant 16 : i32
        %shift_left3A_1831 = vector.broadcast %shift_left3A_1830 : i32 to vector<16xi32>
        %shift_left3A_1832 = arith.shli %get3A_1829, %shift_left3A_1831 : vector<16xi32>
        %bitcast3A_1833 = vector.bitcast %shift_left3A_1832 : vector<16xi32> to vector<16xf32>
        %and3A_1834 = arith.constant -65536 : i32
        %and3A_1835 = vector.broadcast %and3A_1834 : i32 to vector<16xi32>
        %and3A_1836 = arith.andi %get3A_1829, %and3A_1835 : vector<16xi32>
        %bitcast3A_1837 = vector.bitcast %and3A_1836 : vector<16xi32> to vector<16xf32>
        %mul3A_1838 = vector.broadcast %squeeze3A_1814 : f32 to vector<16xf32>
        %mul3A_1839 = arith.mulf %mul3A_1838, %bitcast3A_1833 : vector<16xf32>
        %add3A_1840 = arith.addf %add3A_1776, %mul3A_1839 : vector<16xf32>
        %mul3A_1841 = vector.broadcast %squeeze3A_1814 : f32 to vector<16xf32>
        %mul3A_1842 = arith.mulf %mul3A_1841, %bitcast3A_1837 : vector<16xf32>
        %add3A_1843 = arith.addf %add3A_1779, %mul3A_1842 : vector<16xf32>
        %get3A_1844 = arith.index_cast %add3A_1812 : i32 to index
        %get3A_1845 = arith.constant 32 : index
        %get3A_1846 = tpu.vector_load %arg13[%get3A_1844, %get3A_1845] {strides = array<i32>} : memref<128x64xi32, #tpu.memory_space<vmem>>, vector<16xi32>,
        %bitcast3A_1847 = vector.bitcast %get3A_1846 : vector<16xi32> to vector<32xbf16>
        %unpack3A_1848 = tpu.unpack_subelements %bitcast3A_1847, 0 {pack_format = #tpu.pack_format<interleaved>} : vector<32xbf16> -> vector<16xf32>
        %unpack3A_1849 = tpu.unpack_subelements %bitcast3A_1847, 1 {pack_format = #tpu.pack_format<interleaved>} : vector<32xbf16> -> vector<16xf32>
        %mul3A_1850 = vector.broadcast %squeeze3A_1814 : f32 to vector<16xf32>
        %mul3A_1851 = arith.mulf %mul3A_1850, %unpack3A_1848 : vector<16xf32>
        %add3A_1852 = arith.addf %add3A_1788, %mul3A_1851 : vector<16xf32>
        %mul3A_1853 = vector.broadcast %squeeze3A_1814 : f32 to vector<16xf32>
        %mul3A_1854 = arith.mulf %mul3A_1853, %unpack3A_1849 : vector<16xf32>
        %add3A_1855 = arith.addf %add3A_1791, %mul3A_1854 : vector<16xf32>
        %get3A_1856 = arith.index_cast %add3A_1812 : i32 to index
        %get3A_1857 = arith.constant 48 : index
        %get3A_1858 = tpu.vector_load %arg13[%get3A_1856, %get3A_1857] {strides = array<i32>} : memref<128x64xi32, #tpu.memory_space<vmem>>, vector<16xi32>,
        %shift_left3A_1859 = arith.constant 16 : i32
        %shift_left3A_1860 = vector.broadcast %shift_left3A_1859 : i32 to vector<16xi32>
        %shift_left3A_1861 = arith.shli %get3A_1858, %shift_left3A_1860 : vector<16xi32>
        %bitcast3A_1862 = vector.bitcast %shift_left3A_1861 : vector<16xi32> to vector<16xf32>
        %and3A_1863 = arith.constant -65536 : i32
        %and3A_1864 = vector.broadcast %and3A_1863 : i32 to vector<16xi32>
        %and3A_1865 = arith.andi %get3A_1858, %and3A_1864 : vector<16xi32>
        %bitcast3A_1866 = vector.bitcast %and3A_1865 : vector<16xi32> to vector<16xf32>
        %mul3A_1867 = vector.broadcast %squeeze3A_1814 : f32 to vector<16xf32>
        %mul3A_1868 = arith.mulf %mul3A_1867, %bitcast3A_1862 : vector<16xf32>
        %add3A_1869 = arith.addf %add3A_1805, %mul3A_1868 : vector<16xf32>
        %mul3A_1870 = vector.broadcast %squeeze3A_1814 : f32 to vector<16xf32>
        %mul3A_1871 = arith.mulf %mul3A_1870, %bitcast3A_1866 : vector<16xf32>
        %add3A_1872 = arith.addf %add3A_1808, %mul3A_1871 : vector<16xf32>
        %mul3A_1873 = arith.constant 32 : i32
        %mul3A_1874 = arith.muli %scan3A_185, %mul3A_1873 : i32
        %add3A_1875 = arith.constant 26 : i32
        %add3A_1876 = arith.addi %mul3A_1874, %add3A_1875 : i32
        %slice3A_1877 = vector.extract_strided_slice %get3A_214 {offsets = [10], sizes = [1], strides = [1]} : vector<16xf32> to vector<1xf32>
        %squeeze3A_1878 = vector.extract %slice3A_1877[0] : f32 from vector<1xf32>
        %get3A_1879 = arith.index_cast %add3A_1876 : i32 to index
        %get3A_1880 = arith.constant 0 : index
        %get3A_1881 = tpu.vector_load %arg13[%get3A_1879, %get3A_1880] {strides = array<i32>} : memref<128x64xi32, #tpu.memory_space<vmem>>, vector<16xi32>,
        %bitcast3A_1882 = vector.bitcast %get3A_1881 : vector<16xi32> to vector<32xbf16>
        %unpack3A_1883 = tpu.unpack_subelements %bitcast3A_1882, 0 {pack_format = #tpu.pack_format<interleaved>} : vector<32xbf16> -> vector<16xf32>
        %unpack3A_1884 = tpu.unpack_subelements %bitcast3A_1882, 1 {pack_format = #tpu.pack_format<interleaved>} : vector<32xbf16> -> vector<16xf32>
        %mul3A_1885 = vector.broadcast %squeeze3A_1878 : f32 to vector<16xf32>
        %mul3A_1886 = arith.mulf %mul3A_1885, %unpack3A_1883 : vector<16xf32>
        %add3A_1887 = arith.addf %add3A_1823, %mul3A_1886 : vector<16xf32>
        %mul3A_1888 = vector.broadcast %squeeze3A_1878 : f32 to vector<16xf32>
        %mul3A_1889 = arith.mulf %mul3A_1888, %unpack3A_1884 : vector<16xf32>
        %add3A_1890 = arith.addf %add3A_1826, %mul3A_1889 : vector<16xf32>
        %get3A_1891 = arith.index_cast %add3A_1876 : i32 to index
        %get3A_1892 = arith.constant 16 : index
        %get3A_1893 = tpu.vector_load %arg13[%get3A_1891, %get3A_1892] {strides = array<i32>} : memref<128x64xi32, #tpu.memory_space<vmem>>, vector<16xi32>,
        %shift_left3A_1894 = arith.constant 16 : i32
        %shift_left3A_1895 = vector.broadcast %shift_left3A_1894 : i32 to vector<16xi32>
        %shift_left3A_1896 = arith.shli %get3A_1893, %shift_left3A_1895 : vector<16xi32>
        %bitcast3A_1897 = vector.bitcast %shift_left3A_1896 : vector<16xi32> to vector<16xf32>
        %and3A_1898 = arith.constant -65536 : i32
        %and3A_1899 = vector.broadcast %and3A_1898 : i32 to vector<16xi32>
        %and3A_1900 = arith.andi %get3A_1893, %and3A_1899 : vector<16xi32>
        %bitcast3A_1901 = vector.bitcast %and3A_1900 : vector<16xi32> to vector<16xf32>
        %mul3A_1902 = vector.broadcast %squeeze3A_1878 : f32 to vector<16xf32>
        %mul3A_1903 = arith.mulf %mul3A_1902, %bitcast3A_1897 : vector<16xf32>
        %add3A_1904 = arith.addf %add3A_1840, %mul3A_1903 : vector<16xf32>
        %mul3A_1905 = vector.broadcast %squeeze3A_1878 : f32 to vector<16xf32>
        %mul3A_1906 = arith.mulf %mul3A_1905, %bitcast3A_1901 : vector<16xf32>
        %add3A_1907 = arith.addf %add3A_1843, %mul3A_1906 : vector<16xf32>
        %get3A_1908 = arith.index_cast %add3A_1876 : i32 to index
        %get3A_1909 = arith.constant 32 : index
        %get3A_1910 = tpu.vector_load %arg13[%get3A_1908, %get3A_1909] {strides = array<i32>} : memref<128x64xi32, #tpu.memory_space<vmem>>, vector<16xi32>,
        %bitcast3A_1911 = vector.bitcast %get3A_1910 : vector<16xi32> to vector<32xbf16>
        %unpack3A_1912 = tpu.unpack_subelements %bitcast3A_1911, 0 {pack_format = #tpu.pack_format<interleaved>} : vector<32xbf16> -> vector<16xf32>
        %unpack3A_1913 = tpu.unpack_subelements %bitcast3A_1911, 1 {pack_format = #tpu.pack_format<interleaved>} : vector<32xbf16> -> vector<16xf32>
        %mul3A_1914 = vector.broadcast %squeeze3A_1878 : f32 to vector<16xf32>
        %mul3A_1915 = arith.mulf %mul3A_1914, %unpack3A_1912 : vector<16xf32>
        %add3A_1916 = arith.addf %add3A_1852, %mul3A_1915 : vector<16xf32>
        %mul3A_1917 = vector.broadcast %squeeze3A_1878 : f32 to vector<16xf32>
        %mul3A_1918 = arith.mulf %mul3A_1917, %unpack3A_1913 : vector<16xf32>
        %add3A_1919 = arith.addf %add3A_1855, %mul3A_1918 : vector<16xf32>
        %get3A_1920 = arith.index_cast %add3A_1876 : i32 to index
        %get3A_1921 = arith.constant 48 : index
        %get3A_1922 = tpu.vector_load %arg13[%get3A_1920, %get3A_1921] {strides = array<i32>} : memref<128x64xi32, #tpu.memory_space<vmem>>, vector<16xi32>,
        %shift_left3A_1923 = arith.constant 16 : i32
        %shift_left3A_1924 = vector.broadcast %shift_left3A_1923 : i32 to vector<16xi32>
        %shift_left3A_1925 = arith.shli %get3A_1922, %shift_left3A_1924 : vector<16xi32>
        %bitcast3A_1926 = vector.bitcast %shift_left3A_1925 : vector<16xi32> to vector<16xf32>
        %and3A_1927 = arith.constant -65536 : i32
        %and3A_1928 = vector.broadcast %and3A_1927 : i32 to vector<16xi32>
        %and3A_1929 = arith.andi %get3A_1922, %and3A_1928 : vector<16xi32>
        %bitcast3A_1930 = vector.bitcast %and3A_1929 : vector<16xi32> to vector<16xf32>
        %mul3A_1931 = vector.broadcast %squeeze3A_1878 : f32 to vector<16xf32>
        %mul3A_1932 = arith.mulf %mul3A_1931, %bitcast3A_1926 : vector<16xf32>
        %add3A_1933 = arith.addf %add3A_1869, %mul3A_1932 : vector<16xf32>
        %mul3A_1934 = vector.broadcast %squeeze3A_1878 : f32 to vector<16xf32>
        %mul3A_1935 = arith.mulf %mul3A_1934, %bitcast3A_1930 : vector<16xf32>
        %add3A_1936 = arith.addf %add3A_1872, %mul3A_1935 : vector<16xf32>
        %mul3A_1937 = arith.constant 32 : i32
        %mul3A_1938 = arith.muli %scan3A_185, %mul3A_1937 : i32
        %add3A_1939 = arith.constant 27 : i32
        %add3A_1940 = arith.addi %mul3A_1938, %add3A_1939 : i32
        %slice3A_1941 = vector.extract_strided_slice %get3A_214 {offsets = [11], sizes = [1], strides = [1]} : vector<16xf32> to vector<1xf32>
        %squeeze3A_1942 = vector.extract %slice3A_1941[0] : f32 from vector<1xf32>
        %get3A_1943 = arith.index_cast %add3A_1940 : i32 to index
        %get3A_1944 = arith.constant 0 : index
        %get3A_1945 = tpu.vector_load %arg13[%get3A_1943, %get3A_1944] {strides = array<i32>} : memref<128x64xi32, #tpu.memory_space<vmem>>, vector<16xi32>,
        %bitcast3A_1946 = vector.bitcast %get3A_1945 : vector<16xi32> to vector<32xbf16>
        %unpack3A_1947 = tpu.unpack_subelements %bitcast3A_1946, 0 {pack_format = #tpu.pack_format<interleaved>} : vector<32xbf16> -> vector<16xf32>
        %unpack3A_1948 = tpu.unpack_subelements %bitcast3A_1946, 1 {pack_format = #tpu.pack_format<interleaved>} : vector<32xbf16> -> vector<16xf32>
        %mul3A_1949 = vector.broadcast %squeeze3A_1942 : f32 to vector<16xf32>
        %mul3A_1950 = arith.mulf %mul3A_1949, %unpack3A_1947 : vector<16xf32>
        %add3A_1951 = arith.addf %add3A_1887, %mul3A_1950 : vector<16xf32>
        %mul3A_1952 = vector.broadcast %squeeze3A_1942 : f32 to vector<16xf32>
        %mul3A_1953 = arith.mulf %mul3A_1952, %unpack3A_1948 : vector<16xf32>
        %add3A_1954 = arith.addf %add3A_1890, %mul3A_1953 : vector<16xf32>
        %get3A_1955 = arith.index_cast %add3A_1940 : i32 to index
        %get3A_1956 = arith.constant 16 : index
        %get3A_1957 = tpu.vector_load %arg13[%get3A_1955, %get3A_1956] {strides = array<i32>} : memref<128x64xi32, #tpu.memory_space<vmem>>, vector<16xi32>,
        %shift_left3A_1958 = arith.constant 16 : i32
        %shift_left3A_1959 = vector.broadcast %shift_left3A_1958 : i32 to vector<16xi32>
        %shift_left3A_1960 = arith.shli %get3A_1957, %shift_left3A_1959 : vector<16xi32>
        %bitcast3A_1961 = vector.bitcast %shift_left3A_1960 : vector<16xi32> to vector<16xf32>
        %and3A_1962 = arith.constant -65536 : i32
        %and3A_1963 = vector.broadcast %and3A_1962 : i32 to vector<16xi32>
        %and3A_1964 = arith.andi %get3A_1957, %and3A_1963 : vector<16xi32>
        %bitcast3A_1965 = vector.bitcast %and3A_1964 : vector<16xi32> to vector<16xf32>
        %mul3A_1966 = vector.broadcast %squeeze3A_1942 : f32 to vector<16xf32>
        %mul3A_1967 = arith.mulf %mul3A_1966, %bitcast3A_1961 : vector<16xf32>
        %add3A_1968 = arith.addf %add3A_1904, %mul3A_1967 : vector<16xf32>
        %mul3A_1969 = vector.broadcast %squeeze3A_1942 : f32 to vector<16xf32>
        %mul3A_1970 = arith.mulf %mul3A_1969, %bitcast3A_1965 : vector<16xf32>
        %add3A_1971 = arith.addf %add3A_1907, %mul3A_1970 : vector<16xf32>
        %get3A_1972 = arith.index_cast %add3A_1940 : i32 to index
        %get3A_1973 = arith.constant 32 : index
        %get3A_1974 = tpu.vector_load %arg13[%get3A_1972, %get3A_1973] {strides = array<i32>} : memref<128x64xi32, #tpu.memory_space<vmem>>, vector<16xi32>,
        %bitcast3A_1975 = vector.bitcast %get3A_1974 : vector<16xi32> to vector<32xbf16>
        %unpack3A_1976 = tpu.unpack_subelements %bitcast3A_1975, 0 {pack_format = #tpu.pack_format<interleaved>} : vector<32xbf16> -> vector<16xf32>
        %unpack3A_1977 = tpu.unpack_subelements %bitcast3A_1975, 1 {pack_format = #tpu.pack_format<interleaved>} : vector<32xbf16> -> vector<16xf32>
        %mul3A_1978 = vector.broadcast %squeeze3A_1942 : f32 to vector<16xf32>
        %mul3A_1979 = arith.mulf %mul3A_1978, %unpack3A_1976 : vector<16xf32>
        %add3A_1980 = arith.addf %add3A_1916, %mul3A_1979 : vector<16xf32>
        %mul3A_1981 = vector.broadcast %squeeze3A_1942 : f32 to vector<16xf32>
        %mul3A_1982 = arith.mulf %mul3A_1981, %unpack3A_1977 : vector<16xf32>
        %add3A_1983 = arith.addf %add3A_1919, %mul3A_1982 : vector<16xf32>
        %get3A_1984 = arith.index_cast %add3A_1940 : i32 to index
        %get3A_1985 = arith.constant 48 : index
        %get3A_1986 = tpu.vector_load %arg13[%get3A_1984, %get3A_1985] {strides = array<i32>} : memref<128x64xi32, #tpu.memory_space<vmem>>, vector<16xi32>,
        %shift_left3A_1987 = arith.constant 16 : i32
        %shift_left3A_1988 = vector.broadcast %shift_left3A_1987 : i32 to vector<16xi32>
        %shift_left3A_1989 = arith.shli %get3A_1986, %shift_left3A_1988 : vector<16xi32>
        %bitcast3A_1990 = vector.bitcast %shift_left3A_1989 : vector<16xi32> to vector<16xf32>
        %and3A_1991 = arith.constant -65536 : i32
        %and3A_1992 = vector.broadcast %and3A_1991 : i32 to vector<16xi32>
        %and3A_1993 = arith.andi %get3A_1986, %and3A_1992 : vector<16xi32>
        %bitcast3A_1994 = vector.bitcast %and3A_1993 : vector<16xi32> to vector<16xf32>
        %mul3A_1995 = vector.broadcast %squeeze3A_1942 : f32 to vector<16xf32>
        %mul3A_1996 = arith.mulf %mul3A_1995, %bitcast3A_1990 : vector<16xf32>
        %add3A_1997 = arith.addf %add3A_1933, %mul3A_1996 : vector<16xf32>
        %mul3A_1998 = vector.broadcast %squeeze3A_1942 : f32 to vector<16xf32>
        %mul3A_1999 = arith.mulf %mul3A_1998, %bitcast3A_1994 : vector<16xf32>
        %add3A_2000 = arith.addf %add3A_1936, %mul3A_1999 : vector<16xf32>
        %mul3A_2001 = arith.constant 32 : i32
        %mul3A_2002 = arith.muli %scan3A_185, %mul3A_2001 : i32
        %add3A_2003 = arith.constant 28 : i32
        %add3A_2004 = arith.addi %mul3A_2002, %add3A_2003 : i32
        %slice3A_2005 = vector.extract_strided_slice %get3A_214 {offsets = [12], sizes = [1], strides = [1]} : vector<16xf32> to vector<1xf32>
        %squeeze3A_2006 = vector.extract %slice3A_2005[0] : f32 from vector<1xf32>
        %get3A_2007 = arith.index_cast %add3A_2004 : i32 to index
        %get3A_2008 = arith.constant 0 : index
        %get3A_2009 = tpu.vector_load %arg13[%get3A_2007, %get3A_2008] {strides = array<i32>} : memref<128x64xi32, #tpu.memory_space<vmem>>, vector<16xi32>,
        %bitcast3A_2010 = vector.bitcast %get3A_2009 : vector<16xi32> to vector<32xbf16>
        %unpack3A_2011 = tpu.unpack_subelements %bitcast3A_2010, 0 {pack_format = #tpu.pack_format<interleaved>} : vector<32xbf16> -> vector<16xf32>
        %unpack3A_2012 = tpu.unpack_subelements %bitcast3A_2010, 1 {pack_format = #tpu.pack_format<interleaved>} : vector<32xbf16> -> vector<16xf32>
        %mul3A_2013 = vector.broadcast %squeeze3A_2006 : f32 to vector<16xf32>
        %mul3A_2014 = arith.mulf %mul3A_2013, %unpack3A_2011 : vector<16xf32>
        %add3A_2015 = arith.addf %add3A_1951, %mul3A_2014 : vector<16xf32>
        %mul3A_2016 = vector.broadcast %squeeze3A_2006 : f32 to vector<16xf32>
        %mul3A_2017 = arith.mulf %mul3A_2016, %unpack3A_2012 : vector<16xf32>
        %add3A_2018 = arith.addf %add3A_1954, %mul3A_2017 : vector<16xf32>
        %get3A_2019 = arith.index_cast %add3A_2004 : i32 to index
        %get3A_2020 = arith.constant 16 : index
        %get3A_2021 = tpu.vector_load %arg13[%get3A_2019, %get3A_2020] {strides = array<i32>} : memref<128x64xi32, #tpu.memory_space<vmem>>, vector<16xi32>,
        %shift_left3A_2022 = arith.constant 16 : i32
        %shift_left3A_2023 = vector.broadcast %shift_left3A_2022 : i32 to vector<16xi32>
        %shift_left3A_2024 = arith.shli %get3A_2021, %shift_left3A_2023 : vector<16xi32>
        %bitcast3A_2025 = vector.bitcast %shift_left3A_2024 : vector<16xi32> to vector<16xf32>
        %and3A_2026 = arith.constant -65536 : i32
        %and3A_2027 = vector.broadcast %and3A_2026 : i32 to vector<16xi32>
        %and3A_2028 = arith.andi %get3A_2021, %and3A_2027 : vector<16xi32>
        %bitcast3A_2029 = vector.bitcast %and3A_2028 : vector<16xi32> to vector<16xf32>
        %mul3A_2030 = vector.broadcast %squeeze3A_2006 : f32 to vector<16xf32>
        %mul3A_2031 = arith.mulf %mul3A_2030, %bitcast3A_2025 : vector<16xf32>
        %add3A_2032 = arith.addf %add3A_1968, %mul3A_2031 : vector<16xf32>
        %mul3A_2033 = vector.broadcast %squeeze3A_2006 : f32 to vector<16xf32>
        %mul3A_2034 = arith.mulf %mul3A_2033, %bitcast3A_2029 : vector<16xf32>
        %add3A_2035 = arith.addf %add3A_1971, %mul3A_2034 : vector<16xf32>
        %get3A_2036 = arith.index_cast %add3A_2004 : i32 to index
        %get3A_2037 = arith.constant 32 : index
        %get3A_2038 = tpu.vector_load %arg13[%get3A_2036, %get3A_2037] {strides = array<i32>} : memref<128x64xi32, #tpu.memory_space<vmem>>, vector<16xi32>,
        %bitcast3A_2039 = vector.bitcast %get3A_2038 : vector<16xi32> to vector<32xbf16>
        %unpack3A_2040 = tpu.unpack_subelements %bitcast3A_2039, 0 {pack_format = #tpu.pack_format<interleaved>} : vector<32xbf16> -> vector<16xf32>
        %unpack3A_2041 = tpu.unpack_subelements %bitcast3A_2039, 1 {pack_format = #tpu.pack_format<interleaved>} : vector<32xbf16> -> vector<16xf32>
        %mul3A_2042 = vector.broadcast %squeeze3A_2006 : f32 to vector<16xf32>
        %mul3A_2043 = arith.mulf %mul3A_2042, %unpack3A_2040 : vector<16xf32>
        %add3A_2044 = arith.addf %add3A_1980, %mul3A_2043 : vector<16xf32>
        %mul3A_2045 = vector.broadcast %squeeze3A_2006 : f32 to vector<16xf32>
        %mul3A_2046 = arith.mulf %mul3A_2045, %unpack3A_2041 : vector<16xf32>
        %add3A_2047 = arith.addf %add3A_1983, %mul3A_2046 : vector<16xf32>
        %get3A_2048 = arith.index_cast %add3A_2004 : i32 to index
        %get3A_2049 = arith.constant 48 : index
        %get3A_2050 = tpu.vector_load %arg13[%get3A_2048, %get3A_2049] {strides = array<i32>} : memref<128x64xi32, #tpu.memory_space<vmem>>, vector<16xi32>,
        %shift_left3A_2051 = arith.constant 16 : i32
        %shift_left3A_2052 = vector.broadcast %shift_left3A_2051 : i32 to vector<16xi32>
        %shift_left3A_2053 = arith.shli %get3A_2050, %shift_left3A_2052 : vector<16xi32>
        %bitcast3A_2054 = vector.bitcast %shift_left3A_2053 : vector<16xi32> to vector<16xf32>
        %and3A_2055 = arith.constant -65536 : i32
        %and3A_2056 = vector.broadcast %and3A_2055 : i32 to vector<16xi32>
        %and3A_2057 = arith.andi %get3A_2050, %and3A_2056 : vector<16xi32>
        %bitcast3A_2058 = vector.bitcast %and3A_2057 : vector<16xi32> to vector<16xf32>
        %mul3A_2059 = vector.broadcast %squeeze3A_2006 : f32 to vector<16xf32>
        %mul3A_2060 = arith.mulf %mul3A_2059, %bitcast3A_2054 : vector<16xf32>
        %add3A_2061 = arith.addf %add3A_1997, %mul3A_2060 : vector<16xf32>
        %mul3A_2062 = vector.broadcast %squeeze3A_2006 : f32 to vector<16xf32>
        %mul3A_2063 = arith.mulf %mul3A_2062, %bitcast3A_2058 : vector<16xf32>
        %add3A_2064 = arith.addf %add3A_2000, %mul3A_2063 : vector<16xf32>
        %mul3A_2065 = arith.constant 32 : i32
        %mul3A_2066 = arith.muli %scan3A_185, %mul3A_2065 : i32
        %add3A_2067 = arith.constant 29 : i32
        %add3A_2068 = arith.addi %mul3A_2066, %add3A_2067 : i32
        %slice3A_2069 = vector.extract_strided_slice %get3A_214 {offsets = [13], sizes = [1], strides = [1]} : vector<16xf32> to vector<1xf32>
        %squeeze3A_2070 = vector.extract %slice3A_2069[0] : f32 from vector<1xf32>
        %get3A_2071 = arith.index_cast %add3A_2068 : i32 to index
        %get3A_2072 = arith.constant 0 : index
        %get3A_2073 = tpu.vector_load %arg13[%get3A_2071, %get3A_2072] {strides = array<i32>} : memref<128x64xi32, #tpu.memory_space<vmem>>, vector<16xi32>,
        %bitcast3A_2074 = vector.bitcast %get3A_2073 : vector<16xi32> to vector<32xbf16>
        %unpack3A_2075 = tpu.unpack_subelements %bitcast3A_2074, 0 {pack_format = #tpu.pack_format<interleaved>} : vector<32xbf16> -> vector<16xf32>
        %unpack3A_2076 = tpu.unpack_subelements %bitcast3A_2074, 1 {pack_format = #tpu.pack_format<interleaved>} : vector<32xbf16> -> vector<16xf32>
        %mul3A_2077 = vector.broadcast %squeeze3A_2070 : f32 to vector<16xf32>
        %mul3A_2078 = arith.mulf %mul3A_2077, %unpack3A_2075 : vector<16xf32>
        %add3A_2079 = arith.addf %add3A_2015, %mul3A_2078 : vector<16xf32>
        %mul3A_2080 = vector.broadcast %squeeze3A_2070 : f32 to vector<16xf32>
        %mul3A_2081 = arith.mulf %mul3A_2080, %unpack3A_2076 : vector<16xf32>
        %add3A_2082 = arith.addf %add3A_2018, %mul3A_2081 : vector<16xf32>
        %get3A_2083 = arith.index_cast %add3A_2068 : i32 to index
        %get3A_2084 = arith.constant 16 : index
        %get3A_2085 = tpu.vector_load %arg13[%get3A_2083, %get3A_2084] {strides = array<i32>} : memref<128x64xi32, #tpu.memory_space<vmem>>, vector<16xi32>,
        %shift_left3A_2086 = arith.constant 16 : i32
        %shift_left3A_2087 = vector.broadcast %shift_left3A_2086 : i32 to vector<16xi32>
        %shift_left3A_2088 = arith.shli %get3A_2085, %shift_left3A_2087 : vector<16xi32>
        %bitcast3A_2089 = vector.bitcast %shift_left3A_2088 : vector<16xi32> to vector<16xf32>
        %and3A_2090 = arith.constant -65536 : i32
        %and3A_2091 = vector.broadcast %and3A_2090 : i32 to vector<16xi32>
        %and3A_2092 = arith.andi %get3A_2085, %and3A_2091 : vector<16xi32>
        %bitcast3A_2093 = vector.bitcast %and3A_2092 : vector<16xi32> to vector<16xf32>
        %mul3A_2094 = vector.broadcast %squeeze3A_2070 : f32 to vector<16xf32>
        %mul3A_2095 = arith.mulf %mul3A_2094, %bitcast3A_2089 : vector<16xf32>
        %add3A_2096 = arith.addf %add3A_2032, %mul3A_2095 : vector<16xf32>
        %mul3A_2097 = vector.broadcast %squeeze3A_2070 : f32 to vector<16xf32>
        %mul3A_2098 = arith.mulf %mul3A_2097, %bitcast3A_2093 : vector<16xf32>
        %add3A_2099 = arith.addf %add3A_2035, %mul3A_2098 : vector<16xf32>
        %get3A_2100 = arith.index_cast %add3A_2068 : i32 to index
        %get3A_2101 = arith.constant 32 : index
        %get3A_2102 = tpu.vector_load %arg13[%get3A_2100, %get3A_2101] {strides = array<i32>} : memref<128x64xi32, #tpu.memory_space<vmem>>, vector<16xi32>,
        %bitcast3A_2103 = vector.bitcast %get3A_2102 : vector<16xi32> to vector<32xbf16>
        %unpack3A_2104 = tpu.unpack_subelements %bitcast3A_2103, 0 {pack_format = #tpu.pack_format<interleaved>} : vector<32xbf16> -> vector<16xf32>
        %unpack3A_2105 = tpu.unpack_subelements %bitcast3A_2103, 1 {pack_format = #tpu.pack_format<interleaved>} : vector<32xbf16> -> vector<16xf32>
        %mul3A_2106 = vector.broadcast %squeeze3A_2070 : f32 to vector<16xf32>
        %mul3A_2107 = arith.mulf %mul3A_2106, %unpack3A_2104 : vector<16xf32>
        %add3A_2108 = arith.addf %add3A_2044, %mul3A_2107 : vector<16xf32>
        %mul3A_2109 = vector.broadcast %squeeze3A_2070 : f32 to vector<16xf32>
        %mul3A_2110 = arith.mulf %mul3A_2109, %unpack3A_2105 : vector<16xf32>
        %add3A_2111 = arith.addf %add3A_2047, %mul3A_2110 : vector<16xf32>
        %get3A_2112 = arith.index_cast %add3A_2068 : i32 to index
        %get3A_2113 = arith.constant 48 : index
        %get3A_2114 = tpu.vector_load %arg13[%get3A_2112, %get3A_2113] {strides = array<i32>} : memref<128x64xi32, #tpu.memory_space<vmem>>, vector<16xi32>,
        %shift_left3A_2115 = arith.constant 16 : i32
        %shift_left3A_2116 = vector.broadcast %shift_left3A_2115 : i32 to vector<16xi32>
        %shift_left3A_2117 = arith.shli %get3A_2114, %shift_left3A_2116 : vector<16xi32>
        %bitcast3A_2118 = vector.bitcast %shift_left3A_2117 : vector<16xi32> to vector<16xf32>
        %and3A_2119 = arith.constant -65536 : i32
        %and3A_2120 = vector.broadcast %and3A_2119 : i32 to vector<16xi32>
        %and3A_2121 = arith.andi %get3A_2114, %and3A_2120 : vector<16xi32>
        %bitcast3A_2122 = vector.bitcast %and3A_2121 : vector<16xi32> to vector<16xf32>
        %mul3A_2123 = vector.broadcast %squeeze3A_2070 : f32 to vector<16xf32>
        %mul3A_2124 = arith.mulf %mul3A_2123, %bitcast3A_2118 : vector<16xf32>
        %add3A_2125 = arith.addf %add3A_2061, %mul3A_2124 : vector<16xf32>
        %mul3A_2126 = vector.broadcast %squeeze3A_2070 : f32 to vector<16xf32>
        %mul3A_2127 = arith.mulf %mul3A_2126, %bitcast3A_2122 : vector<16xf32>
        %add3A_2128 = arith.addf %add3A_2064, %mul3A_2127 : vector<16xf32>
        %mul3A_2129 = arith.constant 32 : i32
        %mul3A_2130 = arith.muli %scan3A_185, %mul3A_2129 : i32
        %add3A_2131 = arith.constant 30 : i32
        %add3A_2132 = arith.addi %mul3A_2130, %add3A_2131 : i32
        %slice3A_2133 = vector.extract_strided_slice %get3A_214 {offsets = [14], sizes = [1], strides = [1]} : vector<16xf32> to vector<1xf32>
        %squeeze3A_2134 = vector.extract %slice3A_2133[0] : f32 from vector<1xf32>
        %get3A_2135 = arith.index_cast %add3A_2132 : i32 to index
        %get3A_2136 = arith.constant 0 : index
        %get3A_2137 = tpu.vector_load %arg13[%get3A_2135, %get3A_2136] {strides = array<i32>} : memref<128x64xi32, #tpu.memory_space<vmem>>, vector<16xi32>,
        %bitcast3A_2138 = vector.bitcast %get3A_2137 : vector<16xi32> to vector<32xbf16>
        %unpack3A_2139 = tpu.unpack_subelements %bitcast3A_2138, 0 {pack_format = #tpu.pack_format<interleaved>} : vector<32xbf16> -> vector<16xf32>
        %unpack3A_2140 = tpu.unpack_subelements %bitcast3A_2138, 1 {pack_format = #tpu.pack_format<interleaved>} : vector<32xbf16> -> vector<16xf32>
        %mul3A_2141 = vector.broadcast %squeeze3A_2134 : f32 to vector<16xf32>
        %mul3A_2142 = arith.mulf %mul3A_2141, %unpack3A_2139 : vector<16xf32>
        %add3A_2143 = arith.addf %add3A_2079, %mul3A_2142 : vector<16xf32>
        %mul3A_2144 = vector.broadcast %squeeze3A_2134 : f32 to vector<16xf32>
        %mul3A_2145 = arith.mulf %mul3A_2144, %unpack3A_2140 : vector<16xf32>
        %add3A_2146 = arith.addf %add3A_2082, %mul3A_2145 : vector<16xf32>
        %get3A_2147 = arith.index_cast %add3A_2132 : i32 to index
        %get3A_2148 = arith.constant 16 : index
        %get3A_2149 = tpu.vector_load %arg13[%get3A_2147, %get3A_2148] {strides = array<i32>} : memref<128x64xi32, #tpu.memory_space<vmem>>, vector<16xi32>,
        %shift_left3A_2150 = arith.constant 16 : i32
        %shift_left3A_2151 = vector.broadcast %shift_left3A_2150 : i32 to vector<16xi32>
        %shift_left3A_2152 = arith.shli %get3A_2149, %shift_left3A_2151 : vector<16xi32>
        %bitcast3A_2153 = vector.bitcast %shift_left3A_2152 : vector<16xi32> to vector<16xf32>
        %and3A_2154 = arith.constant -65536 : i32
        %and3A_2155 = vector.broadcast %and3A_2154 : i32 to vector<16xi32>
        %and3A_2156 = arith.andi %get3A_2149, %and3A_2155 : vector<16xi32>
        %bitcast3A_2157 = vector.bitcast %and3A_2156 : vector<16xi32> to vector<16xf32>
        %mul3A_2158 = vector.broadcast %squeeze3A_2134 : f32 to vector<16xf32>
        %mul3A_2159 = arith.mulf %mul3A_2158, %bitcast3A_2153 : vector<16xf32>
        %add3A_2160 = arith.addf %add3A_2096, %mul3A_2159 : vector<16xf32>
        %mul3A_2161 = vector.broadcast %squeeze3A_2134 : f32 to vector<16xf32>
        %mul3A_2162 = arith.mulf %mul3A_2161, %bitcast3A_2157 : vector<16xf32>
        %add3A_2163 = arith.addf %add3A_2099, %mul3A_2162 : vector<16xf32>
        %get3A_2164 = arith.index_cast %add3A_2132 : i32 to index
        %get3A_2165 = arith.constant 32 : index
        %get3A_2166 = tpu.vector_load %arg13[%get3A_2164, %get3A_2165] {strides = array<i32>} : memref<128x64xi32, #tpu.memory_space<vmem>>, vector<16xi32>,
        %bitcast3A_2167 = vector.bitcast %get3A_2166 : vector<16xi32> to vector<32xbf16>
        %unpack3A_2168 = tpu.unpack_subelements %bitcast3A_2167, 0 {pack_format = #tpu.pack_format<interleaved>} : vector<32xbf16> -> vector<16xf32>
        %unpack3A_2169 = tpu.unpack_subelements %bitcast3A_2167, 1 {pack_format = #tpu.pack_format<interleaved>} : vector<32xbf16> -> vector<16xf32>
        %mul3A_2170 = vector.broadcast %squeeze3A_2134 : f32 to vector<16xf32>
        %mul3A_2171 = arith.mulf %mul3A_2170, %unpack3A_2168 : vector<16xf32>
        %add3A_2172 = arith.addf %add3A_2108, %mul3A_2171 : vector<16xf32>
        %mul3A_2173 = vector.broadcast %squeeze3A_2134 : f32 to vector<16xf32>
        %mul3A_2174 = arith.mulf %mul3A_2173, %unpack3A_2169 : vector<16xf32>
        %add3A_2175 = arith.addf %add3A_2111, %mul3A_2174 : vector<16xf32>
        %get3A_2176 = arith.index_cast %add3A_2132 : i32 to index
        %get3A_2177 = arith.constant 48 : index
        %get3A_2178 = tpu.vector_load %arg13[%get3A_2176, %get3A_2177] {strides = array<i32>} : memref<128x64xi32, #tpu.memory_space<vmem>>, vector<16xi32>,
        %shift_left3A_2179 = arith.constant 16 : i32
        %shift_left3A_2180 = vector.broadcast %shift_left3A_2179 : i32 to vector<16xi32>
        %shift_left3A_2181 = arith.shli %get3A_2178, %shift_left3A_2180 : vector<16xi32>
        %bitcast3A_2182 = vector.bitcast %shift_left3A_2181 : vector<16xi32> to vector<16xf32>
        %and3A_2183 = arith.constant -65536 : i32
        %and3A_2184 = vector.broadcast %and3A_2183 : i32 to vector<16xi32>
        %and3A_2185 = arith.andi %get3A_2178, %and3A_2184 : vector<16xi32>
        %bitcast3A_2186 = vector.bitcast %and3A_2185 : vector<16xi32> to vector<16xf32>
        %mul3A_2187 = vector.broadcast %squeeze3A_2134 : f32 to vector<16xf32>
        %mul3A_2188 = arith.mulf %mul3A_2187, %bitcast3A_2182 : vector<16xf32>
        %add3A_2189 = arith.addf %add3A_2125, %mul3A_2188 : vector<16xf32>
        %mul3A_2190 = vector.broadcast %squeeze3A_2134 : f32 to vector<16xf32>
        %mul3A_2191 = arith.mulf %mul3A_2190, %bitcast3A_2186 : vector<16xf32>
        %add3A_2192 = arith.addf %add3A_2128, %mul3A_2191 : vector<16xf32>
        %mul3A_2193 = arith.constant 32 : i32
        %mul3A_2194 = arith.muli %scan3A_185, %mul3A_2193 : i32
        %add3A_2195 = arith.constant 31 : i32
        %add3A_2196 = arith.addi %mul3A_2194, %add3A_2195 : i32
        %slice3A_2197 = vector.extract_strided_slice %get3A_214 {offsets = [15], sizes = [1], strides = [1]} : vector<16xf32> to vector<1xf32>
        %squeeze3A_2198 = vector.extract %slice3A_2197[0] : f32 from vector<1xf32>
        %get3A_2199 = arith.index_cast %add3A_2196 : i32 to index
        %get3A_2200 = arith.constant 0 : index
        %get3A_2201 = tpu.vector_load %arg13[%get3A_2199, %get3A_2200] {strides = array<i32>} : memref<128x64xi32, #tpu.memory_space<vmem>>, vector<16xi32>,
        %bitcast3A_2202 = vector.bitcast %get3A_2201 : vector<16xi32> to vector<32xbf16>
        %unpack3A_2203 = tpu.unpack_subelements %bitcast3A_2202, 0 {pack_format = #tpu.pack_format<interleaved>} : vector<32xbf16> -> vector<16xf32>
        %unpack3A_2204 = tpu.unpack_subelements %bitcast3A_2202, 1 {pack_format = #tpu.pack_format<interleaved>} : vector<32xbf16> -> vector<16xf32>
        %mul3A_2205 = vector.broadcast %squeeze3A_2198 : f32 to vector<16xf32>
        %mul3A_2206 = arith.mulf %mul3A_2205, %unpack3A_2203 : vector<16xf32>
        %add3A_2207 = arith.addf %add3A_2143, %mul3A_2206 : vector<16xf32>
        %mul3A_2208 = vector.broadcast %squeeze3A_2198 : f32 to vector<16xf32>
        %mul3A_2209 = arith.mulf %mul3A_2208, %unpack3A_2204 : vector<16xf32>
        %add3A_2210 = arith.addf %add3A_2146, %mul3A_2209 : vector<16xf32>
        %get3A_2211 = arith.index_cast %add3A_2196 : i32 to index
        %get3A_2212 = arith.constant 16 : index
        %get3A_2213 = tpu.vector_load %arg13[%get3A_2211, %get3A_2212] {strides = array<i32>} : memref<128x64xi32, #tpu.memory_space<vmem>>, vector<16xi32>,
        %shift_left3A_2214 = arith.constant 16 : i32
        %shift_left3A_2215 = vector.broadcast %shift_left3A_2214 : i32 to vector<16xi32>
        %shift_left3A_2216 = arith.shli %get3A_2213, %shift_left3A_2215 : vector<16xi32>
        %bitcast3A_2217 = vector.bitcast %shift_left3A_2216 : vector<16xi32> to vector<16xf32>
        %and3A_2218 = arith.constant -65536 : i32
        %and3A_2219 = vector.broadcast %and3A_2218 : i32 to vector<16xi32>
        %and3A_2220 = arith.andi %get3A_2213, %and3A_2219 : vector<16xi32>
        %bitcast3A_2221 = vector.bitcast %and3A_2220 : vector<16xi32> to vector<16xf32>
        %mul3A_2222 = vector.broadcast %squeeze3A_2198 : f32 to vector<16xf32>
        %mul3A_2223 = arith.mulf %mul3A_2222, %bitcast3A_2217 : vector<16xf32>
        %add3A_2224 = arith.addf %add3A_2160, %mul3A_2223 : vector<16xf32>
        %mul3A_2225 = vector.broadcast %squeeze3A_2198 : f32 to vector<16xf32>
        %mul3A_2226 = arith.mulf %mul3A_2225, %bitcast3A_2221 : vector<16xf32>
        %add3A_2227 = arith.addf %add3A_2163, %mul3A_2226 : vector<16xf32>
        %get3A_2228 = arith.index_cast %add3A_2196 : i32 to index
        %get3A_2229 = arith.constant 32 : index
        %get3A_2230 = tpu.vector_load %arg13[%get3A_2228, %get3A_2229] {strides = array<i32>} : memref<128x64xi32, #tpu.memory_space<vmem>>, vector<16xi32>,
        %bitcast3A_2231 = vector.bitcast %get3A_2230 : vector<16xi32> to vector<32xbf16>
        %unpack3A_2232 = tpu.unpack_subelements %bitcast3A_2231, 0 {pack_format = #tpu.pack_format<interleaved>} : vector<32xbf16> -> vector<16xf32>
        %unpack3A_2233 = tpu.unpack_subelements %bitcast3A_2231, 1 {pack_format = #tpu.pack_format<interleaved>} : vector<32xbf16> -> vector<16xf32>
        %mul3A_2234 = vector.broadcast %squeeze3A_2198 : f32 to vector<16xf32>
        %mul3A_2235 = arith.mulf %mul3A_2234, %unpack3A_2232 : vector<16xf32>
        %add3A_2236 = arith.addf %add3A_2172, %mul3A_2235 : vector<16xf32>
        %mul3A_2237 = vector.broadcast %squeeze3A_2198 : f32 to vector<16xf32>
        %mul3A_2238 = arith.mulf %mul3A_2237, %unpack3A_2233 : vector<16xf32>
        %add3A_2239 = arith.addf %add3A_2175, %mul3A_2238 : vector<16xf32>
        %get3A_2240 = arith.index_cast %add3A_2196 : i32 to index
        %get3A_2241 = arith.constant 48 : index
        %get3A_2242 = tpu.vector_load %arg13[%get3A_2240, %get3A_2241] {strides = array<i32>} : memref<128x64xi32, #tpu.memory_space<vmem>>, vector<16xi32>,
        %shift_left3A_2243 = arith.constant 16 : i32
        %shift_left3A_2244 = vector.broadcast %shift_left3A_2243 : i32 to vector<16xi32>
        %shift_left3A_2245 = arith.shli %get3A_2242, %shift_left3A_2244 : vector<16xi32>
        %bitcast3A_2246 = vector.bitcast %shift_left3A_2245 : vector<16xi32> to vector<16xf32>
        %and3A_2247 = arith.constant -65536 : i32
        %and3A_2248 = vector.broadcast %and3A_2247 : i32 to vector<16xi32>
        %and3A_2249 = arith.andi %get3A_2242, %and3A_2248 : vector<16xi32>
        %bitcast3A_2250 = vector.bitcast %and3A_2249 : vector<16xi32> to vector<16xf32>
        %mul3A_2251 = vector.broadcast %squeeze3A_2198 : f32 to vector<16xf32>
        %mul3A_2252 = arith.mulf %mul3A_2251, %bitcast3A_2246 : vector<16xf32>
        %add3A_2253 = arith.addf %add3A_2189, %mul3A_2252 : vector<16xf32>
        %mul3A_2254 = vector.broadcast %squeeze3A_2198 : f32 to vector<16xf32>
        %mul3A_2255 = arith.mulf %mul3A_2254, %bitcast3A_2250 : vector<16xf32>
        %add3A_2256 = arith.addf %add3A_2192, %mul3A_2255 : vector<16xf32>
        %mul3A_2257 = arith.constant 4 : i32
        %mul3A_2258 = arith.muli %add3A_178, %mul3A_2257 : i32
        %add3A_2259 = arith.addi %mul3A_2258, %scan3A_185 : i32
        %swap3A_2260 = arith.index_cast %add3A_2259 : i32 to index
        %swap3A_2261 = arith.constant 0 : index
        %swap3A_2262 = tpu.vector_load %arg9[%swap3A_2260, %swap3A_2261] {strides = array<i32>} : memref<320x128xf32, #tpu.memory_space<vmem>>, vector<16xf32>,
        tpu.vector_store %arg9[%swap3A_2260, %swap3A_2261], %add3A_2207 {strides = array<i32>} : memref<320x128xf32, #tpu.memory_space<vmem>>, vector<16xf32>,
        %swap3A_2263 = arith.index_cast %add3A_2259 : i32 to index
        %swap3A_2264 = arith.constant 16 : index
        %swap3A_2265 = tpu.vector_load %arg9[%swap3A_2263, %swap3A_2264] {strides = array<i32>} : memref<320x128xf32, #tpu.memory_space<vmem>>, vector<16xf32>,
        tpu.vector_store %arg9[%swap3A_2263, %swap3A_2264], %add3A_2210 {strides = array<i32>} : memref<320x128xf32, #tpu.memory_space<vmem>>, vector<16xf32>,
        %swap3A_2266 = arith.index_cast %add3A_2259 : i32 to index
        %swap3A_2267 = arith.constant 32 : index
        %swap3A_2268 = tpu.vector_load %arg9[%swap3A_2266, %swap3A_2267] {strides = array<i32>} : memref<320x128xf32, #tpu.memory_space<vmem>>, vector<16xf32>,
        tpu.vector_store %arg9[%swap3A_2266, %swap3A_2267], %add3A_2224 {strides = array<i32>} : memref<320x128xf32, #tpu.memory_space<vmem>>, vector<16xf32>,
        %swap3A_2269 = arith.index_cast %add3A_2259 : i32 to index
        %swap3A_2270 = arith.constant 48 : index
        %swap3A_2271 = tpu.vector_load %arg9[%swap3A_2269, %swap3A_2270] {strides = array<i32>} : memref<320x128xf32, #tpu.memory_space<vmem>>, vector<16xf32>,
        tpu.vector_store %arg9[%swap3A_2269, %swap3A_2270], %add3A_2227 {strides = array<i32>} : memref<320x128xf32, #tpu.memory_space<vmem>>, vector<16xf32>,
        %swap3A_2272 = arith.index_cast %add3A_2259 : i32 to index
        %swap3A_2273 = arith.constant 64 : index
        %swap3A_2274 = tpu.vector_load %arg9[%swap3A_2272, %swap3A_2273] {strides = array<i32>} : memref<320x128xf32, #tpu.memory_space<vmem>>, vector<16xf32>,
        tpu.vector_store %arg9[%swap3A_2272, %swap3A_2273], %add3A_2236 {strides = array<i32>} : memref<320x128xf32, #tpu.memory_space<vmem>>, vector<16xf32>,
        %swap3A_2275 = arith.index_cast %add3A_2259 : i32 to index
        %swap3A_2276 = arith.constant 80 : index
        %swap3A_2277 = tpu.vector_load %arg9[%swap3A_2275, %swap3A_2276] {strides = array<i32>} : memref<320x128xf32, #tpu.memory_space<vmem>>, vector<16xf32>,
        tpu.vector_store %arg9[%swap3A_2275, %swap3A_2276], %add3A_2239 {strides = array<i32>} : memref<320x128xf32, #tpu.memory_space<vmem>>, vector<16xf32>,
        %swap3A_2278 = arith.index_cast %add3A_2259 : i32 to index
        %swap3A_2279 = arith.constant 96 : index
        %swap3A_2280 = tpu.vector_load %arg9[%swap3A_2278, %swap3A_2279] {strides = array<i32>} : memref<320x128xf32, #tpu.memory_space<vmem>>, vector<16xf32>,
        tpu.vector_store %arg9[%swap3A_2278, %swap3A_2279], %add3A_2253 {strides = array<i32>} : memref<320x128xf32, #tpu.memory_space<vmem>>, vector<16xf32>,
        %swap3A_2281 = arith.index_cast %add3A_2259 : i32 to index
        %swap3A_2282 = arith.constant 112 : index
        %swap3A_2283 = tpu.vector_load %arg9[%swap3A_2281, %swap3A_2282] {strides = array<i32>} : memref<320x128xf32, #tpu.memory_space<vmem>>, vector<16xf32>,
        tpu.vector_store %arg9[%swap3A_2281, %swap3A_2282], %add3A_2256 {strides = array<i32>} : memref<320x128xf32, #tpu.memory_space<vmem>>, vector<16xf32>,
      }
      %scan3A_184 = arith.constant 4 : i32
    }
    %scan3A_67 = arith.constant 40 : i32
    %dma_wait3A_68 = arith.constant 0 : i32
    %dma_wait3A_69 = arith.constant 0 : i32
    %dma_wait3A_70 = tpu.memref_slice %arg6[%dma_wait3A_68, %dma_wait3A_69] : memref<10000x64xi32, #tpu.memory_space<vmem_shared>> -> memref<10000x64xi32, #tpu.memory_space<vmem_shared>>
    tpu.wait_indirect_dma semaphore(%arg14 : memref<!tpu.dma_semaphore, #tpu.memory_space<semaphore_mem>>) src(%dma_wait3A_70 : memref<10000x64xi32, #tpu.memory_space<vmem_shared>>) dst(%arg12 : memref<128x64xi32, #tpu.memory_space<vmem>>)
    "tpu.region"() ({
      %run_scoped3A = tpu.sem_alloc : memref<!tpu.dma_semaphore, #tpu.memory_space<semaphore_mem>>
      %dma_start3A_71 = arith.constant 0 : i32
      %dma_start3A_72 = tpu.memref_slice %arg5[%multiple_of3A, %dma_start3A_71] : memref<10240x128xf32, #tpu.memory_space<hbm>> -> memref<320x128xf32, #tpu.memory_space<hbm>>
      %dma_start3A_73 = arith.constant 0 : i32
      %dma_start3A_74 = tpu.memref_slice %arg5[%multiple_of3A, %dma_start3A_73] : memref<10240x128xf32, #tpu.memory_space<hbm>> -> memref<320x128xf32, #tpu.memory_space<hbm>>
      tpu.enqueue_dma source(%arg9 : memref<320x128xf32, #tpu.memory_space<vmem>>) target(%dma_start3A_74 : memref<320x128xf32, #tpu.memory_space<hbm>>) target_semaphore(%run_scoped3A : memref<!tpu.dma_semaphore, #tpu.memory_space<semaphore_mem>>)
      %dma_wait3A_75 = arith.constant 0 : i32
      %dma_wait3A_76 = tpu.memref_slice %arg5[%multiple_of3A, %dma_wait3A_75] : memref<10240x128xf32, #tpu.memory_space<hbm>> -> memref<320x128xf32, #tpu.memory_space<hbm>>
      %dma_wait3A_77 = arith.constant 0 : i32
      %dma_wait3A_78 = tpu.memref_slice %arg5[%multiple_of3A, %dma_wait3A_77] : memref<10240x128xf32, #tpu.memory_space<hbm>> -> memref<320x128xf32, #tpu.memory_space<hbm>>
      tpu.wait_dma2 semaphore(%run_scoped3A : memref<!tpu.dma_semaphore, #tpu.memory_space<semaphore_mem>>) src(%arg9 : memref<320x128xf32, #tpu.memory_space<vmem>>) dst(%dma_wait3A_78 : memref<320x128xf32, #tpu.memory_space<hbm>>)
      tpu.yield
    }) : () -> ()
    return
  }
}

</mosaic_0001>

<sc_bundles>
// kernel: kernel.3.cloned.1.call-start
scs
__scs_entry_jumppad:
0x0: {  	(pc) =	sbr.rel $0x88, $3  }
0x1: {  	(tag) =	ssettag $0x0;
	lr =	simm.s32 $0x1  }
0x2: {  	[smem:$0x3F9E] =	sst lr;
	_ =	strace $0xD0000000  }
0x3: {  	_ = 	snop  }
0x4: {  	_ = 	snop  }
0x5: {  	_ = 	snop  }
0x6: {  	_ = 	snop  }
0x7: {  	_ = 	snop  }
__scs_overlays_trampoline_lowered:
0x8: {  	[smem:$0x3FAD] =	sst s0  }
0x9: {  	[smem:$0x3FAE] =	sst s1  }
0xa: {  	[smem:$0x3FAF] =	sst s2  }
0xb: {  	[smem:$0x3FB0] =	sst s3  }
0xc: {  	[smem:$0x3FB1] =	sst s4  }
0xd: {  	[smem:$0x3FB2] =	sst s5  }
0xe: {  	[smem:$0x3FB3] =	sst s6  }
0xf: {  	[smem:$0x3FB4] =	sst s7  }
0x10: {  	[smem:$0x3FB5] =	sst s8  }
0x11: {  	[smem:$0x3FB6] =	sst s9;
	s0 =	simm.s32 @!p0 $0x0  }
0x12: {  	s1 =	sld [smem:$0x3F9C];
	s0 =	simm.s32 @p0 $0x1  }
0x13: {  	[smem:$0x3FB7] =	sst s0;
	s0 =	simm.s32 @!p1 $0x0  }
0x14: {  	s2 =	sld [smem:$0x3F9B];
	s0 =	simm.s32 @p1 $0x1  }
0x15: {  	[smem:$0x3FB8] =	sst s0;
	s0 =	simm.s32 @!p2 $0x0  }
0x16: {  	s3 =	sld [smem:$0x3FDB];
	s0 =	simm.s32 @p2 $0x1  }
0x17: {  	s4 =	simm.s32 $0x1BF5;
	[smem:$0x3FBA] =	sst s0  }
0x18: {  	s0 =	sld [smem:$0x3F9D];
	_ =	swait.ge [sflag:s4], $0x0  }
0x19: {  	s7 =	sld [smem:$0x3F9E]  }
0x1a: {  	s8 =	sadd.s32 $0xFFFFE003, lr  }
0x1b: {  	s9 =	sadd.s32 $0xFFFFFEF7, lr;
	s5 =	simm.s32 $0xFFFFFFFF;
	p2 =	slt.u32 s8, $0xFFFFF086  }
0x1c: {  	p1 =	slt.u32 s9, $0xF7A;
	s5 =	simm.s32 @!p2 $0x0  }
0x1d: {  	s5 =	simm.s32 @p1 $0x1;
	p0 =	seq.s32 s7, s2  }
0x1e: {  	s7 =	smul.u32 @!p0 $0xF7A, s2;
	p2 =	seq.s32 @!p0 s5, $0x0  }
0x1f: {  	s9 =	smul.u32 $0xF7A, s1;
	s8 =	simm.s32 @!p0 $0x1BF5;
	p2 =	por !p2, p0  }
0x20: {  	[sflag:s8] =	ssyncset.s32 @!p0 $0xFFFFF086;
	s6 =	sadd.s32 @!p0 s3, s7;
	s7 =	simm.s32 @!p0 $0x108  }
0x21: {  	s3 =	sadd.s32 s3, s9;
	s6 =	sadd.s32 @!p0 $0x88, s6;
	s7 =	simm.s32 @p2 $0x1082  }
0x22: {  	[simem:s7], [sflag:s8] =	dma.local @!p0 [hbm:s6], $0xF7A  }
0x23: {  	s9 =	sor.u32 $0xD0000000, s2;
	s6 =	simm.s32 $0x108;
	_ =	swait.ge @!p0 [sflag:s8], $0x0  }
0x24: {  	s3 =	sadd.s32 $0x88, s3;
	s6 =	simm.s32 @!p1 $0x1082;
	[sflag:s4] =	ssyncset.s32 $0xFFFFF086  }
0x25: {  	[simem:s6], [sflag:s4] =	dma.local [hbm:s3], $0xF7A  }
0x26: {  	[smem:$0x3F9E] =	sst s1;
	(tag) =	ssettag s2;
	_ =	strace s9  }
0x27: {  	s1 =	sld [smem:$0x3FAE]  }
0x28: {  	s2 =	sld [smem:$0x3FAF]  }
0x29: {  	s4 =	sld [smem:$0x3FB1]  }
0x2a: {  	p0 =	seq.s32 s5, $0x0;
	s5 =	sld [smem:$0x3FB2]  }
0x2b: {  	s6 =	sld [smem:$0x3FB3]  }
0x2c: {  	s7 =	sld [smem:$0x3FB4]  }
0x2d: {  	s3 =	simm.s32 $0x108;
	s8 =	sld [smem:$0x3FB5]  }
0x2e: {  	s3 =	simm.s32 @!p0 $0x1082;
	s9 =	sld [smem:$0x3FB6]  }
0x2f: {  	lr =	sadd.s32 s0, s3;
	s0 =	sld [smem:$0x3FAD]  }
0x30: {  	s3 =	sld [smem:$0x3FB0]  }
0x31: {  	[smem:$0x3FB9] =	sst s10  }
0x32: {  	s10 =	sld [smem:$0x3FB7];
	_ =	sdelay $0x3  }
0x33: {  	p0 =	seq.s32 s10, $0x1;
	s10 =	sld [smem:$0x3FB9];
	_ =	sdelay $0x3  }
0x34: {  	[smem:$0x3FB9] =	sst s10  }
0x35: {  	s10 =	sld [smem:$0x3FB8];
	_ =	sdelay $0x3  }
0x36: {  	p1 =	seq.s32 s10, $0x1;
	s10 =	sld [smem:$0x3FB9];
	_ =	sdelay $0x3  }
0x37: {  	[smem:$0x3FB9] =	sst s10  }
0x38: {  	s10 =	sld [smem:$0x3FBA]  }
0x39: {  	_ = 	snop;
	(pc) =	sbr.ind lr, $3  }
0x3a: {  	_ = 	snop  }
0x3b: {  	_ = 	snop  }
0x3c: {  	p2 =	seq.s32 s10, $0x1;
	s10 =	sld [smem:$0x3FB9]  }
0x3d: {  	_ =	shalt  }
0x3e: {  	_ =	shalt  }
0x3f: {  	_ =	shalt  }
0x40: {  	_ =	shalt  }
0x41: {  	_ =	shalt  }
0x42: {  	_ =	shalt  }
0x43: {  	_ =	shalt  }
0x44: {  	_ =	shalt  }
0x45: {  	_ =	shalt  }
0x46: {  	_ =	shalt  }
0x47: {  	_ =	shalt  }
0x48: {  	_ =	shalt  }
0x49: {  	_ =	shalt  }
0x4a: {  	_ =	shalt  }
0x4b: {  	_ =	shalt  }
0x4c: {  	_ =	shalt  }
0x4d: {  	_ =	shalt  }
0x4e: {  	_ =	shalt  }
0x4f: {  	_ =	shalt  }
0x50: {  	_ =	shalt  }
0x51: {  	_ =	shalt  }
0x52: {  	_ =	shalt  }
0x53: {  	_ =	shalt  }
0x54: {  	_ =	shalt  }
0x55: {  	_ =	shalt  }
0x56: {  	_ =	shalt  }
0x57: {  	_ =	shalt  }
0x58: {  	_ =	shalt  }
0x59: {  	_ =	shalt  }
0x5a: {  	_ =	shalt  }
0x5b: {  	_ =	shalt  }
0x5c: {  	_ =	shalt  }
0x5d: {  	_ =	shalt  }
0x5e: {  	_ =	shalt  }
0x5f: {  	_ =	shalt  }
0x60: {  	_ =	shalt  }
0x61: {  	_ =	shalt  }
0x62: {  	_ =	shalt  }
0x63: {  	_ =	shalt  }
0x64: {  	_ =	shalt  }
0x65: {  	_ =	shalt  }
0x66: {  	_ =	shalt  }
0x67: {  	_ =	shalt  }
0x68: {  	_ =	shalt  }
0x69: {  	_ =	shalt  }
0x6a: {  	_ =	shalt  }
0x6b: {  	_ =	shalt  }
0x6c: {  	_ =	shalt  }
0x6d: {  	_ =	shalt  }
0x6e: {  	_ =	shalt  }
0x6f: {  	_ =	shalt  }
0x70: {  	_ =	shalt  }
0x71: {  	_ =	shalt  }
0x72: {  	_ =	shalt  }
0x73: {  	_ =	shalt  }
0x74: {  	_ =	shalt  }
0x75: {  	_ =	shalt  }
0x76: {  	_ =	shalt  }
0x77: {  	_ =	shalt  }
0x78: {  	_ =	shalt  }
0x79: {  	_ =	shalt  }
0x7a: {  	_ =	shalt  }
0x7b: {  	_ =	shalt  }
0x7c: {  	_ =	shalt  }
0x7d: {  	_ =	shalt  }
0x7e: {  	_ =	shalt  }
0x7f: {  	_ =	shalt  }
0x80: {  	_ =	shalt  }
0x81: {  	_ =	shalt  }
0x82: {  	_ =	shalt  }
0x83: {  	_ =	shalt  }
0x84: {  	_ =	shalt  }
0x85: {  	_ =	shalt  }
0x86: {  	_ =	shalt  }
0x87: {  	_ =	shalt  }
.Lfunc_end0:
.L_simem_size_0:
called_computation_lowered:
.L_overlay_start_0:
0x88: {  	s2 =	sld [smem:$0x3FD9]  }
0x89: {  	s3 =	sld [smem:$0x3FFE];
	_ =	sdelay $0x1  }
0x8a: {  	s1 =	srdreg.scid  }
0x8b: {  	s0 =	sand.u32 $0x1, s1  }
0x8c: {  	s17 =	sshll.u32 s0, $0xA;
	s2 =	sadd.s32 s3, s2  }
0x8d: {  	s2 =	sadd.s32 s2, s17  }
0x8e: {  	[smem:$0x3FC5] =	sst s2  }
0x8f: {  	_ = 	snop  }
0x90: {  	s2 =	sld [smem:$0x3FD0];
	(tm) =	ssettm $0x1  }
0x91: {  	s18 =	sld [smem:$0x3FFB];
	_ =	sdelay $0x3  }
0x92: {  	_ =	strace s18  }
0x93: {  	s3 =	sld [smem:$0x3FFC];
	_ =	sdelay $0x3  }
0x94: {  	_ =	strace s3  }
0x95: {  	s3 =	sld [smem:$0x3FFD];
	_ =	sdelay $0x3  }
0x96: {  	_ =	strace s3  }
0x97: {  	_ =	strace $0x8FFFFFFF  }
0x98: {  	s19 =	sld [smem:$0x3FDB];
	_ =	sdelay $0x1  }
0x99: {  	s4 =	simm.s32 $_scs_section_size  }
0x9a: {  	s5 =	simm.s32 $_size__tile_overlayer_lowered;
	s6 =	simm.s32 $_tile_overlayer_lowered  }
0x9b: {  	s22 =	simm.s32 $0x1BFF;
	s21 =	sshll.u32 s6, $0x1;
	s3 =	sadd.s32 s4, s19  }
0x9c: {  	s7 =	simm.s32 $0x0;
	s20 =	sshll.u32 s5, $0x1;
	s5 =	sadd.s32 s21, s3  }
0x9d: {  	[timem:s7], [sflag:s22] =	dma.local [hbm:s5], s20  }
0x9e: {  	_ =	swait.ge [sflag:s22], s20  }
0x9f: {  	s4 =	ssub.s32 $0x0, s20;
	[sflag:s22] =	ssyncset.done $0x0  }
0xa0: {  	[sflag:s22] =	ssyncadd.s32 s4;
	_ =	sdelay $0x1  }
0xa1: {  	s23 =	simm.s32 $0x1B8B  }
0xa2: {  	_ =	swait.ge [sflag:s23], $0x1  }
0xa3: {  	[sflag:s23] =	ssyncset.done $0x0  }
0xa4: {  	s25 =	simm.s32 $0x1B8E;
	s24 =	sld [smem:$0x3FFE];
	[sflag:s23] =	ssyncadd.s32 $0xFFFFFFFF  }
0xa5: {  	s26 =	simm.s32 $execute0_lowered;
	[smem:$0x3FD2] =	sst s25  }
0xa6: {  	s5 =	sshll.u32 s26, $0x1;
	_ =	strace $0x80000046;
	[dreg:$0x1] =	wrdreg $0xFFFFFFFF  }
0xa7: {  	s28 =	simm.s32 $_size_execute0_lowered;
	s3 =	sadd.s32 s3, s5;
	[dreg:$0x0] =	wrdreg $0x0  }
0xa8: {  	s5 =	sshll.u32 s28, $0x1;
	[dreg:$0x2] =	wrdreg s3  }
0xa9: {  	[dreg:$0x3] =	wrdreg s5  }
0xaa: {  	[dreg:$0x4] =	wrdreg $0xC0  }
0xab: {  	_ =	task [dreg:s7], $0x5FFFF  }
0xac: {  	[dreg:$0x1] =	wrdreg $0xFFFFFFFF  }
0xad: {  	[dreg:$0x0] =	wrdreg $0x60  }
0xae: {  	[dreg:$0x2] =	wrdreg s2  }
0xaf: {  	[dreg:$0x3] =	wrdreg s24  }
0xb0: {  	[dreg:$0x4] =	wrdreg $0x0  }
0xb1: {  	[dreg:$0x5] =	wrdreg $0x9  }
0xb2: {  	_ =	task.clear_ibuf [dreg:s7], $0x6FFFF;
	_ =	strace $0x90000046  }
0xb3: {  	s29 =	simm.s32 $0x9;
	_ =	strace $0x80000048  }
0xb4: {  	_ =	swait.ge [sflag:s29], $0x1  }
0xb5: {  	[sflag:s29] =	ssyncadd.s32 $0xFFFFFFFF  }
0xb6: {  	_ =	strace $0x90000048  }
0xb7: {  	_ =	sfence  }
0xb8: {  	s30 =	sld [smem:$0x0];
	_ =	sdelay $0x2  }
0xb9: {  	s31 =	sshll.u32 s1, $0xD;
	s1 =	sshrl.u32 s1, $0x2  }
0xba: {  	s3 =	sand.u32 $0x4000, s31;
	s1 =	sadd.s32 s1, s30  }
0xbb: {  	s0 =	sor.u32 s3, s0;
	s1 =	sshll.u32 s1, $0x11  }
0xbc: {  	s0 =	sor.u32 s1, s0  }
0xbd: {  	s0 =	sadd.s32 $0x8F2B, s0  }
0xbe: {  	[sflag:s0] =	ssyncadd.remote.s32 $0x1  }
0xbf: {  	_ =	sfence.sel $0xFFFF  }
0xc0: {  	[dreg:$0x0] =	wrdreg $0xFFFFFFFF;
	(pc) =	sbr.abs _section_cstart, $3  }
0xc1: {  	[dreg:$0x1] =	wrdreg $0xFFFFFFFF  }
0xc2: {  	_ =	task.clear_ibuf [dreg:s7], $0x2FFFF;
	_ =	strace $0x9FFFFFFF  }
0xc3: {  	(tm) =	ssettm $0x7FFFFFFF  }
tec
execute0_lowered:
.L_overlay_start_1:
0x0: {  	(tag) =	ssettag $0x1  }
0x1: {  	s0 =	srdreg.scid;
	s1 =	rddreg [dreg:$0x0]  }
0x2: {  	s11 =	stileid.u32;
	s4 =	rddreg [dreg:$0x1];
	s3 =	simm.s32 $0x0  }
0x3: {  	s12 =	simm.s32 $0x3;
	s13 =	simm.s32 $0xC440;
	s14 =	simm.s32 $0x1  }
0x4: {  	s15 =	simm.s32 $0x80;
	s16 =	simm.s32 $0x18C40;
	s17 =	simm.s32 $0x18D40  }
0x5: {  	s18 =	simm.s32 $0x18CC0;
	s19 =	simm.s32 $0x1AD40;
	s20 =	simm.s32 $0x2  }
0x6: {  	s21 =	simm.s32 $0xEC40;
	s22 =	simm.s32 $0x0;
	s0 =	sand.u32 $0x1, s0  }
0x7: {  	s2 =	sshll.u32 s11, $0x1;
	[smem:$0x7FF] =	sst s3;
	s7 =	smul.u32 $0x9C40, s11  }
0x8: {  	s31 =	sshll.u32 s11, $0x6;
	s11 =	simm.s32 $0x9C40;
	s5 =	sor.u32 s0, s2  }
0x9: {  	s2 =	rddreg [dreg:$0x2];
	s0 =	ssub.s32 $0x2, s0;
	s6 =	smul.u32 $0x500, s5  }
0xa: {  	_ =	strace $0x80000047;
	s5 =	smul.u32 $0x1400, s5;
	s29 =	sshrl.u32 s0, $0x1  }
0xb: {  	s30 =	sshrl.u32 s7, $0x3;
	s10 =	sadd.s32 s7, s2;
	s0 =	ssub.s32 s0, s29  }
0xc: {  	s10 =	sshrl.u32 s10, $0x3;
	s8 =	sadd.s32 s6, s4;
	s9 =	sadd.s32 s5, s4  }
0xd: {  	s4 =	sadd.s32 s1, s30;
	s5 =	sor.u32 $0x1C01, s31;
	s6 =	sadd.s32 $0x400, s8  }
0xe: {  	s7 =	sadd.s32 $0xA400, s8;
	s8 =	sadd.s32 $0x14400, s9;
	s9 =	smax.u32 s0, $0x1  }
.LBB2_1:
0xf: {  	[spmem:s10], [sflag:s5] =	dma.local [hbm:s4], $0x1388  }
0x10: {  	[tilespmem:s11], [sflag:$0x3] =	stream.linear.gather [hbm4b:s6+s3], $0x2800, $0x38;
	[tilespmem:$0x1CD40] =	vst v63  }
0x11: {  	_ =	swait.ge [sflag:s12], $0x2800  }
0x12: {  	[sflag:s12] =	ssyncset.done $0x0  }
0x13: {  	[sflag:s12] =	ssyncadd.s32 $0xFFFFD800  }
0x14: {  	[tilespmem:s13], [sflag:$0x3] =	stream.linear.gather [hbm4b:s7+s3], $0x2800, $0x38;
	[tilespmem:$0x1CD40] =	vst v63  }
0x15: {  	_ =	swait.ge [sflag:s12], $0x2800  }
0x16: {  	[sflag:s12] =	ssyncset.done $0x0  }
0x17: {  	[sflag:s12] =	ssyncadd.s32 $0xFFFFD800  }
0x18: {  	_ =	swait.ge [sflag:s14], $0x1388  }
0x19: {  	[sflag:s14] =	ssyncset.done $0x0  }
0x1a: {  	[sflag:s14] =	ssyncadd.s32 $0xFFFFEC78  }
0x1b: {  	[bflag:$0x0] =	sbarrier.arrive $0xFFFF  }
0x1c: {  	v0 =	vld [tilespmem:$0x9C40]  }
0x1d: {  	v1 =	vld [tilespmem:$0x9C50]  }
0x1e: {  	v2 =	vld [tilespmem:$0x9C60]  }
0x1f: {  	v3 =	vld [tilespmem:$0x9C70]  }
0x20: {  	v4 =	vld [tilespmem:$0x9C80]  }
0x21: {  	v61 =	vld [tilespmem:$0x9C90];
	[tilespmem:$0x18C40] =	vst v0  }
0x22: {  	v62 =	vld [tilespmem:$0x9CA0];
	[tilespmem:$0x18C50] =	vst v1  }
0x23: {  	v63 =	vld [tilespmem:$0x9CB0];
	[tilespmem:$0x18C60] =	vst v2  }
0x24: {  	[tilespmem:$0x18C70] =	vst v3  }
0x25: {  	[tilespmem:$0x18C80] =	vst v4  }
0x26: {  	[tilespmem:$0x18C90] =	vst v61  }
0x27: {  	s1 =	simm.s32 $0xEC80;
	s24 =	simm.s32 $0xC450;
	[tilespmem:$0x18CA0] =	vst v62  }
0x28: {  	s25 =	simm.s32 $0xEEB0;
	s26 =	simm.s32 $0xC4D0;
	s28 =	simm.s32 $0x0;
	[tilespmem:$0x18CB0] =	vst v63  }
0x29: {  	[tilespmem:s17], [sflag:$0x1] =	stream.indirect.gather [spmem:s2], $0x40, s16, s15, $0xb8;
	[tilespmem:$0x1CD40] =	vst v63  }
.LBB2_2:
0x2a: {  	s0 =	sshll.u32 s28, $0x8  }
0x2b: {  	v0 =	vld [tilespmem:s0+$0x9CC0];
	_ =	sdelay $0x4  }
0x2c: {  	[tilespmem:$0x18CC0] =	vst v0  }
0x2d: {  	v0 =	vld [tilespmem:s0+$0x9CD0];
	_ =	sdelay $0x4  }
0x2e: {  	[tilespmem:$0x18CD0] =	vst v0  }
0x2f: {  	v0 =	vld [tilespmem:s0+$0x9CE0];
	_ =	sdelay $0x4  }
0x30: {  	[tilespmem:$0x18CE0] =	vst v0  }
0x31: {  	v0 =	vld [tilespmem:s0+$0x9CF0];
	_ =	sdelay $0x4  }
0x32: {  	[tilespmem:$0x18CF0] =	vst v0  }
0x33: {  	v0 =	vld [tilespmem:s0+$0x9D00];
	_ =	sdelay $0x4  }
0x34: {  	[tilespmem:$0x18D00] =	vst v0  }
0x35: {  	v0 =	vld [tilespmem:s0+$0x9D10];
	_ =	sdelay $0x4  }
0x36: {  	[tilespmem:$0x18D10] =	vst v0  }
0x37: {  	v0 =	vld [tilespmem:s0+$0x9D20];
	_ =	sdelay $0x4  }
0x38: {  	[tilespmem:$0x18D20] =	vst v0  }
0x39: {  	v0 =	vld [tilespmem:s0+$0x9D30];
	_ =	sdelay $0x4  }
0x3a: {  	[tilespmem:$0x18D30] =	vst v0  }
0x3b: {  	[tilespmem:s19], [sflag:$0x2] =	stream.indirect.gather [spmem:s2], $0x40, s18, s15, $0xb8;
	[tilespmem:$0x1CD40] =	vst v63  }
0x3c: {  	_ =	swait.ge [sflag:s14], $0x2000  }
0x3d: {  	s29 =	sshll.u32 s28, $0x1;
	s30 =	simm.s32 $0x0;
	[sflag:s14] =	ssyncset.done $0x0  }
0x3e: {  	s31 =	simm.s32 $0x19140;
	s23 =	smov.u32 s1;
	v0 =	vmov s24;
	[sflag:s14] =	ssyncadd.s32 $0xFFFFE000  }
.LBB2_3:
0x3f: {  	v2 =	vld [tilespmem:s31+$0xFFFFFC00]  }
0x40: {  	v3 =	vld [tilespmem:s31+$0xFFFFFC10]  }
0x41: {  	v5 =	vld [tilespmem:s31+$0xFFFFFC20]  }
0x42: {  	v7 =	vld [tilespmem:s31+$0xFFFFFC30]  }
0x43: {  	v10 =	vld [tilespmem:s31+$0xFFFFFC40]  }
0x44: {  	v12 =	vld [tilespmem:s31+$0xFFFFFC50]  }
0x45: {  	v13 =	vld [tilespmem:s31+$0xFFFFFC60]  }
0x46: {  	v16 =	vld [tilespmem:s31+$0xFFFFFC70]  }
0x47: {  	v18 =	vld [tilespmem:s31+$0xFFFFFC80]  }
0x48: {  	v38 =	vld [tilespmem:s31+$0xFFFFFC90]  }
0x49: {  	v43 =	vld [tilespmem:s31+$0xFFFFFCA0];
	v6 =	vunpack.i.u.bf16.f32 v2;
	v2 =	vunpack.i.l.bf16.f32 v2;
	v8 =	vshll.u32 v3, $0x10  }
0x4a: {  	v45 =	vld [tilespmem:s31+$0xFFFFFCB0];
	v3 =	vand.u32 $0xFFFF0000, v3;
	v9 =	vunpack.i.l.bf16.f32 v5;
	v5 =	vunpack.i.u.bf16.f32 v5  }
0x4b: {  	s0 =	sshra.s32 s30, $0x2;
	v51 =	vld [tilespmem:s31+$0xFFFFFCC0];
	v11 =	vshll.u32 v7, $0x10;
	v7 =	vand.u32 $0xFFFF0000, v7;
	v14 =	vunpack.i.u.bf16.f32 v10  }
0x4c: {  	v1 =	vld.idx.msk [tilespmem:v0+s0+$0xFFFFFFF0 ss:$0x1], $0xffff;
	v10 =	vunpack.i.l.bf16.f32 v10;
	v15 =	vshll.u32 v12, $0x10;
	v12 =	vand.u32 $0xFFFF0000, v12  }
0x4d: {  	v17 =	vunpack.i.l.bf16.f32 v13;
	v37 =	vunpack.i.u.bf16.f32 v13;
	v39 =	vshll.u32 v16, $0x10  }
0x4e: {  	v53 =	vld [tilespmem:s31+$0xFFFFFCD0];
	v41 =	vand.u32 $0xFFFF0000, v16;
	v42 =	vunpack.i.l.bf16.f32 v18;
	v44 =	vunpack.i.u.bf16.f32 v18  }
0x4f: {  	v47 =	vshll.u32 v38, $0x10;
	v48 =	vand.u32 $0xFFFF0000, v38;
	v49 =	vunpack.i.u.bf16.f32 v43  }
0x50: {  	v57 =	vld [tilespmem:s31+$0xFFFFFCE0];
	v50 =	vunpack.i.l.bf16.f32 v43;
	v52 =	vshll.u32 v45, $0x10;
	v55 =	vand.u32 $0xFFFF0000, v45  }
0x51: {  	v61 =	vld [tilespmem:s31+$0xFFFFFCF0];
	v58 =	vunpack.i.u.bf16.f32 v51;
	v4 =	vbroadcast v1, $0x0;
	v34 =	vbroadcast v1, $0x1  }
0x52: {  	v59 =	vunpack.i.l.bf16.f32 v51;
	v40 =	vbroadcast v1, $0x2;
	v56 =	vbroadcast v1, $0x3  }
0x53: {  	v63 =	vld [tilespmem:s31+$0xFFFFFD00];
	v60 =	vshll.u32 v53, $0x10;
	v27 =	vbroadcast v1, $0x4;
	v2 =	vmul.f32 v2, v4  }
0x54: {  	v62 =	vand.u32 $0xFFFF0000, v53;
	v6 =	vmul.f32 v6, v4;
	v8 =	vmul.f32 v8, v4  }
0x55: {  	v24 =	vld [tilespmem:s31+$0xFFFFFD10];
	v21 =	vunpack.i.u.bf16.f32 v57;
	v3 =	vmul.f32 v3, v4;
	v9 =	vmul.f32 v9, v4  }
0x56: {  	v25 =	vshll.u32 v61, $0x10;
	v5 =	vmul.f32 v5, v4;
	v11 =	vmul.f32 v11, v4  }
0x57: {  	v26 =	vand.u32 $0xFFFF0000, v61;
	v4 =	vmul.f32 v7, v4;
	v10 =	vmul.f32 v10, v34  }
0x58: {  	v28 =	vunpack.i.l.bf16.f32 v63;
	v14 =	vmul.f32 v14, v34;
	v15 =	vmul.f32 v15, v34  }
0x59: {  	v31 =	vunpack.i.u.bf16.f32 v63;
	v35 =	vmul.f32 v12, v34;
	v36 =	vmul.f32 v17, v34  }
0x5a: {  	v32 =	vshll.u32 v24, $0x10;
	v13 =	vmul.f32 v39, v34;
	v16 =	vmul.f32 v42, v40  }
0x5b: {  	v45 =	vld [tilespmem:s31+$0xFFFFFD70];
	v46 =	vmul.f32 v44, v40;
	v12 =	vmul.f32 v49, v40;
	v2 =	vadd.f32 $0.0e+00, v2  }
0x5c: {  	v53 =	vld [tilespmem:s31+$0xFFFFFD90];
	v54 =	vmul.f32 v52, v40;
	v6 =	vadd.f32 $0.0e+00, v6;
	v8 =	vadd.f32 $0.0e+00, v8  }
0x5d: {  	v23 =	vmul.f32 v21, v56;
	v3 =	vadd.f32 $0.0e+00, v3;
	v9 =	vadd.f32 $0.0e+00, v9  }
0x5e: {  	v30 =	vmul.f32 v28, v27;
	v5 =	vadd.f32 $0.0e+00, v5;
	v33 =	vadd.f32 $0.0e+00, v11  }
0x5f: {  	v4 =	vadd.f32 $0.0e+00, v4;
	v11 =	vmul.f32 v41, v34;
	v41 =	vbroadcast v1, $0x5  }
0x60: {  	v29 =	vld [tilespmem:s31+$0xFFFFFD20];
	v52 =	vshll.u32 v45, $0x10;
	v17 =	vand.u32 $0xFFFF0000, v45;
	v2 =	vadd.f32 v10, v2  }
0x61: {  	v42 =	vld [tilespmem:s31+$0xFFFFFD60];
	v61 =	vand.u32 $0xFFFF0000, v53;
	v6 =	vadd.f32 v14, v6;
	v8 =	vadd.f32 v15, v8  }
0x62: {  	v28 =	vld [tilespmem:s31+$0xFFFFFDF0];
	v3 =	vadd.f32 v35, v3;
	v10 =	vmul.f32 v37, v34;
	v7 =	vadd.f32 v13, v33  }
0x63: {  	v4 =	vadd.f32 v11, v4;
	v11 =	vmul.f32 v47, v40;
	v13 =	vmul.f32 v50, v40  }
0x64: {  	v9 =	vadd.f32 v36, v9;
	v14 =	vmul.f32 v59, v56;
	v15 =	vmul.f32 v60, v56  }
0x65: {  	v38 =	vld [tilespmem:s31+$0xFFFFFD50];
	v34 =	vunpack.i.u.bf16.f32 v29;
	v35 =	vunpack.i.l.bf16.f32 v29;
	v59 =	vshll.u32 v53, $0x10  }
0x66: {  	v51 =	vld [tilespmem:s31+$0xFFFFFD80];
	v37 =	vmul.f32 v35, v27;
	v50 =	vunpack.i.l.bf16.f32 v42;
	v5 =	vadd.f32 v10, v5  }
0x67: {  	v35 =	vshll.u32 v28, $0x10;
	v2 =	vadd.f32 v16, v2;
	v6 =	vadd.f32 v46, v6  }
0x68: {  	v45 =	vld [tilespmem:s31+$0xFFFFFE40];
	v10 =	vmul.f32 v48, v40;
	v8 =	vadd.f32 v11, v8;
	v9 =	vadd.f32 v13, v9  }
0x69: {  	v7 =	vadd.f32 v54, v7;
	v11 =	vmul.f32 v55, v40;
	v13 =	vmul.f32 v58, v56  }
0x6a: {  	v46 =	vshll.u32 v38, $0x10;
	v48 =	vand.u32 $0xFFFF0000, v38;
	v55 =	vmul.f32 v17, v41  }
0x6b: {  	v58 =	vunpack.i.l.bf16.f32 v51;
	v38 =	vand.u32 $0xFFFF0000, v28;
	v47 =	vmul.f32 v46, v41  }
0x6c: {  	v63 =	vld [tilespmem:s31+$0xFFFFFDC0];
	v49 =	vmul.f32 v48, v41;
	v3 =	vadd.f32 v10, v3;
	v5 =	vadd.f32 v12, v5  }
0x6d: {  	v33 =	vld [tilespmem:s31+$0xFFFFFD30];
	v53 =	vunpack.i.l.bf16.f32 v45;
	v4 =	vadd.f32 v11, v4;
	v2 =	vadd.f32 v14, v2  }
0x6e: {  	v36 =	vld [tilespmem:s31+$0xFFFFFD40];
	v6 =	vadd.f32 v13, v6;
	v11 =	vmul.f32 v62, v56;
	v8 =	vadd.f32 v15, v8  }
0x6f: {  	v12 =	vunpack.i.l.bf16.f32 v57;
	v14 =	vmul.f32 v25, v56;
	v10 =	vmul.f32 v26, v56  }
0x70: {  	v13 =	vand.u32 $0xFFFF0000, v24;
	v15 =	vmul.f32 v52, v41;
	v57 =	vunpack.i.u.bf16.f32 v51  }
0x71: {  	v24 =	vbroadcast v1, $0x7;
	v25 =	vunpack.i.l.bf16.f32 v63;
	v52 =	vbroadcast v1, $0x9  }
0x72: {  	v60 =	vld [tilespmem:s31+$0xFFFFFDB0];
	v22 =	vmul.f32 v12, v56;
	v13 =	vmul.f32 v13, v27;
	v39 =	vshll.u32 v33, $0x10  }
0x73: {  	v54 =	vld [tilespmem:s31+$0xFFFFFDA0];
	v40 =	vand.u32 $0xFFFF0000, v33;
	v43 =	vunpack.i.u.bf16.f32 v36;
	v44 =	vunpack.i.l.bf16.f32 v36  }
0x74: {  	v56 =	vbroadcast v1, $0x6;
	v3 =	vadd.f32 v11, v3;
	v5 =	vadd.f32 v23, v5  }
0x75: {  	v7 =	vadd.f32 v14, v7;
	v4 =	vadd.f32 v10, v4;
	v10 =	vmul.f32 v31, v27  }
0x76: {  	v2 =	vadd.f32 v30, v2;
	v11 =	vmul.f32 v32, v27;
	v14 =	vmul.f32 v34, v27  }
0x77: {  	v16 =	vmul.f32 v44, v41;
	v23 =	vshll.u32 v60, $0x10;
	v9 =	vadd.f32 v22, v9  }
0x78: {  	v12 =	vmul.f32 v58, v56;
	v62 =	vunpack.i.l.bf16.f32 v54;
	v19 =	vmul.f32 v61, v56  }
0x79: {  	v26 =	vld [tilespmem:s31+$0xFFFFFDE0];
	v21 =	vunpack.i.u.bf16.f32 v54;
	v6 =	vadd.f32 v10, v6;
	v8 =	vadd.f32 v11, v8  }
0x7a: {  	v3 =	vadd.f32 v13, v3;
	v5 =	vadd.f32 v14, v5;
	v10 =	vmul.f32 v39, v27  }
0x7b: {  	v11 =	vmul.f32 v40, v27;
	v14 =	vmul.f32 v43, v41;
	v2 =	vadd.f32 v16, v2  }
0x7c: {  	v13 =	vunpack.i.u.bf16.f32 v42;
	v20 =	vmul.f32 v62, v56;
	v27 =	vunpack.i.u.bf16.f32 v63  }
0x7d: {  	v16 =	vmul.f32 v25, v24;
	v39 =	vbroadcast v1, $0x8;
	v9 =	vadd.f32 v37, v9  }
0x7e: {  	v36 =	vld [tilespmem:s31+$0xFFFFFE10];
	v13 =	vmul.f32 v13, v41;
	v29 =	vmul.f32 v27, v24;
	v32 =	vunpack.i.u.bf16.f32 v26  }
0x7f: {  	v33 =	vunpack.i.l.bf16.f32 v26;
	v7 =	vadd.f32 v10, v7;
	v4 =	vadd.f32 v11, v4  }
0x80: {  	v34 =	vld [tilespmem:s31+$0xFFFFFE00];
	v37 =	vmul.f32 v35, v24;
	v6 =	vadd.f32 v14, v6;
	v8 =	vadd.f32 v47, v8  }
0x81: {  	v11 =	vmul.f32 v50, v41;
	v3 =	vadd.f32 v49, v3;
	v10 =	vmul.f32 v57, v56  }
0x82: {  	v22 =	vld [tilespmem:s31+$0xFFFFFDD0];
	v2 =	vadd.f32 v12, v2;
	v14 =	vand.u32 $0xFFFF0000, v60;
	v12 =	vmul.f32 v32, v24  }
0x83: {  	v54 =	vld [tilespmem:s31+$0xFFFFFE60];
	v42 =	vshll.u32 v36, $0x10;
	v44 =	vand.u32 $0xFFFF0000, v36;
	v5 =	vadd.f32 v13, v5  }
0x84: {  	v58 =	vld [tilespmem:s31+$0xFFFFFE70];
	v13 =	vmul.f32 v59, v56;
	v9 =	vadd.f32 v11, v9;
	v7 =	vadd.f32 v15, v7  }
0x85: {  	v61 =	vld [tilespmem:s31+$0xFFFFFE80];
	v41 =	vunpack.i.u.bf16.f32 v34;
	v4 =	vadd.f32 v55, v4;
	v6 =	vadd.f32 v10, v6  }
0x86: {  	v40 =	vld [tilespmem:s31+$0xFFFFFE20];
	v3 =	vadd.f32 v19, v3;
	v10 =	vmul.f32 v21, v56;
	v11 =	vmul.f32 v14, v56  }
0x87: {  	v43 =	vld [tilespmem:s31+$0xFFFFFE30];
	v2 =	vadd.f32 v16, v2;
	v30 =	vshll.u32 v22, $0x10;
	v31 =	vand.u32 $0xFFFF0000, v22  }
0x88: {  	v14 =	vunpack.i.l.bf16.f32 v34;
	v15 =	vmul.f32 v42, v39;
	v55 =	vmul.f32 v53, v52  }
0x89: {  	v63 =	vld [tilespmem:s31+$0xFFFFFE90];
	v59 =	vunpack.i.u.bf16.f32 v54;
	v60 =	vunpack.i.l.bf16.f32 v54;
	v21 =	vshll.u32 v58, $0x10  }
0x8a: {  	v22 =	vand.u32 $0xFFFF0000, v58;
	v25 =	vunpack.i.u.bf16.f32 v61;
	v26 =	vunpack.i.l.bf16.f32 v61  }
0x8b: {  	v27 =	vld [tilespmem:s31+$0xFFFFFEB0];
	v8 =	vadd.f32 v13, v8;
	v13 =	vmul.f32 v23, v56;
	v14 =	vmul.f32 v14, v39  }
0x8c: {  	v35 =	vld [tilespmem:s31+$0xFFFFFED0];
	v46 =	vunpack.i.u.bf16.f32 v40;
	v50 =	vshll.u32 v43, $0x10;
	v51 =	vand.u32 $0xFFFF0000, v43  }
0x8d: {  	v56 =	vunpack.i.u.bf16.f32 v45;
	v62 =	vmul.f32 v60, v52;
	v23 =	vbroadcast v1, $0xA  }
0x8e: {  	v49 =	vld [tilespmem:s31+$0xFFFFFE50];
	v28 =	vshll.u32 v63, $0x10;
	v9 =	vadd.f32 v20, v9;
	v5 =	vadd.f32 v10, v5  }
0x8f: {  	v4 =	vadd.f32 v11, v4;
	v6 =	vadd.f32 v29, v6;
	v11 =	vmul.f32 v30, v24  }
0x90: {  	v10 =	vmul.f32 v31, v24;
	v48 =	vmul.f32 v46, v39;
	v30 =	vand.u32 $0xFFFF0000, v63  }
0x91: {  	v34 =	vshll.u32 v27, $0x10;
	v17 =	vand.u32 $0xFFFF0000, v27;
	v43 =	vand.u32 $0xFFFF0000, v35  }
0x92: {  	v7 =	vadd.f32 v13, v7;
	v13 =	vmul.f32 v33, v24;
	v2 =	vadd.f32 v14, v2  }
0x93: {  	v14 =	vmul.f32 v50, v39;
	v57 =	vshll.u32 v49, $0x10;
	v16 =	vmul.f32 v26, v23  }
0x94: {  	v42 =	vld [tilespmem:s31+$0xFFFFFEF0];
	v29 =	vmul.f32 v28, v23;
	v31 =	vmul.f32 v30, v23;
	v8 =	vadd.f32 v11, v8  }
0x95: {  	v53 =	vld [tilespmem:s31+$0xFFFFFF20];
	v3 =	vadd.f32 v10, v3;
	v5 =	vadd.f32 v12, v5;
	v11 =	vmul.f32 v38, v24  }
0x96: {  	v12 =	vunpack.i.l.bf16.f32 v40;
	v10 =	vmul.f32 v51, v39;
	v38 =	vbroadcast v1, $0xB  }
0x97: {  	v36 =	vld [tilespmem:s31+$0xFFFFFEE0];
	v51 =	vbroadcast v1, $0xC;
	v9 =	vadd.f32 v13, v9;
	v7 =	vadd.f32 v37, v7  }
0x98: {  	v45 =	vld [tilespmem:s31+$0xFFFFFF00];
	v13 =	vmul.f32 v41, v39;
	v47 =	vmul.f32 v12, v39;
	v2 =	vadd.f32 v55, v2  }
0x99: {  	v37 =	vmul.f32 v17, v23;
	v41 =	vshll.u32 v35, $0x10;
	v50 =	vshll.u32 v42, $0x10  }
0x9a: {  	v63 =	vld [tilespmem:s31+$0xFFFFFF50];
	v60 =	vunpack.i.l.bf16.f32 v53;
	v4 =	vadd.f32 v11, v4;
	v11 =	vmul.f32 v44, v39  }
0x9b: {  	v27 =	vld [tilespmem:s31+$0xFFFFFF80];
	v8 =	vadd.f32 v15, v8;
	v5 =	vadd.f32 v48, v5;
	v15 =	vmul.f32 v34, v23  }
0x9c: {  	v44 =	vunpack.i.l.bf16.f32 v36;
	v46 =	vmul.f32 v43, v38;
	v48 =	vunpack.i.u.bf16.f32 v36  }
0x9d: {  	v33 =	vld [tilespmem:s31+$0xFFFFFEC0];
	v54 =	vunpack.i.u.bf16.f32 v45;
	v34 =	vbroadcast v1, $0xE;
	v6 =	vadd.f32 v13, v6  }
0x9e: {  	v9 =	vadd.f32 v47, v9;
	v7 =	vadd.f32 v14, v7;
	v13 =	vand.u32 $0xFFFF0000, v49  }
0x9f: {  	v24 =	vld [tilespmem:s31+$0xFFFFFEA0];
	v14 =	vmul.f32 v59, v52;
	v2 =	vadd.f32 v16, v2;
	v47 =	vmul.f32 v44, v38  }
0xa0: {  	v59 =	vunpack.i.u.bf16.f32 v53;
	v26 =	vand.u32 $0xFFFF0000, v63;
	v35 =	vunpack.i.l.bf16.f32 v27  }
0xa1: {  	v3 =	vadd.f32 v11, v3;
	v4 =	vadd.f32 v10, v4;
	v10 =	vmul.f32 v56, v52  }
0xa2: {  	v55 =	vld [tilespmem:s31+$0xFFFFFF30];
	v11 =	vmul.f32 v57, v52;
	v13 =	vmul.f32 v13, v52;
	v39 =	vunpack.i.u.bf16.f32 v33  }
0xa3: {  	v40 =	vunpack.i.l.bf16.f32 v33;
	v56 =	vmul.f32 v54, v51;
	v9 =	vadd.f32 v62, v9  }
0xa4: {  	v5 =	vadd.f32 v14, v5;
	v14 =	vmul.f32 v25, v23;
	v32 =	vunpack.i.l.bf16.f32 v24  }
0xa5: {  	v12 =	vmul.f32 v40, v38;
	v6 =	vadd.f32 v10, v6;
	v8 =	vadd.f32 v11, v8  }
0xa6: {  	v3 =	vadd.f32 v13, v3;
	v10 =	vmul.f32 v21, v52;
	v11 =	vmul.f32 v22, v52  }
0xa7: {  	v61 =	vld [tilespmem:s31+$0xFFFFFF40];
	v13 =	vunpack.i.u.bf16.f32 v24;
	v52 =	vunpack.i.l.bf16.f32 v45;
	v62 =	vshll.u32 v55, $0x10  }
0xa8: {  	v49 =	vld [tilespmem:s31+$0xFFFFFF10];
	v20 =	vand.u32 $0xFFFF0000, v55;
	v21 =	vbroadcast v1, $0xD;
	v24 =	vshll.u32 v63, $0x10  }
0xa9: {  	v36 =	vld [tilespmem:s31+$0xFFFFFFA0];
	v13 =	vmul.f32 v13, v23;
	v2 =	vadd.f32 v12, v2;
	v16 =	vmul.f32 v52, v51  }
0xaa: {  	v12 =	vmul.f32 v59, v51;
	v7 =	vadd.f32 v10, v7;
	v4 =	vadd.f32 v11, v4  }
0xab: {  	v19 =	vmul.f32 v62, v51;
	v6 =	vadd.f32 v14, v6;
	v8 =	vadd.f32 v29, v8  }
0xac: {  	v11 =	vmul.f32 v32, v23;
	v3 =	vadd.f32 v31, v3;
	v10 =	vmul.f32 v39, v38  }
0xad: {  	v14 =	vand.u32 $0xFFFF0000, v42;
	v57 =	vshll.u32 v49, $0x10;
	v58 =	vand.u32 $0xFFFF0000, v49  }
0xae: {  	v25 =	vld [tilespmem:s31+$0xFFFFFF70];
	v23 =	vunpack.i.u.bf16.f32 v61;
	v42 =	vunpack.i.l.bf16.f32 v36;
	v5 =	vadd.f32 v13, v5  }
0xaf: {  	v40 =	vld [tilespmem:s31+$0xFFFFFFB0];
	v13 =	vmul.f32 v41, v38;
	v2 =	vadd.f32 v16, v2;
	v9 =	vadd.f32 v11, v9  }
0xb0: {  	v43 =	vld [tilespmem:s31+$0xFFFFFFC0];
	v41 =	vunpack.i.u.bf16.f32 v36;
	v7 =	vadd.f32 v15, v7;
	v4 =	vadd.f32 v37, v4  }
0xb1: {  	v22 =	vld [tilespmem:s31+$0xFFFFFF60];
	v44 =	vmul.f32 v42, v34;
	v6 =	vadd.f32 v10, v6;
	v3 =	vadd.f32 v46, v3  }
0xb2: {  	v45 =	vld [tilespmem:s31+$0xFFFFFFD0];
	v10 =	vmul.f32 v48, v38;
	v11 =	vmul.f32 v14, v38;
	v14 =	vunpack.i.l.bf16.f32 v61  }
0xb3: {  	v15 =	vmul.f32 v24, v21;
	v32 =	vshll.u32 v25, $0x10;
	v33 =	vand.u32 $0xFFFF0000, v25  }
0xb4: {  	v37 =	vmul.f32 v35, v34;
	v46 =	vshll.u32 v40, $0x10;
	v48 =	vbroadcast v1, $0xF  }
0xb5: {  	v8 =	vadd.f32 v13, v8;
	v13 =	vmul.f32 v50, v38;
	v14 =	vmul.f32 v14, v21  }
0xb6: {  	v52 =	vld [tilespmem:s31+$0xFFFFFFF0];
	v28 =	vunpack.i.u.bf16.f32 v22;
	v38 =	vunpack.i.u.bf16.f32 v27;
	v50 =	vunpack.i.u.bf16.f32 v43  }
0xb7: {  	v31 =	vld [tilespmem:s31+$0xFFFFFF90];
	v53 =	vshll.u32 v45, $0x10;
	v55 =	vand.u32 $0xFFFF0000, v45;
	v9 =	vadd.f32 v47, v9  }
0xb8: {  	v49 =	vld [tilespmem:s31+$0xFFFFFFE0];
	v5 =	vadd.f32 v10, v5;
	v4 =	vadd.f32 v11, v4;
	v11 =	vmul.f32 v57, v51  }
0xb9: {  	v6 =	vadd.f32 v56, v6;
	v10 =	vmul.f32 v58, v51;
	v30 =	vmul.f32 v28, v21  }
0xba: {  	v47 =	vand.u32 $0xFFFF0000, v40;
	v54 =	vmul.f32 v53, v48;
	v56 =	vmul.f32 v55, v48  }
0xbb: {  	v59 =	vshll.u32 v52, $0x10;
	v16 =	vand.u32 $0xFFFF0000, v52;
	v7 =	vadd.f32 v13, v7  }
0xbc: {  	v24 =	vld [tilespmem:s31+$0x30];
	v13 =	vmul.f32 v60, v51;
	v2 =	vadd.f32 v14, v2;
	v14 =	vmul.f32 v32, v21  }
0xbd: {  	v35 =	vld [tilespmem:s31+$0x60];
	v39 =	vshll.u32 v31, $0x10;
	v1 =	vmul.f32 v47, v34;
	v57 =	vunpack.i.l.bf16.f32 v49  }
0xbe: {  	v62 =	vmul.f32 v16, v48;
	v8 =	vadd.f32 v11, v8;
	v3 =	vadd.f32 v10, v3  }
0xbf: {  	v61 =	vld [tilespmem:s31+$0x20];
	v5 =	vadd.f32 v12, v5;
	v11 =	vmul.f32 v20, v51;
	v12 =	vunpack.i.l.bf16.f32 v22  }
0xc0: {  	v27 =	vld [tilespmem:s31+$0x40];
	v10 =	vmul.f32 v33, v21;
	v51 =	vunpack.i.l.bf16.f32 v43;
	v9 =	vadd.f32 v13, v9  }
0xc1: {  	v45 =	vld [tilespmem:s31+$0x90];
	v7 =	vadd.f32 v19, v7;
	v13 =	vmul.f32 v23, v21;
	v29 =	vmul.f32 v12, v21  }
0xc2: {  	v58 =	vld [tilespmem:s31+$0x0];
	v2 =	vadd.f32 v37, v2;
	v32 =	vshll.u32 v24, $0x10;
	v42 =	vunpack.i.l.bf16.f32 v35  }
0xc3: {  	v52 =	vld [tilespmem:s31+$0xB0];
	v4 =	vadd.f32 v11, v4;
	v11 =	vmul.f32 v26, v21;
	v8 =	vadd.f32 v15, v8  }
0xc4: {  	v5 =	vadd.f32 v30, v5;
	v15 =	vmul.f32 v59, v48;
	v26 =	vunpack.i.l.bf16.f32 v61  }
0xc5: {  	v60 =	vld [tilespmem:s31+$0x10];
	v30 =	vunpack.i.u.bf16.f32 v61;
	v36 =	vunpack.i.u.bf16.f32 v27;
	v6 =	vadd.f32 v13, v6  }
0xc6: {  	v53 =	vand.u32 $0xFFFF0000, v45;
	v9 =	vadd.f32 v29, v9;
	v7 =	vadd.f32 v14, v7  }
0xc7: {  	v13 =	vand.u32 $0xFFFF0000, v31;
	v14 =	vmul.f32 v41, v34;
	v21 =	vunpack.i.u.bf16.f32 v58  }
0xc8: {  	v22 =	vunpack.i.l.bf16.f32 v58;
	v41 =	vunpack.i.u.bf16.f32 v35;
	v59 =	vshll.u32 v52, $0x10  }
0xc9: {  	v3 =	vadd.f32 v11, v3;
	v4 =	vadd.f32 v10, v4;
	v10 =	vmul.f32 v38, v34  }
0xca: {  	v37 =	vld [tilespmem:s31+$0x70];
	v11 =	vmul.f32 v39, v34;
	v13 =	vmul.f32 v13, v34;
	v23 =	vshll.u32 v60, $0x10  }
0xcb: {  	v43 =	vld [tilespmem:s31+$0x80];
	v25 =	vand.u32 $0xFFFF0000, v60;
	v60 =	vand.u32 $0xFFFF0000, v52;
	v9 =	vadd.f32 v44, v9  }
0xcc: {  	v5 =	vadd.f32 v14, v5;
	v14 =	vmul.f32 v51, v48;
	v6 =	vadd.f32 v10, v6  }
0xcd: {  	v51 =	vshll.u32 v45, $0x10;
	v8 =	vadd.f32 v11, v8;
	v3 =	vadd.f32 v13, v3  }
0xce: {  	v31 =	vld [tilespmem:s31+$0x50];
	v10 =	vmul.f32 v46, v34;
	v11 =	vmul.f32 v50, v48;
	v4 =	vadd.f32 v1, v4  }
0xcf: {  	v1 =	vld.idx.msk [tilespmem:v0+s0+$0x0 ss:$0x1], $0xffff;
	v13 =	vunpack.i.u.bf16.f32 v49;
	v34 =	vunpack.i.l.bf16.f32 v27;
	v44 =	vshll.u32 v37, $0x10  }
0xd0: {  	v35 =	vld [tilespmem:s31+$0x130];
	v47 =	vand.u32 $0xFFFF0000, v37;
	v50 =	vunpack.i.u.bf16.f32 v43;
	v2 =	vadd.f32 v14, v2  }
0xd1: {  	v13 =	vmul.f32 v13, v48;
	v14 =	vand.u32 $0xFFFF0000, v24;
	v7 =	vadd.f32 v10, v7  }
0xd2: {  	v6 =	vadd.f32 v11, v6;
	v8 =	vadd.f32 v54, v8;
	v11 =	vmul.f32 v57, v48  }
0xd3: {  	v3 =	vadd.f32 v56, v3;
	v4 =	vadd.f32 v62, v4;
	v39 =	vshll.u32 v31, $0x10  }
0xd4: {  	v49 =	vld [tilespmem:s31+$0xA0];
	v40 =	vand.u32 $0xFFFF0000, v31;
	v63 =	vbroadcast v1, $0x0;
	v33 =	vbroadcast v1, $0x1  }
0xd5: {  	v17 =	vand.u32 $0xFFFF0000, v35;
	v48 =	vbroadcast v1, $0x2;
	v61 =	vbroadcast v1, $0x3  }
0xd6: {  	v54 =	vld [tilespmem:s31+$0xC0];
	v5 =	vadd.f32 v13, v5;
	v31 =	vbroadcast v1, $0x4;
	v12 =	vmul.f32 v22, v63  }
0xd7: {  	v58 =	vld [tilespmem:s31+$0xD0];
	v9 =	vadd.f32 v11, v9;
	v10 =	vmul.f32 v21, v63;
	v13 =	vmul.f32 v23, v63  }
0xd8: {  	v7 =	vadd.f32 v15, v7;
	v28 =	vmul.f32 v25, v63;
	v29 =	vmul.f32 v26, v63  }
0xd9: {  	v55 =	vunpack.i.u.bf16.f32 v49;
	v11 =	vmul.f32 v14, v63;
	v16 =	vmul.f32 v34, v33  }
0xda: {  	v38 =	vmul.f32 v36, v33;
	v46 =	vmul.f32 v44, v33;
	v14 =	vunpack.i.l.bf16.f32 v43  }
0xdb: {  	v15 =	vmul.f32 v51, v48;
	v57 =	vmul.f32 v55, v48;
	v62 =	vunpack.i.l.bf16.f32 v54  }
0xdc: {  	v21 =	vunpack.i.u.bf16.f32 v54;
	v22 =	vshll.u32 v58, $0x10;
	v45 =	vmul.f32 v17, v31  }
0xdd: {  	v23 =	vld [tilespmem:s31+$0xF0];
	v14 =	vmul.f32 v14, v48;
	v20 =	vmul.f32 v62, v61;
	v2 =	vadd.f32 v12, v2  }
0xde: {  	v26 =	vld [tilespmem:s31+$0x100];
	v6 =	vadd.f32 v10, v6;
	v8 =	vadd.f32 v13, v8;
	v10 =	vmul.f32 v30, v63  }
0xdf: {  	v43 =	vld [tilespmem:s31+$0x150];
	v3 =	vadd.f32 v28, v3;
	v9 =	vadd.f32 v29, v9;
	v13 =	vmul.f32 v32, v63  }
0xe0: {  	v44 =	vld [tilespmem:s31+$0x160];
	v4 =	vadd.f32 v11, v4;
	v11 =	vmul.f32 v39, v33;
	v5 =	vadd.f32 v10, v5  }
0xe1: {  	v12 =	vmul.f32 v41, v33;
	v7 =	vadd.f32 v13, v7;
	v2 =	vadd.f32 v16, v2  }
0xe2: {  	v6 =	vadd.f32 v38, v6;
	v10 =	vmul.f32 v40, v33;
	v13 =	vmul.f32 v42, v33  }
0xe3: {  	v8 =	vadd.f32 v11, v8;
	v11 =	vmul.f32 v47, v33;
	v42 =	vshll.u32 v35, $0x10  }
0xe4: {  	v29 =	vshll.u32 v23, $0x10;
	v30 =	vand.u32 $0xFFFF0000, v23;
	v33 =	vunpack.i.u.bf16.f32 v26  }
0xe5: {  	v34 =	vunpack.i.l.bf16.f32 v26;
	v51 =	vand.u32 $0xFFFF0000, v43;
	v52 =	vunpack.i.l.bf16.f32 v44  }
0xe6: {  	v63 =	vld [tilespmem:s31+$0xE0];
	v26 =	vbroadcast v1, $0x7;
	v3 =	vadd.f32 v10, v3;
	v9 =	vadd.f32 v13, v9  }
0xe7: {  	v28 =	vld [tilespmem:s31+$0x110];
	v5 =	vadd.f32 v12, v5;
	v7 =	vadd.f32 v46, v7;
	v13 =	vmul.f32 v50, v48  }
0xe8: {  	v32 =	vld [tilespmem:s31+$0x120];
	v4 =	vadd.f32 v11, v4;
	v2 =	vadd.f32 v14, v2;
	v11 =	vmul.f32 v53, v48  }
0xe9: {  	v41 =	vld [tilespmem:s31+$0x140];
	v8 =	vadd.f32 v15, v8;
	v14 =	vmul.f32 v59, v48;
	v10 =	vmul.f32 v60, v48  }
0xea: {  	v12 =	vunpack.i.l.bf16.f32 v49;
	v16 =	vmul.f32 v34, v31;
	v15 =	vmul.f32 v42, v31  }
0xeb: {  	v46 =	vbroadcast v1, $0x5;
	v49 =	vshll.u32 v43, $0x10;
	v59 =	vbroadcast v1, $0x6  }
0xec: {  	v56 =	vmul.f32 v12, v48;
	v24 =	vunpack.i.u.bf16.f32 v63;
	v25 =	vunpack.i.l.bf16.f32 v63  }
0xed: {  	v36 =	vshll.u32 v28, $0x10;
	v38 =	vand.u32 $0xFFFF0000, v28;
	v40 =	vunpack.i.l.bf16.f32 v32  }
0xee: {  	v47 =	vunpack.i.u.bf16.f32 v41;
	v48 =	vunpack.i.l.bf16.f32 v41;
	v6 =	vadd.f32 v13, v6  }
0xef: {  	v3 =	vadd.f32 v11, v3;
	v4 =	vadd.f32 v10, v4;
	v10 =	vmul.f32 v21, v61  }
0xf0: {  	v5 =	vadd.f32 v57, v5;
	v11 =	vmul.f32 v22, v61;
	v27 =	vmul.f32 v25, v61  }
0xf1: {  	v7 =	vadd.f32 v14, v7;
	v14 =	vmul.f32 v24, v61;
	v37 =	vmul.f32 v36, v31  }
0xf2: {  	v23 =	vld [tilespmem:s31+$0x1D0];
	v2 =	vadd.f32 v20, v2;
	v39 =	vmul.f32 v38, v31;
	v12 =	vmul.f32 v48, v46  }
0xf3: {  	v50 =	vld [tilespmem:s31+$0x170];
	v13 =	vand.u32 $0xFFFF0000, v58;
	v54 =	vmul.f32 v51, v46;
	v55 =	vmul.f32 v52, v46  }
0xf4: {  	v53 =	vld [tilespmem:s31+$0x180];
	v9 =	vadd.f32 v56, v9;
	v13 =	vmul.f32 v13, v61;
	v56 =	vunpack.i.u.bf16.f32 v44  }
0xf5: {  	v6 =	vadd.f32 v10, v6;
	v8 =	vadd.f32 v11, v8;
	v10 =	vmul.f32 v29, v61  }
0xf6: {  	v5 =	vadd.f32 v14, v5;
	v11 =	vmul.f32 v30, v61;
	v14 =	vmul.f32 v33, v31  }
0xf7: {  	v2 =	vadd.f32 v16, v2;
	v29 =	vshll.u32 v23, $0x10;
	v3 =	vadd.f32 v13, v3  }
0xf8: {  	v63 =	vld [tilespmem:s31+$0x1B0];
	v9 =	vadd.f32 v27, v9;
	v13 =	vunpack.i.u.bf16.f32 v32;
	v58 =	vshll.u32 v50, $0x10  }
0xf9: {  	v41 =	vld [tilespmem:s31+$0x220];
	v60 =	vunpack.i.l.bf16.f32 v53;
	v62 =	vunpack.i.u.bf16.f32 v53;
	v7 =	vadd.f32 v10, v7  }
0xfa: {  	v21 =	vld [tilespmem:s31+$0x1C0];
	v53 =	vbroadcast v1, $0x9;
	v4 =	vadd.f32 v11, v4;
	v6 =	vadd.f32 v14, v6  }
0xfb: {  	v36 =	vld [tilespmem:s31+$0x210];
	v8 =	vadd.f32 v37, v8;
	v11 =	vmul.f32 v40, v31;
	v13 =	vmul.f32 v13, v31  }
0xfc: {  	v10 =	vmul.f32 v47, v46;
	v2 =	vadd.f32 v12, v2;
	v14 =	vand.u32 $0xFFFF0000, v50  }
0xfd: {  	v57 =	vld [tilespmem:s31+$0x190];
	v16 =	vmul.f32 v60, v59;
	v22 =	vshll.u32 v63, $0x10;
	v25 =	vand.u32 $0xFFFF0000, v63  }
0xfe: {  	v48 =	vld [tilespmem:s31+$0x240];
	v31 =	vand.u32 $0xFFFF0000, v23;
	v47 =	vunpack.i.l.bf16.f32 v41;
	v3 =	vadd.f32 v39, v3  }
0xff: {  	v61 =	vld [tilespmem:s31+$0x1A0];
	v24 =	vmul.f32 v22, v59;
	v28 =	vunpack.i.u.bf16.f32 v21;
	v39 =	vbroadcast v1, $0x8  }
0x100: {  	v30 =	vld [tilespmem:s31+$0x1F0];
	v44 =	vshll.u32 v36, $0x10;
	v9 =	vadd.f32 v11, v9;
	v5 =	vadd.f32 v13, v5  }
0x101: {  	v7 =	vadd.f32 v15, v7;
	v4 =	vadd.f32 v45, v4;
	v13 =	vmul.f32 v49, v46  }
0x102: {  	v6 =	vadd.f32 v10, v6;
	v10 =	vmul.f32 v56, v46;
	v11 =	vmul.f32 v14, v46  }
0x103: {  	v2 =	vadd.f32 v16, v2;
	v14 =	vshll.u32 v57, $0x10;
	v16 =	vand.u32 $0xFFFF0000, v57  }
0x104: {  	v27 =	vld [tilespmem:s31+$0x1E0];
	v15 =	vmul.f32 v29, v26;
	v56 =	vunpack.i.l.bf16.f32 v48;
	v3 =	vadd.f32 v54, v3  }
0x105: {  	v32 =	vld [tilespmem:s31+$0x200];
	v19 =	vunpack.i.u.bf16.f32 v61;
	v20 =	vunpack.i.l.bf16.f32 v61;
	v37 =	vshll.u32 v30, $0x10  }
0x106: {  	v38 =	vand.u32 $0xFFFF0000, v30;
	v49 =	vmul.f32 v47, v39;
	v8 =	vadd.f32 v13, v8  }
0x107: {  	v50 =	vld [tilespmem:s31+$0x250];
	v9 =	vadd.f32 v55, v9;
	v13 =	vmul.f32 v58, v46;
	v5 =	vadd.f32 v10, v5  }
0x108: {  	v4 =	vadd.f32 v11, v4;
	v11 =	vmul.f32 v14, v59;
	v10 =	vmul.f32 v16, v59  }
0x109: {  	v12 =	vmul.f32 v19, v59;
	v14 =	vunpack.i.l.bf16.f32 v21;
	v33 =	vunpack.i.u.bf16.f32 v27  }
0x10a: {  	v63 =	vld [tilespmem:s31+$0x280];
	v40 =	vunpack.i.l.bf16.f32 v32;
	v43 =	vunpack.i.u.bf16.f32 v32;
	v46 =	vunpack.i.u.bf16.f32 v41  }
0x10b: {  	v22 =	vld [tilespmem:s31+$0x2A0];
	v55 =	vunpack.i.u.bf16.f32 v48;
	v16 =	vmul.f32 v56, v53;
	v14 =	vmul.f32 v14, v26  }
0x10c: {  	v45 =	vld [tilespmem:s31+$0x230];
	v35 =	vmul.f32 v33, v26;
	v42 =	vmul.f32 v40, v39;
	v58 =	vshll.u32 v50, $0x10  }
0x10d: {  	v57 =	vld [tilespmem:s31+$0x270];
	v60 =	vand.u32 $0xFFFF0000, v50;
	v7 =	vadd.f32 v13, v7;
	v8 =	vadd.f32 v11, v8  }
0x10e: {  	v13 =	vmul.f32 v62, v59;
	v3 =	vadd.f32 v10, v3;
	v5 =	vadd.f32 v12, v5  }
0x10f: {  	v11 =	vmul.f32 v25, v59;
	v12 =	vunpack.i.l.bf16.f32 v27;
	v10 =	vmul.f32 v38, v26  }
0x110: {  	v61 =	vmul.f32 v60, v53;
	v25 =	vunpack.i.u.bf16.f32 v63;
	v30 =	vunpack.i.l.bf16.f32 v22  }
0x111: {  	v54 =	vld [tilespmem:s31+$0x260];
	v2 =	vadd.f32 v14, v2;
	v34 =	vmul.f32 v12, v26;
	v14 =	vmul.f32 v37, v26  }
0x112: {  	v21 =	vld [tilespmem:s31+$0x290];
	v51 =	vshll.u32 v45, $0x10;
	v52 =	vand.u32 $0xFFFF0000, v45;
	v17 =	vand.u32 $0xFFFF0000, v57  }
0x113: {  	v41 =	vld [tilespmem:s31+$0x2F0];
	v37 =	vbroadcast v1, $0xB;
	v6 =	vadd.f32 v13, v6;
	v13 =	vmul.f32 v20, v59  }
0x114: {  	v7 =	vadd.f32 v24, v7;
	v4 =	vadd.f32 v11, v4;
	v11 =	vmul.f32 v31, v26  }
0x115: {  	v8 =	vadd.f32 v15, v8;
	v5 =	vadd.f32 v35, v5;
	v59 =	vmul.f32 v58, v53  }
0x116: {  	v62 =	vunpack.i.l.bf16.f32 v54;
	v20 =	vshll.u32 v57, $0x10;
	v23 =	vmul.f32 v17, v53  }
0x117: {  	v24 =	vbroadcast v1, $0xA;
	v2 =	vadd.f32 v42, v2;
	v15 =	vmul.f32 v20, v53  }
0x118: {  	v27 =	vshll.u32 v21, $0x10;
	v29 =	vand.u32 $0xFFFF0000, v21;
	v48 =	vshll.u32 v41, $0x10  }
0x119: {  	v9 =	vadd.f32 v13, v9;
	v13 =	vmul.f32 v28, v26;
	v3 =	vadd.f32 v11, v3  }
0x11a: {  	v4 =	vadd.f32 v10, v4;
	v10 =	vmul.f32 v43, v39;
	v11 =	vmul.f32 v44, v39  }
0x11b: {  	v7 =	vadd.f32 v14, v7;
	v14 =	vmul.f32 v46, v39;
	v32 =	vmul.f32 v29, v24  }
0x11c: {  	v31 =	vld [tilespmem:s31+$0x2C0];
	v26 =	vunpack.i.l.bf16.f32 v63;
	v33 =	vmul.f32 v30, v24;
	v50 =	vmul.f32 v48, v37  }
0x11d: {  	v35 =	vld [tilespmem:s31+$0x2D0];
	v2 =	vadd.f32 v16, v2;
	v12 =	vmul.f32 v26, v24;
	v6 =	vadd.f32 v13, v6  }
0x11e: {  	v45 =	vld [tilespmem:s31+$0x300];
	v9 =	vadd.f32 v34, v9;
	v13 =	vand.u32 $0xFFFF0000, v36;
	v8 =	vadd.f32 v11, v8  }
0x11f: {  	v5 =	vadd.f32 v14, v5;
	v11 =	vmul.f32 v52, v39;
	v14 =	vmul.f32 v55, v53  }
0x120: {  	v20 =	vld [tilespmem:s31+$0x350];
	v34 =	vunpack.i.u.bf16.f32 v22;
	v52 =	vand.u32 $0xFFFF0000, v41;
	v22 =	vbroadcast v1, $0xD  }
0x121: {  	v21 =	vld [tilespmem:s31+$0x360];
	v13 =	vmul.f32 v13, v39;
	v2 =	vadd.f32 v12, v2;
	v38 =	vunpack.i.l.bf16.f32 v31  }
0x122: {  	v28 =	vld [tilespmem:s31+$0x2B0];
	v40 =	vunpack.i.u.bf16.f32 v31;
	v43 =	vshll.u32 v35, $0x10;
	v44 =	vand.u32 $0xFFFF0000, v35  }
0x123: {  	v29 =	vld [tilespmem:s31+$0x380];
	v12 =	vunpack.i.u.bf16.f32 v45;
	v35 =	vbroadcast v1, $0xE;
	v6 =	vadd.f32 v10, v6  }
0x124: {  	v9 =	vadd.f32 v49, v9;
	v10 =	vmul.f32 v51, v39;
	v4 =	vadd.f32 v11, v4  }
0x125: {  	v8 =	vadd.f32 v59, v8;
	v11 =	vmul.f32 v62, v53;
	v16 =	vmul.f32 v38, v37  }
0x126: {  	v42 =	vmul.f32 v40, v37;
	v51 =	vbroadcast v1, $0xC;
	v26 =	vshll.u32 v20, $0x10  }
0x127: {  	v60 =	vld [tilespmem:s31+$0x340];
	v31 =	vunpack.i.u.bf16.f32 v21;
	v1 =	vbroadcast v1, $0xF;
	v3 =	vadd.f32 v13, v3  }
0x128: {  	v55 =	vld [tilespmem:s31+$0x330];
	v13 =	vunpack.i.u.bf16.f32 v54;
	v36 =	vshll.u32 v28, $0x10;
	v38 =	vunpack.i.l.bf16.f32 v29  }
0x129: {  	v7 =	vadd.f32 v10, v7;
	v6 =	vadd.f32 v14, v6;
	v13 =	vmul.f32 v13, v53  }
0x12a: {  	v9 =	vadd.f32 v11, v9;
	v4 =	vadd.f32 v23, v4;
	v10 =	vmul.f32 v25, v24  }
0x12b: {  	v14 =	vand.u32 $0xFFFF0000, v28;
	v2 =	vadd.f32 v16, v2;
	v53 =	vunpack.i.l.bf16.f32 v45  }
0x12c: {  	v12 =	vmul.f32 v12, v51;
	v23 =	vunpack.i.l.bf16.f32 v60;
	v28 =	vunpack.i.l.bf16.f32 v21  }
0x12d: {  	v39 =	vld [tilespmem:s31+$0x2E0];
	v3 =	vadd.f32 v61, v3;
	v11 =	vmul.f32 v14, v24;
	v63 =	vshll.u32 v55, $0x10  }
0x12e: {  	v49 =	vld [tilespmem:s31+$0x310];
	v30 =	vmul.f32 v28, v22;
	v5 =	vadd.f32 v13, v5;
	v7 =	vadd.f32 v15, v7  }
0x12f: {  	v13 =	vmul.f32 v27, v24;
	v6 =	vadd.f32 v10, v6;
	v9 =	vadd.f32 v33, v9  }
0x130: {  	v10 =	vmul.f32 v34, v24;
	v15 =	vand.u32 $0xFFFF0000, v55;
	v27 =	vand.u32 $0xFFFF0000, v20  }
0x131: {  	v54 =	vld [tilespmem:s31+$0x320];
	v33 =	vmul.f32 v31, v22;
	v3 =	vadd.f32 v32, v3;
	v4 =	vadd.f32 v11, v4  }
0x132: {  	v48 =	vld [tilespmem:s31+$0x3D0];
	v11 =	vmul.f32 v43, v37;
	v46 =	vunpack.i.u.bf16.f32 v39;
	v47 =	vunpack.i.l.bf16.f32 v39  }
0x133: {  	v25 =	vld [tilespmem:s31+$0x370];
	v56 =	vshll.u32 v49, $0x10;
	v57 =	vand.u32 $0xFFFF0000, v49;
	v39 =	vunpack.i.u.bf16.f32 v29  }
0x134: {  	v8 =	vadd.f32 v13, v8;
	v13 =	vmul.f32 v36, v24;
	v5 =	vadd.f32 v10, v5  }
0x135: {  	v6 =	vadd.f32 v42, v6;
	v10 =	vmul.f32 v44, v37;
	v14 =	vmul.f32 v47, v37  }
0x136: {  	v58 =	vmul.f32 v56, v51;
	v59 =	vmul.f32 v57, v51;
	v61 =	vunpack.i.l.bf16.f32 v54  }
0x137: {  	v62 =	vunpack.i.u.bf16.f32 v54;
	v24 =	vmul.f32 v23, v22;
	v41 =	vmul.f32 v39, v35  }
0x138: {  	v55 =	vld [tilespmem:s31+$0x3F0];
	v56 =	vshll.u32 v48, $0x10;
	v57 =	vand.u32 $0xFFFF0000, v48;
	v34 =	vshll.u32 v25, $0x10  }
0x139: {  	v7 =	vadd.f32 v13, v7;
	v13 =	vmul.f32 v46, v37;
	v8 =	vadd.f32 v11, v8  }
0x13a: {  	v40 =	vld [tilespmem:s31+$0x3B0];
	v3 =	vadd.f32 v10, v3;
	v9 =	vadd.f32 v14, v9;
	v10 =	vmul.f32 v53, v51  }
0x13b: {  	v32 =	vld [tilespmem:s31+$0x390];
	v6 =	vadd.f32 v12, v6;
	v12 =	vmul.f32 v61, v51;
	v14 =	vmul.f32 v63, v51  }
0x13c: {  	v11 =	vmul.f32 v15, v51;
	v15 =	vmul.f32 v27, v22;
	v5 =	vadd.f32 v13, v5  }
0x13d: {  	v36 =	vld [tilespmem:s31+$0x3A0];
	v61 =	vshll.u32 v55, $0x10;
	v7 =	vadd.f32 v50, v7;
	v2 =	vadd.f32 v10, v2  }
0x13e: {  	v44 =	vld [tilespmem:s31+$0x3C0];
	v13 =	vmul.f32 v52, v37;
	v8 =	vadd.f32 v58, v8;
	v3 =	vadd.f32 v59, v3  }
0x13f: {  	v9 =	vadd.f32 v12, v9;
	v10 =	vunpack.i.u.bf16.f32 v60;
	v12 =	vmul.f32 v38, v35  }
0x140: {  	v42 =	vshll.u32 v32, $0x10;
	v43 =	vand.u32 $0xFFFF0000, v32;
	v50 =	vshll.u32 v40, $0x10  }
0x141: {  	v52 =	vand.u32 $0xFFFF0000, v40;
	v58 =	vmul.f32 v57, v1;
	v10 =	vmul.f32 v10, v22  }
0x142: {  	v45 =	vmul.f32 v43, v35;
	v46 =	vunpack.i.l.bf16.f32 v36;
	v47 =	vunpack.i.u.bf16.f32 v36  }
0x143: {  	v53 =	vunpack.i.l.bf16.f32 v44;
	v54 =	vunpack.i.u.bf16.f32 v44;
	v4 =	vadd.f32 v13, v4  }
0x144: {  	v13 =	vmul.f32 v62, v51;
	v7 =	vadd.f32 v14, v7;
	v2 =	vadd.f32 v24, v2  }
0x145: {  	v14 =	vmul.f32 v26, v22;
	v3 =	vadd.f32 v15, v3;
	v9 =	vadd.f32 v30, v9  }
0x146: {  	v49 =	vmul.f32 v47, v35;
	v6 =	vadd.f32 v10, v6;
	v5 =	vadd.f32 v13, v5  }
0x147: {  	v15 =	vmul.f32 v56, v1;
	v4 =	vadd.f32 v11, v4;
	v8 =	vadd.f32 v14, v8  }
0x148: {  	v51 =	vld [tilespmem:s31+$0x3E0];
	v13 =	vand.u32 $0xFFFF0000, v25;
	v11 =	vmul.f32 v34, v22;
	v2 =	vadd.f32 v12, v2  }
0x149: {  	v12 =	vmul.f32 v46, v35;
	v3 =	vadd.f32 v45, v3;
	v37 =	vmul.f32 v13, v22  }
0x14a: {  	v6 =	vadd.f32 v41, v6;
	v13 =	vmul.f32 v53, v1;
	v5 =	vadd.f32 v33, v5  }
0x14b: {  	v7 =	vadd.f32 v11, v7;
	v11 =	vmul.f32 v42, v35;
	v9 =	vadd.f32 v12, v9  }
0x14c: {  	v10 =	vmul.f32 v52, v35;
	v3 =	vadd.f32 v58, v3;
	v2 =	vadd.f32 v13, v2  }
0x14d: {  	v59 =	vunpack.i.l.bf16.f32 v51;
	v8 =	vadd.f32 v11, v8;
	v11 =	vmul.f32 v50, v35  }
0x14e: {  	v4 =	vadd.f32 v37, v4;
	v60 =	vmul.f32 v59, v1;
	[tilespmem:s23+$0xFFFFFFC0] =	vst v2;
	v2 =	vunpack.i.u.bf16.f32 v51  }
0x14f: {  	v7 =	vadd.f32 v11, v7;
	v11 =	vmul.f32 v54, v1;
	v8 =	vadd.f32 v15, v8  }
0x150: {  	v5 =	vadd.f32 v49, v5;
	[tilespmem:s23+$0xFFFFFFF0] =	vst v3;
	v2 =	vmul.f32 v2, v1;
	v62 =	vadd.f32 v60, v9  }
0x151: {  	p0 =	sne.s32 s30, $0x180;
	v63 =	vand.u32 $0xFFFF0000, v55;
	v6 =	vadd.f32 v11, v6;
	v11 =	vmul.f32 v61, v1;
	[tilespmem:s23+$0xFFFFFFE0] =	vst v8  }
.Ltmp0:
0x152: {  	v4 =	vadd.f32 v10, v4;
	v2 =	vadd.f32 v2, v5;
	v1 =	vmul.f32 v63, v1;
	[tilespmem:s23+$0x0] =	vst v62;
	(pc) =	sbr.rel @p0 .LBB2_3-.Ltmp0, $4  }
0x153: {  	[tilespmem:s23+$0xFFFFFFD0] =	vst v6;
	v3 =	vadd.f32 v11, v7  }
0x154: {  	v1 =	vadd.f32 v1, v4;
	[tilespmem:s23+$0x10] =	vst v2  }
0x155: {  	[tilespmem:s23+$0x20] =	vst v3  }
0x156: {  	s30 =	sadd.s32 $0x80, s30;
	s31 =	sadd.s32 $0x800, s31;
	[tilespmem:s23+$0x30] =	vst v1;
	s23 =	sadd.s32 $0x80, s23  }
0x157: {  	s0 =	smin.u32 s29, $0x4D  }
0x158: {  	s0 =	sshll.u32 s0, $0x7  }
0x159: {  	v0 =	vld [tilespmem:s0+$0x9D40];
	_ =	sdelay $0x4  }
0x15a: {  	[tilespmem:$0x18C40] =	vst v0  }
0x15b: {  	v0 =	vld [tilespmem:s0+$0x9D50];
	_ =	sdelay $0x4  }
0x15c: {  	[tilespmem:$0x18C50] =	vst v0  }
0x15d: {  	v0 =	vld [tilespmem:s0+$0x9D60];
	_ =	sdelay $0x4  }
0x15e: {  	[tilespmem:$0x18C60] =	vst v0  }
0x15f: {  	v0 =	vld [tilespmem:s0+$0x9D70];
	_ =	sdelay $0x4  }
0x160: {  	[tilespmem:$0x18C70] =	vst v0  }
0x161: {  	v0 =	vld [tilespmem:s0+$0x9D80];
	_ =	sdelay $0x4  }
0x162: {  	[tilespmem:$0x18C80] =	vst v0  }
0x163: {  	v0 =	vld [tilespmem:s0+$0x9D90];
	_ =	sdelay $0x4  }
0x164: {  	[tilespmem:$0x18C90] =	vst v0  }
0x165: {  	v0 =	vld [tilespmem:s0+$0x9DA0];
	_ =	sdelay $0x4  }
0x166: {  	[tilespmem:$0x18CA0] =	vst v0  }
0x167: {  	v0 =	vld [tilespmem:s0+$0x9DB0];
	_ =	sdelay $0x4  }
0x168: {  	[tilespmem:$0x18CB0] =	vst v0  }
0x169: {  	[tilespmem:s17], [sflag:$0x1] =	stream.indirect.gather [spmem:s2], $0x40, s16, s15, $0xb8;
	[tilespmem:$0x1CD40] =	vst v63  }
0x16a: {  	_ =	swait.ge [sflag:s20], $0x2000  }
0x16b: {  	s29 =	simm.s32 $0x0;
	[sflag:s20] =	ssyncset.done $0x0  }
0x16c: {  	s30 =	simm.s32 $0x1B140;
	s23 =	smov.u32 s25;
	v0 =	vmov s26;
	[sflag:s20] =	ssyncadd.s32 $0xFFFFE000  }
.LBB2_5:
0x16d: {  	v2 =	vld [tilespmem:s30+$0xFFFFFC00]  }
0x16e: {  	v3 =	vld [tilespmem:s30+$0xFFFFFC10]  }
0x16f: {  	v5 =	vld [tilespmem:s30+$0xFFFFFC20]  }
0x170: {  	v7 =	vld [tilespmem:s30+$0xFFFFFC30]  }
0x171: {  	v10 =	vld [tilespmem:s30+$0xFFFFFC40]  }
0x172: {  	v12 =	vld [tilespmem:s30+$0xFFFFFC50]  }
0x173: {  	v13 =	vld [tilespmem:s30+$0xFFFFFC60]  }
0x174: {  	v16 =	vld [tilespmem:s30+$0xFFFFFC70]  }
0x175: {  	v18 =	vld [tilespmem:s30+$0xFFFFFC80]  }
0x176: {  	v38 =	vld [tilespmem:s30+$0xFFFFFC90]  }
0x177: {  	v43 =	vld [tilespmem:s30+$0xFFFFFCA0];
	v6 =	vunpack.i.u.bf16.f32 v2;
	v2 =	vunpack.i.l.bf16.f32 v2;
	v8 =	vshll.u32 v3, $0x10  }
0x178: {  	v45 =	vld [tilespmem:s30+$0xFFFFFCB0];
	v3 =	vand.u32 $0xFFFF0000, v3;
	v9 =	vunpack.i.l.bf16.f32 v5;
	v5 =	vunpack.i.u.bf16.f32 v5  }
0x179: {  	s0 =	sshra.s32 s29, $0x2;
	v51 =	vld [tilespmem:s30+$0xFFFFFCC0];
	v11 =	vshll.u32 v7, $0x10;
	v7 =	vand.u32 $0xFFFF0000, v7;
	v14 =	vunpack.i.u.bf16.f32 v10  }
0x17a: {  	v1 =	vld.idx.msk [tilespmem:v0+s0+$0xFFFFFFF0 ss:$0x1], $0xffff;
	v10 =	vunpack.i.l.bf16.f32 v10;
	v15 =	vshll.u32 v12, $0x10;
	v12 =	vand.u32 $0xFFFF0000, v12  }
0x17b: {  	v17 =	vunpack.i.l.bf16.f32 v13;
	v37 =	vunpack.i.u.bf16.f32 v13;
	v39 =	vshll.u32 v16, $0x10  }
0x17c: {  	v53 =	vld [tilespmem:s30+$0xFFFFFCD0];
	v41 =	vand.u32 $0xFFFF0000, v16;
	v42 =	vunpack.i.l.bf16.f32 v18;
	v44 =	vunpack.i.u.bf16.f32 v18  }
0x17d: {  	v47 =	vshll.u32 v38, $0x10;
	v48 =	vand.u32 $0xFFFF0000, v38;
	v49 =	vunpack.i.u.bf16.f32 v43  }
0x17e: {  	v57 =	vld [tilespmem:s30+$0xFFFFFCE0];
	v50 =	vunpack.i.l.bf16.f32 v43;
	v52 =	vshll.u32 v45, $0x10;
	v55 =	vand.u32 $0xFFFF0000, v45  }
0x17f: {  	v61 =	vld [tilespmem:s30+$0xFFFFFCF0];
	v58 =	vunpack.i.u.bf16.f32 v51;
	v4 =	vbroadcast v1, $0x0;
	v34 =	vbroadcast v1, $0x1  }
0x180: {  	v59 =	vunpack.i.l.bf16.f32 v51;
	v40 =	vbroadcast v1, $0x2;
	v56 =	vbroadcast v1, $0x3  }
0x181: {  	v63 =	vld [tilespmem:s30+$0xFFFFFD00];
	v60 =	vshll.u32 v53, $0x10;
	v27 =	vbroadcast v1, $0x4;
	v2 =	vmul.f32 v2, v4  }
0x182: {  	v62 =	vand.u32 $0xFFFF0000, v53;
	v6 =	vmul.f32 v6, v4;
	v8 =	vmul.f32 v8, v4  }
0x183: {  	v24 =	vld [tilespmem:s30+$0xFFFFFD10];
	v21 =	vunpack.i.u.bf16.f32 v57;
	v3 =	vmul.f32 v3, v4;
	v9 =	vmul.f32 v9, v4  }
0x184: {  	v25 =	vshll.u32 v61, $0x10;
	v5 =	vmul.f32 v5, v4;
	v11 =	vmul.f32 v11, v4  }
0x185: {  	v26 =	vand.u32 $0xFFFF0000, v61;
	v4 =	vmul.f32 v7, v4;
	v10 =	vmul.f32 v10, v34  }
0x186: {  	v28 =	vunpack.i.l.bf16.f32 v63;
	v14 =	vmul.f32 v14, v34;
	v15 =	vmul.f32 v15, v34  }
0x187: {  	v31 =	vunpack.i.u.bf16.f32 v63;
	v35 =	vmul.f32 v12, v34;
	v36 =	vmul.f32 v17, v34  }
0x188: {  	v32 =	vshll.u32 v24, $0x10;
	v13 =	vmul.f32 v39, v34;
	v16 =	vmul.f32 v42, v40  }
0x189: {  	v45 =	vld [tilespmem:s30+$0xFFFFFD70];
	v46 =	vmul.f32 v44, v40;
	v12 =	vmul.f32 v49, v40;
	v2 =	vadd.f32 $0.0e+00, v2  }
0x18a: {  	v53 =	vld [tilespmem:s30+$0xFFFFFD90];
	v54 =	vmul.f32 v52, v40;
	v6 =	vadd.f32 $0.0e+00, v6;
	v8 =	vadd.f32 $0.0e+00, v8  }
0x18b: {  	v23 =	vmul.f32 v21, v56;
	v3 =	vadd.f32 $0.0e+00, v3;
	v9 =	vadd.f32 $0.0e+00, v9  }
0x18c: {  	v30 =	vmul.f32 v28, v27;
	v5 =	vadd.f32 $0.0e+00, v5;
	v33 =	vadd.f32 $0.0e+00, v11  }
0x18d: {  	v4 =	vadd.f32 $0.0e+00, v4;
	v11 =	vmul.f32 v41, v34;
	v41 =	vbroadcast v1, $0x5  }
0x18e: {  	v29 =	vld [tilespmem:s30+$0xFFFFFD20];
	v52 =	vshll.u32 v45, $0x10;
	v17 =	vand.u32 $0xFFFF0000, v45;
	v2 =	vadd.f32 v10, v2  }
0x18f: {  	v42 =	vld [tilespmem:s30+$0xFFFFFD60];
	v61 =	vand.u32 $0xFFFF0000, v53;
	v6 =	vadd.f32 v14, v6;
	v8 =	vadd.f32 v15, v8  }
0x190: {  	v28 =	vld [tilespmem:s30+$0xFFFFFDF0];
	v3 =	vadd.f32 v35, v3;
	v10 =	vmul.f32 v37, v34;
	v7 =	vadd.f32 v13, v33  }
0x191: {  	v4 =	vadd.f32 v11, v4;
	v11 =	vmul.f32 v47, v40;
	v13 =	vmul.f32 v50, v40  }
0x192: {  	v9 =	vadd.f32 v36, v9;
	v14 =	vmul.f32 v59, v56;
	v15 =	vmul.f32 v60, v56  }
0x193: {  	v38 =	vld [tilespmem:s30+$0xFFFFFD50];
	v34 =	vunpack.i.u.bf16.f32 v29;
	v35 =	vunpack.i.l.bf16.f32 v29;
	v59 =	vshll.u32 v53, $0x10  }
0x194: {  	v51 =	vld [tilespmem:s30+$0xFFFFFD80];
	v37 =	vmul.f32 v35, v27;
	v50 =	vunpack.i.l.bf16.f32 v42;
	v5 =	vadd.f32 v10, v5  }
0x195: {  	v35 =	vshll.u32 v28, $0x10;
	v2 =	vadd.f32 v16, v2;
	v6 =	vadd.f32 v46, v6  }
0x196: {  	v45 =	vld [tilespmem:s30+$0xFFFFFE40];
	v10 =	vmul.f32 v48, v40;
	v8 =	vadd.f32 v11, v8;
	v9 =	vadd.f32 v13, v9  }
0x197: {  	v7 =	vadd.f32 v54, v7;
	v11 =	vmul.f32 v55, v40;
	v13 =	vmul.f32 v58, v56  }
0x198: {  	v46 =	vshll.u32 v38, $0x10;
	v48 =	vand.u32 $0xFFFF0000, v38;
	v55 =	vmul.f32 v17, v41  }
0x199: {  	v58 =	vunpack.i.l.bf16.f32 v51;
	v38 =	vand.u32 $0xFFFF0000, v28;
	v47 =	vmul.f32 v46, v41  }
0x19a: {  	v63 =	vld [tilespmem:s30+$0xFFFFFDC0];
	v49 =	vmul.f32 v48, v41;
	v3 =	vadd.f32 v10, v3;
	v5 =	vadd.f32 v12, v5  }
0x19b: {  	v33 =	vld [tilespmem:s30+$0xFFFFFD30];
	v53 =	vunpack.i.l.bf16.f32 v45;
	v4 =	vadd.f32 v11, v4;
	v2 =	vadd.f32 v14, v2  }
0x19c: {  	v36 =	vld [tilespmem:s30+$0xFFFFFD40];
	v6 =	vadd.f32 v13, v6;
	v11 =	vmul.f32 v62, v56;
	v8 =	vadd.f32 v15, v8  }
0x19d: {  	v12 =	vunpack.i.l.bf16.f32 v57;
	v14 =	vmul.f32 v25, v56;
	v10 =	vmul.f32 v26, v56  }
0x19e: {  	v13 =	vand.u32 $0xFFFF0000, v24;
	v15 =	vmul.f32 v52, v41;
	v57 =	vunpack.i.u.bf16.f32 v51  }
0x19f: {  	v24 =	vbroadcast v1, $0x7;
	v25 =	vunpack.i.l.bf16.f32 v63;
	v52 =	vbroadcast v1, $0x9  }
0x1a0: {  	v60 =	vld [tilespmem:s30+$0xFFFFFDB0];
	v22 =	vmul.f32 v12, v56;
	v13 =	vmul.f32 v13, v27;
	v39 =	vshll.u32 v33, $0x10  }
0x1a1: {  	v54 =	vld [tilespmem:s30+$0xFFFFFDA0];
	v40 =	vand.u32 $0xFFFF0000, v33;
	v43 =	vunpack.i.u.bf16.f32 v36;
	v44 =	vunpack.i.l.bf16.f32 v36  }
0x1a2: {  	v56 =	vbroadcast v1, $0x6;
	v3 =	vadd.f32 v11, v3;
	v5 =	vadd.f32 v23, v5  }
0x1a3: {  	v7 =	vadd.f32 v14, v7;
	v4 =	vadd.f32 v10, v4;
	v10 =	vmul.f32 v31, v27  }
0x1a4: {  	v2 =	vadd.f32 v30, v2;
	v11 =	vmul.f32 v32, v27;
	v14 =	vmul.f32 v34, v27  }
0x1a5: {  	v16 =	vmul.f32 v44, v41;
	v23 =	vshll.u32 v60, $0x10;
	v9 =	vadd.f32 v22, v9  }
0x1a6: {  	v12 =	vmul.f32 v58, v56;
	v62 =	vunpack.i.l.bf16.f32 v54;
	v19 =	vmul.f32 v61, v56  }
0x1a7: {  	v26 =	vld [tilespmem:s30+$0xFFFFFDE0];
	v21 =	vunpack.i.u.bf16.f32 v54;
	v6 =	vadd.f32 v10, v6;
	v8 =	vadd.f32 v11, v8  }
0x1a8: {  	v3 =	vadd.f32 v13, v3;
	v5 =	vadd.f32 v14, v5;
	v10 =	vmul.f32 v39, v27  }
0x1a9: {  	v11 =	vmul.f32 v40, v27;
	v14 =	vmul.f32 v43, v41;
	v2 =	vadd.f32 v16, v2  }
0x1aa: {  	v13 =	vunpack.i.u.bf16.f32 v42;
	v20 =	vmul.f32 v62, v56;
	v27 =	vunpack.i.u.bf16.f32 v63  }
0x1ab: {  	v16 =	vmul.f32 v25, v24;
	v39 =	vbroadcast v1, $0x8;
	v9 =	vadd.f32 v37, v9  }
0x1ac: {  	v36 =	vld [tilespmem:s30+$0xFFFFFE10];
	v13 =	vmul.f32 v13, v41;
	v29 =	vmul.f32 v27, v24;
	v32 =	vunpack.i.u.bf16.f32 v26  }
0x1ad: {  	v33 =	vunpack.i.l.bf16.f32 v26;
	v7 =	vadd.f32 v10, v7;
	v4 =	vadd.f32 v11, v4  }
0x1ae: {  	v34 =	vld [tilespmem:s30+$0xFFFFFE00];
	v37 =	vmul.f32 v35, v24;
	v6 =	vadd.f32 v14, v6;
	v8 =	vadd.f32 v47, v8  }
0x1af: {  	v11 =	vmul.f32 v50, v41;
	v3 =	vadd.f32 v49, v3;
	v10 =	vmul.f32 v57, v56  }
0x1b0: {  	v22 =	vld [tilespmem:s30+$0xFFFFFDD0];
	v2 =	vadd.f32 v12, v2;
	v14 =	vand.u32 $0xFFFF0000, v60;
	v12 =	vmul.f32 v32, v24  }
0x1b1: {  	v54 =	vld [tilespmem:s30+$0xFFFFFE60];
	v42 =	vshll.u32 v36, $0x10;
	v44 =	vand.u32 $0xFFFF0000, v36;
	v5 =	vadd.f32 v13, v5  }
0x1b2: {  	v58 =	vld [tilespmem:s30+$0xFFFFFE70];
	v13 =	vmul.f32 v59, v56;
	v9 =	vadd.f32 v11, v9;
	v7 =	vadd.f32 v15, v7  }
0x1b3: {  	v61 =	vld [tilespmem:s30+$0xFFFFFE80];
	v41 =	vunpack.i.u.bf16.f32 v34;
	v4 =	vadd.f32 v55, v4;
	v6 =	vadd.f32 v10, v6  }
0x1b4: {  	v40 =	vld [tilespmem:s30+$0xFFFFFE20];
	v3 =	vadd.f32 v19, v3;
	v10 =	vmul.f32 v21, v56;
	v11 =	vmul.f32 v14, v56  }
0x1b5: {  	v43 =	vld [tilespmem:s30+$0xFFFFFE30];
	v2 =	vadd.f32 v16, v2;
	v30 =	vshll.u32 v22, $0x10;
	v31 =	vand.u32 $0xFFFF0000, v22  }
0x1b6: {  	v14 =	vunpack.i.l.bf16.f32 v34;
	v15 =	vmul.f32 v42, v39;
	v55 =	vmul.f32 v53, v52  }
0x1b7: {  	v63 =	vld [tilespmem:s30+$0xFFFFFE90];
	v59 =	vunpack.i.u.bf16.f32 v54;
	v60 =	vunpack.i.l.bf16.f32 v54;
	v21 =	vshll.u32 v58, $0x10  }
0x1b8: {  	v22 =	vand.u32 $0xFFFF0000, v58;
	v25 =	vunpack.i.u.bf16.f32 v61;
	v26 =	vunpack.i.l.bf16.f32 v61  }
0x1b9: {  	v27 =	vld [tilespmem:s30+$0xFFFFFEB0];
	v8 =	vadd.f32 v13, v8;
	v13 =	vmul.f32 v23, v56;
	v14 =	vmul.f32 v14, v39  }
0x1ba: {  	v35 =	vld [tilespmem:s30+$0xFFFFFED0];
	v46 =	vunpack.i.u.bf16.f32 v40;
	v50 =	vshll.u32 v43, $0x10;
	v51 =	vand.u32 $0xFFFF0000, v43  }
0x1bb: {  	v56 =	vunpack.i.u.bf16.f32 v45;
	v62 =	vmul.f32 v60, v52;
	v23 =	vbroadcast v1, $0xA  }
0x1bc: {  	v49 =	vld [tilespmem:s30+$0xFFFFFE50];
	v28 =	vshll.u32 v63, $0x10;
	v9 =	vadd.f32 v20, v9;
	v5 =	vadd.f32 v10, v5  }
0x1bd: {  	v4 =	vadd.f32 v11, v4;
	v6 =	vadd.f32 v29, v6;
	v11 =	vmul.f32 v30, v24  }
0x1be: {  	v10 =	vmul.f32 v31, v24;
	v48 =	vmul.f32 v46, v39;
	v30 =	vand.u32 $0xFFFF0000, v63  }
0x1bf: {  	v34 =	vshll.u32 v27, $0x10;
	v17 =	vand.u32 $0xFFFF0000, v27;
	v43 =	vand.u32 $0xFFFF0000, v35  }
0x1c0: {  	v7 =	vadd.f32 v13, v7;
	v13 =	vmul.f32 v33, v24;
	v2 =	vadd.f32 v14, v2  }
0x1c1: {  	v14 =	vmul.f32 v50, v39;
	v57 =	vshll.u32 v49, $0x10;
	v16 =	vmul.f32 v26, v23  }
0x1c2: {  	v42 =	vld [tilespmem:s30+$0xFFFFFEF0];
	v29 =	vmul.f32 v28, v23;
	v31 =	vmul.f32 v30, v23;
	v8 =	vadd.f32 v11, v8  }
0x1c3: {  	v53 =	vld [tilespmem:s30+$0xFFFFFF20];
	v3 =	vadd.f32 v10, v3;
	v5 =	vadd.f32 v12, v5;
	v11 =	vmul.f32 v38, v24  }
0x1c4: {  	v12 =	vunpack.i.l.bf16.f32 v40;
	v10 =	vmul.f32 v51, v39;
	v38 =	vbroadcast v1, $0xB  }
0x1c5: {  	v36 =	vld [tilespmem:s30+$0xFFFFFEE0];
	v51 =	vbroadcast v1, $0xC;
	v9 =	vadd.f32 v13, v9;
	v7 =	vadd.f32 v37, v7  }
0x1c6: {  	v45 =	vld [tilespmem:s30+$0xFFFFFF00];
	v13 =	vmul.f32 v41, v39;
	v47 =	vmul.f32 v12, v39;
	v2 =	vadd.f32 v55, v2  }
0x1c7: {  	v37 =	vmul.f32 v17, v23;
	v41 =	vshll.u32 v35, $0x10;
	v50 =	vshll.u32 v42, $0x10  }
0x1c8: {  	v63 =	vld [tilespmem:s30+$0xFFFFFF50];
	v60 =	vunpack.i.l.bf16.f32 v53;
	v4 =	vadd.f32 v11, v4;
	v11 =	vmul.f32 v44, v39  }
0x1c9: {  	v27 =	vld [tilespmem:s30+$0xFFFFFF80];
	v8 =	vadd.f32 v15, v8;
	v5 =	vadd.f32 v48, v5;
	v15 =	vmul.f32 v34, v23  }
0x1ca: {  	v44 =	vunpack.i.l.bf16.f32 v36;
	v46 =	vmul.f32 v43, v38;
	v48 =	vunpack.i.u.bf16.f32 v36  }
0x1cb: {  	v33 =	vld [tilespmem:s30+$0xFFFFFEC0];
	v54 =	vunpack.i.u.bf16.f32 v45;
	v34 =	vbroadcast v1, $0xE;
	v6 =	vadd.f32 v13, v6  }
0x1cc: {  	v9 =	vadd.f32 v47, v9;
	v7 =	vadd.f32 v14, v7;
	v13 =	vand.u32 $0xFFFF0000, v49  }
0x1cd: {  	v24 =	vld [tilespmem:s30+$0xFFFFFEA0];
	v14 =	vmul.f32 v59, v52;
	v2 =	vadd.f32 v16, v2;
	v47 =	vmul.f32 v44, v38  }
0x1ce: {  	v59 =	vunpack.i.u.bf16.f32 v53;
	v26 =	vand.u32 $0xFFFF0000, v63;
	v35 =	vunpack.i.l.bf16.f32 v27  }
0x1cf: {  	v3 =	vadd.f32 v11, v3;
	v4 =	vadd.f32 v10, v4;
	v10 =	vmul.f32 v56, v52  }
0x1d0: {  	v55 =	vld [tilespmem:s30+$0xFFFFFF30];
	v11 =	vmul.f32 v57, v52;
	v13 =	vmul.f32 v13, v52;
	v39 =	vunpack.i.u.bf16.f32 v33  }
0x1d1: {  	v40 =	vunpack.i.l.bf16.f32 v33;
	v56 =	vmul.f32 v54, v51;
	v9 =	vadd.f32 v62, v9  }
0x1d2: {  	v5 =	vadd.f32 v14, v5;
	v14 =	vmul.f32 v25, v23;
	v32 =	vunpack.i.l.bf16.f32 v24  }
0x1d3: {  	v12 =	vmul.f32 v40, v38;
	v6 =	vadd.f32 v10, v6;
	v8 =	vadd.f32 v11, v8  }
0x1d4: {  	v3 =	vadd.f32 v13, v3;
	v10 =	vmul.f32 v21, v52;
	v11 =	vmul.f32 v22, v52  }
0x1d5: {  	v61 =	vld [tilespmem:s30+$0xFFFFFF40];
	v13 =	vunpack.i.u.bf16.f32 v24;
	v52 =	vunpack.i.l.bf16.f32 v45;
	v62 =	vshll.u32 v55, $0x10  }
0x1d6: {  	v49 =	vld [tilespmem:s30+$0xFFFFFF10];
	v20 =	vand.u32 $0xFFFF0000, v55;
	v21 =	vbroadcast v1, $0xD;
	v24 =	vshll.u32 v63, $0x10  }
0x1d7: {  	v36 =	vld [tilespmem:s30+$0xFFFFFFA0];
	v13 =	vmul.f32 v13, v23;
	v2 =	vadd.f32 v12, v2;
	v16 =	vmul.f32 v52, v51  }
0x1d8: {  	v12 =	vmul.f32 v59, v51;
	v7 =	vadd.f32 v10, v7;
	v4 =	vadd.f32 v11, v4  }
0x1d9: {  	v19 =	vmul.f32 v62, v51;
	v6 =	vadd.f32 v14, v6;
	v8 =	vadd.f32 v29, v8  }
0x1da: {  	v11 =	vmul.f32 v32, v23;
	v3 =	vadd.f32 v31, v3;
	v10 =	vmul.f32 v39, v38  }
0x1db: {  	v14 =	vand.u32 $0xFFFF0000, v42;
	v57 =	vshll.u32 v49, $0x10;
	v58 =	vand.u32 $0xFFFF0000, v49  }
0x1dc: {  	v25 =	vld [tilespmem:s30+$0xFFFFFF70];
	v23 =	vunpack.i.u.bf16.f32 v61;
	v42 =	vunpack.i.l.bf16.f32 v36;
	v5 =	vadd.f32 v13, v5  }
0x1dd: {  	v40 =	vld [tilespmem:s30+$0xFFFFFFB0];
	v13 =	vmul.f32 v41, v38;
	v2 =	vadd.f32 v16, v2;
	v9 =	vadd.f32 v11, v9  }
0x1de: {  	v43 =	vld [tilespmem:s30+$0xFFFFFFC0];
	v41 =	vunpack.i.u.bf16.f32 v36;
	v7 =	vadd.f32 v15, v7;
	v4 =	vadd.f32 v37, v4  }
0x1df: {  	v22 =	vld [tilespmem:s30+$0xFFFFFF60];
	v44 =	vmul.f32 v42, v34;
	v6 =	vadd.f32 v10, v6;
	v3 =	vadd.f32 v46, v3  }
0x1e0: {  	v45 =	vld [tilespmem:s30+$0xFFFFFFD0];
	v10 =	vmul.f32 v48, v38;
	v11 =	vmul.f32 v14, v38;
	v14 =	vunpack.i.l.bf16.f32 v61  }
0x1e1: {  	v15 =	vmul.f32 v24, v21;
	v32 =	vshll.u32 v25, $0x10;
	v33 =	vand.u32 $0xFFFF0000, v25  }
0x1e2: {  	v37 =	vmul.f32 v35, v34;
	v46 =	vshll.u32 v40, $0x10;
	v48 =	vbroadcast v1, $0xF  }
0x1e3: {  	v8 =	vadd.f32 v13, v8;
	v13 =	vmul.f32 v50, v38;
	v14 =	vmul.f32 v14, v21  }
0x1e4: {  	v52 =	vld [tilespmem:s30+$0xFFFFFFF0];
	v28 =	vunpack.i.u.bf16.f32 v22;
	v38 =	vunpack.i.u.bf16.f32 v27;
	v50 =	vunpack.i.u.bf16.f32 v43  }
0x1e5: {  	v31 =	vld [tilespmem:s30+$0xFFFFFF90];
	v53 =	vshll.u32 v45, $0x10;
	v55 =	vand.u32 $0xFFFF0000, v45;
	v9 =	vadd.f32 v47, v9  }
0x1e6: {  	v49 =	vld [tilespmem:s30+$0xFFFFFFE0];
	v5 =	vadd.f32 v10, v5;
	v4 =	vadd.f32 v11, v4;
	v11 =	vmul.f32 v57, v51  }
0x1e7: {  	v6 =	vadd.f32 v56, v6;
	v10 =	vmul.f32 v58, v51;
	v30 =	vmul.f32 v28, v21  }
0x1e8: {  	v47 =	vand.u32 $0xFFFF0000, v40;
	v54 =	vmul.f32 v53, v48;
	v56 =	vmul.f32 v55, v48  }
0x1e9: {  	v59 =	vshll.u32 v52, $0x10;
	v16 =	vand.u32 $0xFFFF0000, v52;
	v7 =	vadd.f32 v13, v7  }
0x1ea: {  	v24 =	vld [tilespmem:s30+$0x30];
	v13 =	vmul.f32 v60, v51;
	v2 =	vadd.f32 v14, v2;
	v14 =	vmul.f32 v32, v21  }
0x1eb: {  	v35 =	vld [tilespmem:s30+$0x60];
	v39 =	vshll.u32 v31, $0x10;
	v1 =	vmul.f32 v47, v34;
	v57 =	vunpack.i.l.bf16.f32 v49  }
0x1ec: {  	v62 =	vmul.f32 v16, v48;
	v8 =	vadd.f32 v11, v8;
	v3 =	vadd.f32 v10, v3  }
0x1ed: {  	v61 =	vld [tilespmem:s30+$0x20];
	v5 =	vadd.f32 v12, v5;
	v11 =	vmul.f32 v20, v51;
	v12 =	vunpack.i.l.bf16.f32 v22  }
0x1ee: {  	v27 =	vld [tilespmem:s30+$0x40];
	v10 =	vmul.f32 v33, v21;
	v51 =	vunpack.i.l.bf16.f32 v43;
	v9 =	vadd.f32 v13, v9  }
0x1ef: {  	v45 =	vld [tilespmem:s30+$0x90];
	v7 =	vadd.f32 v19, v7;
	v13 =	vmul.f32 v23, v21;
	v29 =	vmul.f32 v12, v21  }
0x1f0: {  	v58 =	vld [tilespmem:s30+$0x0];
	v2 =	vadd.f32 v37, v2;
	v32 =	vshll.u32 v24, $0x10;
	v42 =	vunpack.i.l.bf16.f32 v35  }
0x1f1: {  	v52 =	vld [tilespmem:s30+$0xB0];
	v4 =	vadd.f32 v11, v4;
	v11 =	vmul.f32 v26, v21;
	v8 =	vadd.f32 v15, v8  }
0x1f2: {  	v5 =	vadd.f32 v30, v5;
	v15 =	vmul.f32 v59, v48;
	v26 =	vunpack.i.l.bf16.f32 v61  }
0x1f3: {  	v60 =	vld [tilespmem:s30+$0x10];
	v30 =	vunpack.i.u.bf16.f32 v61;
	v36 =	vunpack.i.u.bf16.f32 v27;
	v6 =	vadd.f32 v13, v6  }
0x1f4: {  	v53 =	vand.u32 $0xFFFF0000, v45;
	v9 =	vadd.f32 v29, v9;
	v7 =	vadd.f32 v14, v7  }
0x1f5: {  	v13 =	vand.u32 $0xFFFF0000, v31;
	v14 =	vmul.f32 v41, v34;
	v21 =	vunpack.i.u.bf16.f32 v58  }
0x1f6: {  	v22 =	vunpack.i.l.bf16.f32 v58;
	v41 =	vunpack.i.u.bf16.f32 v35;
	v59 =	vshll.u32 v52, $0x10  }
0x1f7: {  	v3 =	vadd.f32 v11, v3;
	v4 =	vadd.f32 v10, v4;
	v10 =	vmul.f32 v38, v34  }
0x1f8: {  	v37 =	vld [tilespmem:s30+$0x70];
	v11 =	vmul.f32 v39, v34;
	v13 =	vmul.f32 v13, v34;
	v23 =	vshll.u32 v60, $0x10  }
0x1f9: {  	v43 =	vld [tilespmem:s30+$0x80];
	v25 =	vand.u32 $0xFFFF0000, v60;
	v60 =	vand.u32 $0xFFFF0000, v52;
	v9 =	vadd.f32 v44, v9  }
0x1fa: {  	v5 =	vadd.f32 v14, v5;
	v14 =	vmul.f32 v51, v48;
	v6 =	vadd.f32 v10, v6  }
0x1fb: {  	v51 =	vshll.u32 v45, $0x10;
	v8 =	vadd.f32 v11, v8;
	v3 =	vadd.f32 v13, v3  }
0x1fc: {  	v31 =	vld [tilespmem:s30+$0x50];
	v10 =	vmul.f32 v46, v34;
	v11 =	vmul.f32 v50, v48;
	v4 =	vadd.f32 v1, v4  }
0x1fd: {  	v1 =	vld.idx.msk [tilespmem:v0+s0+$0x0 ss:$0x1], $0xffff;
	v13 =	vunpack.i.u.bf16.f32 v49;
	v34 =	vunpack.i.l.bf16.f32 v27;
	v44 =	vshll.u32 v37, $0x10  }
0x1fe: {  	v35 =	vld [tilespmem:s30+$0x130];
	v47 =	vand.u32 $0xFFFF0000, v37;
	v50 =	vunpack.i.u.bf16.f32 v43;
	v2 =	vadd.f32 v14, v2  }
0x1ff: {  	v13 =	vmul.f32 v13, v48;
	v14 =	vand.u32 $0xFFFF0000, v24;
	v7 =	vadd.f32 v10, v7  }
0x200: {  	v6 =	vadd.f32 v11, v6;
	v8 =	vadd.f32 v54, v8;
	v11 =	vmul.f32 v57, v48  }
0x201: {  	v3 =	vadd.f32 v56, v3;
	v4 =	vadd.f32 v62, v4;
	v39 =	vshll.u32 v31, $0x10  }
0x202: {  	v49 =	vld [tilespmem:s30+$0xA0];
	v40 =	vand.u32 $0xFFFF0000, v31;
	v63 =	vbroadcast v1, $0x0;
	v33 =	vbroadcast v1, $0x1  }
0x203: {  	v17 =	vand.u32 $0xFFFF0000, v35;
	v48 =	vbroadcast v1, $0x2;
	v61 =	vbroadcast v1, $0x3  }
0x204: {  	v54 =	vld [tilespmem:s30+$0xC0];
	v5 =	vadd.f32 v13, v5;
	v31 =	vbroadcast v1, $0x4;
	v12 =	vmul.f32 v22, v63  }
0x205: {  	v58 =	vld [tilespmem:s30+$0xD0];
	v9 =	vadd.f32 v11, v9;
	v10 =	vmul.f32 v21, v63;
	v13 =	vmul.f32 v23, v63  }
0x206: {  	v7 =	vadd.f32 v15, v7;
	v28 =	vmul.f32 v25, v63;
	v29 =	vmul.f32 v26, v63  }
0x207: {  	v55 =	vunpack.i.u.bf16.f32 v49;
	v11 =	vmul.f32 v14, v63;
	v16 =	vmul.f32 v34, v33  }
0x208: {  	v38 =	vmul.f32 v36, v33;
	v46 =	vmul.f32 v44, v33;
	v14 =	vunpack.i.l.bf16.f32 v43  }
0x209: {  	v15 =	vmul.f32 v51, v48;
	v57 =	vmul.f32 v55, v48;
	v62 =	vunpack.i.l.bf16.f32 v54  }
0x20a: {  	v21 =	vunpack.i.u.bf16.f32 v54;
	v22 =	vshll.u32 v58, $0x10;
	v45 =	vmul.f32 v17, v31  }
0x20b: {  	v23 =	vld [tilespmem:s30+$0xF0];
	v14 =	vmul.f32 v14, v48;
	v20 =	vmul.f32 v62, v61;
	v2 =	vadd.f32 v12, v2  }
0x20c: {  	v26 =	vld [tilespmem:s30+$0x100];
	v6 =	vadd.f32 v10, v6;
	v8 =	vadd.f32 v13, v8;
	v10 =	vmul.f32 v30, v63  }
0x20d: {  	v43 =	vld [tilespmem:s30+$0x150];
	v3 =	vadd.f32 v28, v3;
	v9 =	vadd.f32 v29, v9;
	v13 =	vmul.f32 v32, v63  }
0x20e: {  	v44 =	vld [tilespmem:s30+$0x160];
	v4 =	vadd.f32 v11, v4;
	v11 =	vmul.f32 v39, v33;
	v5 =	vadd.f32 v10, v5  }
0x20f: {  	v12 =	vmul.f32 v41, v33;
	v7 =	vadd.f32 v13, v7;
	v2 =	vadd.f32 v16, v2  }
0x210: {  	v6 =	vadd.f32 v38, v6;
	v10 =	vmul.f32 v40, v33;
	v13 =	vmul.f32 v42, v33  }
0x211: {  	v8 =	vadd.f32 v11, v8;
	v11 =	vmul.f32 v47, v33;
	v42 =	vshll.u32 v35, $0x10  }
0x212: {  	v29 =	vshll.u32 v23, $0x10;
	v30 =	vand.u32 $0xFFFF0000, v23;
	v33 =	vunpack.i.u.bf16.f32 v26  }
0x213: {  	v34 =	vunpack.i.l.bf16.f32 v26;
	v51 =	vand.u32 $0xFFFF0000, v43;
	v52 =	vunpack.i.l.bf16.f32 v44  }
0x214: {  	v63 =	vld [tilespmem:s30+$0xE0];
	v26 =	vbroadcast v1, $0x7;
	v3 =	vadd.f32 v10, v3;
	v9 =	vadd.f32 v13, v9  }
0x215: {  	v28 =	vld [tilespmem:s30+$0x110];
	v5 =	vadd.f32 v12, v5;
	v7 =	vadd.f32 v46, v7;
	v13 =	vmul.f32 v50, v48  }
0x216: {  	v32 =	vld [tilespmem:s30+$0x120];
	v4 =	vadd.f32 v11, v4;
	v2 =	vadd.f32 v14, v2;
	v11 =	vmul.f32 v53, v48  }
0x217: {  	v41 =	vld [tilespmem:s30+$0x140];
	v8 =	vadd.f32 v15, v8;
	v14 =	vmul.f32 v59, v48;
	v10 =	vmul.f32 v60, v48  }
0x218: {  	v12 =	vunpack.i.l.bf16.f32 v49;
	v16 =	vmul.f32 v34, v31;
	v15 =	vmul.f32 v42, v31  }
0x219: {  	v46 =	vbroadcast v1, $0x5;
	v49 =	vshll.u32 v43, $0x10;
	v59 =	vbroadcast v1, $0x6  }
0x21a: {  	v56 =	vmul.f32 v12, v48;
	v24 =	vunpack.i.u.bf16.f32 v63;
	v25 =	vunpack.i.l.bf16.f32 v63  }
0x21b: {  	v36 =	vshll.u32 v28, $0x10;
	v38 =	vand.u32 $0xFFFF0000, v28;
	v40 =	vunpack.i.l.bf16.f32 v32  }
0x21c: {  	v47 =	vunpack.i.u.bf16.f32 v41;
	v48 =	vunpack.i.l.bf16.f32 v41;
	v6 =	vadd.f32 v13, v6  }
0x21d: {  	v3 =	vadd.f32 v11, v3;
	v4 =	vadd.f32 v10, v4;
	v10 =	vmul.f32 v21, v61  }
0x21e: {  	v5 =	vadd.f32 v57, v5;
	v11 =	vmul.f32 v22, v61;
	v27 =	vmul.f32 v25, v61  }
0x21f: {  	v7 =	vadd.f32 v14, v7;
	v14 =	vmul.f32 v24, v61;
	v37 =	vmul.f32 v36, v31  }
0x220: {  	v23 =	vld [tilespmem:s30+$0x1D0];
	v2 =	vadd.f32 v20, v2;
	v39 =	vmul.f32 v38, v31;
	v12 =	vmul.f32 v48, v46  }
0x221: {  	v50 =	vld [tilespmem:s30+$0x170];
	v13 =	vand.u32 $0xFFFF0000, v58;
	v54 =	vmul.f32 v51, v46;
	v55 =	vmul.f32 v52, v46  }
0x222: {  	v53 =	vld [tilespmem:s30+$0x180];
	v9 =	vadd.f32 v56, v9;
	v13 =	vmul.f32 v13, v61;
	v56 =	vunpack.i.u.bf16.f32 v44  }
0x223: {  	v6 =	vadd.f32 v10, v6;
	v8 =	vadd.f32 v11, v8;
	v10 =	vmul.f32 v29, v61  }
0x224: {  	v5 =	vadd.f32 v14, v5;
	v11 =	vmul.f32 v30, v61;
	v14 =	vmul.f32 v33, v31  }
0x225: {  	v2 =	vadd.f32 v16, v2;
	v29 =	vshll.u32 v23, $0x10;
	v3 =	vadd.f32 v13, v3  }
0x226: {  	v63 =	vld [tilespmem:s30+$0x1B0];
	v9 =	vadd.f32 v27, v9;
	v13 =	vunpack.i.u.bf16.f32 v32;
	v58 =	vshll.u32 v50, $0x10  }
0x227: {  	v41 =	vld [tilespmem:s30+$0x220];
	v60 =	vunpack.i.l.bf16.f32 v53;
	v62 =	vunpack.i.u.bf16.f32 v53;
	v7 =	vadd.f32 v10, v7  }
0x228: {  	v21 =	vld [tilespmem:s30+$0x1C0];
	v53 =	vbroadcast v1, $0x9;
	v4 =	vadd.f32 v11, v4;
	v6 =	vadd.f32 v14, v6  }
0x229: {  	v36 =	vld [tilespmem:s30+$0x210];
	v8 =	vadd.f32 v37, v8;
	v11 =	vmul.f32 v40, v31;
	v13 =	vmul.f32 v13, v31  }
0x22a: {  	v10 =	vmul.f32 v47, v46;
	v2 =	vadd.f32 v12, v2;
	v14 =	vand.u32 $0xFFFF0000, v50  }
0x22b: {  	v57 =	vld [tilespmem:s30+$0x190];
	v16 =	vmul.f32 v60, v59;
	v22 =	vshll.u32 v63, $0x10;
	v25 =	vand.u32 $0xFFFF0000, v63  }
0x22c: {  	v48 =	vld [tilespmem:s30+$0x240];
	v31 =	vand.u32 $0xFFFF0000, v23;
	v47 =	vunpack.i.l.bf16.f32 v41;
	v3 =	vadd.f32 v39, v3  }
0x22d: {  	v61 =	vld [tilespmem:s30+$0x1A0];
	v24 =	vmul.f32 v22, v59;
	v28 =	vunpack.i.u.bf16.f32 v21;
	v39 =	vbroadcast v1, $0x8  }
0x22e: {  	v30 =	vld [tilespmem:s30+$0x1F0];
	v44 =	vshll.u32 v36, $0x10;
	v9 =	vadd.f32 v11, v9;
	v5 =	vadd.f32 v13, v5  }
0x22f: {  	v7 =	vadd.f32 v15, v7;
	v4 =	vadd.f32 v45, v4;
	v13 =	vmul.f32 v49, v46  }
0x230: {  	v6 =	vadd.f32 v10, v6;
	v10 =	vmul.f32 v56, v46;
	v11 =	vmul.f32 v14, v46  }
0x231: {  	v2 =	vadd.f32 v16, v2;
	v14 =	vshll.u32 v57, $0x10;
	v16 =	vand.u32 $0xFFFF0000, v57  }
0x232: {  	v27 =	vld [tilespmem:s30+$0x1E0];
	v15 =	vmul.f32 v29, v26;
	v56 =	vunpack.i.l.bf16.f32 v48;
	v3 =	vadd.f32 v54, v3  }
0x233: {  	v32 =	vld [tilespmem:s30+$0x200];
	v19 =	vunpack.i.u.bf16.f32 v61;
	v20 =	vunpack.i.l.bf16.f32 v61;
	v37 =	vshll.u32 v30, $0x10  }
0x234: {  	v38 =	vand.u32 $0xFFFF0000, v30;
	v49 =	vmul.f32 v47, v39;
	v8 =	vadd.f32 v13, v8  }
0x235: {  	v50 =	vld [tilespmem:s30+$0x250];
	v9 =	vadd.f32 v55, v9;
	v13 =	vmul.f32 v58, v46;
	v5 =	vadd.f32 v10, v5  }
0x236: {  	v4 =	vadd.f32 v11, v4;
	v11 =	vmul.f32 v14, v59;
	v10 =	vmul.f32 v16, v59  }
0x237: {  	v12 =	vmul.f32 v19, v59;
	v14 =	vunpack.i.l.bf16.f32 v21;
	v33 =	vunpack.i.u.bf16.f32 v27  }
0x238: {  	v63 =	vld [tilespmem:s30+$0x280];
	v40 =	vunpack.i.l.bf16.f32 v32;
	v43 =	vunpack.i.u.bf16.f32 v32;
	v46 =	vunpack.i.u.bf16.f32 v41  }
0x239: {  	v22 =	vld [tilespmem:s30+$0x2A0];
	v55 =	vunpack.i.u.bf16.f32 v48;
	v16 =	vmul.f32 v56, v53;
	v14 =	vmul.f32 v14, v26  }
0x23a: {  	v45 =	vld [tilespmem:s30+$0x230];
	v35 =	vmul.f32 v33, v26;
	v42 =	vmul.f32 v40, v39;
	v58 =	vshll.u32 v50, $0x10  }
0x23b: {  	v57 =	vld [tilespmem:s30+$0x270];
	v60 =	vand.u32 $0xFFFF0000, v50;
	v7 =	vadd.f32 v13, v7;
	v8 =	vadd.f32 v11, v8  }
0x23c: {  	v13 =	vmul.f32 v62, v59;
	v3 =	vadd.f32 v10, v3;
	v5 =	vadd.f32 v12, v5  }
0x23d: {  	v11 =	vmul.f32 v25, v59;
	v12 =	vunpack.i.l.bf16.f32 v27;
	v10 =	vmul.f32 v38, v26  }
0x23e: {  	v61 =	vmul.f32 v60, v53;
	v25 =	vunpack.i.u.bf16.f32 v63;
	v30 =	vunpack.i.l.bf16.f32 v22  }
0x23f: {  	v54 =	vld [tilespmem:s30+$0x260];
	v2 =	vadd.f32 v14, v2;
	v34 =	vmul.f32 v12, v26;
	v14 =	vmul.f32 v37, v26  }
0x240: {  	v21 =	vld [tilespmem:s30+$0x290];
	v51 =	vshll.u32 v45, $0x10;
	v52 =	vand.u32 $0xFFFF0000, v45;
	v17 =	vand.u32 $0xFFFF0000, v57  }
0x241: {  	v41 =	vld [tilespmem:s30+$0x2F0];
	v37 =	vbroadcast v1, $0xB;
	v6 =	vadd.f32 v13, v6;
	v13 =	vmul.f32 v20, v59  }
0x242: {  	v7 =	vadd.f32 v24, v7;
	v4 =	vadd.f32 v11, v4;
	v11 =	vmul.f32 v31, v26  }
0x243: {  	v8 =	vadd.f32 v15, v8;
	v5 =	vadd.f32 v35, v5;
	v59 =	vmul.f32 v58, v53  }
0x244: {  	v62 =	vunpack.i.l.bf16.f32 v54;
	v20 =	vshll.u32 v57, $0x10;
	v23 =	vmul.f32 v17, v53  }
0x245: {  	v24 =	vbroadcast v1, $0xA;
	v2 =	vadd.f32 v42, v2;
	v15 =	vmul.f32 v20, v53  }
0x246: {  	v27 =	vshll.u32 v21, $0x10;
	v29 =	vand.u32 $0xFFFF0000, v21;
	v48 =	vshll.u32 v41, $0x10  }
0x247: {  	v9 =	vadd.f32 v13, v9;
	v13 =	vmul.f32 v28, v26;
	v3 =	vadd.f32 v11, v3  }
0x248: {  	v4 =	vadd.f32 v10, v4;
	v10 =	vmul.f32 v43, v39;
	v11 =	vmul.f32 v44, v39  }
0x249: {  	v7 =	vadd.f32 v14, v7;
	v14 =	vmul.f32 v46, v39;
	v32 =	vmul.f32 v29, v24  }
0x24a: {  	v31 =	vld [tilespmem:s30+$0x2C0];
	v26 =	vunpack.i.l.bf16.f32 v63;
	v33 =	vmul.f32 v30, v24;
	v50 =	vmul.f32 v48, v37  }
0x24b: {  	v35 =	vld [tilespmem:s30+$0x2D0];
	v2 =	vadd.f32 v16, v2;
	v12 =	vmul.f32 v26, v24;
	v6 =	vadd.f32 v13, v6  }
0x24c: {  	v45 =	vld [tilespmem:s30+$0x300];
	v9 =	vadd.f32 v34, v9;
	v13 =	vand.u32 $0xFFFF0000, v36;
	v8 =	vadd.f32 v11, v8  }
0x24d: {  	v5 =	vadd.f32 v14, v5;
	v11 =	vmul.f32 v52, v39;
	v14 =	vmul.f32 v55, v53  }
0x24e: {  	v20 =	vld [tilespmem:s30+$0x350];
	v34 =	vunpack.i.u.bf16.f32 v22;
	v52 =	vand.u32 $0xFFFF0000, v41;
	v22 =	vbroadcast v1, $0xD  }
0x24f: {  	v21 =	vld [tilespmem:s30+$0x360];
	v13 =	vmul.f32 v13, v39;
	v2 =	vadd.f32 v12, v2;
	v38 =	vunpack.i.l.bf16.f32 v31  }
0x250: {  	v28 =	vld [tilespmem:s30+$0x2B0];
	v40 =	vunpack.i.u.bf16.f32 v31;
	v43 =	vshll.u32 v35, $0x10;
	v44 =	vand.u32 $0xFFFF0000, v35  }
0x251: {  	v29 =	vld [tilespmem:s30+$0x380];
	v12 =	vunpack.i.u.bf16.f32 v45;
	v35 =	vbroadcast v1, $0xE;
	v6 =	vadd.f32 v10, v6  }
0x252: {  	v9 =	vadd.f32 v49, v9;
	v10 =	vmul.f32 v51, v39;
	v4 =	vadd.f32 v11, v4  }
0x253: {  	v8 =	vadd.f32 v59, v8;
	v11 =	vmul.f32 v62, v53;
	v16 =	vmul.f32 v38, v37  }
0x254: {  	v42 =	vmul.f32 v40, v37;
	v51 =	vbroadcast v1, $0xC;
	v26 =	vshll.u32 v20, $0x10  }
0x255: {  	v60 =	vld [tilespmem:s30+$0x340];
	v31 =	vunpack.i.u.bf16.f32 v21;
	v1 =	vbroadcast v1, $0xF;
	v3 =	vadd.f32 v13, v3  }
0x256: {  	v55 =	vld [tilespmem:s30+$0x330];
	v13 =	vunpack.i.u.bf16.f32 v54;
	v36 =	vshll.u32 v28, $0x10;
	v38 =	vunpack.i.l.bf16.f32 v29  }
0x257: {  	v7 =	vadd.f32 v10, v7;
	v6 =	vadd.f32 v14, v6;
	v13 =	vmul.f32 v13, v53  }
0x258: {  	v9 =	vadd.f32 v11, v9;
	v4 =	vadd.f32 v23, v4;
	v10 =	vmul.f32 v25, v24  }
0x259: {  	v14 =	vand.u32 $0xFFFF0000, v28;
	v2 =	vadd.f32 v16, v2;
	v53 =	vunpack.i.l.bf16.f32 v45  }
0x25a: {  	v12 =	vmul.f32 v12, v51;
	v23 =	vunpack.i.l.bf16.f32 v60;
	v28 =	vunpack.i.l.bf16.f32 v21  }
0x25b: {  	v39 =	vld [tilespmem:s30+$0x2E0];
	v3 =	vadd.f32 v61, v3;
	v11 =	vmul.f32 v14, v24;
	v63 =	vshll.u32 v55, $0x10  }
0x25c: {  	v49 =	vld [tilespmem:s30+$0x310];
	v30 =	vmul.f32 v28, v22;
	v5 =	vadd.f32 v13, v5;
	v7 =	vadd.f32 v15, v7  }
0x25d: {  	v13 =	vmul.f32 v27, v24;
	v6 =	vadd.f32 v10, v6;
	v9 =	vadd.f32 v33, v9  }
0x25e: {  	v10 =	vmul.f32 v34, v24;
	v15 =	vand.u32 $0xFFFF0000, v55;
	v27 =	vand.u32 $0xFFFF0000, v20  }
0x25f: {  	v54 =	vld [tilespmem:s30+$0x320];
	v33 =	vmul.f32 v31, v22;
	v3 =	vadd.f32 v32, v3;
	v4 =	vadd.f32 v11, v4  }
0x260: {  	v48 =	vld [tilespmem:s30+$0x3D0];
	v11 =	vmul.f32 v43, v37;
	v46 =	vunpack.i.u.bf16.f32 v39;
	v47 =	vunpack.i.l.bf16.f32 v39  }
0x261: {  	v25 =	vld [tilespmem:s30+$0x370];
	v56 =	vshll.u32 v49, $0x10;
	v57 =	vand.u32 $0xFFFF0000, v49;
	v39 =	vunpack.i.u.bf16.f32 v29  }
0x262: {  	v8 =	vadd.f32 v13, v8;
	v13 =	vmul.f32 v36, v24;
	v5 =	vadd.f32 v10, v5  }
0x263: {  	v6 =	vadd.f32 v42, v6;
	v10 =	vmul.f32 v44, v37;
	v14 =	vmul.f32 v47, v37  }
0x264: {  	v58 =	vmul.f32 v56, v51;
	v59 =	vmul.f32 v57, v51;
	v61 =	vunpack.i.l.bf16.f32 v54  }
0x265: {  	v62 =	vunpack.i.u.bf16.f32 v54;
	v24 =	vmul.f32 v23, v22;
	v41 =	vmul.f32 v39, v35  }
0x266: {  	v55 =	vld [tilespmem:s30+$0x3F0];
	v56 =	vshll.u32 v48, $0x10;
	v57 =	vand.u32 $0xFFFF0000, v48;
	v34 =	vshll.u32 v25, $0x10  }
0x267: {  	v7 =	vadd.f32 v13, v7;
	v13 =	vmul.f32 v46, v37;
	v8 =	vadd.f32 v11, v8  }
0x268: {  	v40 =	vld [tilespmem:s30+$0x3B0];
	v3 =	vadd.f32 v10, v3;
	v9 =	vadd.f32 v14, v9;
	v10 =	vmul.f32 v53, v51  }
0x269: {  	v32 =	vld [tilespmem:s30+$0x390];
	v6 =	vadd.f32 v12, v6;
	v12 =	vmul.f32 v61, v51;
	v14 =	vmul.f32 v63, v51  }
0x26a: {  	v11 =	vmul.f32 v15, v51;
	v15 =	vmul.f32 v27, v22;
	v5 =	vadd.f32 v13, v5  }
0x26b: {  	v36 =	vld [tilespmem:s30+$0x3A0];
	v61 =	vshll.u32 v55, $0x10;
	v7 =	vadd.f32 v50, v7;
	v2 =	vadd.f32 v10, v2  }
0x26c: {  	v44 =	vld [tilespmem:s30+$0x3C0];
	v13 =	vmul.f32 v52, v37;
	v8 =	vadd.f32 v58, v8;
	v3 =	vadd.f32 v59, v3  }
0x26d: {  	v9 =	vadd.f32 v12, v9;
	v10 =	vunpack.i.u.bf16.f32 v60;
	v12 =	vmul.f32 v38, v35  }
0x26e: {  	v42 =	vshll.u32 v32, $0x10;
	v43 =	vand.u32 $0xFFFF0000, v32;
	v50 =	vshll.u32 v40, $0x10  }
0x26f: {  	v52 =	vand.u32 $0xFFFF0000, v40;
	v58 =	vmul.f32 v57, v1;
	v10 =	vmul.f32 v10, v22  }
0x270: {  	v45 =	vmul.f32 v43, v35;
	v46 =	vunpack.i.l.bf16.f32 v36;
	v47 =	vunpack.i.u.bf16.f32 v36  }
0x271: {  	v53 =	vunpack.i.l.bf16.f32 v44;
	v54 =	vunpack.i.u.bf16.f32 v44;
	v4 =	vadd.f32 v13, v4  }
0x272: {  	v13 =	vmul.f32 v62, v51;
	v7 =	vadd.f32 v14, v7;
	v2 =	vadd.f32 v24, v2  }
0x273: {  	v14 =	vmul.f32 v26, v22;
	v3 =	vadd.f32 v15, v3;
	v9 =	vadd.f32 v30, v9  }
0x274: {  	v49 =	vmul.f32 v47, v35;
	v6 =	vadd.f32 v10, v6;
	v5 =	vadd.f32 v13, v5  }
0x275: {  	v15 =	vmul.f32 v56, v1;
	v4 =	vadd.f32 v11, v4;
	v8 =	vadd.f32 v14, v8  }
0x276: {  	v51 =	vld [tilespmem:s30+$0x3E0];
	v13 =	vand.u32 $0xFFFF0000, v25;
	v11 =	vmul.f32 v34, v22;
	v2 =	vadd.f32 v12, v2  }
0x277: {  	v12 =	vmul.f32 v46, v35;
	v3 =	vadd.f32 v45, v3;
	v37 =	vmul.f32 v13, v22  }
0x278: {  	v6 =	vadd.f32 v41, v6;
	v13 =	vmul.f32 v53, v1;
	v5 =	vadd.f32 v33, v5  }
0x279: {  	v7 =	vadd.f32 v11, v7;
	v11 =	vmul.f32 v42, v35;
	v9 =	vadd.f32 v12, v9  }
0x27a: {  	v10 =	vmul.f32 v52, v35;
	v3 =	vadd.f32 v58, v3;
	v2 =	vadd.f32 v13, v2  }
0x27b: {  	v59 =	vunpack.i.l.bf16.f32 v51;
	v8 =	vadd.f32 v11, v8;
	v11 =	vmul.f32 v50, v35  }
0x27c: {  	v4 =	vadd.f32 v37, v4;
	v60 =	vmul.f32 v59, v1;
	[tilespmem:s23+$0xFFFFFF90] =	vst v2;
	v2 =	vunpack.i.u.bf16.f32 v51  }
0x27d: {  	v7 =	vadd.f32 v11, v7;
	v11 =	vmul.f32 v54, v1;
	v8 =	vadd.f32 v15, v8  }
0x27e: {  	v5 =	vadd.f32 v49, v5;
	[tilespmem:s23+$0xFFFFFFC0] =	vst v3;
	v2 =	vmul.f32 v2, v1;
	v62 =	vadd.f32 v60, v9  }
0x27f: {  	p0 =	sne.s32 s29, $0x180;
	v63 =	vand.u32 $0xFFFF0000, v55;
	v6 =	vadd.f32 v11, v6;
	v11 =	vmul.f32 v61, v1;
	[tilespmem:s23+$0xFFFFFFB0] =	vst v8  }
.Ltmp1:
0x280: {  	v4 =	vadd.f32 v10, v4;
	v2 =	vadd.f32 v2, v5;
	v1 =	vmul.f32 v63, v1;
	[tilespmem:s23+$0xFFFFFFD0] =	vst v62;
	(pc) =	sbr.rel @p0 .LBB2_5-.Ltmp1, $4  }
0x281: {  	[tilespmem:s23+$0xFFFFFFA0] =	vst v6;
	v3 =	vadd.f32 v11, v7  }
0x282: {  	v1 =	vadd.f32 v1, v4;
	[tilespmem:s23+$0xFFFFFFE0] =	vst v2  }
0x283: {  	[tilespmem:s23+$0xFFFFFFF0] =	vst v3  }
0x284: {  	s29 =	sadd.s32 $0x80, s29;
	s30 =	sadd.s32 $0x800, s30;
	[tilespmem:s23+$0x0] =	vst v1;
	s23 =	sadd.s32 $0x80, s23  }
0x285: {  	s28 =	sadd.s32 $0x1, s28  }
0x286: {  	p0 =	sne.s32 s28, $0x28  }
.Ltmp2:
0x287: {  	_ = 	snop;
	(pc) =	sbr.rel @p0 .LBB2_2-.Ltmp2, $3  }
0x288: {  	_ =	sdelay $0x1  }
0x289: {  	s1 =	sadd.s32 $0x400, s1  }
0x28a: {  	s24 =	sadd.s32 $0x100, s24;
	s25 =	sadd.s32 $0x400, s25;
	s26 =	sadd.s32 $0x100, s26  }
0x28b: {  	_ =	swait.ge [sflag:s14], $0x2000;
	s22 =	sadd.s32 $0x1, s22  }
0x28c: {  	[sflag:s14] =	ssyncset.done $0x0;
	p0 =	sne.s32 s22, s9  }
.Ltmp3:
0x28d: {  	[sflag:s14] =	ssyncadd.s32 $0xFFFFE000;
	(pc) =	sbr.rel @p0 .LBB2_1-.Ltmp3, $4  }
0x28e: {  	[hbm4b:s8+s3] =	stream.linear.scatter [tilespmem:s21], [sflag:$0x3], $0xA000, $0x38;
	[tilespmem:$0x1CD40] =	vst v63  }
0x28f: {  	_ =	swait.ge [sflag:s12], $0xA000  }
0x290: {  	[sflag:s12] =	ssyncset.done $0x0  }
0x291: {  	[sflag:s12] =	ssyncadd.s32 $0xFFFF6000  }
0x292: {  	_ =	sfence.sel $0x180000  }
0x293: {  	[bflag:$0x0] =	sbarrier.arrive $0xFFFF  }
0x294: {  	_ =	strace $0x90000047  }
0x295: {  	s0 =	stileid.u32;
	[bflag:$0x2] =	sbarrier.arrive $0xFFFF  }
0x296: {  	p0 =	sne.s32 s0, $0x0;
	s0 =	rddreg [dreg:$0x3]  }
0x297: {  	s0 =	sadd.s32 @!p0 $0x100000, s0  }
0x298: {  	[sflag:s0] =	ssyncadd.tile.s32 @!p0 $0x1;
	_ =	shalt  }
.Lfunc_end2:
_tile_overlayer_lowered:
.L_overlay_start_2:
0x299: {  	(tag) =	ssettag $0x2  }
0x29a: {  	s0 =	rddreg [dreg:$0x0];
	s2 =	stileid.u32  }
0x29b: {  	s1 =	rddreg [dreg:$0x1];
	p0 =	sne.s32 s2, $0x0  }
0x29c: {  	s3 =	rddreg [dreg:$0x2];
	[bflag:$0x3] =	sbarrier.arrive $0xFFFF;
	s2 =	simm.s32 @!p0 $0x1C03  }
0x29d: {  	[timem:s3], [sflag:s2] =	dma.local @!p0 [hbm:s0], s1  }
0x29e: {  	s0 =	simm.s32 @!p0 $0x3  }
0x29f: {  	_ =	swait.ge @!p0 [sflag:s0], s1  }
0x2a0: {  	s1 =	ssub.s32 @!p0 $0x0, s1;
	[sflag:s0] =	ssyncset.done @!p0 $0x0  }
0x2a1: {  	[sflag:s0] =	ssyncadd.s32 @!p0 s1  }
0x2a2: {  	[bflag:$0x3] =	sbarrier.arrive $0xFFFF  }
0x2a3: {  	_ =	shalt  }

</sc_bundles>
